<compile_context>
chip_gen: v7x
topology: tpu7x:2x2x1
jax: 0.10.2.dev20260603
libtpu: 0.0.44.dev20260713+nightly
codegen_flags: <defaults>
</compile_context>

<pallas_src>
import functools

import jax
import jax.numpy as jnp
from jax.experimental import pallas as pl
from jax.experimental.pallas import tpu as pltpu
from jax.experimental.pallas import tpu_sc as plsc

_GATHER_WINDOW = 128
_WINDOWS_PER_STEP = 1
_EDGE_BLK = 2560
_CHUNK_BLOCKS = (35, 30, 25, 20, 15)


def _sc_gather(table, idx_flat):
    B = idx_flat.shape[0]
    D = table.shape[1]
    W = _GATHER_WINDOW
    K = _WINDOWS_PER_STEP
    assert B % (W * K) == 0
    idx2 = idx_flat.reshape(B // W, W)
    mesh = plsc.VectorSubcoreMesh(core_axis_name="c", subcore_axis_name="s")

    @functools.partial(
        pl.kernel,
        out_type=jax.ShapeDtypeStruct((B, D), table.dtype),
        mesh=mesh,
        scratch_types=[pltpu.SemaphoreType.DMA],
    )
    def gather_kernel(x_hbm, i_hbm, o_hbm, sem):
        def body(i_vmem, o_vmem):
            copies = [
                pltpu.async_copy(x_hbm.at[i_vmem.at[j]],
                                 o_vmem.at[pl.ds(j * W, W)], sem)
                for j in range(K)
            ]
            for cp in copies:
                cp.wait()

        pltpu.emit_pipeline(
            body,
            grid=(B // (W * K),),
            in_specs=[pl.BlockSpec((K, W), lambda i: (i, 0))],
            out_specs=[pl.BlockSpec((K * W, D), lambda i: (i, 0))],
            core_axis_name=("c", "s"),
            dimension_semantics=(pltpu.PARALLEL,),
        )(i_hbm, o_hbm)

    return gather_kernel(table, idx2)


def _mlp_body(src_ref, dst_ref, bond_ref, w1a_ref, w1b_ref, b1_ref,
              w2_ref, b2_ref, w3_ref, b3_ref, gamma_ref, beta_ref, out_ref):
    bf = jnp.bfloat16
    f32 = jnp.float32
    leaky = lambda x: jnp.maximum(x, 0.01 * x)
    m = (src_ref[0] + dst_ref[0]).astype(bf)
    h = (jnp.dot(bond_ref[...].astype(bf), w1a_ref[...],
                 preferred_element_type=f32)
         + jnp.dot(m, w1b_ref[...], preferred_element_type=f32)
         + b1_ref[...])
    h = leaky(h).astype(bf)
    h = jnp.dot(h, w2_ref[...], preferred_element_type=f32) + b2_ref[...]
    h = leaky(h).astype(bf)
    h = jnp.dot(h, w3_ref[...], preferred_element_type=f32) + b3_ref[...]
    h = leaky(h)
    scale = gamma_ref[...] * jax.lax.rsqrt(jnp.float32(1.0 + 1e-5))
    out_ref[...] = scale * h + beta_ref[...]


def _tc_mlp_chunk(prev_buf, gathered, bond_feats, w1a, w1b, b1, W2, b2,
                  W3, b3, gamma, beta, base_blk, n_blk):
    E, D_EDGE = bond_feats.shape
    D = W2.shape[1]
    Ec = gathered.shape[0] // 2
    g3 = gathered.reshape(2, Ec, D)
    blk = _EDGE_BLK
    full = lambda r, c: pl.BlockSpec((r, c), lambda i: (0, 0))

    in_specs = [
        pl.BlockSpec((1, blk, D), lambda i: (0, i, 0)),
        pl.BlockSpec((1, blk, D), lambda i: (1, i, 0)),
        pl.BlockSpec((blk, D_EDGE), lambda i: (base_blk + i, 0)),
        full(D_EDGE, D),
        full(D, D),
        full(1, D),
        full(D, D),
        full(1, D),
        full(D, D),
        full(1, D),
        full(1, D),
        full(1, D),
    ]
    args = [g3, g3, bond_feats, w1a, w1b, b1, W2, b2, W3, b3, gamma, beta]
    body = _mlp_body
    aliases = {}
    if prev_buf is not None:
        in_specs = [pl.BlockSpec(memory_space=pl.ANY)] + in_specs
        args = [prev_buf] + args
        aliases = {0: 0}
        body = lambda prev_ref, *rest: _mlp_body(*rest)

    return pl.pallas_call(
        body,
        grid=(n_blk,),
        in_specs=in_specs,
        out_specs=pl.BlockSpec((blk, D), lambda i: (base_blk + i, 0)),
        out_shape=jax.ShapeDtypeStruct((E, D), jnp.float32),
        input_output_aliases=aliases,
    )(*args)


def kernel(atom_feats, edge_index, bond_feats, W1, b1, W2, b2, W3, b3,
           gamma, beta):
    E, D_EDGE = bond_feats.shape
    D = W1.shape[1]
    w1a = W1[:D_EDGE].astype(jnp.bfloat16)
    w1b = W1[D_EDGE:].astype(jnp.bfloat16)
    W2 = W2.astype(jnp.bfloat16)
    W3 = W3.astype(jnp.bfloat16)
    row = lambda v: v.reshape(1, D)
    b1r, b2r, b3r = row(b1), row(b2), row(b3)
    gr, br = row(gamma), row(beta)

    assert sum(_CHUNK_BLOCKS) * _EDGE_BLK == E

    bases = []
    b = 0
    for nb in _CHUNK_BLOCKS:
        bases.append(b)
        b += nb

    gathered = [
        _sc_gather(atom_feats,
                   edge_index[:, base * _EDGE_BLK:
                              (base + nb) * _EDGE_BLK].reshape(-1))
        for base, nb in zip(bases, _CHUNK_BLOCKS)
    ]

    buf = None
    for g, base, nb in zip(gathered, bases, _CHUNK_BLOCKS):
        buf = _tc_mlp_chunk(buf, g, bond_feats,
                            w1a, w1b, b1r, W2, b2r, W3, b3r, gr, br,
                            base_blk=base, n_blk=nb)
    return buf

# --- scband reference (transcript-rebuilt; emitter-appended) ---
"""Pipeline reference for scband-trans-ign-5136780886777 (READ-ONLY COPY).

The authoritative reference and input builder live on the scoring server;
editing this copy changes nothing except your own understanding.
"""

import jax, jax.numpy as jnp
import numpy as np

N_NODES = 10000
N_EDGES = 320000
D_FEAT = 128
D_EDGE = 16
IN_DIM = D_EDGE + D_FEAT  # 144
OUT_DIM = 128


def setup_inputs(seed: int = 0) -> dict:
    key = jax.random.key(seed)
    ks = jax.random.split(key, 12)
    atom_feats = jax.random.normal(ks[0], (N_NODES, D_FEAT), dtype=jnp.float32)
    edge_index = jax.random.randint(ks[1], (2, N_EDGES), 0, N_NODES, dtype=jnp.int32)
    bond_feats = jax.random.normal(ks[2], (N_EDGES, D_EDGE), dtype=jnp.float32)
    # mpl = Linear(in_dim,out_dim) -> LeakyReLU -> Linear(out,out) -> LeakyReLU -> Linear(out,out) -> LeakyReLU
    W1 = jax.random.normal(ks[3], (IN_DIM, OUT_DIM), dtype=jnp.float32) / np.sqrt(IN_DIM)
    b1 = jnp.zeros((OUT_DIM,), dtype=jnp.float32)
    W2 = jax.random.normal(ks[4], (OUT_DIM, OUT_DIM), dtype=jnp.float32) / np.sqrt(OUT_DIM)
    b2 = jnp.zeros((OUT_DIM,), dtype=jnp.float32)
    W3 = jax.random.normal(ks[5], (OUT_DIM, OUT_DIM), dtype=jnp.float32) / np.sqrt(OUT_DIM)
    b3 = jnp.zeros((OUT_DIM,), dtype=jnp.float32)
    gamma = jnp.ones((OUT_DIM,), dtype=jnp.float32)
    beta = jnp.zeros((OUT_DIM,), dtype=jnp.float32)
    return {"atom_feats": atom_feats, "edge_index": edge_index, "bond_feats": bond_feats,
            "W1": W1, "b1": b1, "W2": W2, "b2": b2, "W3": W3, "b3": b3,
            "gamma": gamma, "beta": beta}


def reference(atom_feats, edge_index, bond_feats, W1, b1, W2, b2, W3, b3, gamma, beta):
    # DGL u_add_v('h','h','m'): per-edge message m = h[src] + h[dst]
    src = edge_index[0]
    dst = edge_index[1]
    m = jnp.take(atom_feats, src, axis=0) + jnp.take(atom_feats, dst, axis=0)
    # EdgeUpdate: mpl(cat([e, m], dim=1))
    h = jnp.concatenate([bond_feats, m], axis=1)
    h = jax.nn.leaky_relu(h @ W1 + b1, negative_slope=0.01)
    h = jax.nn.leaky_relu(h @ W2 + b2, negative_slope=0.01)
    h = jax.nn.leaky_relu(h @ W3 + b3, negative_slope=0.01)
    # Dropout (eval: identity) then BatchNorm1d (eval: running mean=0, var=1)
    eps = 1e-5
    out = gamma * h / jnp.sqrt(1.0 + eps) + beta
    return out

if __name__ == "__main__":
    import jax
    _d = setup_inputs()
    print(jax.jit(kernel)(*tuple(_d.values())))

</pallas_src>

<mosaic_0001>
#map = affine_map<(d0, d1) -> (0, 0)>
module attributes {stable_mosaic.version = 14 : i64} {
  func.func @gather_kernel(%arg0: i32, %arg1: i32, %arg2: memref<10000x128xf32, #tpu.memory_space<hbm>>, %arg3: memref<1200x128xi32, #tpu.memory_space<hbm>>, %arg4: memref<153600x128xf32, #tpu.memory_space<hbm>>, %arg5: memref<!tpu.dma_semaphore, #tpu.memory_space<semaphore_mem>>) attributes {dimension_semantics = [#tpu.dimension_semantics<core_parallel>, #tpu.dimension_semantics<subcore_parallel>], iteration_bounds = array<i64: 2, 16>, scalar_prefetch = 0 : i64, scratch_operands = 1 : i64, tpu.core_type = #tpu.core_type<sc_vector_subcore>, window_params = [{transform_indices = #map}, {transform_indices = #map}, {transform_indices = #map}]} {
    %mul3A = arith.constant 1 : i32
    %mul3A_0 = arith.muli %arg1, %mul3A : i32
    %add3A = arith.constant 0 : i32
    %add3A_1 = arith.addi %add3A, %mul3A_0 : i32
    %mul3A_2 = arith.constant 16 : i32
    %mul3A_3 = arith.muli %arg0, %mul3A_2 : i32
    %add3A_4 = arith.addi %add3A_1, %mul3A_3 : i32
    %lt3A = arith.constant 16 : i32
    %lt3A_5 = arith.cmpi slt, %add3A_4, %lt3A : i32
    %jit3A = arith.constant 38 : i32
    %jit3A_6 = arith.constant 37 : i32
    %select_n3A = arith.select %lt3A_5, %jit3A, %jit3A_6 : i32
    %lt3A_7 = arith.constant 16 : i32
    %lt3A_8 = arith.cmpi slt, %add3A_4, %lt3A_7 : i32
    %mul3A_9 = arith.muli %add3A_4, %select_n3A : i32
    %mul3A_10 = arith.constant 37 : i32
    %mul3A_11 = arith.muli %add3A_4, %mul3A_10 : i32
    %add3A_12 = arith.constant 16 : i32
    %add3A_13 = arith.addi %mul3A_11, %add3A_12 : i32
    %select_n3A_14 = arith.select %lt3A_8, %mul3A_9, %add3A_13 : i32
    %mul3A_15 = arith.constant 1 : i32
    %mul3A_16 = arith.muli %mul3A_15, %select_n3A : i32
    "tpu.region"() ({
      %run_scoped3A = memref.alloca() : memref<2x1x128xi32, #tpu.memory_space<vmem>>
      %run_scoped3A_17 = tpu.sem_alloc : memref<2x!tpu.dma_semaphore, #tpu.memory_space<semaphore_mem>>
      %run_scoped3A_18 = memref.alloca() : memref<2x128x128xf32, #tpu.memory_space<vmem>>
      %run_scoped3A_19 = tpu.sem_alloc : memref<2x!tpu.dma_semaphore, #tpu.memory_space<semaphore_mem>>
      %gt3A = arith.constant 0 : i32
      %gt3A_20 = arith.cmpi sgt, %mul3A_16, %gt3A : i32
      %convert_element_type3A = arith.extui %gt3A_20 : i1 to i32
      %cond3A = arith.constant 0 : i32
      %cond3A_21 = arith.cmpi ne, %convert_element_type3A, %cond3A : i32
      scf.if %cond3A_21 {
        %mul3A_22 = arith.constant 1 : i32
        %mul3A_23 = arith.muli %mul3A_22, %select_n3A : i32
        %sub3A = arith.constant 1 : i32
        %sub3A_24 = arith.subi %mul3A_23, %sub3A : i32
        %eq3A = arith.constant 0 : i32
        %eq3A_25 = arith.cmpi eq, %sub3A_24, %eq3A : i32
        %add3A_26 = arith.constant 0 : i32
        %add3A_27 = arith.addi %add3A_26, %select_n3A_14 : i32
        %select_n3A_28 = arith.constant true
        %select_n3A_29 = arith.constant 0 : i32
        %select_n3A_30 = arith.constant -1 : i32
        %select_n3A_31 = arith.select %select_n3A_28, %select_n3A_30, %select_n3A_29 : i32
        %eq3A_32 = arith.constant -1 : i32
        %eq3A_33 = arith.cmpi eq, %select_n3A_31, %eq3A_32 : i32
        %sub3A_34 = arith.constant 1 : i32
        %sub3A_35 = arith.subi %select_n3A, %sub3A_34 : i32
        %select_n3A_36 = arith.select %eq3A_33, %sub3A_35, %select_n3A_31 : i32
        %add3A_37 = arith.addi %select_n3A_36, %select_n3A_14 : i32
        %select_n3A_38 = arith.constant true
        %select_n3A_39 = arith.constant 0 : i32
        %select_n3A_40 = arith.constant 1 : i32
        %select_n3A_41 = arith.select %select_n3A_38, %select_n3A_40, %select_n3A_39 : i32
        %eq3A_42 = arith.cmpi eq, %select_n3A_41, %select_n3A : i32
        %select_n3A_43 = arith.constant 0 : i32
        %select_n3A_44 = arith.select %eq3A_42, %select_n3A_43, %select_n3A_41 : i32
        %add3A_45 = arith.addi %select_n3A_44, %select_n3A_14 : i32
        %add3A_46 = arith.constant 1 : i32
        %add3A_47 = arith.addi %select_n3A_44, %add3A_46 : i32
        %select_n3A_48 = arith.constant true
        %select_n3A_49 = arith.select %select_n3A_48, %add3A_47, %select_n3A_44 : i32
        %eq3A_50 = arith.cmpi eq, %select_n3A_49, %select_n3A : i32
        %select_n3A_51 = arith.constant 0 : i32
        %select_n3A_52 = arith.select %eq3A_50, %select_n3A_51, %select_n3A_49 : i32
        %add3A_53 = arith.addi %select_n3A_52, %select_n3A_14 : i32
        "tpu.trace_start"() <{level = 10 : i32, message = "ep_initialize_0"}> : () -> ()
        %rem3A = arith.constant 0 : i32
        %rem3A_54 = arith.constant 2 : i32
        %rem3A_55 = arith.remui %rem3A, %rem3A_54 : i32
        %mul3A_56 = arith.constant 1 : i32
        %mul3A_57 = arith.muli %mul3A_56, %add3A_27 : i32
        %dma_start3A = arith.constant 0 : i32
        %dma_start3A_58 = arith.constant 0 : i32
        %dma_start3A_59 = tpu.memref_slice %run_scoped3A[%rem3A_55, %dma_start3A, %dma_start3A_58] : memref<2x1x128xi32, #tpu.memory_space<vmem>> -> memref<1x1x128xi32, #tpu.memory_space<vmem>>
        %dma_start3A_60 = tpu.memref_squeeze %dma_start3A_59 : memref<1x1x128xi32, #tpu.memory_space<vmem>> -> memref<1x128xi32, #tpu.memory_space<vmem>>
        %dma_start3A_61 = arith.constant 0 : i32
        %dma_start3A_62 = tpu.memref_slice %arg3[%mul3A_57, %dma_start3A_61] : memref<1200x128xi32, #tpu.memory_space<hbm>> -> memref<1x128xi32, #tpu.memory_space<hbm>>
        %dma_start3A_63 = tpu.memref_slice %run_scoped3A_17[%rem3A_55] : memref<2x!tpu.dma_semaphore, #tpu.memory_space<semaphore_mem>> -> memref<1x!tpu.dma_semaphore, #tpu.memory_space<semaphore_mem>>
        %dma_start3A_64 = tpu.memref_squeeze %dma_start3A_63 : memref<1x!tpu.dma_semaphore, #tpu.memory_space<semaphore_mem>> -> memref<!tpu.dma_semaphore, #tpu.memory_space<semaphore_mem>>
        %dma_start3A_65 = arith.constant 0 : i32
        %dma_start3A_66 = arith.constant 0 : i32
        %dma_start3A_67 = tpu.memref_slice %run_scoped3A[%rem3A_55, %dma_start3A_65, %dma_start3A_66] : memref<2x1x128xi32, #tpu.memory_space<vmem>> -> memref<1x1x128xi32, #tpu.memory_space<vmem>>
        %dma_start3A_68 = tpu.memref_squeeze %dma_start3A_67 : memref<1x1x128xi32, #tpu.memory_space<vmem>> -> memref<1x128xi32, #tpu.memory_space<vmem>>
        %dma_start3A_69 = arith.constant 0 : i32
        %dma_start3A_70 = tpu.memref_slice %arg3[%mul3A_57, %dma_start3A_69] : memref<1200x128xi32, #tpu.memory_space<hbm>> -> memref<1x128xi32, #tpu.memory_space<hbm>>
        tpu.enqueue_dma source(%dma_start3A_70 : memref<1x128xi32, #tpu.memory_space<hbm>>) target(%dma_start3A_68 : memref<1x128xi32, #tpu.memory_space<vmem>>) target_semaphore(%dma_start3A_64 : memref<!tpu.dma_semaphore, #tpu.memory_space<semaphore_mem>>)
        %add3A_71 = arith.constant 0 : i32
        %add3A_72 = arith.constant 1 : i32
        %add3A_73 = arith.addi %add3A_71, %add3A_72 : i32
        %select_n3A_74 = arith.constant true
        %select_n3A_75 = arith.constant 0 : i32
        %select_n3A_76 = arith.select %select_n3A_74, %add3A_73, %select_n3A_75 : i32
        %while3A = arith.constant 0 : i32
        %while3A_77 = arith.constant 0 : i32
        %while3A_78 = arith.constant 0 : i32
        %while3A_79 = arith.constant 0 : i32
        %while3A_80 = arith.constant 0 : i32
        "tpu.trace_stop"() : () -> ()
        %while3A_81 = arith.subi %mul3A_16, %while3A : i32
        %while3A_82 = arith.addi %while3A, %while3A_81 : i32
        %while3A_83 = arith.constant 1 : i32
        %while3A_84 = arith.divsi %while3A_81, %while3A_83 : i32
        %while3A_85 = arith.muli %while3A_84, %while3A_83 : i32
        %while3A_86 = arith.addi %while3A, %while3A_85 : i32
        %while3A_87 = arith.constant 1 : i32
        %while3A_88:5 = scf.for %while3A_142 = %while3A to %while3A_86 step %while3A_87 iter_args(%while3A_143 = %select_n3A_76, %while3A_144 = %while3A_77, %while3A_145 = %while3A_78, %while3A_146 = %while3A_79, %while3A_147 = %while3A_80) -> (i32, i32, i32, i32, i32)  : i32 {
          %mul3A_148 = arith.constant 1 : i32
          %mul3A_149 = arith.muli %mul3A_148, %select_n3A : i32
          %eq3A_150 = arith.constant 0 : i32
          %eq3A_151 = arith.cmpi eq, %while3A_142, %eq3A_150 : i32
          %sub3A_152 = arith.constant 1 : i32
          %sub3A_153 = arith.subi %mul3A_149, %sub3A_152 : i32
          %eq3A_154 = arith.cmpi eq, %while3A_142, %sub3A_153 : i32
          %add3A_155 = arith.addi %while3A_147, %select_n3A_14 : i32
          %sub3A_156 = arith.constant 1 : i32
          %sub3A_157 = arith.subi %while3A_147, %sub3A_156 : i32
          %select_n3A_158 = arith.constant true
          %select_n3A_159 = arith.select %select_n3A_158, %sub3A_157, %while3A_147 : i32
          %eq3A_160 = arith.constant -1 : i32
          %eq3A_161 = arith.cmpi eq, %select_n3A_159, %eq3A_160 : i32
          %sub3A_162 = arith.constant 1 : i32
          %sub3A_163 = arith.subi %select_n3A, %sub3A_162 : i32
          %select_n3A_164 = arith.select %eq3A_161, %sub3A_163, %select_n3A_159 : i32
          %add3A_165 = arith.addi %select_n3A_164, %select_n3A_14 : i32
          %add3A_166 = arith.constant 1 : i32
          %add3A_167 = arith.addi %while3A_147, %add3A_166 : i32
          %select_n3A_168 = arith.constant true
          %select_n3A_169 = arith.select %select_n3A_168, %add3A_167, %while3A_147 : i32
          %eq3A_170 = arith.cmpi eq, %select_n3A_169, %select_n3A : i32
          %select_n3A_171 = arith.constant 0 : i32
          %select_n3A_172 = arith.select %eq3A_170, %select_n3A_171, %select_n3A_169 : i32
          %add3A_173 = arith.addi %select_n3A_172, %select_n3A_14 : i32
          %add3A_174 = arith.constant 1 : i32
          %add3A_175 = arith.addi %select_n3A_172, %add3A_174 : i32
          %select_n3A_176 = arith.constant true
          %select_n3A_177 = arith.select %select_n3A_176, %add3A_175, %select_n3A_172 : i32
          %eq3A_178 = arith.cmpi eq, %select_n3A_177, %select_n3A : i32
          %select_n3A_179 = arith.constant 0 : i32
          %select_n3A_180 = arith.select %eq3A_178, %select_n3A_179, %select_n3A_177 : i32
          %add3A_181 = arith.addi %select_n3A_180, %select_n3A_14 : i32
          %ne3A = arith.cmpi ne, %add3A_155, %add3A_173 : i32
          %or3A = arith.constant false
          %or3A_182 = arith.ori %or3A, %ne3A : i1
          %or3A_183 = arith.constant false
          %or3A_184 = arith.ori %or3A_182, %or3A_183 : i1
          %sub3A_185 = arith.constant 2 : i32
          %sub3A_186 = arith.subi %mul3A_149, %sub3A_185 : i32
          %add3A_187 = arith.constant 1 : i32
          %add3A_188 = arith.addi %sub3A_186, %add3A_187 : i32
          %ge3A = arith.cmpi sge, %while3A_142, %add3A_188 : i32
          %not3A = arith.constant true
          %not3A_189 = arith.xori %ge3A, %not3A : i1
          %and3A = arith.andi %or3A_184, %not3A_189 : i1
          %convert_element_type3A_190 = arith.extui %and3A : i1 to i32
          %cond3A_191 = arith.constant 0 : i32
          %cond3A_192 = arith.cmpi ne, %convert_element_type3A_190, %cond3A_191 : i32
          scf.if %cond3A_192 {
            "tpu.trace_start"() <{level = 10 : i32, message = "ep_copy_in"}> : () -> ()
            %rem3A_338 = arith.constant 2 : i32
            %rem3A_339 = arith.remui %while3A_143, %rem3A_338 : i32
            %mul3A_340 = arith.constant 1 : i32
            %mul3A_341 = arith.muli %mul3A_340, %add3A_173 : i32
            %dma_start3A_342 = arith.constant 0 : i32
            %dma_start3A_343 = arith.constant 0 : i32
            %dma_start3A_344 = tpu.memref_slice %run_scoped3A[%rem3A_339, %dma_start3A_342, %dma_start3A_343] : memref<2x1x128xi32, #tpu.memory_space<vmem>> -> memref<1x1x128xi32, #tpu.memory_space<vmem>>
            %dma_start3A_345 = tpu.memref_squeeze %dma_start3A_344 : memref<1x1x128xi32, #tpu.memory_space<vmem>> -> memref<1x128xi32, #tpu.memory_space<vmem>>
            %dma_start3A_346 = arith.constant 0 : i32
            %dma_start3A_347 = tpu.memref_slice %arg3[%mul3A_341, %dma_start3A_346] : memref<1200x128xi32, #tpu.memory_space<hbm>> -> memref<1x128xi32, #tpu.memory_space<hbm>>
            %dma_start3A_348 = tpu.memref_slice %run_scoped3A_17[%rem3A_339] : memref<2x!tpu.dma_semaphore, #tpu.memory_space<semaphore_mem>> -> memref<1x!tpu.dma_semaphore, #tpu.memory_space<semaphore_mem>>
            %dma_start3A_349 = tpu.memref_squeeze %dma_start3A_348 : memref<1x!tpu.dma_semaphore, #tpu.memory_space<semaphore_mem>> -> memref<!tpu.dma_semaphore, #tpu.memory_space<semaphore_mem>>
            %dma_start3A_350 = arith.constant 0 : i32
            %dma_start3A_351 = arith.constant 0 : i32
            %dma_start3A_352 = tpu.memref_slice %run_scoped3A[%rem3A_339, %dma_start3A_350, %dma_start3A_351] : memref<2x1x128xi32, #tpu.memory_space<vmem>> -> memref<1x1x128xi32, #tpu.memory_space<vmem>>
            %dma_start3A_353 = tpu.memref_squeeze %dma_start3A_352 : memref<1x1x128xi32, #tpu.memory_space<vmem>> -> memref<1x128xi32, #tpu.memory_space<vmem>>
            %dma_start3A_354 = arith.constant 0 : i32
            %dma_start3A_355 = tpu.memref_slice %arg3[%mul3A_341, %dma_start3A_354] : memref<1200x128xi32, #tpu.memory_space<hbm>> -> memref<1x128xi32, #tpu.memory_space<hbm>>
            tpu.enqueue_dma source(%dma_start3A_355 : memref<1x128xi32, #tpu.memory_space<hbm>>) target(%dma_start3A_353 : memref<1x128xi32, #tpu.memory_space<vmem>>) target_semaphore(%dma_start3A_349 : memref<!tpu.dma_semaphore, #tpu.memory_space<semaphore_mem>>)
            "tpu.trace_stop"() : () -> ()
          } else {
          }
          %and3A_193 = arith.constant true
          %and3A_194 = arith.andi %and3A, %and3A_193 : i1
          %add3A_195 = arith.constant 1 : i32
          %add3A_196 = arith.addi %while3A_143, %add3A_195 : i32
          %select_n3A_197 = arith.select %and3A_194, %add3A_196, %while3A_143 : i32
          %ne3A_198 = arith.cmpi ne, %add3A_155, %add3A_173 : i32
          %or3A_199 = arith.constant false
          %or3A_200 = arith.ori %or3A_199, %ne3A_198 : i1
          %or3A_201 = arith.constant false
          %or3A_202 = arith.ori %or3A_200, %or3A_201 : i1
          %sub3A_203 = arith.constant 2 : i32
          %sub3A_204 = arith.subi %mul3A_149, %sub3A_203 : i32
          %add3A_205 = arith.constant 1 : i32
          %add3A_206 = arith.addi %sub3A_204, %add3A_205 : i32
          %ge3A_207 = arith.cmpi sge, %while3A_142, %add3A_206 : i32
          %not3A_208 = arith.constant true
          %not3A_209 = arith.xori %ge3A_207, %not3A_208 : i1
          %and3A_210 = arith.andi %or3A_202, %not3A_209 : i1
          %ne3A_211 = arith.cmpi ne, %add3A_155, %add3A_165 : i32
          %or3A_212 = arith.constant false
          %or3A_213 = arith.ori %or3A_212, %ne3A_211 : i1
          %or3A_214 = arith.constant false
          %or3A_215 = arith.ori %or3A_213, %or3A_214 : i1
          %or3A_216 = arith.ori %or3A_215, %eq3A_151 : i1
          %convert_element_type3A_217 = arith.extui %or3A_216 : i1 to i32
          %cond3A_218 = arith.constant 0 : i32
          %cond3A_219 = arith.cmpi ne, %convert_element_type3A_217, %cond3A_218 : i32
          scf.if %cond3A_219 {
            "tpu.trace_start"() <{level = 10 : i32, message = "ep_wait_in"}> : () -> ()
            %mul3A_338 = arith.constant 1 : i32
            %mul3A_339 = arith.muli %mul3A_338, %add3A_155 : i32
            %rem3A_340 = arith.constant 2 : i32
            %rem3A_341 = arith.remui %while3A_144, %rem3A_340 : i32
            %dma_wait3A_342 = arith.constant 0 : i32
            %dma_wait3A_343 = arith.constant 0 : i32
            %dma_wait3A_344 = tpu.memref_slice %run_scoped3A[%rem3A_341, %dma_wait3A_342, %dma_wait3A_343] : memref<2x1x128xi32, #tpu.memory_space<vmem>> -> memref<1x1x128xi32, #tpu.memory_space<vmem>>
            %dma_wait3A_345 = tpu.memref_squeeze %dma_wait3A_344 : memref<1x1x128xi32, #tpu.memory_space<vmem>> -> memref<1x128xi32, #tpu.memory_space<vmem>>
            %dma_wait3A_346 = arith.constant 0 : i32
            %dma_wait3A_347 = tpu.memref_slice %arg3[%mul3A_339, %dma_wait3A_346] : memref<1200x128xi32, #tpu.memory_space<hbm>> -> memref<1x128xi32, #tpu.memory_space<hbm>>
            %dma_wait3A_348 = tpu.memref_slice %run_scoped3A_17[%rem3A_341] : memref<2x!tpu.dma_semaphore, #tpu.memory_space<semaphore_mem>> -> memref<1x!tpu.dma_semaphore, #tpu.memory_space<semaphore_mem>>
            %dma_wait3A_349 = tpu.memref_squeeze %dma_wait3A_348 : memref<1x!tpu.dma_semaphore, #tpu.memory_space<semaphore_mem>> -> memref<!tpu.dma_semaphore, #tpu.memory_space<semaphore_mem>>
            %dma_wait3A_350 = arith.constant 0 : i32
            %dma_wait3A_351 = arith.constant 0 : i32
            %dma_wait3A_352 = tpu.memref_slice %run_scoped3A[%rem3A_341, %dma_wait3A_350, %dma_wait3A_351] : memref<2x1x128xi32, #tpu.memory_space<vmem>> -> memref<1x1x128xi32, #tpu.memory_space<vmem>>
            %dma_wait3A_353 = tpu.memref_squeeze %dma_wait3A_352 : memref<1x1x128xi32, #tpu.memory_space<vmem>> -> memref<1x128xi32, #tpu.memory_space<vmem>>
            %dma_wait3A_354 = arith.constant 0 : i32
            %dma_wait3A_355 = tpu.memref_slice %arg3[%mul3A_339, %dma_wait3A_354] : memref<1200x128xi32, #tpu.memory_space<hbm>> -> memref<1x128xi32, #tpu.memory_space<hbm>>
            tpu.wait_dma2 semaphore(%dma_wait3A_349 : memref<!tpu.dma_semaphore, #tpu.memory_space<semaphore_mem>>) src(%dma_wait3A_355 : memref<1x128xi32, #tpu.memory_space<hbm>>) dst(%dma_wait3A_353 : memref<1x128xi32, #tpu.memory_space<vmem>>)
            "tpu.trace_stop"() : () -> ()
          } else {
          }
          %ne3A_220 = arith.cmpi ne, %add3A_155, %add3A_165 : i32
          %or3A_221 = arith.constant false
          %or3A_222 = arith.ori %or3A_221, %ne3A_220 : i1
          %or3A_223 = arith.constant false
          %or3A_224 = arith.ori %or3A_222, %or3A_223 : i1
          %or3A_225 = arith.ori %or3A_224, %eq3A_151 : i1
          %convert_element_type3A_226 = arith.extui %or3A_225 : i1 to i32
          %cond3A_227 = arith.constant 0 : i32
          %cond3A_228 = arith.cmpi ne, %convert_element_type3A_226, %cond3A_227 : i32
          scf.if %cond3A_228 {
          } else {
          }
          %rem3A_229 = arith.constant 2 : i32
          %rem3A_230 = arith.remui %while3A_144, %rem3A_229 : i32
          %rem3A_231 = arith.constant 2 : i32
          %rem3A_232 = arith.remui %while3A_145, %rem3A_231 : i32
          %dma_start3A_233 = arith.constant 0 : i32
          "tpu.trace_start"() <{level = 10 : i32, message = "ep_run_kernel"}> : () -> ()
          %dma_start3A_234 = arith.constant 0 : i32
          %dma_start3A_235 = arith.constant 0 : i32
          %dma_start3A_236 = tpu.memref_slice %run_scoped3A_18[%rem3A_232, %dma_start3A_234, %dma_start3A_235] : memref<2x128x128xf32, #tpu.memory_space<vmem>> -> memref<1x128x128xf32, #tpu.memory_space<vmem>>
          %dma_start3A_237 = tpu.memref_squeeze %dma_start3A_236 : memref<1x128x128xf32, #tpu.memory_space<vmem>> -> memref<128x128xf32, #tpu.memory_space<vmem>>
          %dma_start3A_238 = arith.constant 0 : i32
          %dma_start3A_239 = arith.constant 0 : i32
          %dma_start3A_240 = tpu.memref_slice %dma_start3A_237[%dma_start3A_238, %dma_start3A_239] : memref<128x128xf32, #tpu.memory_space<vmem>> -> memref<128x128xf32, #tpu.memory_space<vmem>>
          %dma_start3A_241 = arith.constant 0 : i32
          %dma_start3A_242 = arith.constant 0 : i32
          %dma_start3A_243 = tpu.memref_slice %run_scoped3A[%rem3A_230, %dma_start3A_241, %dma_start3A_242] : memref<2x1x128xi32, #tpu.memory_space<vmem>> -> memref<1x1x128xi32, #tpu.memory_space<vmem>>
          %dma_start3A_244 = tpu.memref_squeeze %dma_start3A_243 : memref<1x1x128xi32, #tpu.memory_space<vmem>> -> memref<1x128xi32, #tpu.memory_space<vmem>>
          %dma_start3A_245 = arith.constant 0 : i32
          %dma_start3A_246 = tpu.memref_slice %dma_start3A_244[%dma_start3A_233, %dma_start3A_245] : memref<1x128xi32, #tpu.memory_space<vmem>> -> memref<1x128xi32, #tpu.memory_space<vmem>>
          %dma_start3A_247 = tpu.memref_squeeze %dma_start3A_246 : memref<1x128xi32, #tpu.memory_space<vmem>> -> memref<128xi32, #tpu.memory_space<vmem>>
          %dma_start3A_248 = arith.constant 0 : i32
          %dma_start3A_249 = arith.constant 0 : i32
          %dma_start3A_250 = tpu.memref_slice %arg2[%dma_start3A_248, %dma_start3A_249] : memref<10000x128xf32, #tpu.memory_space<hbm>> -> memref<10000x128xf32, #tpu.memory_space<hbm>>
          tpu.enqueue_indirect_dma source(%dma_start3A_250 : memref<10000x128xf32, #tpu.memory_space<hbm>>) target(%dma_start3A_240 : memref<128x128xf32, #tpu.memory_space<vmem>>) offsets(%dma_start3A_247 : memref<128xi32, #tpu.memory_space<vmem>>) semaphore(%arg5 : memref<!tpu.dma_semaphore, #tpu.memory_space<semaphore_mem>>)
          %dma_wait3A = arith.constant 0 : i32
          %dma_wait3A_251 = arith.constant 0 : i32
          %dma_wait3A_252 = arith.constant 0 : i32
          %dma_wait3A_253 = tpu.memref_slice %run_scoped3A_18[%rem3A_232, %dma_wait3A_251, %dma_wait3A_252] : memref<2x128x128xf32, #tpu.memory_space<vmem>> -> memref<1x128x128xf32, #tpu.memory_space<vmem>>
          %dma_wait3A_254 = tpu.memref_squeeze %dma_wait3A_253 : memref<1x128x128xf32, #tpu.memory_space<vmem>> -> memref<128x128xf32, #tpu.memory_space<vmem>>
          %dma_wait3A_255 = arith.constant 0 : i32
          %dma_wait3A_256 = arith.constant 0 : i32
          %dma_wait3A_257 = tpu.memref_slice %dma_wait3A_254[%dma_wait3A_255, %dma_wait3A_256] : memref<128x128xf32, #tpu.memory_space<vmem>> -> memref<128x128xf32, #tpu.memory_space<vmem>>
          %dma_wait3A_258 = arith.constant 0 : i32
          %dma_wait3A_259 = arith.constant 0 : i32
          %dma_wait3A_260 = tpu.memref_slice %run_scoped3A[%rem3A_230, %dma_wait3A_258, %dma_wait3A_259] : memref<2x1x128xi32, #tpu.memory_space<vmem>> -> memref<1x1x128xi32, #tpu.memory_space<vmem>>
          %dma_wait3A_261 = tpu.memref_squeeze %dma_wait3A_260 : memref<1x1x128xi32, #tpu.memory_space<vmem>> -> memref<1x128xi32, #tpu.memory_space<vmem>>
          %dma_wait3A_262 = arith.constant 0 : i32
          %dma_wait3A_263 = tpu.memref_slice %dma_wait3A_261[%dma_wait3A, %dma_wait3A_262] : memref<1x128xi32, #tpu.memory_space<vmem>> -> memref<1x128xi32, #tpu.memory_space<vmem>>
          %dma_wait3A_264 = tpu.memref_squeeze %dma_wait3A_263 : memref<1x128xi32, #tpu.memory_space<vmem>> -> memref<128xi32, #tpu.memory_space<vmem>>
          %dma_wait3A_265 = arith.constant 0 : i32
          %dma_wait3A_266 = arith.constant 0 : i32
          %dma_wait3A_267 = tpu.memref_slice %arg2[%dma_wait3A_265, %dma_wait3A_266] : memref<10000x128xf32, #tpu.memory_space<hbm>> -> memref<10000x128xf32, #tpu.memory_space<hbm>>
          tpu.wait_indirect_dma semaphore(%arg5 : memref<!tpu.dma_semaphore, #tpu.memory_space<semaphore_mem>>) src(%dma_wait3A_267 : memref<10000x128xf32, #tpu.memory_space<hbm>>) dst(%dma_wait3A_257 : memref<128x128xf32, #tpu.memory_space<vmem>>)
          "tpu.trace_stop"() : () -> ()
          %ne3A_268 = arith.cmpi ne, %add3A_155, %add3A_173 : i32
          %or3A_269 = arith.constant false
          %or3A_270 = arith.ori %or3A_269, %ne3A_268 : i1
          %or3A_271 = arith.constant false
          %or3A_272 = arith.ori %or3A_270, %or3A_271 : i1
          %or3A_273 = arith.ori %or3A_272, %eq3A_154 : i1
          %convert_element_type3A_274 = arith.extui %or3A_273 : i1 to i32
          %cond3A_275 = arith.constant 0 : i32
          %cond3A_276 = arith.cmpi ne, %convert_element_type3A_274, %cond3A_275 : i32
          scf.if %cond3A_276 {
          } else {
          }
          %and3A_277 = arith.constant false
          %and3A_278 = arith.andi %or3A_273, %and3A_277 : i1
          %ne3A_279 = arith.cmpi ne, %add3A_155, %add3A_173 : i32
          %or3A_280 = arith.constant false
          %or3A_281 = arith.ori %or3A_280, %ne3A_279 : i1
          %or3A_282 = arith.constant false
          %or3A_283 = arith.ori %or3A_281, %or3A_282 : i1
          %or3A_284 = arith.ori %or3A_283, %eq3A_154 : i1
          %convert_element_type3A_285 = arith.extui %or3A_284 : i1 to i32
          %cond3A_286 = arith.constant 0 : i32
          %cond3A_287 = arith.cmpi ne, %convert_element_type3A_285, %cond3A_286 : i32
          scf.if %cond3A_287 {
            "tpu.trace_start"() <{level = 10 : i32, message = "ep_copy_out"}> : () -> ()
            %rem3A_338 = arith.constant 2 : i32
            %rem3A_339 = arith.remui %while3A_145, %rem3A_338 : i32
            %mul3A_340 = arith.constant 128 : i32
            %mul3A_341 = arith.muli %mul3A_340, %add3A_155 : i32
            %dma_start3A_342 = arith.constant 0 : i32
            %dma_start3A_343 = arith.constant 0 : i32
            %dma_start3A_344 = tpu.memref_slice %run_scoped3A_18[%rem3A_339, %dma_start3A_342, %dma_start3A_343] : memref<2x128x128xf32, #tpu.memory_space<vmem>> -> memref<1x128x128xf32, #tpu.memory_space<vmem>>
            %dma_start3A_345 = tpu.memref_squeeze %dma_start3A_344 : memref<1x128x128xf32, #tpu.memory_space<vmem>> -> memref<128x128xf32, #tpu.memory_space<vmem>>
            %dma_start3A_346 = arith.constant 0 : i32
            %dma_start3A_347 = tpu.memref_slice %arg4[%mul3A_341, %dma_start3A_346] : memref<153600x128xf32, #tpu.memory_space<hbm>> -> memref<128x128xf32, #tpu.memory_space<hbm>>
            %dma_start3A_348 = tpu.memref_slice %run_scoped3A_19[%rem3A_339] : memref<2x!tpu.dma_semaphore, #tpu.memory_space<semaphore_mem>> -> memref<1x!tpu.dma_semaphore, #tpu.memory_space<semaphore_mem>>
            %dma_start3A_349 = tpu.memref_squeeze %dma_start3A_348 : memref<1x!tpu.dma_semaphore, #tpu.memory_space<semaphore_mem>> -> memref<!tpu.dma_semaphore, #tpu.memory_space<semaphore_mem>>
            %dma_start3A_350 = arith.constant 0 : i32
            %dma_start3A_351 = tpu.memref_slice %arg4[%mul3A_341, %dma_start3A_350] : memref<153600x128xf32, #tpu.memory_space<hbm>> -> memref<128x128xf32, #tpu.memory_space<hbm>>
            %dma_start3A_352 = arith.constant 0 : i32
            %dma_start3A_353 = arith.constant 0 : i32
            %dma_start3A_354 = tpu.memref_slice %run_scoped3A_18[%rem3A_339, %dma_start3A_352, %dma_start3A_353] : memref<2x128x128xf32, #tpu.memory_space<vmem>> -> memref<1x128x128xf32, #tpu.memory_space<vmem>>
            %dma_start3A_355 = tpu.memref_squeeze %dma_start3A_354 : memref<1x128x128xf32, #tpu.memory_space<vmem>> -> memref<128x128xf32, #tpu.memory_space<vmem>>
            tpu.enqueue_dma source(%dma_start3A_355 : memref<128x128xf32, #tpu.memory_space<vmem>>) target(%dma_start3A_351 : memref<128x128xf32, #tpu.memory_space<hbm>>) target_semaphore(%dma_start3A_349 : memref<!tpu.dma_semaphore, #tpu.memory_space<semaphore_mem>>)
            "tpu.trace_stop"() : () -> ()
          } else {
          }
          %and3A_288 = arith.constant true
          %and3A_289 = arith.andi %or3A_284, %and3A_288 : i1
          %add3A_290 = arith.constant 1 : i32
          %add3A_291 = arith.addi %while3A_145, %add3A_290 : i32
          %select_n3A_292 = arith.select %and3A_289, %add3A_291, %while3A_145 : i32
          %ne3A_293 = arith.cmpi ne, %add3A_155, %add3A_165 : i32
          %or3A_294 = arith.constant false
          %or3A_295 = arith.ori %or3A_294, %ne3A_293 : i1
          %or3A_296 = arith.constant false
          %or3A_297 = arith.ori %or3A_295, %or3A_296 : i1
          %not3A_298 = arith.constant true
          %not3A_299 = arith.xori %eq3A_151, %not3A_298 : i1
          %and3A_300 = arith.andi %or3A_297, %not3A_299 : i1
          %convert_element_type3A_301 = arith.extui %and3A_300 : i1 to i32
          %cond3A_302 = arith.constant 0 : i32
          %cond3A_303 = arith.cmpi ne, %convert_element_type3A_301, %cond3A_302 : i32
          scf.if %cond3A_303 {
          } else {
          }
          %and3A_304 = arith.constant false
          %and3A_305 = arith.andi %and3A_300, %and3A_304 : i1
          %ne3A_306 = arith.cmpi ne, %add3A_155, %add3A_165 : i32
          %or3A_307 = arith.constant false
          %or3A_308 = arith.ori %or3A_307, %ne3A_306 : i1
          %or3A_309 = arith.constant false
          %or3A_310 = arith.ori %or3A_308, %or3A_309 : i1
          %not3A_311 = arith.constant true
          %not3A_312 = arith.xori %eq3A_151, %not3A_311 : i1
          %and3A_313 = arith.andi %or3A_310, %not3A_312 : i1
          %convert_element_type3A_314 = arith.extui %and3A_313 : i1 to i32
          %cond3A_315 = arith.constant 0 : i32
          %cond3A_316 = arith.cmpi ne, %convert_element_type3A_314, %cond3A_315 : i32
          scf.if %cond3A_316 {
            "tpu.trace_start"() <{level = 10 : i32, message = "ep_wait_out"}> : () -> ()
            %rem3A_338 = arith.constant 2 : i32
            %rem3A_339 = arith.remui %while3A_146, %rem3A_338 : i32
            %mul3A_340 = arith.constant 128 : i32
            %mul3A_341 = arith.muli %mul3A_340, %add3A_165 : i32
            %dma_wait3A_342 = arith.constant 0 : i32
            %dma_wait3A_343 = arith.constant 0 : i32
            %dma_wait3A_344 = tpu.memref_slice %run_scoped3A_18[%rem3A_339, %dma_wait3A_342, %dma_wait3A_343] : memref<2x128x128xf32, #tpu.memory_space<vmem>> -> memref<1x128x128xf32, #tpu.memory_space<vmem>>
            %dma_wait3A_345 = tpu.memref_squeeze %dma_wait3A_344 : memref<1x128x128xf32, #tpu.memory_space<vmem>> -> memref<128x128xf32, #tpu.memory_space<vmem>>
            %dma_wait3A_346 = arith.constant 0 : i32
            %dma_wait3A_347 = tpu.memref_slice %arg4[%mul3A_341, %dma_wait3A_346] : memref<153600x128xf32, #tpu.memory_space<hbm>> -> memref<128x128xf32, #tpu.memory_space<hbm>>
            %dma_wait3A_348 = tpu.memref_slice %run_scoped3A_19[%rem3A_339] : memref<2x!tpu.dma_semaphore, #tpu.memory_space<semaphore_mem>> -> memref<1x!tpu.dma_semaphore, #tpu.memory_space<semaphore_mem>>
            %dma_wait3A_349 = tpu.memref_squeeze %dma_wait3A_348 : memref<1x!tpu.dma_semaphore, #tpu.memory_space<semaphore_mem>> -> memref<!tpu.dma_semaphore, #tpu.memory_space<semaphore_mem>>
            %dma_wait3A_350 = arith.constant 0 : i32
            %dma_wait3A_351 = tpu.memref_slice %arg4[%mul3A_341, %dma_wait3A_350] : memref<153600x128xf32, #tpu.memory_space<hbm>> -> memref<128x128xf32, #tpu.memory_space<hbm>>
            %dma_wait3A_352 = arith.constant 0 : i32
            %dma_wait3A_353 = arith.constant 0 : i32
            %dma_wait3A_354 = tpu.memref_slice %run_scoped3A_18[%rem3A_339, %dma_wait3A_352, %dma_wait3A_353] : memref<2x128x128xf32, #tpu.memory_space<vmem>> -> memref<1x128x128xf32, #tpu.memory_space<vmem>>
            %dma_wait3A_355 = tpu.memref_squeeze %dma_wait3A_354 : memref<1x128x128xf32, #tpu.memory_space<vmem>> -> memref<128x128xf32, #tpu.memory_space<vmem>>
            tpu.wait_dma2 semaphore(%dma_wait3A_349 : memref<!tpu.dma_semaphore, #tpu.memory_space<semaphore_mem>>) src(%dma_wait3A_355 : memref<128x128xf32, #tpu.memory_space<vmem>>) dst(%dma_wait3A_351 : memref<128x128xf32, #tpu.memory_space<hbm>>)
            "tpu.trace_stop"() : () -> ()
          } else {
          }
          %and3A_317 = arith.constant true
          %and3A_318 = arith.andi %and3A_313, %and3A_317 : i1
          %add3A_319 = arith.constant 1 : i32
          %add3A_320 = arith.addi %while3A_146, %add3A_319 : i32
          %select_n3A_321 = arith.select %and3A_318, %add3A_320, %while3A_146 : i32
          %ne3A_322 = arith.cmpi ne, %add3A_155, %add3A_173 : i32
          %or3A_323 = arith.constant false
          %or3A_324 = arith.ori %or3A_323, %ne3A_322 : i1
          %or3A_325 = arith.constant false
          %or3A_326 = arith.ori %or3A_324, %or3A_325 : i1
          %or3A_327 = arith.ori %or3A_326, %eq3A_154 : i1
          %add3A_328 = arith.constant 1 : i32
          %add3A_329 = arith.addi %while3A_144, %add3A_328 : i32
          %select_n3A_330 = arith.select %or3A_327, %add3A_329, %while3A_144 : i32
          %add3A_331 = arith.constant 1 : i32
          %add3A_332 = arith.addi %while3A_147, %add3A_331 : i32
          %select_n3A_333 = arith.constant true
          %select_n3A_334 = arith.select %select_n3A_333, %add3A_332, %while3A_147 : i32
          %eq3A_335 = arith.cmpi eq, %select_n3A_334, %select_n3A : i32
          %select_n3A_336 = arith.constant 0 : i32
          %select_n3A_337 = arith.select %eq3A_335, %select_n3A_336, %select_n3A_334 : i32
          scf.yield %select_n3A_197, %select_n3A_330, %select_n3A_292, %select_n3A_321, %select_n3A_337 : i32, i32, i32, i32, i32
        }
        %while3A_89 = arith.constant 1 : i32
        %while3A_90:5 = scf.for %while3A_142 = %while3A_86 to %while3A_82 step %while3A_89 iter_args(%while3A_143 = %while3A_88#0, %while3A_144 = %while3A_88#1, %while3A_145 = %while3A_88#2, %while3A_146 = %while3A_88#3, %while3A_147 = %while3A_88#4) -> (i32, i32, i32, i32, i32)  : i32 {
          %mul3A_148 = arith.constant 1 : i32
          %mul3A_149 = arith.muli %mul3A_148, %select_n3A : i32
          %eq3A_150 = arith.constant 0 : i32
          %eq3A_151 = arith.cmpi eq, %while3A_142, %eq3A_150 : i32
          %sub3A_152 = arith.constant 1 : i32
          %sub3A_153 = arith.subi %mul3A_149, %sub3A_152 : i32
          %eq3A_154 = arith.cmpi eq, %while3A_142, %sub3A_153 : i32
          %add3A_155 = arith.addi %while3A_147, %select_n3A_14 : i32
          %sub3A_156 = arith.constant 1 : i32
          %sub3A_157 = arith.subi %while3A_147, %sub3A_156 : i32
          %select_n3A_158 = arith.constant true
          %select_n3A_159 = arith.select %select_n3A_158, %sub3A_157, %while3A_147 : i32
          %eq3A_160 = arith.constant -1 : i32
          %eq3A_161 = arith.cmpi eq, %select_n3A_159, %eq3A_160 : i32
          %sub3A_162 = arith.constant 1 : i32
          %sub3A_163 = arith.subi %select_n3A, %sub3A_162 : i32
          %select_n3A_164 = arith.select %eq3A_161, %sub3A_163, %select_n3A_159 : i32
          %add3A_165 = arith.addi %select_n3A_164, %select_n3A_14 : i32
          %add3A_166 = arith.constant 1 : i32
          %add3A_167 = arith.addi %while3A_147, %add3A_166 : i32
          %select_n3A_168 = arith.constant true
          %select_n3A_169 = arith.select %select_n3A_168, %add3A_167, %while3A_147 : i32
          %eq3A_170 = arith.cmpi eq, %select_n3A_169, %select_n3A : i32
          %select_n3A_171 = arith.constant 0 : i32
          %select_n3A_172 = arith.select %eq3A_170, %select_n3A_171, %select_n3A_169 : i32
          %add3A_173 = arith.addi %select_n3A_172, %select_n3A_14 : i32
          %add3A_174 = arith.constant 1 : i32
          %add3A_175 = arith.addi %select_n3A_172, %add3A_174 : i32
          %select_n3A_176 = arith.constant true
          %select_n3A_177 = arith.select %select_n3A_176, %add3A_175, %select_n3A_172 : i32
          %eq3A_178 = arith.cmpi eq, %select_n3A_177, %select_n3A : i32
          %select_n3A_179 = arith.constant 0 : i32
          %select_n3A_180 = arith.select %eq3A_178, %select_n3A_179, %select_n3A_177 : i32
          %add3A_181 = arith.addi %select_n3A_180, %select_n3A_14 : i32
          %ne3A = arith.cmpi ne, %add3A_155, %add3A_173 : i32
          %or3A = arith.constant false
          %or3A_182 = arith.ori %or3A, %ne3A : i1
          %or3A_183 = arith.constant false
          %or3A_184 = arith.ori %or3A_182, %or3A_183 : i1
          %sub3A_185 = arith.constant 2 : i32
          %sub3A_186 = arith.subi %mul3A_149, %sub3A_185 : i32
          %add3A_187 = arith.constant 1 : i32
          %add3A_188 = arith.addi %sub3A_186, %add3A_187 : i32
          %ge3A = arith.cmpi sge, %while3A_142, %add3A_188 : i32
          %not3A = arith.constant true
          %not3A_189 = arith.xori %ge3A, %not3A : i1
          %and3A = arith.andi %or3A_184, %not3A_189 : i1
          %convert_element_type3A_190 = arith.extui %and3A : i1 to i32
          %cond3A_191 = arith.constant 0 : i32
          %cond3A_192 = arith.cmpi ne, %convert_element_type3A_190, %cond3A_191 : i32
          scf.if %cond3A_192 {
            "tpu.trace_start"() <{level = 10 : i32, message = "ep_copy_in"}> : () -> ()
            %rem3A_338 = arith.constant 2 : i32
            %rem3A_339 = arith.remui %while3A_143, %rem3A_338 : i32
            %mul3A_340 = arith.constant 1 : i32
            %mul3A_341 = arith.muli %mul3A_340, %add3A_173 : i32
            %dma_start3A_342 = arith.constant 0 : i32
            %dma_start3A_343 = arith.constant 0 : i32
            %dma_start3A_344 = tpu.memref_slice %run_scoped3A[%rem3A_339, %dma_start3A_342, %dma_start3A_343] : memref<2x1x128xi32, #tpu.memory_space<vmem>> -> memref<1x1x128xi32, #tpu.memory_space<vmem>>
            %dma_start3A_345 = tpu.memref_squeeze %dma_start3A_344 : memref<1x1x128xi32, #tpu.memory_space<vmem>> -> memref<1x128xi32, #tpu.memory_space<vmem>>
            %dma_start3A_346 = arith.constant 0 : i32
            %dma_start3A_347 = tpu.memref_slice %arg3[%mul3A_341, %dma_start3A_346] : memref<1200x128xi32, #tpu.memory_space<hbm>> -> memref<1x128xi32, #tpu.memory_space<hbm>>
            %dma_start3A_348 = tpu.memref_slice %run_scoped3A_17[%rem3A_339] : memref<2x!tpu.dma_semaphore, #tpu.memory_space<semaphore_mem>> -> memref<1x!tpu.dma_semaphore, #tpu.memory_space<semaphore_mem>>
            %dma_start3A_349 = tpu.memref_squeeze %dma_start3A_348 : memref<1x!tpu.dma_semaphore, #tpu.memory_space<semaphore_mem>> -> memref<!tpu.dma_semaphore, #tpu.memory_space<semaphore_mem>>
            %dma_start3A_350 = arith.constant 0 : i32
            %dma_start3A_351 = arith.constant 0 : i32
            %dma_start3A_352 = tpu.memref_slice %run_scoped3A[%rem3A_339, %dma_start3A_350, %dma_start3A_351] : memref<2x1x128xi32, #tpu.memory_space<vmem>> -> memref<1x1x128xi32, #tpu.memory_space<vmem>>
            %dma_start3A_353 = tpu.memref_squeeze %dma_start3A_352 : memref<1x1x128xi32, #tpu.memory_space<vmem>> -> memref<1x128xi32, #tpu.memory_space<vmem>>
            %dma_start3A_354 = arith.constant 0 : i32
            %dma_start3A_355 = tpu.memref_slice %arg3[%mul3A_341, %dma_start3A_354] : memref<1200x128xi32, #tpu.memory_space<hbm>> -> memref<1x128xi32, #tpu.memory_space<hbm>>
            tpu.enqueue_dma source(%dma_start3A_355 : memref<1x128xi32, #tpu.memory_space<hbm>>) target(%dma_start3A_353 : memref<1x128xi32, #tpu.memory_space<vmem>>) target_semaphore(%dma_start3A_349 : memref<!tpu.dma_semaphore, #tpu.memory_space<semaphore_mem>>)
            "tpu.trace_stop"() : () -> ()
          } else {
          }
          %and3A_193 = arith.constant true
          %and3A_194 = arith.andi %and3A, %and3A_193 : i1
          %add3A_195 = arith.constant 1 : i32
          %add3A_196 = arith.addi %while3A_143, %add3A_195 : i32
          %select_n3A_197 = arith.select %and3A_194, %add3A_196, %while3A_143 : i32
          %ne3A_198 = arith.cmpi ne, %add3A_155, %add3A_173 : i32
          %or3A_199 = arith.constant false
          %or3A_200 = arith.ori %or3A_199, %ne3A_198 : i1
          %or3A_201 = arith.constant false
          %or3A_202 = arith.ori %or3A_200, %or3A_201 : i1
          %sub3A_203 = arith.constant 2 : i32
          %sub3A_204 = arith.subi %mul3A_149, %sub3A_203 : i32
          %add3A_205 = arith.constant 1 : i32
          %add3A_206 = arith.addi %sub3A_204, %add3A_205 : i32
          %ge3A_207 = arith.cmpi sge, %while3A_142, %add3A_206 : i32
          %not3A_208 = arith.constant true
          %not3A_209 = arith.xori %ge3A_207, %not3A_208 : i1
          %and3A_210 = arith.andi %or3A_202, %not3A_209 : i1
          %ne3A_211 = arith.cmpi ne, %add3A_155, %add3A_165 : i32
          %or3A_212 = arith.constant false
          %or3A_213 = arith.ori %or3A_212, %ne3A_211 : i1
          %or3A_214 = arith.constant false
          %or3A_215 = arith.ori %or3A_213, %or3A_214 : i1
          %or3A_216 = arith.ori %or3A_215, %eq3A_151 : i1
          %convert_element_type3A_217 = arith.extui %or3A_216 : i1 to i32
          %cond3A_218 = arith.constant 0 : i32
          %cond3A_219 = arith.cmpi ne, %convert_element_type3A_217, %cond3A_218 : i32
          scf.if %cond3A_219 {
            "tpu.trace_start"() <{level = 10 : i32, message = "ep_wait_in"}> : () -> ()
            %mul3A_338 = arith.constant 1 : i32
            %mul3A_339 = arith.muli %mul3A_338, %add3A_155 : i32
            %rem3A_340 = arith.constant 2 : i32
            %rem3A_341 = arith.remui %while3A_144, %rem3A_340 : i32
            %dma_wait3A_342 = arith.constant 0 : i32
            %dma_wait3A_343 = arith.constant 0 : i32
            %dma_wait3A_344 = tpu.memref_slice %run_scoped3A[%rem3A_341, %dma_wait3A_342, %dma_wait3A_343] : memref<2x1x128xi32, #tpu.memory_space<vmem>> -> memref<1x1x128xi32, #tpu.memory_space<vmem>>
            %dma_wait3A_345 = tpu.memref_squeeze %dma_wait3A_344 : memref<1x1x128xi32, #tpu.memory_space<vmem>> -> memref<1x128xi32, #tpu.memory_space<vmem>>
            %dma_wait3A_346 = arith.constant 0 : i32
            %dma_wait3A_347 = tpu.memref_slice %arg3[%mul3A_339, %dma_wait3A_346] : memref<1200x128xi32, #tpu.memory_space<hbm>> -> memref<1x128xi32, #tpu.memory_space<hbm>>
            %dma_wait3A_348 = tpu.memref_slice %run_scoped3A_17[%rem3A_341] : memref<2x!tpu.dma_semaphore, #tpu.memory_space<semaphore_mem>> -> memref<1x!tpu.dma_semaphore, #tpu.memory_space<semaphore_mem>>
            %dma_wait3A_349 = tpu.memref_squeeze %dma_wait3A_348 : memref<1x!tpu.dma_semaphore, #tpu.memory_space<semaphore_mem>> -> memref<!tpu.dma_semaphore, #tpu.memory_space<semaphore_mem>>
            %dma_wait3A_350 = arith.constant 0 : i32
            %dma_wait3A_351 = arith.constant 0 : i32
            %dma_wait3A_352 = tpu.memref_slice %run_scoped3A[%rem3A_341, %dma_wait3A_350, %dma_wait3A_351] : memref<2x1x128xi32, #tpu.memory_space<vmem>> -> memref<1x1x128xi32, #tpu.memory_space<vmem>>
            %dma_wait3A_353 = tpu.memref_squeeze %dma_wait3A_352 : memref<1x1x128xi32, #tpu.memory_space<vmem>> -> memref<1x128xi32, #tpu.memory_space<vmem>>
            %dma_wait3A_354 = arith.constant 0 : i32
            %dma_wait3A_355 = tpu.memref_slice %arg3[%mul3A_339, %dma_wait3A_354] : memref<1200x128xi32, #tpu.memory_space<hbm>> -> memref<1x128xi32, #tpu.memory_space<hbm>>
            tpu.wait_dma2 semaphore(%dma_wait3A_349 : memref<!tpu.dma_semaphore, #tpu.memory_space<semaphore_mem>>) src(%dma_wait3A_355 : memref<1x128xi32, #tpu.memory_space<hbm>>) dst(%dma_wait3A_353 : memref<1x128xi32, #tpu.memory_space<vmem>>)
            "tpu.trace_stop"() : () -> ()
          } else {
          }
          %ne3A_220 = arith.cmpi ne, %add3A_155, %add3A_165 : i32
          %or3A_221 = arith.constant false
          %or3A_222 = arith.ori %or3A_221, %ne3A_220 : i1
          %or3A_223 = arith.constant false
          %or3A_224 = arith.ori %or3A_222, %or3A_223 : i1
          %or3A_225 = arith.ori %or3A_224, %eq3A_151 : i1
          %convert_element_type3A_226 = arith.extui %or3A_225 : i1 to i32
          %cond3A_227 = arith.constant 0 : i32
          %cond3A_228 = arith.cmpi ne, %convert_element_type3A_226, %cond3A_227 : i32
          scf.if %cond3A_228 {
          } else {
          }
          %rem3A_229 = arith.constant 2 : i32
          %rem3A_230 = arith.remui %while3A_144, %rem3A_229 : i32
          %rem3A_231 = arith.constant 2 : i32
          %rem3A_232 = arith.remui %while3A_145, %rem3A_231 : i32
          %dma_start3A_233 = arith.constant 0 : i32
          "tpu.trace_start"() <{level = 10 : i32, message = "ep_run_kernel"}> : () -> ()
          %dma_start3A_234 = arith.constant 0 : i32
          %dma_start3A_235 = arith.constant 0 : i32
          %dma_start3A_236 = tpu.memref_slice %run_scoped3A_18[%rem3A_232, %dma_start3A_234, %dma_start3A_235] : memref<2x128x128xf32, #tpu.memory_space<vmem>> -> memref<1x128x128xf32, #tpu.memory_space<vmem>>
          %dma_start3A_237 = tpu.memref_squeeze %dma_start3A_236 : memref<1x128x128xf32, #tpu.memory_space<vmem>> -> memref<128x128xf32, #tpu.memory_space<vmem>>
          %dma_start3A_238 = arith.constant 0 : i32
          %dma_start3A_239 = arith.constant 0 : i32
          %dma_start3A_240 = tpu.memref_slice %dma_start3A_237[%dma_start3A_238, %dma_start3A_239] : memref<128x128xf32, #tpu.memory_space<vmem>> -> memref<128x128xf32, #tpu.memory_space<vmem>>
          %dma_start3A_241 = arith.constant 0 : i32
          %dma_start3A_242 = arith.constant 0 : i32
          %dma_start3A_243 = tpu.memref_slice %run_scoped3A[%rem3A_230, %dma_start3A_241, %dma_start3A_242] : memref<2x1x128xi32, #tpu.memory_space<vmem>> -> memref<1x1x128xi32, #tpu.memory_space<vmem>>
          %dma_start3A_244 = tpu.memref_squeeze %dma_start3A_243 : memref<1x1x128xi32, #tpu.memory_space<vmem>> -> memref<1x128xi32, #tpu.memory_space<vmem>>
          %dma_start3A_245 = arith.constant 0 : i32
          %dma_start3A_246 = tpu.memref_slice %dma_start3A_244[%dma_start3A_233, %dma_start3A_245] : memref<1x128xi32, #tpu.memory_space<vmem>> -> memref<1x128xi32, #tpu.memory_space<vmem>>
          %dma_start3A_247 = tpu.memref_squeeze %dma_start3A_246 : memref<1x128xi32, #tpu.memory_space<vmem>> -> memref<128xi32, #tpu.memory_space<vmem>>
          %dma_start3A_248 = arith.constant 0 : i32
          %dma_start3A_249 = arith.constant 0 : i32
          %dma_start3A_250 = tpu.memref_slice %arg2[%dma_start3A_248, %dma_start3A_249] : memref<10000x128xf32, #tpu.memory_space<hbm>> -> memref<10000x128xf32, #tpu.memory_space<hbm>>
          tpu.enqueue_indirect_dma source(%dma_start3A_250 : memref<10000x128xf32, #tpu.memory_space<hbm>>) target(%dma_start3A_240 : memref<128x128xf32, #tpu.memory_space<vmem>>) offsets(%dma_start3A_247 : memref<128xi32, #tpu.memory_space<vmem>>) semaphore(%arg5 : memref<!tpu.dma_semaphore, #tpu.memory_space<semaphore_mem>>)
          %dma_wait3A = arith.constant 0 : i32
          %dma_wait3A_251 = arith.constant 0 : i32
          %dma_wait3A_252 = arith.constant 0 : i32
          %dma_wait3A_253 = tpu.memref_slice %run_scoped3A_18[%rem3A_232, %dma_wait3A_251, %dma_wait3A_252] : memref<2x128x128xf32, #tpu.memory_space<vmem>> -> memref<1x128x128xf32, #tpu.memory_space<vmem>>
          %dma_wait3A_254 = tpu.memref_squeeze %dma_wait3A_253 : memref<1x128x128xf32, #tpu.memory_space<vmem>> -> memref<128x128xf32, #tpu.memory_space<vmem>>
          %dma_wait3A_255 = arith.constant 0 : i32
          %dma_wait3A_256 = arith.constant 0 : i32
          %dma_wait3A_257 = tpu.memref_slice %dma_wait3A_254[%dma_wait3A_255, %dma_wait3A_256] : memref<128x128xf32, #tpu.memory_space<vmem>> -> memref<128x128xf32, #tpu.memory_space<vmem>>
          %dma_wait3A_258 = arith.constant 0 : i32
          %dma_wait3A_259 = arith.constant 0 : i32
          %dma_wait3A_260 = tpu.memref_slice %run_scoped3A[%rem3A_230, %dma_wait3A_258, %dma_wait3A_259] : memref<2x1x128xi32, #tpu.memory_space<vmem>> -> memref<1x1x128xi32, #tpu.memory_space<vmem>>
          %dma_wait3A_261 = tpu.memref_squeeze %dma_wait3A_260 : memref<1x1x128xi32, #tpu.memory_space<vmem>> -> memref<1x128xi32, #tpu.memory_space<vmem>>
          %dma_wait3A_262 = arith.constant 0 : i32
          %dma_wait3A_263 = tpu.memref_slice %dma_wait3A_261[%dma_wait3A, %dma_wait3A_262] : memref<1x128xi32, #tpu.memory_space<vmem>> -> memref<1x128xi32, #tpu.memory_space<vmem>>
          %dma_wait3A_264 = tpu.memref_squeeze %dma_wait3A_263 : memref<1x128xi32, #tpu.memory_space<vmem>> -> memref<128xi32, #tpu.memory_space<vmem>>
          %dma_wait3A_265 = arith.constant 0 : i32
          %dma_wait3A_266 = arith.constant 0 : i32
          %dma_wait3A_267 = tpu.memref_slice %arg2[%dma_wait3A_265, %dma_wait3A_266] : memref<10000x128xf32, #tpu.memory_space<hbm>> -> memref<10000x128xf32, #tpu.memory_space<hbm>>
          tpu.wait_indirect_dma semaphore(%arg5 : memref<!tpu.dma_semaphore, #tpu.memory_space<semaphore_mem>>) src(%dma_wait3A_267 : memref<10000x128xf32, #tpu.memory_space<hbm>>) dst(%dma_wait3A_257 : memref<128x128xf32, #tpu.memory_space<vmem>>)
          "tpu.trace_stop"() : () -> ()
          %ne3A_268 = arith.cmpi ne, %add3A_155, %add3A_173 : i32
          %or3A_269 = arith.constant false
          %or3A_270 = arith.ori %or3A_269, %ne3A_268 : i1
          %or3A_271 = arith.constant false
          %or3A_272 = arith.ori %or3A_270, %or3A_271 : i1
          %or3A_273 = arith.ori %or3A_272, %eq3A_154 : i1
          %convert_element_type3A_274 = arith.extui %or3A_273 : i1 to i32
          %cond3A_275 = arith.constant 0 : i32
          %cond3A_276 = arith.cmpi ne, %convert_element_type3A_274, %cond3A_275 : i32
          scf.if %cond3A_276 {
          } else {
          }
          %and3A_277 = arith.constant false
          %and3A_278 = arith.andi %or3A_273, %and3A_277 : i1
          %ne3A_279 = arith.cmpi ne, %add3A_155, %add3A_173 : i32
          %or3A_280 = arith.constant false
          %or3A_281 = arith.ori %or3A_280, %ne3A_279 : i1
          %or3A_282 = arith.constant false
          %or3A_283 = arith.ori %or3A_281, %or3A_282 : i1
          %or3A_284 = arith.ori %or3A_283, %eq3A_154 : i1
          %convert_element_type3A_285 = arith.extui %or3A_284 : i1 to i32
          %cond3A_286 = arith.constant 0 : i32
          %cond3A_287 = arith.cmpi ne, %convert_element_type3A_285, %cond3A_286 : i32
          scf.if %cond3A_287 {
            "tpu.trace_start"() <{level = 10 : i32, message = "ep_copy_out"}> : () -> ()
            %rem3A_338 = arith.constant 2 : i32
            %rem3A_339 = arith.remui %while3A_145, %rem3A_338 : i32
            %mul3A_340 = arith.constant 128 : i32
            %mul3A_341 = arith.muli %mul3A_340, %add3A_155 : i32
            %dma_start3A_342 = arith.constant 0 : i32
            %dma_start3A_343 = arith.constant 0 : i32
            %dma_start3A_344 = tpu.memref_slice %run_scoped3A_18[%rem3A_339, %dma_start3A_342, %dma_start3A_343] : memref<2x128x128xf32, #tpu.memory_space<vmem>> -> memref<1x128x128xf32, #tpu.memory_space<vmem>>
            %dma_start3A_345 = tpu.memref_squeeze %dma_start3A_344 : memref<1x128x128xf32, #tpu.memory_space<vmem>> -> memref<128x128xf32, #tpu.memory_space<vmem>>
            %dma_start3A_346 = arith.constant 0 : i32
            %dma_start3A_347 = tpu.memref_slice %arg4[%mul3A_341, %dma_start3A_346] : memref<153600x128xf32, #tpu.memory_space<hbm>> -> memref<128x128xf32, #tpu.memory_space<hbm>>
            %dma_start3A_348 = tpu.memref_slice %run_scoped3A_19[%rem3A_339] : memref<2x!tpu.dma_semaphore, #tpu.memory_space<semaphore_mem>> -> memref<1x!tpu.dma_semaphore, #tpu.memory_space<semaphore_mem>>
            %dma_start3A_349 = tpu.memref_squeeze %dma_start3A_348 : memref<1x!tpu.dma_semaphore, #tpu.memory_space<semaphore_mem>> -> memref<!tpu.dma_semaphore, #tpu.memory_space<semaphore_mem>>
            %dma_start3A_350 = arith.constant 0 : i32
            %dma_start3A_351 = tpu.memref_slice %arg4[%mul3A_341, %dma_start3A_350] : memref<153600x128xf32, #tpu.memory_space<hbm>> -> memref<128x128xf32, #tpu.memory_space<hbm>>
            %dma_start3A_352 = arith.constant 0 : i32
            %dma_start3A_353 = arith.constant 0 : i32
            %dma_start3A_354 = tpu.memref_slice %run_scoped3A_18[%rem3A_339, %dma_start3A_352, %dma_start3A_353] : memref<2x128x128xf32, #tpu.memory_space<vmem>> -> memref<1x128x128xf32, #tpu.memory_space<vmem>>
            %dma_start3A_355 = tpu.memref_squeeze %dma_start3A_354 : memref<1x128x128xf32, #tpu.memory_space<vmem>> -> memref<128x128xf32, #tpu.memory_space<vmem>>
            tpu.enqueue_dma source(%dma_start3A_355 : memref<128x128xf32, #tpu.memory_space<vmem>>) target(%dma_start3A_351 : memref<128x128xf32, #tpu.memory_space<hbm>>) target_semaphore(%dma_start3A_349 : memref<!tpu.dma_semaphore, #tpu.memory_space<semaphore_mem>>)
            "tpu.trace_stop"() : () -> ()
          } else {
          }
          %and3A_288 = arith.constant true
          %and3A_289 = arith.andi %or3A_284, %and3A_288 : i1
          %add3A_290 = arith.constant 1 : i32
          %add3A_291 = arith.addi %while3A_145, %add3A_290 : i32
          %select_n3A_292 = arith.select %and3A_289, %add3A_291, %while3A_145 : i32
          %ne3A_293 = arith.cmpi ne, %add3A_155, %add3A_165 : i32
          %or3A_294 = arith.constant false
          %or3A_295 = arith.ori %or3A_294, %ne3A_293 : i1
          %or3A_296 = arith.constant false
          %or3A_297 = arith.ori %or3A_295, %or3A_296 : i1
          %not3A_298 = arith.constant true
          %not3A_299 = arith.xori %eq3A_151, %not3A_298 : i1
          %and3A_300 = arith.andi %or3A_297, %not3A_299 : i1
          %convert_element_type3A_301 = arith.extui %and3A_300 : i1 to i32
          %cond3A_302 = arith.constant 0 : i32
          %cond3A_303 = arith.cmpi ne, %convert_element_type3A_301, %cond3A_302 : i32
          scf.if %cond3A_303 {
          } else {
          }
          %and3A_304 = arith.constant false
          %and3A_305 = arith.andi %and3A_300, %and3A_304 : i1
          %ne3A_306 = arith.cmpi ne, %add3A_155, %add3A_165 : i32
          %or3A_307 = arith.constant false
          %or3A_308 = arith.ori %or3A_307, %ne3A_306 : i1
          %or3A_309 = arith.constant false
          %or3A_310 = arith.ori %or3A_308, %or3A_309 : i1
          %not3A_311 = arith.constant true
          %not3A_312 = arith.xori %eq3A_151, %not3A_311 : i1
          %and3A_313 = arith.andi %or3A_310, %not3A_312 : i1
          %convert_element_type3A_314 = arith.extui %and3A_313 : i1 to i32
          %cond3A_315 = arith.constant 0 : i32
          %cond3A_316 = arith.cmpi ne, %convert_element_type3A_314, %cond3A_315 : i32
          scf.if %cond3A_316 {
            "tpu.trace_start"() <{level = 10 : i32, message = "ep_wait_out"}> : () -> ()
            %rem3A_338 = arith.constant 2 : i32
            %rem3A_339 = arith.remui %while3A_146, %rem3A_338 : i32
            %mul3A_340 = arith.constant 128 : i32
            %mul3A_341 = arith.muli %mul3A_340, %add3A_165 : i32
            %dma_wait3A_342 = arith.constant 0 : i32
            %dma_wait3A_343 = arith.constant 0 : i32
            %dma_wait3A_344 = tpu.memref_slice %run_scoped3A_18[%rem3A_339, %dma_wait3A_342, %dma_wait3A_343] : memref<2x128x128xf32, #tpu.memory_space<vmem>> -> memref<1x128x128xf32, #tpu.memory_space<vmem>>
            %dma_wait3A_345 = tpu.memref_squeeze %dma_wait3A_344 : memref<1x128x128xf32, #tpu.memory_space<vmem>> -> memref<128x128xf32, #tpu.memory_space<vmem>>
            %dma_wait3A_346 = arith.constant 0 : i32
            %dma_wait3A_347 = tpu.memref_slice %arg4[%mul3A_341, %dma_wait3A_346] : memref<153600x128xf32, #tpu.memory_space<hbm>> -> memref<128x128xf32, #tpu.memory_space<hbm>>
            %dma_wait3A_348 = tpu.memref_slice %run_scoped3A_19[%rem3A_339] : memref<2x!tpu.dma_semaphore, #tpu.memory_space<semaphore_mem>> -> memref<1x!tpu.dma_semaphore, #tpu.memory_space<semaphore_mem>>
            %dma_wait3A_349 = tpu.memref_squeeze %dma_wait3A_348 : memref<1x!tpu.dma_semaphore, #tpu.memory_space<semaphore_mem>> -> memref<!tpu.dma_semaphore, #tpu.memory_space<semaphore_mem>>
            %dma_wait3A_350 = arith.constant 0 : i32
            %dma_wait3A_351 = tpu.memref_slice %arg4[%mul3A_341, %dma_wait3A_350] : memref<153600x128xf32, #tpu.memory_space<hbm>> -> memref<128x128xf32, #tpu.memory_space<hbm>>
            %dma_wait3A_352 = arith.constant 0 : i32
            %dma_wait3A_353 = arith.constant 0 : i32
            %dma_wait3A_354 = tpu.memref_slice %run_scoped3A_18[%rem3A_339, %dma_wait3A_352, %dma_wait3A_353] : memref<2x128x128xf32, #tpu.memory_space<vmem>> -> memref<1x128x128xf32, #tpu.memory_space<vmem>>
            %dma_wait3A_355 = tpu.memref_squeeze %dma_wait3A_354 : memref<1x128x128xf32, #tpu.memory_space<vmem>> -> memref<128x128xf32, #tpu.memory_space<vmem>>
            tpu.wait_dma2 semaphore(%dma_wait3A_349 : memref<!tpu.dma_semaphore, #tpu.memory_space<semaphore_mem>>) src(%dma_wait3A_355 : memref<128x128xf32, #tpu.memory_space<vmem>>) dst(%dma_wait3A_351 : memref<128x128xf32, #tpu.memory_space<hbm>>)
            "tpu.trace_stop"() : () -> ()
          } else {
          }
          %and3A_317 = arith.constant true
          %and3A_318 = arith.andi %and3A_313, %and3A_317 : i1
          %add3A_319 = arith.constant 1 : i32
          %add3A_320 = arith.addi %while3A_146, %add3A_319 : i32
          %select_n3A_321 = arith.select %and3A_318, %add3A_320, %while3A_146 : i32
          %ne3A_322 = arith.cmpi ne, %add3A_155, %add3A_173 : i32
          %or3A_323 = arith.constant false
          %or3A_324 = arith.ori %or3A_323, %ne3A_322 : i1
          %or3A_325 = arith.constant false
          %or3A_326 = arith.ori %or3A_324, %or3A_325 : i1
          %or3A_327 = arith.ori %or3A_326, %eq3A_154 : i1
          %add3A_328 = arith.constant 1 : i32
          %add3A_329 = arith.addi %while3A_144, %add3A_328 : i32
          %select_n3A_330 = arith.select %or3A_327, %add3A_329, %while3A_144 : i32
          %add3A_331 = arith.constant 1 : i32
          %add3A_332 = arith.addi %while3A_147, %add3A_331 : i32
          %select_n3A_333 = arith.constant true
          %select_n3A_334 = arith.select %select_n3A_333, %add3A_332, %while3A_147 : i32
          %eq3A_335 = arith.cmpi eq, %select_n3A_334, %select_n3A : i32
          %select_n3A_336 = arith.constant 0 : i32
          %select_n3A_337 = arith.select %eq3A_335, %select_n3A_336, %select_n3A_334 : i32
          scf.yield %select_n3A_197, %select_n3A_330, %select_n3A_292, %select_n3A_321, %select_n3A_337 : i32, i32, i32, i32, i32
        }
        %sub3A_91 = arith.constant 1 : i32
        %sub3A_92 = arith.subi %while3A_90#4, %sub3A_91 : i32
        %select_n3A_93 = arith.constant true
        %select_n3A_94 = arith.select %select_n3A_93, %sub3A_92, %while3A_90#4 : i32
        %eq3A_95 = arith.constant -1 : i32
        %eq3A_96 = arith.cmpi eq, %select_n3A_94, %eq3A_95 : i32
        %sub3A_97 = arith.constant 1 : i32
        %sub3A_98 = arith.subi %select_n3A, %sub3A_97 : i32
        %select_n3A_99 = arith.select %eq3A_96, %sub3A_98, %select_n3A_94 : i32
        %sub3A_100 = arith.constant 1 : i32
        %sub3A_101 = arith.subi %mul3A_16, %sub3A_100 : i32
        %mul3A_102 = arith.constant 1 : i32
        %mul3A_103 = arith.muli %mul3A_102, %select_n3A : i32
        %eq3A_104 = arith.constant 0 : i32
        %eq3A_105 = arith.cmpi eq, %sub3A_101, %eq3A_104 : i32
        %sub3A_106 = arith.constant 1 : i32
        %sub3A_107 = arith.subi %mul3A_103, %sub3A_106 : i32
        %eq3A_108 = arith.cmpi eq, %sub3A_101, %sub3A_107 : i32
        %add3A_109 = arith.addi %select_n3A_99, %select_n3A_14 : i32
        %sub3A_110 = arith.constant 1 : i32
        %sub3A_111 = arith.subi %select_n3A_99, %sub3A_110 : i32
        %select_n3A_112 = arith.constant true
        %select_n3A_113 = arith.select %select_n3A_112, %sub3A_111, %select_n3A_99 : i32
        %eq3A_114 = arith.constant -1 : i32
        %eq3A_115 = arith.cmpi eq, %select_n3A_113, %eq3A_114 : i32
        %sub3A_116 = arith.constant 1 : i32
        %sub3A_117 = arith.subi %select_n3A, %sub3A_116 : i32
        %select_n3A_118 = arith.select %eq3A_115, %sub3A_117, %select_n3A_113 : i32
        %add3A_119 = arith.addi %select_n3A_118, %select_n3A_14 : i32
        %add3A_120 = arith.constant 1 : i32
        %add3A_121 = arith.addi %select_n3A_99, %add3A_120 : i32
        %select_n3A_122 = arith.constant true
        %select_n3A_123 = arith.select %select_n3A_122, %add3A_121, %select_n3A_99 : i32
        %eq3A_124 = arith.cmpi eq, %select_n3A_123, %select_n3A : i32
        %select_n3A_125 = arith.constant 0 : i32
        %select_n3A_126 = arith.select %eq3A_124, %select_n3A_125, %select_n3A_123 : i32
        %add3A_127 = arith.addi %select_n3A_126, %select_n3A_14 : i32
        %add3A_128 = arith.constant 1 : i32
        %add3A_129 = arith.addi %select_n3A_126, %add3A_128 : i32
        %select_n3A_130 = arith.constant true
        %select_n3A_131 = arith.select %select_n3A_130, %add3A_129, %select_n3A_126 : i32
        %eq3A_132 = arith.cmpi eq, %select_n3A_131, %select_n3A : i32
        %select_n3A_133 = arith.constant 0 : i32
        %select_n3A_134 = arith.select %eq3A_132, %select_n3A_133, %select_n3A_131 : i32
        %add3A_135 = arith.addi %select_n3A_134, %select_n3A_14 : i32
        %convert_element_type3A_136 = arith.extui %eq3A_108 : i1 to i32
        %cond3A_137 = arith.constant 0 : i32
        %cond3A_138 = arith.cmpi ne, %convert_element_type3A_136, %cond3A_137 : i32
        scf.if %cond3A_138 {
        } else {
        }
        %convert_element_type3A_139 = arith.extui %eq3A_108 : i1 to i32
        %cond3A_140 = arith.constant 0 : i32
        %cond3A_141 = arith.cmpi ne, %convert_element_type3A_139, %cond3A_140 : i32
        scf.if %cond3A_141 {
          "tpu.trace_start"() <{level = 10 : i32, message = "ep_finalize"}> : () -> ()
          %rem3A_142 = arith.constant 2 : i32
          %rem3A_143 = arith.remui %while3A_90#3, %rem3A_142 : i32
          %mul3A_144 = arith.constant 128 : i32
          %mul3A_145 = arith.muli %mul3A_144, %add3A_109 : i32
          %dma_wait3A = arith.constant 0 : i32
          %dma_wait3A_146 = arith.constant 0 : i32
          %dma_wait3A_147 = tpu.memref_slice %run_scoped3A_18[%rem3A_143, %dma_wait3A, %dma_wait3A_146] : memref<2x128x128xf32, #tpu.memory_space<vmem>> -> memref<1x128x128xf32, #tpu.memory_space<vmem>>
          %dma_wait3A_148 = tpu.memref_squeeze %dma_wait3A_147 : memref<1x128x128xf32, #tpu.memory_space<vmem>> -> memref<128x128xf32, #tpu.memory_space<vmem>>
          %dma_wait3A_149 = arith.constant 0 : i32
          %dma_wait3A_150 = tpu.memref_slice %arg4[%mul3A_145, %dma_wait3A_149] : memref<153600x128xf32, #tpu.memory_space<hbm>> -> memref<128x128xf32, #tpu.memory_space<hbm>>
          %dma_wait3A_151 = tpu.memref_slice %run_scoped3A_19[%rem3A_143] : memref<2x!tpu.dma_semaphore, #tpu.memory_space<semaphore_mem>> -> memref<1x!tpu.dma_semaphore, #tpu.memory_space<semaphore_mem>>
          %dma_wait3A_152 = tpu.memref_squeeze %dma_wait3A_151 : memref<1x!tpu.dma_semaphore, #tpu.memory_space<semaphore_mem>> -> memref<!tpu.dma_semaphore, #tpu.memory_space<semaphore_mem>>
          %dma_wait3A_153 = arith.constant 0 : i32
          %dma_wait3A_154 = tpu.memref_slice %arg4[%mul3A_145, %dma_wait3A_153] : memref<153600x128xf32, #tpu.memory_space<hbm>> -> memref<128x128xf32, #tpu.memory_space<hbm>>
          %dma_wait3A_155 = arith.constant 0 : i32
          %dma_wait3A_156 = arith.constant 0 : i32
          %dma_wait3A_157 = tpu.memref_slice %run_scoped3A_18[%rem3A_143, %dma_wait3A_155, %dma_wait3A_156] : memref<2x128x128xf32, #tpu.memory_space<vmem>> -> memref<1x128x128xf32, #tpu.memory_space<vmem>>
          %dma_wait3A_158 = tpu.memref_squeeze %dma_wait3A_157 : memref<1x128x128xf32, #tpu.memory_space<vmem>> -> memref<128x128xf32, #tpu.memory_space<vmem>>
          tpu.wait_dma2 semaphore(%dma_wait3A_152 : memref<!tpu.dma_semaphore, #tpu.memory_space<semaphore_mem>>) src(%dma_wait3A_158 : memref<128x128xf32, #tpu.memory_space<vmem>>) dst(%dma_wait3A_154 : memref<128x128xf32, #tpu.memory_space<hbm>>)
          "tpu.trace_stop"() : () -> ()
        } else {
        }
      } else {
      }
      tpu.yield
    }) : () -> ()
    return
  }
}

#map = affine_map<(d0, d1) -> (0, 0)>
module attributes {stable_mosaic.version = 14 : i64} {
  func.func @gather_kernel(%arg0: i32, %arg1: i32, %arg2: memref<10000x128xf32, #tpu.memory_space<hbm>>, %arg3: memref<800x128xi32, #tpu.memory_space<hbm>>, %arg4: memref<102400x128xf32, #tpu.memory_space<hbm>>, %arg5: memref<!tpu.dma_semaphore, #tpu.memory_space<semaphore_mem>>) attributes {dimension_semantics = [#tpu.dimension_semantics<core_parallel>, #tpu.dimension_semantics<subcore_parallel>], iteration_bounds = array<i64: 2, 16>, scalar_prefetch = 0 : i64, scratch_operands = 1 : i64, tpu.core_type = #tpu.core_type<sc_vector_subcore>, window_params = [{transform_indices = #map}, {transform_indices = #map}, {transform_indices = #map}]} {
    %mul3A = arith.constant 1 : i32
    %mul3A_0 = arith.muli %arg1, %mul3A : i32
    %add3A = arith.constant 0 : i32
    %add3A_1 = arith.addi %add3A, %mul3A_0 : i32
    %mul3A_2 = arith.constant 16 : i32
    %mul3A_3 = arith.muli %arg0, %mul3A_2 : i32
    %add3A_4 = arith.addi %add3A_1, %mul3A_3 : i32
    %mul3A_5 = arith.constant 25 : i32
    %mul3A_6 = arith.muli %add3A_4, %mul3A_5 : i32
    "tpu.region"() ({
      %run_scoped3A = memref.alloca() : memref<2x1x128xi32, #tpu.memory_space<vmem>>
      %run_scoped3A_7 = tpu.sem_alloc : memref<2x!tpu.dma_semaphore, #tpu.memory_space<semaphore_mem>>
      %run_scoped3A_8 = memref.alloca() : memref<2x128x128xf32, #tpu.memory_space<vmem>>
      %run_scoped3A_9 = tpu.sem_alloc : memref<2x!tpu.dma_semaphore, #tpu.memory_space<semaphore_mem>>
      %add3A_10 = arith.constant 0 : i32
      %add3A_11 = arith.addi %add3A_10, %mul3A_6 : i32
      %select_n3A = arith.constant true
      %select_n3A_12 = arith.constant 0 : i32
      %select_n3A_13 = arith.constant -1 : i32
      %select_n3A_14 = arith.select %select_n3A, %select_n3A_13, %select_n3A_12 : i32
      %eq3A = arith.constant -1 : i32
      %eq3A_15 = arith.cmpi eq, %select_n3A_14, %eq3A : i32
      %select_n3A_16 = arith.constant 24 : i32
      %select_n3A_17 = arith.select %eq3A_15, %select_n3A_16, %select_n3A_14 : i32
      %add3A_18 = arith.addi %select_n3A_17, %mul3A_6 : i32
      %select_n3A_19 = arith.constant true
      %select_n3A_20 = arith.constant 0 : i32
      %select_n3A_21 = arith.constant 1 : i32
      %select_n3A_22 = arith.select %select_n3A_19, %select_n3A_21, %select_n3A_20 : i32
      %eq3A_23 = arith.constant 25 : i32
      %eq3A_24 = arith.cmpi eq, %select_n3A_22, %eq3A_23 : i32
      %select_n3A_25 = arith.constant 0 : i32
      %select_n3A_26 = arith.select %eq3A_24, %select_n3A_25, %select_n3A_22 : i32
      %add3A_27 = arith.addi %select_n3A_26, %mul3A_6 : i32
      %add3A_28 = arith.constant 1 : i32
      %add3A_29 = arith.addi %select_n3A_26, %add3A_28 : i32
      %select_n3A_30 = arith.constant true
      %select_n3A_31 = arith.select %select_n3A_30, %add3A_29, %select_n3A_26 : i32
      %eq3A_32 = arith.constant 25 : i32
      %eq3A_33 = arith.cmpi eq, %select_n3A_31, %eq3A_32 : i32
      %select_n3A_34 = arith.constant 0 : i32
      %select_n3A_35 = arith.select %eq3A_33, %select_n3A_34, %select_n3A_31 : i32
      %add3A_36 = arith.addi %select_n3A_35, %mul3A_6 : i32
      "tpu.trace_start"() <{level = 10 : i32, message = "ep_initialize_0"}> : () -> ()
      %rem3A = arith.constant 0 : i32
      %rem3A_37 = arith.constant 2 : i32
      %rem3A_38 = arith.remui %rem3A, %rem3A_37 : i32
      %mul3A_39 = arith.constant 1 : i32
      %mul3A_40 = arith.muli %mul3A_39, %add3A_11 : i32
      %dma_start3A = arith.constant 0 : i32
      %dma_start3A_41 = arith.constant 0 : i32
      %dma_start3A_42 = tpu.memref_slice %run_scoped3A[%rem3A_38, %dma_start3A, %dma_start3A_41] : memref<2x1x128xi32, #tpu.memory_space<vmem>> -> memref<1x1x128xi32, #tpu.memory_space<vmem>>
      %dma_start3A_43 = tpu.memref_squeeze %dma_start3A_42 : memref<1x1x128xi32, #tpu.memory_space<vmem>> -> memref<1x128xi32, #tpu.memory_space<vmem>>
      %dma_start3A_44 = arith.constant 0 : i32
      %dma_start3A_45 = tpu.memref_slice %arg3[%mul3A_40, %dma_start3A_44] : memref<800x128xi32, #tpu.memory_space<hbm>> -> memref<1x128xi32, #tpu.memory_space<hbm>>
      %dma_start3A_46 = tpu.memref_slice %run_scoped3A_7[%rem3A_38] : memref<2x!tpu.dma_semaphore, #tpu.memory_space<semaphore_mem>> -> memref<1x!tpu.dma_semaphore, #tpu.memory_space<semaphore_mem>>
      %dma_start3A_47 = tpu.memref_squeeze %dma_start3A_46 : memref<1x!tpu.dma_semaphore, #tpu.memory_space<semaphore_mem>> -> memref<!tpu.dma_semaphore, #tpu.memory_space<semaphore_mem>>
      %dma_start3A_48 = arith.constant 0 : i32
      %dma_start3A_49 = arith.constant 0 : i32
      %dma_start3A_50 = tpu.memref_slice %run_scoped3A[%rem3A_38, %dma_start3A_48, %dma_start3A_49] : memref<2x1x128xi32, #tpu.memory_space<vmem>> -> memref<1x1x128xi32, #tpu.memory_space<vmem>>
      %dma_start3A_51 = tpu.memref_squeeze %dma_start3A_50 : memref<1x1x128xi32, #tpu.memory_space<vmem>> -> memref<1x128xi32, #tpu.memory_space<vmem>>
      %dma_start3A_52 = arith.constant 0 : i32
      %dma_start3A_53 = tpu.memref_slice %arg3[%mul3A_40, %dma_start3A_52] : memref<800x128xi32, #tpu.memory_space<hbm>> -> memref<1x128xi32, #tpu.memory_space<hbm>>
      tpu.enqueue_dma source(%dma_start3A_53 : memref<1x128xi32, #tpu.memory_space<hbm>>) target(%dma_start3A_51 : memref<1x128xi32, #tpu.memory_space<vmem>>) target_semaphore(%dma_start3A_47 : memref<!tpu.dma_semaphore, #tpu.memory_space<semaphore_mem>>)
      %add3A_54 = arith.constant 0 : i32
      %add3A_55 = arith.constant 1 : i32
      %add3A_56 = arith.addi %add3A_54, %add3A_55 : i32
      %select_n3A_57 = arith.constant true
      %select_n3A_58 = arith.constant 0 : i32
      %select_n3A_59 = arith.select %select_n3A_57, %add3A_56, %select_n3A_58 : i32
      "tpu.trace_stop"() : () -> ()
      %scan3A = arith.constant 0 : i32
      %scan3A_60 = arith.constant 0 : i32
      %scan3A_61 = arith.constant 0 : i32
      %scan3A_62 = arith.constant 0 : i32
      %scan3A_63 = arith.constant 0 : i32
      %scan3A_64 = arith.constant 25 : i32
      %scan3A_65 = arith.addi %scan3A_63, %scan3A_64 : i32
      %scan3A_66 = arith.constant 1 : i32
      %scan3A_67:5 = scf.for %scan3A_121 = %scan3A_63 to %scan3A_65 step %scan3A_66 iter_args(%scan3A_122 = %select_n3A_59, %scan3A_123 = %scan3A, %scan3A_124 = %scan3A_60, %scan3A_125 = %scan3A_61, %scan3A_126 = %scan3A_62) -> (i32, i32, i32, i32, i32)  : i32 {
        %eq3A_127 = arith.constant 0 : i32
        %eq3A_128 = arith.cmpi eq, %scan3A_121, %eq3A_127 : i32
        %eq3A_129 = arith.constant 24 : i32
        %eq3A_130 = arith.cmpi eq, %scan3A_121, %eq3A_129 : i32
        %add3A_131 = arith.addi %scan3A_126, %mul3A_6 : i32
        %sub3A_132 = arith.constant 1 : i32
        %sub3A_133 = arith.subi %scan3A_126, %sub3A_132 : i32
        %select_n3A_134 = arith.constant true
        %select_n3A_135 = arith.select %select_n3A_134, %sub3A_133, %scan3A_126 : i32
        %eq3A_136 = arith.constant -1 : i32
        %eq3A_137 = arith.cmpi eq, %select_n3A_135, %eq3A_136 : i32
        %select_n3A_138 = arith.constant 24 : i32
        %select_n3A_139 = arith.select %eq3A_137, %select_n3A_138, %select_n3A_135 : i32
        %add3A_140 = arith.addi %select_n3A_139, %mul3A_6 : i32
        %add3A_141 = arith.constant 1 : i32
        %add3A_142 = arith.addi %scan3A_126, %add3A_141 : i32
        %select_n3A_143 = arith.constant true
        %select_n3A_144 = arith.select %select_n3A_143, %add3A_142, %scan3A_126 : i32
        %eq3A_145 = arith.constant 25 : i32
        %eq3A_146 = arith.cmpi eq, %select_n3A_144, %eq3A_145 : i32
        %select_n3A_147 = arith.constant 0 : i32
        %select_n3A_148 = arith.select %eq3A_146, %select_n3A_147, %select_n3A_144 : i32
        %add3A_149 = arith.addi %select_n3A_148, %mul3A_6 : i32
        %add3A_150 = arith.constant 1 : i32
        %add3A_151 = arith.addi %select_n3A_148, %add3A_150 : i32
        %select_n3A_152 = arith.constant true
        %select_n3A_153 = arith.select %select_n3A_152, %add3A_151, %select_n3A_148 : i32
        %eq3A_154 = arith.constant 25 : i32
        %eq3A_155 = arith.cmpi eq, %select_n3A_153, %eq3A_154 : i32
        %select_n3A_156 = arith.constant 0 : i32
        %select_n3A_157 = arith.select %eq3A_155, %select_n3A_156, %select_n3A_153 : i32
        %add3A_158 = arith.addi %select_n3A_157, %mul3A_6 : i32
        %ne3A = arith.cmpi ne, %add3A_131, %add3A_149 : i32
        %or3A = arith.constant false
        %or3A_159 = arith.ori %or3A, %ne3A : i1
        %or3A_160 = arith.constant false
        %or3A_161 = arith.ori %or3A_159, %or3A_160 : i1
        %ge3A = arith.constant 24 : i32
        %ge3A_162 = arith.cmpi sge, %scan3A_121, %ge3A : i32
        %not3A = arith.constant true
        %not3A_163 = arith.xori %ge3A_162, %not3A : i1
        %and3A = arith.andi %or3A_161, %not3A_163 : i1
        %convert_element_type3A = arith.extui %and3A : i1 to i32
        %cond3A = arith.constant 0 : i32
        %cond3A_164 = arith.cmpi ne, %convert_element_type3A, %cond3A : i32
        scf.if %cond3A_164 {
          "tpu.trace_start"() <{level = 10 : i32, message = "ep_copy_in"}> : () -> ()
          %rem3A_309 = arith.constant 2 : i32
          %rem3A_310 = arith.remui %scan3A_122, %rem3A_309 : i32
          %mul3A_311 = arith.constant 1 : i32
          %mul3A_312 = arith.muli %mul3A_311, %add3A_149 : i32
          %dma_start3A_313 = arith.constant 0 : i32
          %dma_start3A_314 = arith.constant 0 : i32
          %dma_start3A_315 = tpu.memref_slice %run_scoped3A[%rem3A_310, %dma_start3A_313, %dma_start3A_314] : memref<2x1x128xi32, #tpu.memory_space<vmem>> -> memref<1x1x128xi32, #tpu.memory_space<vmem>>
          %dma_start3A_316 = tpu.memref_squeeze %dma_start3A_315 : memref<1x1x128xi32, #tpu.memory_space<vmem>> -> memref<1x128xi32, #tpu.memory_space<vmem>>
          %dma_start3A_317 = arith.constant 0 : i32
          %dma_start3A_318 = tpu.memref_slice %arg3[%mul3A_312, %dma_start3A_317] : memref<800x128xi32, #tpu.memory_space<hbm>> -> memref<1x128xi32, #tpu.memory_space<hbm>>
          %dma_start3A_319 = tpu.memref_slice %run_scoped3A_7[%rem3A_310] : memref<2x!tpu.dma_semaphore, #tpu.memory_space<semaphore_mem>> -> memref<1x!tpu.dma_semaphore, #tpu.memory_space<semaphore_mem>>
          %dma_start3A_320 = tpu.memref_squeeze %dma_start3A_319 : memref<1x!tpu.dma_semaphore, #tpu.memory_space<semaphore_mem>> -> memref<!tpu.dma_semaphore, #tpu.memory_space<semaphore_mem>>
          %dma_start3A_321 = arith.constant 0 : i32
          %dma_start3A_322 = arith.constant 0 : i32
          %dma_start3A_323 = tpu.memref_slice %run_scoped3A[%rem3A_310, %dma_start3A_321, %dma_start3A_322] : memref<2x1x128xi32, #tpu.memory_space<vmem>> -> memref<1x1x128xi32, #tpu.memory_space<vmem>>
          %dma_start3A_324 = tpu.memref_squeeze %dma_start3A_323 : memref<1x1x128xi32, #tpu.memory_space<vmem>> -> memref<1x128xi32, #tpu.memory_space<vmem>>
          %dma_start3A_325 = arith.constant 0 : i32
          %dma_start3A_326 = tpu.memref_slice %arg3[%mul3A_312, %dma_start3A_325] : memref<800x128xi32, #tpu.memory_space<hbm>> -> memref<1x128xi32, #tpu.memory_space<hbm>>
          tpu.enqueue_dma source(%dma_start3A_326 : memref<1x128xi32, #tpu.memory_space<hbm>>) target(%dma_start3A_324 : memref<1x128xi32, #tpu.memory_space<vmem>>) target_semaphore(%dma_start3A_320 : memref<!tpu.dma_semaphore, #tpu.memory_space<semaphore_mem>>)
          "tpu.trace_stop"() : () -> ()
        } else {
        }
        %and3A_165 = arith.constant true
        %and3A_166 = arith.andi %and3A, %and3A_165 : i1
        %add3A_167 = arith.constant 1 : i32
        %add3A_168 = arith.addi %scan3A_122, %add3A_167 : i32
        %select_n3A_169 = arith.select %and3A_166, %add3A_168, %scan3A_122 : i32
        %ne3A_170 = arith.cmpi ne, %add3A_131, %add3A_149 : i32
        %or3A_171 = arith.constant false
        %or3A_172 = arith.ori %or3A_171, %ne3A_170 : i1
        %or3A_173 = arith.constant false
        %or3A_174 = arith.ori %or3A_172, %or3A_173 : i1
        %ge3A_175 = arith.constant 24 : i32
        %ge3A_176 = arith.cmpi sge, %scan3A_121, %ge3A_175 : i32
        %not3A_177 = arith.constant true
        %not3A_178 = arith.xori %ge3A_176, %not3A_177 : i1
        %and3A_179 = arith.andi %or3A_174, %not3A_178 : i1
        %ne3A_180 = arith.cmpi ne, %add3A_131, %add3A_140 : i32
        %or3A_181 = arith.constant false
        %or3A_182 = arith.ori %or3A_181, %ne3A_180 : i1
        %or3A_183 = arith.constant false
        %or3A_184 = arith.ori %or3A_182, %or3A_183 : i1
        %or3A_185 = arith.ori %or3A_184, %eq3A_128 : i1
        %convert_element_type3A_186 = arith.extui %or3A_185 : i1 to i32
        %cond3A_187 = arith.constant 0 : i32
        %cond3A_188 = arith.cmpi ne, %convert_element_type3A_186, %cond3A_187 : i32
        scf.if %cond3A_188 {
          "tpu.trace_start"() <{level = 10 : i32, message = "ep_wait_in"}> : () -> ()
          %mul3A_309 = arith.constant 1 : i32
          %mul3A_310 = arith.muli %mul3A_309, %add3A_131 : i32
          %rem3A_311 = arith.constant 2 : i32
          %rem3A_312 = arith.remui %scan3A_123, %rem3A_311 : i32
          %dma_wait3A_313 = arith.constant 0 : i32
          %dma_wait3A_314 = arith.constant 0 : i32
          %dma_wait3A_315 = tpu.memref_slice %run_scoped3A[%rem3A_312, %dma_wait3A_313, %dma_wait3A_314] : memref<2x1x128xi32, #tpu.memory_space<vmem>> -> memref<1x1x128xi32, #tpu.memory_space<vmem>>
          %dma_wait3A_316 = tpu.memref_squeeze %dma_wait3A_315 : memref<1x1x128xi32, #tpu.memory_space<vmem>> -> memref<1x128xi32, #tpu.memory_space<vmem>>
          %dma_wait3A_317 = arith.constant 0 : i32
          %dma_wait3A_318 = tpu.memref_slice %arg3[%mul3A_310, %dma_wait3A_317] : memref<800x128xi32, #tpu.memory_space<hbm>> -> memref<1x128xi32, #tpu.memory_space<hbm>>
          %dma_wait3A_319 = tpu.memref_slice %run_scoped3A_7[%rem3A_312] : memref<2x!tpu.dma_semaphore, #tpu.memory_space<semaphore_mem>> -> memref<1x!tpu.dma_semaphore, #tpu.memory_space<semaphore_mem>>
          %dma_wait3A_320 = tpu.memref_squeeze %dma_wait3A_319 : memref<1x!tpu.dma_semaphore, #tpu.memory_space<semaphore_mem>> -> memref<!tpu.dma_semaphore, #tpu.memory_space<semaphore_mem>>
          %dma_wait3A_321 = arith.constant 0 : i32
          %dma_wait3A_322 = arith.constant 0 : i32
          %dma_wait3A_323 = tpu.memref_slice %run_scoped3A[%rem3A_312, %dma_wait3A_321, %dma_wait3A_322] : memref<2x1x128xi32, #tpu.memory_space<vmem>> -> memref<1x1x128xi32, #tpu.memory_space<vmem>>
          %dma_wait3A_324 = tpu.memref_squeeze %dma_wait3A_323 : memref<1x1x128xi32, #tpu.memory_space<vmem>> -> memref<1x128xi32, #tpu.memory_space<vmem>>
          %dma_wait3A_325 = arith.constant 0 : i32
          %dma_wait3A_326 = tpu.memref_slice %arg3[%mul3A_310, %dma_wait3A_325] : memref<800x128xi32, #tpu.memory_space<hbm>> -> memref<1x128xi32, #tpu.memory_space<hbm>>
          tpu.wait_dma2 semaphore(%dma_wait3A_320 : memref<!tpu.dma_semaphore, #tpu.memory_space<semaphore_mem>>) src(%dma_wait3A_326 : memref<1x128xi32, #tpu.memory_space<hbm>>) dst(%dma_wait3A_324 : memref<1x128xi32, #tpu.memory_space<vmem>>)
          "tpu.trace_stop"() : () -> ()
        } else {
        }
        %ne3A_189 = arith.cmpi ne, %add3A_131, %add3A_140 : i32
        %or3A_190 = arith.constant false
        %or3A_191 = arith.ori %or3A_190, %ne3A_189 : i1
        %or3A_192 = arith.constant false
        %or3A_193 = arith.ori %or3A_191, %or3A_192 : i1
        %or3A_194 = arith.ori %or3A_193, %eq3A_128 : i1
        %convert_element_type3A_195 = arith.extui %or3A_194 : i1 to i32
        %cond3A_196 = arith.constant 0 : i32
        %cond3A_197 = arith.cmpi ne, %convert_element_type3A_195, %cond3A_196 : i32
        scf.if %cond3A_197 {
        } else {
        }
        %rem3A_198 = arith.constant 2 : i32
        %rem3A_199 = arith.remui %scan3A_123, %rem3A_198 : i32
        %rem3A_200 = arith.constant 2 : i32
        %rem3A_201 = arith.remui %scan3A_124, %rem3A_200 : i32
        %dma_start3A_202 = arith.constant 0 : i32
        "tpu.trace_start"() <{level = 10 : i32, message = "ep_run_kernel"}> : () -> ()
        %dma_start3A_203 = arith.constant 0 : i32
        %dma_start3A_204 = arith.constant 0 : i32
        %dma_start3A_205 = tpu.memref_slice %run_scoped3A_8[%rem3A_201, %dma_start3A_203, %dma_start3A_204] : memref<2x128x128xf32, #tpu.memory_space<vmem>> -> memref<1x128x128xf32, #tpu.memory_space<vmem>>
        %dma_start3A_206 = tpu.memref_squeeze %dma_start3A_205 : memref<1x128x128xf32, #tpu.memory_space<vmem>> -> memref<128x128xf32, #tpu.memory_space<vmem>>
        %dma_start3A_207 = arith.constant 0 : i32
        %dma_start3A_208 = arith.constant 0 : i32
        %dma_start3A_209 = tpu.memref_slice %dma_start3A_206[%dma_start3A_207, %dma_start3A_208] : memref<128x128xf32, #tpu.memory_space<vmem>> -> memref<128x128xf32, #tpu.memory_space<vmem>>
        %dma_start3A_210 = arith.constant 0 : i32
        %dma_start3A_211 = arith.constant 0 : i32
        %dma_start3A_212 = tpu.memref_slice %run_scoped3A[%rem3A_199, %dma_start3A_210, %dma_start3A_211] : memref<2x1x128xi32, #tpu.memory_space<vmem>> -> memref<1x1x128xi32, #tpu.memory_space<vmem>>
        %dma_start3A_213 = tpu.memref_squeeze %dma_start3A_212 : memref<1x1x128xi32, #tpu.memory_space<vmem>> -> memref<1x128xi32, #tpu.memory_space<vmem>>
        %dma_start3A_214 = arith.constant 0 : i32
        %dma_start3A_215 = tpu.memref_slice %dma_start3A_213[%dma_start3A_202, %dma_start3A_214] : memref<1x128xi32, #tpu.memory_space<vmem>> -> memref<1x128xi32, #tpu.memory_space<vmem>>
        %dma_start3A_216 = tpu.memref_squeeze %dma_start3A_215 : memref<1x128xi32, #tpu.memory_space<vmem>> -> memref<128xi32, #tpu.memory_space<vmem>>
        %dma_start3A_217 = arith.constant 0 : i32
        %dma_start3A_218 = arith.constant 0 : i32
        %dma_start3A_219 = tpu.memref_slice %arg2[%dma_start3A_217, %dma_start3A_218] : memref<10000x128xf32, #tpu.memory_space<hbm>> -> memref<10000x128xf32, #tpu.memory_space<hbm>>
        tpu.enqueue_indirect_dma source(%dma_start3A_219 : memref<10000x128xf32, #tpu.memory_space<hbm>>) target(%dma_start3A_209 : memref<128x128xf32, #tpu.memory_space<vmem>>) offsets(%dma_start3A_216 : memref<128xi32, #tpu.memory_space<vmem>>) semaphore(%arg5 : memref<!tpu.dma_semaphore, #tpu.memory_space<semaphore_mem>>)
        %dma_wait3A_220 = arith.constant 0 : i32
        %dma_wait3A_221 = arith.constant 0 : i32
        %dma_wait3A_222 = arith.constant 0 : i32
        %dma_wait3A_223 = tpu.memref_slice %run_scoped3A_8[%rem3A_201, %dma_wait3A_221, %dma_wait3A_222] : memref<2x128x128xf32, #tpu.memory_space<vmem>> -> memref<1x128x128xf32, #tpu.memory_space<vmem>>
        %dma_wait3A_224 = tpu.memref_squeeze %dma_wait3A_223 : memref<1x128x128xf32, #tpu.memory_space<vmem>> -> memref<128x128xf32, #tpu.memory_space<vmem>>
        %dma_wait3A_225 = arith.constant 0 : i32
        %dma_wait3A_226 = arith.constant 0 : i32
        %dma_wait3A_227 = tpu.memref_slice %dma_wait3A_224[%dma_wait3A_225, %dma_wait3A_226] : memref<128x128xf32, #tpu.memory_space<vmem>> -> memref<128x128xf32, #tpu.memory_space<vmem>>
        %dma_wait3A_228 = arith.constant 0 : i32
        %dma_wait3A_229 = arith.constant 0 : i32
        %dma_wait3A_230 = tpu.memref_slice %run_scoped3A[%rem3A_199, %dma_wait3A_228, %dma_wait3A_229] : memref<2x1x128xi32, #tpu.memory_space<vmem>> -> memref<1x1x128xi32, #tpu.memory_space<vmem>>
        %dma_wait3A_231 = tpu.memref_squeeze %dma_wait3A_230 : memref<1x1x128xi32, #tpu.memory_space<vmem>> -> memref<1x128xi32, #tpu.memory_space<vmem>>
        %dma_wait3A_232 = arith.constant 0 : i32
        %dma_wait3A_233 = tpu.memref_slice %dma_wait3A_231[%dma_wait3A_220, %dma_wait3A_232] : memref<1x128xi32, #tpu.memory_space<vmem>> -> memref<1x128xi32, #tpu.memory_space<vmem>>
        %dma_wait3A_234 = tpu.memref_squeeze %dma_wait3A_233 : memref<1x128xi32, #tpu.memory_space<vmem>> -> memref<128xi32, #tpu.memory_space<vmem>>
        %dma_wait3A_235 = arith.constant 0 : i32
        %dma_wait3A_236 = arith.constant 0 : i32
        %dma_wait3A_237 = tpu.memref_slice %arg2[%dma_wait3A_235, %dma_wait3A_236] : memref<10000x128xf32, #tpu.memory_space<hbm>> -> memref<10000x128xf32, #tpu.memory_space<hbm>>
        tpu.wait_indirect_dma semaphore(%arg5 : memref<!tpu.dma_semaphore, #tpu.memory_space<semaphore_mem>>) src(%dma_wait3A_237 : memref<10000x128xf32, #tpu.memory_space<hbm>>) dst(%dma_wait3A_227 : memref<128x128xf32, #tpu.memory_space<vmem>>)
        "tpu.trace_stop"() : () -> ()
        %ne3A_238 = arith.cmpi ne, %add3A_131, %add3A_149 : i32
        %or3A_239 = arith.constant false
        %or3A_240 = arith.ori %or3A_239, %ne3A_238 : i1
        %or3A_241 = arith.constant false
        %or3A_242 = arith.ori %or3A_240, %or3A_241 : i1
        %or3A_243 = arith.ori %or3A_242, %eq3A_130 : i1
        %convert_element_type3A_244 = arith.extui %or3A_243 : i1 to i32
        %cond3A_245 = arith.constant 0 : i32
        %cond3A_246 = arith.cmpi ne, %convert_element_type3A_244, %cond3A_245 : i32
        scf.if %cond3A_246 {
        } else {
        }
        %and3A_247 = arith.constant false
        %and3A_248 = arith.andi %or3A_243, %and3A_247 : i1
        %ne3A_249 = arith.cmpi ne, %add3A_131, %add3A_149 : i32
        %or3A_250 = arith.constant false
        %or3A_251 = arith.ori %or3A_250, %ne3A_249 : i1
        %or3A_252 = arith.constant false
        %or3A_253 = arith.ori %or3A_251, %or3A_252 : i1
        %or3A_254 = arith.ori %or3A_253, %eq3A_130 : i1
        %convert_element_type3A_255 = arith.extui %or3A_254 : i1 to i32
        %cond3A_256 = arith.constant 0 : i32
        %cond3A_257 = arith.cmpi ne, %convert_element_type3A_255, %cond3A_256 : i32
        scf.if %cond3A_257 {
          "tpu.trace_start"() <{level = 10 : i32, message = "ep_copy_out"}> : () -> ()
          %rem3A_309 = arith.constant 2 : i32
          %rem3A_310 = arith.remui %scan3A_124, %rem3A_309 : i32
          %mul3A_311 = arith.constant 128 : i32
          %mul3A_312 = arith.muli %mul3A_311, %add3A_131 : i32
          %dma_start3A_313 = arith.constant 0 : i32
          %dma_start3A_314 = arith.constant 0 : i32
          %dma_start3A_315 = tpu.memref_slice %run_scoped3A_8[%rem3A_310, %dma_start3A_313, %dma_start3A_314] : memref<2x128x128xf32, #tpu.memory_space<vmem>> -> memref<1x128x128xf32, #tpu.memory_space<vmem>>
          %dma_start3A_316 = tpu.memref_squeeze %dma_start3A_315 : memref<1x128x128xf32, #tpu.memory_space<vmem>> -> memref<128x128xf32, #tpu.memory_space<vmem>>
          %dma_start3A_317 = arith.constant 0 : i32
          %dma_start3A_318 = tpu.memref_slice %arg4[%mul3A_312, %dma_start3A_317] : memref<102400x128xf32, #tpu.memory_space<hbm>> -> memref<128x128xf32, #tpu.memory_space<hbm>>
          %dma_start3A_319 = tpu.memref_slice %run_scoped3A_9[%rem3A_310] : memref<2x!tpu.dma_semaphore, #tpu.memory_space<semaphore_mem>> -> memref<1x!tpu.dma_semaphore, #tpu.memory_space<semaphore_mem>>
          %dma_start3A_320 = tpu.memref_squeeze %dma_start3A_319 : memref<1x!tpu.dma_semaphore, #tpu.memory_space<semaphore_mem>> -> memref<!tpu.dma_semaphore, #tpu.memory_space<semaphore_mem>>
          %dma_start3A_321 = arith.constant 0 : i32
          %dma_start3A_322 = tpu.memref_slice %arg4[%mul3A_312, %dma_start3A_321] : memref<102400x128xf32, #tpu.memory_space<hbm>> -> memref<128x128xf32, #tpu.memory_space<hbm>>
          %dma_start3A_323 = arith.constant 0 : i32
          %dma_start3A_324 = arith.constant 0 : i32
          %dma_start3A_325 = tpu.memref_slice %run_scoped3A_8[%rem3A_310, %dma_start3A_323, %dma_start3A_324] : memref<2x128x128xf32, #tpu.memory_space<vmem>> -> memref<1x128x128xf32, #tpu.memory_space<vmem>>
          %dma_start3A_326 = tpu.memref_squeeze %dma_start3A_325 : memref<1x128x128xf32, #tpu.memory_space<vmem>> -> memref<128x128xf32, #tpu.memory_space<vmem>>
          tpu.enqueue_dma source(%dma_start3A_326 : memref<128x128xf32, #tpu.memory_space<vmem>>) target(%dma_start3A_322 : memref<128x128xf32, #tpu.memory_space<hbm>>) target_semaphore(%dma_start3A_320 : memref<!tpu.dma_semaphore, #tpu.memory_space<semaphore_mem>>)
          "tpu.trace_stop"() : () -> ()
        } else {
        }
        %and3A_258 = arith.constant true
        %and3A_259 = arith.andi %or3A_254, %and3A_258 : i1
        %add3A_260 = arith.constant 1 : i32
        %add3A_261 = arith.addi %scan3A_124, %add3A_260 : i32
        %select_n3A_262 = arith.select %and3A_259, %add3A_261, %scan3A_124 : i32
        %ne3A_263 = arith.cmpi ne, %add3A_131, %add3A_140 : i32
        %or3A_264 = arith.constant false
        %or3A_265 = arith.ori %or3A_264, %ne3A_263 : i1
        %or3A_266 = arith.constant false
        %or3A_267 = arith.ori %or3A_265, %or3A_266 : i1
        %not3A_268 = arith.constant true
        %not3A_269 = arith.xori %eq3A_128, %not3A_268 : i1
        %and3A_270 = arith.andi %or3A_267, %not3A_269 : i1
        %convert_element_type3A_271 = arith.extui %and3A_270 : i1 to i32
        %cond3A_272 = arith.constant 0 : i32
        %cond3A_273 = arith.cmpi ne, %convert_element_type3A_271, %cond3A_272 : i32
        scf.if %cond3A_273 {
        } else {
        }
        %and3A_274 = arith.constant false
        %and3A_275 = arith.andi %and3A_270, %and3A_274 : i1
        %ne3A_276 = arith.cmpi ne, %add3A_131, %add3A_140 : i32
        %or3A_277 = arith.constant false
        %or3A_278 = arith.ori %or3A_277, %ne3A_276 : i1
        %or3A_279 = arith.constant false
        %or3A_280 = arith.ori %or3A_278, %or3A_279 : i1
        %not3A_281 = arith.constant true
        %not3A_282 = arith.xori %eq3A_128, %not3A_281 : i1
        %and3A_283 = arith.andi %or3A_280, %not3A_282 : i1
        %convert_element_type3A_284 = arith.extui %and3A_283 : i1 to i32
        %cond3A_285 = arith.constant 0 : i32
        %cond3A_286 = arith.cmpi ne, %convert_element_type3A_284, %cond3A_285 : i32
        scf.if %cond3A_286 {
          "tpu.trace_start"() <{level = 10 : i32, message = "ep_wait_out"}> : () -> ()
          %rem3A_309 = arith.constant 2 : i32
          %rem3A_310 = arith.remui %scan3A_125, %rem3A_309 : i32
          %mul3A_311 = arith.constant 128 : i32
          %mul3A_312 = arith.muli %mul3A_311, %add3A_140 : i32
          %dma_wait3A_313 = arith.constant 0 : i32
          %dma_wait3A_314 = arith.constant 0 : i32
          %dma_wait3A_315 = tpu.memref_slice %run_scoped3A_8[%rem3A_310, %dma_wait3A_313, %dma_wait3A_314] : memref<2x128x128xf32, #tpu.memory_space<vmem>> -> memref<1x128x128xf32, #tpu.memory_space<vmem>>
          %dma_wait3A_316 = tpu.memref_squeeze %dma_wait3A_315 : memref<1x128x128xf32, #tpu.memory_space<vmem>> -> memref<128x128xf32, #tpu.memory_space<vmem>>
          %dma_wait3A_317 = arith.constant 0 : i32
          %dma_wait3A_318 = tpu.memref_slice %arg4[%mul3A_312, %dma_wait3A_317] : memref<102400x128xf32, #tpu.memory_space<hbm>> -> memref<128x128xf32, #tpu.memory_space<hbm>>
          %dma_wait3A_319 = tpu.memref_slice %run_scoped3A_9[%rem3A_310] : memref<2x!tpu.dma_semaphore, #tpu.memory_space<semaphore_mem>> -> memref<1x!tpu.dma_semaphore, #tpu.memory_space<semaphore_mem>>
          %dma_wait3A_320 = tpu.memref_squeeze %dma_wait3A_319 : memref<1x!tpu.dma_semaphore, #tpu.memory_space<semaphore_mem>> -> memref<!tpu.dma_semaphore, #tpu.memory_space<semaphore_mem>>
          %dma_wait3A_321 = arith.constant 0 : i32
          %dma_wait3A_322 = tpu.memref_slice %arg4[%mul3A_312, %dma_wait3A_321] : memref<102400x128xf32, #tpu.memory_space<hbm>> -> memref<128x128xf32, #tpu.memory_space<hbm>>
          %dma_wait3A_323 = arith.constant 0 : i32
          %dma_wait3A_324 = arith.constant 0 : i32
          %dma_wait3A_325 = tpu.memref_slice %run_scoped3A_8[%rem3A_310, %dma_wait3A_323, %dma_wait3A_324] : memref<2x128x128xf32, #tpu.memory_space<vmem>> -> memref<1x128x128xf32, #tpu.memory_space<vmem>>
          %dma_wait3A_326 = tpu.memref_squeeze %dma_wait3A_325 : memref<1x128x128xf32, #tpu.memory_space<vmem>> -> memref<128x128xf32, #tpu.memory_space<vmem>>
          tpu.wait_dma2 semaphore(%dma_wait3A_320 : memref<!tpu.dma_semaphore, #tpu.memory_space<semaphore_mem>>) src(%dma_wait3A_326 : memref<128x128xf32, #tpu.memory_space<vmem>>) dst(%dma_wait3A_322 : memref<128x128xf32, #tpu.memory_space<hbm>>)
          "tpu.trace_stop"() : () -> ()
        } else {
        }
        %and3A_287 = arith.constant true
        %and3A_288 = arith.andi %and3A_283, %and3A_287 : i1
        %add3A_289 = arith.constant 1 : i32
        %add3A_290 = arith.addi %scan3A_125, %add3A_289 : i32
        %select_n3A_291 = arith.select %and3A_288, %add3A_290, %scan3A_125 : i32
        %ne3A_292 = arith.cmpi ne, %add3A_131, %add3A_149 : i32
        %or3A_293 = arith.constant false
        %or3A_294 = arith.ori %or3A_293, %ne3A_292 : i1
        %or3A_295 = arith.constant false
        %or3A_296 = arith.ori %or3A_294, %or3A_295 : i1
        %or3A_297 = arith.ori %or3A_296, %eq3A_130 : i1
        %add3A_298 = arith.constant 1 : i32
        %add3A_299 = arith.addi %scan3A_123, %add3A_298 : i32
        %select_n3A_300 = arith.select %or3A_297, %add3A_299, %scan3A_123 : i32
        %add3A_301 = arith.constant 1 : i32
        %add3A_302 = arith.addi %scan3A_126, %add3A_301 : i32
        %select_n3A_303 = arith.constant true
        %select_n3A_304 = arith.select %select_n3A_303, %add3A_302, %scan3A_126 : i32
        %eq3A_305 = arith.constant 25 : i32
        %eq3A_306 = arith.cmpi eq, %select_n3A_304, %eq3A_305 : i32
        %select_n3A_307 = arith.constant 0 : i32
        %select_n3A_308 = arith.select %eq3A_306, %select_n3A_307, %select_n3A_304 : i32
        scf.yield %select_n3A_169, %select_n3A_300, %select_n3A_262, %select_n3A_291, %select_n3A_308 : i32, i32, i32, i32, i32
      }
      %scan3A_68 = arith.constant 25 : i32
      %sub3A = arith.constant 1 : i32
      %sub3A_69 = arith.subi %scan3A_67#4, %sub3A : i32
      %select_n3A_70 = arith.constant true
      %select_n3A_71 = arith.select %select_n3A_70, %sub3A_69, %scan3A_67#4 : i32
      %eq3A_72 = arith.constant -1 : i32
      %eq3A_73 = arith.cmpi eq, %select_n3A_71, %eq3A_72 : i32
      %select_n3A_74 = arith.constant 24 : i32
      %select_n3A_75 = arith.select %eq3A_73, %select_n3A_74, %select_n3A_71 : i32
      %add3A_76 = arith.addi %select_n3A_75, %mul3A_6 : i32
      %sub3A_77 = arith.constant 1 : i32
      %sub3A_78 = arith.subi %select_n3A_75, %sub3A_77 : i32
      %select_n3A_79 = arith.constant true
      %select_n3A_80 = arith.select %select_n3A_79, %sub3A_78, %select_n3A_75 : i32
      %eq3A_81 = arith.constant -1 : i32
      %eq3A_82 = arith.cmpi eq, %select_n3A_80, %eq3A_81 : i32
      %select_n3A_83 = arith.constant 24 : i32
      %select_n3A_84 = arith.select %eq3A_82, %select_n3A_83, %select_n3A_80 : i32
      %add3A_85 = arith.addi %select_n3A_84, %mul3A_6 : i32
      %add3A_86 = arith.constant 1 : i32
      %add3A_87 = arith.addi %select_n3A_75, %add3A_86 : i32
      %select_n3A_88 = arith.constant true
      %select_n3A_89 = arith.select %select_n3A_88, %add3A_87, %select_n3A_75 : i32
      %eq3A_90 = arith.constant 25 : i32
      %eq3A_91 = arith.cmpi eq, %select_n3A_89, %eq3A_90 : i32
      %select_n3A_92 = arith.constant 0 : i32
      %select_n3A_93 = arith.select %eq3A_91, %select_n3A_92, %select_n3A_89 : i32
      %add3A_94 = arith.addi %select_n3A_93, %mul3A_6 : i32
      %add3A_95 = arith.constant 1 : i32
      %add3A_96 = arith.addi %select_n3A_93, %add3A_95 : i32
      %select_n3A_97 = arith.constant true
      %select_n3A_98 = arith.select %select_n3A_97, %add3A_96, %select_n3A_93 : i32
      %eq3A_99 = arith.constant 25 : i32
      %eq3A_100 = arith.cmpi eq, %select_n3A_98, %eq3A_99 : i32
      %select_n3A_101 = arith.constant 0 : i32
      %select_n3A_102 = arith.select %eq3A_100, %select_n3A_101, %select_n3A_98 : i32
      %add3A_103 = arith.addi %select_n3A_102, %mul3A_6 : i32
      "tpu.trace_start"() <{level = 10 : i32, message = "ep_finalize"}> : () -> ()
      %rem3A_104 = arith.constant 2 : i32
      %rem3A_105 = arith.remui %scan3A_67#3, %rem3A_104 : i32
      %mul3A_106 = arith.constant 128 : i32
      %mul3A_107 = arith.muli %mul3A_106, %add3A_76 : i32
      %dma_wait3A = arith.constant 0 : i32
      %dma_wait3A_108 = arith.constant 0 : i32
      %dma_wait3A_109 = tpu.memref_slice %run_scoped3A_8[%rem3A_105, %dma_wait3A, %dma_wait3A_108] : memref<2x128x128xf32, #tpu.memory_space<vmem>> -> memref<1x128x128xf32, #tpu.memory_space<vmem>>
      %dma_wait3A_110 = tpu.memref_squeeze %dma_wait3A_109 : memref<1x128x128xf32, #tpu.memory_space<vmem>> -> memref<128x128xf32, #tpu.memory_space<vmem>>
      %dma_wait3A_111 = arith.constant 0 : i32
      %dma_wait3A_112 = tpu.memref_slice %arg4[%mul3A_107, %dma_wait3A_111] : memref<102400x128xf32, #tpu.memory_space<hbm>> -> memref<128x128xf32, #tpu.memory_space<hbm>>
      %dma_wait3A_113 = tpu.memref_slice %run_scoped3A_9[%rem3A_105] : memref<2x!tpu.dma_semaphore, #tpu.memory_space<semaphore_mem>> -> memref<1x!tpu.dma_semaphore, #tpu.memory_space<semaphore_mem>>
      %dma_wait3A_114 = tpu.memref_squeeze %dma_wait3A_113 : memref<1x!tpu.dma_semaphore, #tpu.memory_space<semaphore_mem>> -> memref<!tpu.dma_semaphore, #tpu.memory_space<semaphore_mem>>
      %dma_wait3A_115 = arith.constant 0 : i32
      %dma_wait3A_116 = tpu.memref_slice %arg4[%mul3A_107, %dma_wait3A_115] : memref<102400x128xf32, #tpu.memory_space<hbm>> -> memref<128x128xf32, #tpu.memory_space<hbm>>
      %dma_wait3A_117 = arith.constant 0 : i32
      %dma_wait3A_118 = arith.constant 0 : i32
      %dma_wait3A_119 = tpu.memref_slice %run_scoped3A_8[%rem3A_105, %dma_wait3A_117, %dma_wait3A_118] : memref<2x128x128xf32, #tpu.memory_space<vmem>> -> memref<1x128x128xf32, #tpu.memory_space<vmem>>
      %dma_wait3A_120 = tpu.memref_squeeze %dma_wait3A_119 : memref<1x128x128xf32, #tpu.memory_space<vmem>> -> memref<128x128xf32, #tpu.memory_space<vmem>>
      tpu.wait_dma2 semaphore(%dma_wait3A_114 : memref<!tpu.dma_semaphore, #tpu.memory_space<semaphore_mem>>) src(%dma_wait3A_120 : memref<128x128xf32, #tpu.memory_space<vmem>>) dst(%dma_wait3A_116 : memref<128x128xf32, #tpu.memory_space<hbm>>)
      "tpu.trace_stop"() : () -> ()
      tpu.yield
    }) : () -> ()
    return
  }
}

#map = affine_map<(d0, d1) -> (0, 0)>
module attributes {stable_mosaic.version = 14 : i64} {
  func.func @gather_kernel(%arg0: i32, %arg1: i32, %arg2: memref<10000x128xf32, #tpu.memory_space<hbm>>, %arg3: memref<1400x128xi32, #tpu.memory_space<hbm>>, %arg4: memref<179200x128xf32, #tpu.memory_space<hbm>>, %arg5: memref<!tpu.dma_semaphore, #tpu.memory_space<semaphore_mem>>) attributes {dimension_semantics = [#tpu.dimension_semantics<core_parallel>, #tpu.dimension_semantics<subcore_parallel>], iteration_bounds = array<i64: 2, 16>, scalar_prefetch = 0 : i64, scratch_operands = 1 : i64, tpu.core_type = #tpu.core_type<sc_vector_subcore>, window_params = [{transform_indices = #map}, {transform_indices = #map}, {transform_indices = #map}]} {
    %mul3A = arith.constant 1 : i32
    %mul3A_0 = arith.muli %arg1, %mul3A : i32
    %add3A = arith.constant 0 : i32
    %add3A_1 = arith.addi %add3A, %mul3A_0 : i32
    %mul3A_2 = arith.constant 16 : i32
    %mul3A_3 = arith.muli %arg0, %mul3A_2 : i32
    %add3A_4 = arith.addi %add3A_1, %mul3A_3 : i32
    %lt3A = arith.constant 24 : i32
    %lt3A_5 = arith.cmpi slt, %add3A_4, %lt3A : i32
    %jit3A = arith.constant 44 : i32
    %jit3A_6 = arith.constant 43 : i32
    %select_n3A = arith.select %lt3A_5, %jit3A, %jit3A_6 : i32
    %lt3A_7 = arith.constant 24 : i32
    %lt3A_8 = arith.cmpi slt, %add3A_4, %lt3A_7 : i32
    %mul3A_9 = arith.muli %add3A_4, %select_n3A : i32
    %mul3A_10 = arith.constant 43 : i32
    %mul3A_11 = arith.muli %add3A_4, %mul3A_10 : i32
    %add3A_12 = arith.constant 24 : i32
    %add3A_13 = arith.addi %mul3A_11, %add3A_12 : i32
    %select_n3A_14 = arith.select %lt3A_8, %mul3A_9, %add3A_13 : i32
    %mul3A_15 = arith.constant 1 : i32
    %mul3A_16 = arith.muli %mul3A_15, %select_n3A : i32
    "tpu.region"() ({
      %run_scoped3A = memref.alloca() : memref<2x1x128xi32, #tpu.memory_space<vmem>>
      %run_scoped3A_17 = tpu.sem_alloc : memref<2x!tpu.dma_semaphore, #tpu.memory_space<semaphore_mem>>
      %run_scoped3A_18 = memref.alloca() : memref<2x128x128xf32, #tpu.memory_space<vmem>>
      %run_scoped3A_19 = tpu.sem_alloc : memref<2x!tpu.dma_semaphore, #tpu.memory_space<semaphore_mem>>
      %gt3A = arith.constant 0 : i32
      %gt3A_20 = arith.cmpi sgt, %mul3A_16, %gt3A : i32
      %convert_element_type3A = arith.extui %gt3A_20 : i1 to i32
      %cond3A = arith.constant 0 : i32
      %cond3A_21 = arith.cmpi ne, %convert_element_type3A, %cond3A : i32
      scf.if %cond3A_21 {
        %mul3A_22 = arith.constant 1 : i32
        %mul3A_23 = arith.muli %mul3A_22, %select_n3A : i32
        %sub3A = arith.constant 1 : i32
        %sub3A_24 = arith.subi %mul3A_23, %sub3A : i32
        %eq3A = arith.constant 0 : i32
        %eq3A_25 = arith.cmpi eq, %sub3A_24, %eq3A : i32
        %add3A_26 = arith.constant 0 : i32
        %add3A_27 = arith.addi %add3A_26, %select_n3A_14 : i32
        %select_n3A_28 = arith.constant true
        %select_n3A_29 = arith.constant 0 : i32
        %select_n3A_30 = arith.constant -1 : i32
        %select_n3A_31 = arith.select %select_n3A_28, %select_n3A_30, %select_n3A_29 : i32
        %eq3A_32 = arith.constant -1 : i32
        %eq3A_33 = arith.cmpi eq, %select_n3A_31, %eq3A_32 : i32
        %sub3A_34 = arith.constant 1 : i32
        %sub3A_35 = arith.subi %select_n3A, %sub3A_34 : i32
        %select_n3A_36 = arith.select %eq3A_33, %sub3A_35, %select_n3A_31 : i32
        %add3A_37 = arith.addi %select_n3A_36, %select_n3A_14 : i32
        %select_n3A_38 = arith.constant true
        %select_n3A_39 = arith.constant 0 : i32
        %select_n3A_40 = arith.constant 1 : i32
        %select_n3A_41 = arith.select %select_n3A_38, %select_n3A_40, %select_n3A_39 : i32
        %eq3A_42 = arith.cmpi eq, %select_n3A_41, %select_n3A : i32
        %select_n3A_43 = arith.constant 0 : i32
        %select_n3A_44 = arith.select %eq3A_42, %select_n3A_43, %select_n3A_41 : i32
        %add3A_45 = arith.addi %select_n3A_44, %select_n3A_14 : i32
        %add3A_46 = arith.constant 1 : i32
        %add3A_47 = arith.addi %select_n3A_44, %add3A_46 : i32
        %select_n3A_48 = arith.constant true
        %select_n3A_49 = arith.select %select_n3A_48, %add3A_47, %select_n3A_44 : i32
        %eq3A_50 = arith.cmpi eq, %select_n3A_49, %select_n3A : i32
        %select_n3A_51 = arith.constant 0 : i32
        %select_n3A_52 = arith.select %eq3A_50, %select_n3A_51, %select_n3A_49 : i32
        %add3A_53 = arith.addi %select_n3A_52, %select_n3A_14 : i32
        "tpu.trace_start"() <{level = 10 : i32, message = "ep_initialize_0"}> : () -> ()
        %rem3A = arith.constant 0 : i32
        %rem3A_54 = arith.constant 2 : i32
        %rem3A_55 = arith.remui %rem3A, %rem3A_54 : i32
        %mul3A_56 = arith.constant 1 : i32
        %mul3A_57 = arith.muli %mul3A_56, %add3A_27 : i32
        %dma_start3A = arith.constant 0 : i32
        %dma_start3A_58 = arith.constant 0 : i32
        %dma_start3A_59 = tpu.memref_slice %run_scoped3A[%rem3A_55, %dma_start3A, %dma_start3A_58] : memref<2x1x128xi32, #tpu.memory_space<vmem>> -> memref<1x1x128xi32, #tpu.memory_space<vmem>>
        %dma_start3A_60 = tpu.memref_squeeze %dma_start3A_59 : memref<1x1x128xi32, #tpu.memory_space<vmem>> -> memref<1x128xi32, #tpu.memory_space<vmem>>
        %dma_start3A_61 = arith.constant 0 : i32
        %dma_start3A_62 = tpu.memref_slice %arg3[%mul3A_57, %dma_start3A_61] : memref<1400x128xi32, #tpu.memory_space<hbm>> -> memref<1x128xi32, #tpu.memory_space<hbm>>
        %dma_start3A_63 = tpu.memref_slice %run_scoped3A_17[%rem3A_55] : memref<2x!tpu.dma_semaphore, #tpu.memory_space<semaphore_mem>> -> memref<1x!tpu.dma_semaphore, #tpu.memory_space<semaphore_mem>>
        %dma_start3A_64 = tpu.memref_squeeze %dma_start3A_63 : memref<1x!tpu.dma_semaphore, #tpu.memory_space<semaphore_mem>> -> memref<!tpu.dma_semaphore, #tpu.memory_space<semaphore_mem>>
        %dma_start3A_65 = arith.constant 0 : i32
        %dma_start3A_66 = arith.constant 0 : i32
        %dma_start3A_67 = tpu.memref_slice %run_scoped3A[%rem3A_55, %dma_start3A_65, %dma_start3A_66] : memref<2x1x128xi32, #tpu.memory_space<vmem>> -> memref<1x1x128xi32, #tpu.memory_space<vmem>>
        %dma_start3A_68 = tpu.memref_squeeze %dma_start3A_67 : memref<1x1x128xi32, #tpu.memory_space<vmem>> -> memref<1x128xi32, #tpu.memory_space<vmem>>
        %dma_start3A_69 = arith.constant 0 : i32
        %dma_start3A_70 = tpu.memref_slice %arg3[%mul3A_57, %dma_start3A_69] : memref<1400x128xi32, #tpu.memory_space<hbm>> -> memref<1x128xi32, #tpu.memory_space<hbm>>
        tpu.enqueue_dma source(%dma_start3A_70 : memref<1x128xi32, #tpu.memory_space<hbm>>) target(%dma_start3A_68 : memref<1x128xi32, #tpu.memory_space<vmem>>) target_semaphore(%dma_start3A_64 : memref<!tpu.dma_semaphore, #tpu.memory_space<semaphore_mem>>)
        %add3A_71 = arith.constant 0 : i32
        %add3A_72 = arith.constant 1 : i32
        %add3A_73 = arith.addi %add3A_71, %add3A_72 : i32
        %select_n3A_74 = arith.constant true
        %select_n3A_75 = arith.constant 0 : i32
        %select_n3A_76 = arith.select %select_n3A_74, %add3A_73, %select_n3A_75 : i32
        %while3A = arith.constant 0 : i32
        %while3A_77 = arith.constant 0 : i32
        %while3A_78 = arith.constant 0 : i32
        %while3A_79 = arith.constant 0 : i32
        %while3A_80 = arith.constant 0 : i32
        "tpu.trace_stop"() : () -> ()
        %while3A_81 = arith.subi %mul3A_16, %while3A : i32
        %while3A_82 = arith.addi %while3A, %while3A_81 : i32
        %while3A_83 = arith.constant 1 : i32
        %while3A_84 = arith.divsi %while3A_81, %while3A_83 : i32
        %while3A_85 = arith.muli %while3A_84, %while3A_83 : i32
        %while3A_86 = arith.addi %while3A, %while3A_85 : i32
        %while3A_87 = arith.constant 1 : i32
        %while3A_88:5 = scf.for %while3A_142 = %while3A to %while3A_86 step %while3A_87 iter_args(%while3A_143 = %select_n3A_76, %while3A_144 = %while3A_77, %while3A_145 = %while3A_78, %while3A_146 = %while3A_79, %while3A_147 = %while3A_80) -> (i32, i32, i32, i32, i32)  : i32 {
          %mul3A_148 = arith.constant 1 : i32
          %mul3A_149 = arith.muli %mul3A_148, %select_n3A : i32
          %eq3A_150 = arith.constant 0 : i32
          %eq3A_151 = arith.cmpi eq, %while3A_142, %eq3A_150 : i32
          %sub3A_152 = arith.constant 1 : i32
          %sub3A_153 = arith.subi %mul3A_149, %sub3A_152 : i32
          %eq3A_154 = arith.cmpi eq, %while3A_142, %sub3A_153 : i32
          %add3A_155 = arith.addi %while3A_147, %select_n3A_14 : i32
          %sub3A_156 = arith.constant 1 : i32
          %sub3A_157 = arith.subi %while3A_147, %sub3A_156 : i32
          %select_n3A_158 = arith.constant true
          %select_n3A_159 = arith.select %select_n3A_158, %sub3A_157, %while3A_147 : i32
          %eq3A_160 = arith.constant -1 : i32
          %eq3A_161 = arith.cmpi eq, %select_n3A_159, %eq3A_160 : i32
          %sub3A_162 = arith.constant 1 : i32
          %sub3A_163 = arith.subi %select_n3A, %sub3A_162 : i32
          %select_n3A_164 = arith.select %eq3A_161, %sub3A_163, %select_n3A_159 : i32
          %add3A_165 = arith.addi %select_n3A_164, %select_n3A_14 : i32
          %add3A_166 = arith.constant 1 : i32
          %add3A_167 = arith.addi %while3A_147, %add3A_166 : i32
          %select_n3A_168 = arith.constant true
          %select_n3A_169 = arith.select %select_n3A_168, %add3A_167, %while3A_147 : i32
          %eq3A_170 = arith.cmpi eq, %select_n3A_169, %select_n3A : i32
          %select_n3A_171 = arith.constant 0 : i32
          %select_n3A_172 = arith.select %eq3A_170, %select_n3A_171, %select_n3A_169 : i32
          %add3A_173 = arith.addi %select_n3A_172, %select_n3A_14 : i32
          %add3A_174 = arith.constant 1 : i32
          %add3A_175 = arith.addi %select_n3A_172, %add3A_174 : i32
          %select_n3A_176 = arith.constant true
          %select_n3A_177 = arith.select %select_n3A_176, %add3A_175, %select_n3A_172 : i32
          %eq3A_178 = arith.cmpi eq, %select_n3A_177, %select_n3A : i32
          %select_n3A_179 = arith.constant 0 : i32
          %select_n3A_180 = arith.select %eq3A_178, %select_n3A_179, %select_n3A_177 : i32
          %add3A_181 = arith.addi %select_n3A_180, %select_n3A_14 : i32
          %ne3A = arith.cmpi ne, %add3A_155, %add3A_173 : i32
          %or3A = arith.constant false
          %or3A_182 = arith.ori %or3A, %ne3A : i1
          %or3A_183 = arith.constant false
          %or3A_184 = arith.ori %or3A_182, %or3A_183 : i1
          %sub3A_185 = arith.constant 2 : i32
          %sub3A_186 = arith.subi %mul3A_149, %sub3A_185 : i32
          %add3A_187 = arith.constant 1 : i32
          %add3A_188 = arith.addi %sub3A_186, %add3A_187 : i32
          %ge3A = arith.cmpi sge, %while3A_142, %add3A_188 : i32
          %not3A = arith.constant true
          %not3A_189 = arith.xori %ge3A, %not3A : i1
          %and3A = arith.andi %or3A_184, %not3A_189 : i1
          %convert_element_type3A_190 = arith.extui %and3A : i1 to i32
          %cond3A_191 = arith.constant 0 : i32
          %cond3A_192 = arith.cmpi ne, %convert_element_type3A_190, %cond3A_191 : i32
          scf.if %cond3A_192 {
            "tpu.trace_start"() <{level = 10 : i32, message = "ep_copy_in"}> : () -> ()
            %rem3A_338 = arith.constant 2 : i32
            %rem3A_339 = arith.remui %while3A_143, %rem3A_338 : i32
            %mul3A_340 = arith.constant 1 : i32
            %mul3A_341 = arith.muli %mul3A_340, %add3A_173 : i32
            %dma_start3A_342 = arith.constant 0 : i32
            %dma_start3A_343 = arith.constant 0 : i32
            %dma_start3A_344 = tpu.memref_slice %run_scoped3A[%rem3A_339, %dma_start3A_342, %dma_start3A_343] : memref<2x1x128xi32, #tpu.memory_space<vmem>> -> memref<1x1x128xi32, #tpu.memory_space<vmem>>
            %dma_start3A_345 = tpu.memref_squeeze %dma_start3A_344 : memref<1x1x128xi32, #tpu.memory_space<vmem>> -> memref<1x128xi32, #tpu.memory_space<vmem>>
            %dma_start3A_346 = arith.constant 0 : i32
            %dma_start3A_347 = tpu.memref_slice %arg3[%mul3A_341, %dma_start3A_346] : memref<1400x128xi32, #tpu.memory_space<hbm>> -> memref<1x128xi32, #tpu.memory_space<hbm>>
            %dma_start3A_348 = tpu.memref_slice %run_scoped3A_17[%rem3A_339] : memref<2x!tpu.dma_semaphore, #tpu.memory_space<semaphore_mem>> -> memref<1x!tpu.dma_semaphore, #tpu.memory_space<semaphore_mem>>
            %dma_start3A_349 = tpu.memref_squeeze %dma_start3A_348 : memref<1x!tpu.dma_semaphore, #tpu.memory_space<semaphore_mem>> -> memref<!tpu.dma_semaphore, #tpu.memory_space<semaphore_mem>>
            %dma_start3A_350 = arith.constant 0 : i32
            %dma_start3A_351 = arith.constant 0 : i32
            %dma_start3A_352 = tpu.memref_slice %run_scoped3A[%rem3A_339, %dma_start3A_350, %dma_start3A_351] : memref<2x1x128xi32, #tpu.memory_space<vmem>> -> memref<1x1x128xi32, #tpu.memory_space<vmem>>
            %dma_start3A_353 = tpu.memref_squeeze %dma_start3A_352 : memref<1x1x128xi32, #tpu.memory_space<vmem>> -> memref<1x128xi32, #tpu.memory_space<vmem>>
            %dma_start3A_354 = arith.constant 0 : i32
            %dma_start3A_355 = tpu.memref_slice %arg3[%mul3A_341, %dma_start3A_354] : memref<1400x128xi32, #tpu.memory_space<hbm>> -> memref<1x128xi32, #tpu.memory_space<hbm>>
            tpu.enqueue_dma source(%dma_start3A_355 : memref<1x128xi32, #tpu.memory_space<hbm>>) target(%dma_start3A_353 : memref<1x128xi32, #tpu.memory_space<vmem>>) target_semaphore(%dma_start3A_349 : memref<!tpu.dma_semaphore, #tpu.memory_space<semaphore_mem>>)
            "tpu.trace_stop"() : () -> ()
          } else {
          }
          %and3A_193 = arith.constant true
          %and3A_194 = arith.andi %and3A, %and3A_193 : i1
          %add3A_195 = arith.constant 1 : i32
          %add3A_196 = arith.addi %while3A_143, %add3A_195 : i32
          %select_n3A_197 = arith.select %and3A_194, %add3A_196, %while3A_143 : i32
          %ne3A_198 = arith.cmpi ne, %add3A_155, %add3A_173 : i32
          %or3A_199 = arith.constant false
          %or3A_200 = arith.ori %or3A_199, %ne3A_198 : i1
          %or3A_201 = arith.constant false
          %or3A_202 = arith.ori %or3A_200, %or3A_201 : i1
          %sub3A_203 = arith.constant 2 : i32
          %sub3A_204 = arith.subi %mul3A_149, %sub3A_203 : i32
          %add3A_205 = arith.constant 1 : i32
          %add3A_206 = arith.addi %sub3A_204, %add3A_205 : i32
          %ge3A_207 = arith.cmpi sge, %while3A_142, %add3A_206 : i32
          %not3A_208 = arith.constant true
          %not3A_209 = arith.xori %ge3A_207, %not3A_208 : i1
          %and3A_210 = arith.andi %or3A_202, %not3A_209 : i1
          %ne3A_211 = arith.cmpi ne, %add3A_155, %add3A_165 : i32
          %or3A_212 = arith.constant false
          %or3A_213 = arith.ori %or3A_212, %ne3A_211 : i1
          %or3A_214 = arith.constant false
          %or3A_215 = arith.ori %or3A_213, %or3A_214 : i1
          %or3A_216 = arith.ori %or3A_215, %eq3A_151 : i1
          %convert_element_type3A_217 = arith.extui %or3A_216 : i1 to i32
          %cond3A_218 = arith.constant 0 : i32
          %cond3A_219 = arith.cmpi ne, %convert_element_type3A_217, %cond3A_218 : i32
          scf.if %cond3A_219 {
            "tpu.trace_start"() <{level = 10 : i32, message = "ep_wait_in"}> : () -> ()
            %mul3A_338 = arith.constant 1 : i32
            %mul3A_339 = arith.muli %mul3A_338, %add3A_155 : i32
            %rem3A_340 = arith.constant 2 : i32
            %rem3A_341 = arith.remui %while3A_144, %rem3A_340 : i32
            %dma_wait3A_342 = arith.constant 0 : i32
            %dma_wait3A_343 = arith.constant 0 : i32
            %dma_wait3A_344 = tpu.memref_slice %run_scoped3A[%rem3A_341, %dma_wait3A_342, %dma_wait3A_343] : memref<2x1x128xi32, #tpu.memory_space<vmem>> -> memref<1x1x128xi32, #tpu.memory_space<vmem>>
            %dma_wait3A_345 = tpu.memref_squeeze %dma_wait3A_344 : memref<1x1x128xi32, #tpu.memory_space<vmem>> -> memref<1x128xi32, #tpu.memory_space<vmem>>
            %dma_wait3A_346 = arith.constant 0 : i32
            %dma_wait3A_347 = tpu.memref_slice %arg3[%mul3A_339, %dma_wait3A_346] : memref<1400x128xi32, #tpu.memory_space<hbm>> -> memref<1x128xi32, #tpu.memory_space<hbm>>
            %dma_wait3A_348 = tpu.memref_slice %run_scoped3A_17[%rem3A_341] : memref<2x!tpu.dma_semaphore, #tpu.memory_space<semaphore_mem>> -> memref<1x!tpu.dma_semaphore, #tpu.memory_space<semaphore_mem>>
            %dma_wait3A_349 = tpu.memref_squeeze %dma_wait3A_348 : memref<1x!tpu.dma_semaphore, #tpu.memory_space<semaphore_mem>> -> memref<!tpu.dma_semaphore, #tpu.memory_space<semaphore_mem>>
            %dma_wait3A_350 = arith.constant 0 : i32
            %dma_wait3A_351 = arith.constant 0 : i32
            %dma_wait3A_352 = tpu.memref_slice %run_scoped3A[%rem3A_341, %dma_wait3A_350, %dma_wait3A_351] : memref<2x1x128xi32, #tpu.memory_space<vmem>> -> memref<1x1x128xi32, #tpu.memory_space<vmem>>
            %dma_wait3A_353 = tpu.memref_squeeze %dma_wait3A_352 : memref<1x1x128xi32, #tpu.memory_space<vmem>> -> memref<1x128xi32, #tpu.memory_space<vmem>>
            %dma_wait3A_354 = arith.constant 0 : i32
            %dma_wait3A_355 = tpu.memref_slice %arg3[%mul3A_339, %dma_wait3A_354] : memref<1400x128xi32, #tpu.memory_space<hbm>> -> memref<1x128xi32, #tpu.memory_space<hbm>>
            tpu.wait_dma2 semaphore(%dma_wait3A_349 : memref<!tpu.dma_semaphore, #tpu.memory_space<semaphore_mem>>) src(%dma_wait3A_355 : memref<1x128xi32, #tpu.memory_space<hbm>>) dst(%dma_wait3A_353 : memref<1x128xi32, #tpu.memory_space<vmem>>)
            "tpu.trace_stop"() : () -> ()
          } else {
          }
          %ne3A_220 = arith.cmpi ne, %add3A_155, %add3A_165 : i32
          %or3A_221 = arith.constant false
          %or3A_222 = arith.ori %or3A_221, %ne3A_220 : i1
          %or3A_223 = arith.constant false
          %or3A_224 = arith.ori %or3A_222, %or3A_223 : i1
          %or3A_225 = arith.ori %or3A_224, %eq3A_151 : i1
          %convert_element_type3A_226 = arith.extui %or3A_225 : i1 to i32
          %cond3A_227 = arith.constant 0 : i32
          %cond3A_228 = arith.cmpi ne, %convert_element_type3A_226, %cond3A_227 : i32
          scf.if %cond3A_228 {
          } else {
          }
          %rem3A_229 = arith.constant 2 : i32
          %rem3A_230 = arith.remui %while3A_144, %rem3A_229 : i32
          %rem3A_231 = arith.constant 2 : i32
          %rem3A_232 = arith.remui %while3A_145, %rem3A_231 : i32
          %dma_start3A_233 = arith.constant 0 : i32
          "tpu.trace_start"() <{level = 10 : i32, message = "ep_run_kernel"}> : () -> ()
          %dma_start3A_234 = arith.constant 0 : i32
          %dma_start3A_235 = arith.constant 0 : i32
          %dma_start3A_236 = tpu.memref_slice %run_scoped3A_18[%rem3A_232, %dma_start3A_234, %dma_start3A_235] : memref<2x128x128xf32, #tpu.memory_space<vmem>> -> memref<1x128x128xf32, #tpu.memory_space<vmem>>
          %dma_start3A_237 = tpu.memref_squeeze %dma_start3A_236 : memref<1x128x128xf32, #tpu.memory_space<vmem>> -> memref<128x128xf32, #tpu.memory_space<vmem>>
          %dma_start3A_238 = arith.constant 0 : i32
          %dma_start3A_239 = arith.constant 0 : i32
          %dma_start3A_240 = tpu.memref_slice %dma_start3A_237[%dma_start3A_238, %dma_start3A_239] : memref<128x128xf32, #tpu.memory_space<vmem>> -> memref<128x128xf32, #tpu.memory_space<vmem>>
          %dma_start3A_241 = arith.constant 0 : i32
          %dma_start3A_242 = arith.constant 0 : i32
          %dma_start3A_243 = tpu.memref_slice %run_scoped3A[%rem3A_230, %dma_start3A_241, %dma_start3A_242] : memref<2x1x128xi32, #tpu.memory_space<vmem>> -> memref<1x1x128xi32, #tpu.memory_space<vmem>>
          %dma_start3A_244 = tpu.memref_squeeze %dma_start3A_243 : memref<1x1x128xi32, #tpu.memory_space<vmem>> -> memref<1x128xi32, #tpu.memory_space<vmem>>
          %dma_start3A_245 = arith.constant 0 : i32
          %dma_start3A_246 = tpu.memref_slice %dma_start3A_244[%dma_start3A_233, %dma_start3A_245] : memref<1x128xi32, #tpu.memory_space<vmem>> -> memref<1x128xi32, #tpu.memory_space<vmem>>
          %dma_start3A_247 = tpu.memref_squeeze %dma_start3A_246 : memref<1x128xi32, #tpu.memory_space<vmem>> -> memref<128xi32, #tpu.memory_space<vmem>>
          %dma_start3A_248 = arith.constant 0 : i32
          %dma_start3A_249 = arith.constant 0 : i32
          %dma_start3A_250 = tpu.memref_slice %arg2[%dma_start3A_248, %dma_start3A_249] : memref<10000x128xf32, #tpu.memory_space<hbm>> -> memref<10000x128xf32, #tpu.memory_space<hbm>>
          tpu.enqueue_indirect_dma source(%dma_start3A_250 : memref<10000x128xf32, #tpu.memory_space<hbm>>) target(%dma_start3A_240 : memref<128x128xf32, #tpu.memory_space<vmem>>) offsets(%dma_start3A_247 : memref<128xi32, #tpu.memory_space<vmem>>) semaphore(%arg5 : memref<!tpu.dma_semaphore, #tpu.memory_space<semaphore_mem>>)
          %dma_wait3A = arith.constant 0 : i32
          %dma_wait3A_251 = arith.constant 0 : i32
          %dma_wait3A_252 = arith.constant 0 : i32
          %dma_wait3A_253 = tpu.memref_slice %run_scoped3A_18[%rem3A_232, %dma_wait3A_251, %dma_wait3A_252] : memref<2x128x128xf32, #tpu.memory_space<vmem>> -> memref<1x128x128xf32, #tpu.memory_space<vmem>>
          %dma_wait3A_254 = tpu.memref_squeeze %dma_wait3A_253 : memref<1x128x128xf32, #tpu.memory_space<vmem>> -> memref<128x128xf32, #tpu.memory_space<vmem>>
          %dma_wait3A_255 = arith.constant 0 : i32
          %dma_wait3A_256 = arith.constant 0 : i32
          %dma_wait3A_257 = tpu.memref_slice %dma_wait3A_254[%dma_wait3A_255, %dma_wait3A_256] : memref<128x128xf32, #tpu.memory_space<vmem>> -> memref<128x128xf32, #tpu.memory_space<vmem>>
          %dma_wait3A_258 = arith.constant 0 : i32
          %dma_wait3A_259 = arith.constant 0 : i32
          %dma_wait3A_260 = tpu.memref_slice %run_scoped3A[%rem3A_230, %dma_wait3A_258, %dma_wait3A_259] : memref<2x1x128xi32, #tpu.memory_space<vmem>> -> memref<1x1x128xi32, #tpu.memory_space<vmem>>
          %dma_wait3A_261 = tpu.memref_squeeze %dma_wait3A_260 : memref<1x1x128xi32, #tpu.memory_space<vmem>> -> memref<1x128xi32, #tpu.memory_space<vmem>>
          %dma_wait3A_262 = arith.constant 0 : i32
          %dma_wait3A_263 = tpu.memref_slice %dma_wait3A_261[%dma_wait3A, %dma_wait3A_262] : memref<1x128xi32, #tpu.memory_space<vmem>> -> memref<1x128xi32, #tpu.memory_space<vmem>>
          %dma_wait3A_264 = tpu.memref_squeeze %dma_wait3A_263 : memref<1x128xi32, #tpu.memory_space<vmem>> -> memref<128xi32, #tpu.memory_space<vmem>>
          %dma_wait3A_265 = arith.constant 0 : i32
          %dma_wait3A_266 = arith.constant 0 : i32
          %dma_wait3A_267 = tpu.memref_slice %arg2[%dma_wait3A_265, %dma_wait3A_266] : memref<10000x128xf32, #tpu.memory_space<hbm>> -> memref<10000x128xf32, #tpu.memory_space<hbm>>
          tpu.wait_indirect_dma semaphore(%arg5 : memref<!tpu.dma_semaphore, #tpu.memory_space<semaphore_mem>>) src(%dma_wait3A_267 : memref<10000x128xf32, #tpu.memory_space<hbm>>) dst(%dma_wait3A_257 : memref<128x128xf32, #tpu.memory_space<vmem>>)
          "tpu.trace_stop"() : () -> ()
          %ne3A_268 = arith.cmpi ne, %add3A_155, %add3A_173 : i32
          %or3A_269 = arith.constant false
          %or3A_270 = arith.ori %or3A_269, %ne3A_268 : i1
          %or3A_271 = arith.constant false
          %or3A_272 = arith.ori %or3A_270, %or3A_271 : i1
          %or3A_273 = arith.ori %or3A_272, %eq3A_154 : i1
          %convert_element_type3A_274 = arith.extui %or3A_273 : i1 to i32
          %cond3A_275 = arith.constant 0 : i32
          %cond3A_276 = arith.cmpi ne, %convert_element_type3A_274, %cond3A_275 : i32
          scf.if %cond3A_276 {
          } else {
          }
          %and3A_277 = arith.constant false
          %and3A_278 = arith.andi %or3A_273, %and3A_277 : i1
          %ne3A_279 = arith.cmpi ne, %add3A_155, %add3A_173 : i32
          %or3A_280 = arith.constant false
          %or3A_281 = arith.ori %or3A_280, %ne3A_279 : i1
          %or3A_282 = arith.constant false
          %or3A_283 = arith.ori %or3A_281, %or3A_282 : i1
          %or3A_284 = arith.ori %or3A_283, %eq3A_154 : i1
          %convert_element_type3A_285 = arith.extui %or3A_284 : i1 to i32
          %cond3A_286 = arith.constant 0 : i32
          %cond3A_287 = arith.cmpi ne, %convert_element_type3A_285, %cond3A_286 : i32
          scf.if %cond3A_287 {
            "tpu.trace_start"() <{level = 10 : i32, message = "ep_copy_out"}> : () -> ()
            %rem3A_338 = arith.constant 2 : i32
            %rem3A_339 = arith.remui %while3A_145, %rem3A_338 : i32
            %mul3A_340 = arith.constant 128 : i32
            %mul3A_341 = arith.muli %mul3A_340, %add3A_155 : i32
            %dma_start3A_342 = arith.constant 0 : i32
            %dma_start3A_343 = arith.constant 0 : i32
            %dma_start3A_344 = tpu.memref_slice %run_scoped3A_18[%rem3A_339, %dma_start3A_342, %dma_start3A_343] : memref<2x128x128xf32, #tpu.memory_space<vmem>> -> memref<1x128x128xf32, #tpu.memory_space<vmem>>
            %dma_start3A_345 = tpu.memref_squeeze %dma_start3A_344 : memref<1x128x128xf32, #tpu.memory_space<vmem>> -> memref<128x128xf32, #tpu.memory_space<vmem>>
            %dma_start3A_346 = arith.constant 0 : i32
            %dma_start3A_347 = tpu.memref_slice %arg4[%mul3A_341, %dma_start3A_346] : memref<179200x128xf32, #tpu.memory_space<hbm>> -> memref<128x128xf32, #tpu.memory_space<hbm>>
            %dma_start3A_348 = tpu.memref_slice %run_scoped3A_19[%rem3A_339] : memref<2x!tpu.dma_semaphore, #tpu.memory_space<semaphore_mem>> -> memref<1x!tpu.dma_semaphore, #tpu.memory_space<semaphore_mem>>
            %dma_start3A_349 = tpu.memref_squeeze %dma_start3A_348 : memref<1x!tpu.dma_semaphore, #tpu.memory_space<semaphore_mem>> -> memref<!tpu.dma_semaphore, #tpu.memory_space<semaphore_mem>>
            %dma_start3A_350 = arith.constant 0 : i32
            %dma_start3A_351 = tpu.memref_slice %arg4[%mul3A_341, %dma_start3A_350] : memref<179200x128xf32, #tpu.memory_space<hbm>> -> memref<128x128xf32, #tpu.memory_space<hbm>>
            %dma_start3A_352 = arith.constant 0 : i32
            %dma_start3A_353 = arith.constant 0 : i32
            %dma_start3A_354 = tpu.memref_slice %run_scoped3A_18[%rem3A_339, %dma_start3A_352, %dma_start3A_353] : memref<2x128x128xf32, #tpu.memory_space<vmem>> -> memref<1x128x128xf32, #tpu.memory_space<vmem>>
            %dma_start3A_355 = tpu.memref_squeeze %dma_start3A_354 : memref<1x128x128xf32, #tpu.memory_space<vmem>> -> memref<128x128xf32, #tpu.memory_space<vmem>>
            tpu.enqueue_dma source(%dma_start3A_355 : memref<128x128xf32, #tpu.memory_space<vmem>>) target(%dma_start3A_351 : memref<128x128xf32, #tpu.memory_space<hbm>>) target_semaphore(%dma_start3A_349 : memref<!tpu.dma_semaphore, #tpu.memory_space<semaphore_mem>>)
            "tpu.trace_stop"() : () -> ()
          } else {
          }
          %and3A_288 = arith.constant true
          %and3A_289 = arith.andi %or3A_284, %and3A_288 : i1
          %add3A_290 = arith.constant 1 : i32
          %add3A_291 = arith.addi %while3A_145, %add3A_290 : i32
          %select_n3A_292 = arith.select %and3A_289, %add3A_291, %while3A_145 : i32
          %ne3A_293 = arith.cmpi ne, %add3A_155, %add3A_165 : i32
          %or3A_294 = arith.constant false
          %or3A_295 = arith.ori %or3A_294, %ne3A_293 : i1
          %or3A_296 = arith.constant false
          %or3A_297 = arith.ori %or3A_295, %or3A_296 : i1
          %not3A_298 = arith.constant true
          %not3A_299 = arith.xori %eq3A_151, %not3A_298 : i1
          %and3A_300 = arith.andi %or3A_297, %not3A_299 : i1
          %convert_element_type3A_301 = arith.extui %and3A_300 : i1 to i32
          %cond3A_302 = arith.constant 0 : i32
          %cond3A_303 = arith.cmpi ne, %convert_element_type3A_301, %cond3A_302 : i32
          scf.if %cond3A_303 {
          } else {
          }
          %and3A_304 = arith.constant false
          %and3A_305 = arith.andi %and3A_300, %and3A_304 : i1
          %ne3A_306 = arith.cmpi ne, %add3A_155, %add3A_165 : i32
          %or3A_307 = arith.constant false
          %or3A_308 = arith.ori %or3A_307, %ne3A_306 : i1
          %or3A_309 = arith.constant false
          %or3A_310 = arith.ori %or3A_308, %or3A_309 : i1
          %not3A_311 = arith.constant true
          %not3A_312 = arith.xori %eq3A_151, %not3A_311 : i1
          %and3A_313 = arith.andi %or3A_310, %not3A_312 : i1
          %convert_element_type3A_314 = arith.extui %and3A_313 : i1 to i32
          %cond3A_315 = arith.constant 0 : i32
          %cond3A_316 = arith.cmpi ne, %convert_element_type3A_314, %cond3A_315 : i32
          scf.if %cond3A_316 {
            "tpu.trace_start"() <{level = 10 : i32, message = "ep_wait_out"}> : () -> ()
            %rem3A_338 = arith.constant 2 : i32
            %rem3A_339 = arith.remui %while3A_146, %rem3A_338 : i32
            %mul3A_340 = arith.constant 128 : i32
            %mul3A_341 = arith.muli %mul3A_340, %add3A_165 : i32
            %dma_wait3A_342 = arith.constant 0 : i32
            %dma_wait3A_343 = arith.constant 0 : i32
            %dma_wait3A_344 = tpu.memref_slice %run_scoped3A_18[%rem3A_339, %dma_wait3A_342, %dma_wait3A_343] : memref<2x128x128xf32, #tpu.memory_space<vmem>> -> memref<1x128x128xf32, #tpu.memory_space<vmem>>
            %dma_wait3A_345 = tpu.memref_squeeze %dma_wait3A_344 : memref<1x128x128xf32, #tpu.memory_space<vmem>> -> memref<128x128xf32, #tpu.memory_space<vmem>>
            %dma_wait3A_346 = arith.constant 0 : i32
            %dma_wait3A_347 = tpu.memref_slice %arg4[%mul3A_341, %dma_wait3A_346] : memref<179200x128xf32, #tpu.memory_space<hbm>> -> memref<128x128xf32, #tpu.memory_space<hbm>>
            %dma_wait3A_348 = tpu.memref_slice %run_scoped3A_19[%rem3A_339] : memref<2x!tpu.dma_semaphore, #tpu.memory_space<semaphore_mem>> -> memref<1x!tpu.dma_semaphore, #tpu.memory_space<semaphore_mem>>
            %dma_wait3A_349 = tpu.memref_squeeze %dma_wait3A_348 : memref<1x!tpu.dma_semaphore, #tpu.memory_space<semaphore_mem>> -> memref<!tpu.dma_semaphore, #tpu.memory_space<semaphore_mem>>
            %dma_wait3A_350 = arith.constant 0 : i32
            %dma_wait3A_351 = tpu.memref_slice %arg4[%mul3A_341, %dma_wait3A_350] : memref<179200x128xf32, #tpu.memory_space<hbm>> -> memref<128x128xf32, #tpu.memory_space<hbm>>
            %dma_wait3A_352 = arith.constant 0 : i32
            %dma_wait3A_353 = arith.constant 0 : i32
            %dma_wait3A_354 = tpu.memref_slice %run_scoped3A_18[%rem3A_339, %dma_wait3A_352, %dma_wait3A_353] : memref<2x128x128xf32, #tpu.memory_space<vmem>> -> memref<1x128x128xf32, #tpu.memory_space<vmem>>
            %dma_wait3A_355 = tpu.memref_squeeze %dma_wait3A_354 : memref<1x128x128xf32, #tpu.memory_space<vmem>> -> memref<128x128xf32, #tpu.memory_space<vmem>>
            tpu.wait_dma2 semaphore(%dma_wait3A_349 : memref<!tpu.dma_semaphore, #tpu.memory_space<semaphore_mem>>) src(%dma_wait3A_355 : memref<128x128xf32, #tpu.memory_space<vmem>>) dst(%dma_wait3A_351 : memref<128x128xf32, #tpu.memory_space<hbm>>)
            "tpu.trace_stop"() : () -> ()
          } else {
          }
          %and3A_317 = arith.constant true
          %and3A_318 = arith.andi %and3A_313, %and3A_317 : i1
          %add3A_319 = arith.constant 1 : i32
          %add3A_320 = arith.addi %while3A_146, %add3A_319 : i32
          %select_n3A_321 = arith.select %and3A_318, %add3A_320, %while3A_146 : i32
          %ne3A_322 = arith.cmpi ne, %add3A_155, %add3A_173 : i32
          %or3A_323 = arith.constant false
          %or3A_324 = arith.ori %or3A_323, %ne3A_322 : i1
          %or3A_325 = arith.constant false
          %or3A_326 = arith.ori %or3A_324, %or3A_325 : i1
          %or3A_327 = arith.ori %or3A_326, %eq3A_154 : i1
          %add3A_328 = arith.constant 1 : i32
          %add3A_329 = arith.addi %while3A_144, %add3A_328 : i32
          %select_n3A_330 = arith.select %or3A_327, %add3A_329, %while3A_144 : i32
          %add3A_331 = arith.constant 1 : i32
          %add3A_332 = arith.addi %while3A_147, %add3A_331 : i32
          %select_n3A_333 = arith.constant true
          %select_n3A_334 = arith.select %select_n3A_333, %add3A_332, %while3A_147 : i32
          %eq3A_335 = arith.cmpi eq, %select_n3A_334, %select_n3A : i32
          %select_n3A_336 = arith.constant 0 : i32
          %select_n3A_337 = arith.select %eq3A_335, %select_n3A_336, %select_n3A_334 : i32
          scf.yield %select_n3A_197, %select_n3A_330, %select_n3A_292, %select_n3A_321, %select_n3A_337 : i32, i32, i32, i32, i32
        }
        %while3A_89 = arith.constant 1 : i32
        %while3A_90:5 = scf.for %while3A_142 = %while3A_86 to %while3A_82 step %while3A_89 iter_args(%while3A_143 = %while3A_88#0, %while3A_144 = %while3A_88#1, %while3A_145 = %while3A_88#2, %while3A_146 = %while3A_88#3, %while3A_147 = %while3A_88#4) -> (i32, i32, i32, i32, i32)  : i32 {
          %mul3A_148 = arith.constant 1 : i32
          %mul3A_149 = arith.muli %mul3A_148, %select_n3A : i32
          %eq3A_150 = arith.constant 0 : i32
          %eq3A_151 = arith.cmpi eq, %while3A_142, %eq3A_150 : i32
          %sub3A_152 = arith.constant 1 : i32
          %sub3A_153 = arith.subi %mul3A_149, %sub3A_152 : i32
          %eq3A_154 = arith.cmpi eq, %while3A_142, %sub3A_153 : i32
          %add3A_155 = arith.addi %while3A_147, %select_n3A_14 : i32
          %sub3A_156 = arith.constant 1 : i32
          %sub3A_157 = arith.subi %while3A_147, %sub3A_156 : i32
          %select_n3A_158 = arith.constant true
          %select_n3A_159 = arith.select %select_n3A_158, %sub3A_157, %while3A_147 : i32
          %eq3A_160 = arith.constant -1 : i32
          %eq3A_161 = arith.cmpi eq, %select_n3A_159, %eq3A_160 : i32
          %sub3A_162 = arith.constant 1 : i32
          %sub3A_163 = arith.subi %select_n3A, %sub3A_162 : i32
          %select_n3A_164 = arith.select %eq3A_161, %sub3A_163, %select_n3A_159 : i32
          %add3A_165 = arith.addi %select_n3A_164, %select_n3A_14 : i32
          %add3A_166 = arith.constant 1 : i32
          %add3A_167 = arith.addi %while3A_147, %add3A_166 : i32
          %select_n3A_168 = arith.constant true
          %select_n3A_169 = arith.select %select_n3A_168, %add3A_167, %while3A_147 : i32
          %eq3A_170 = arith.cmpi eq, %select_n3A_169, %select_n3A : i32
          %select_n3A_171 = arith.constant 0 : i32
          %select_n3A_172 = arith.select %eq3A_170, %select_n3A_171, %select_n3A_169 : i32
          %add3A_173 = arith.addi %select_n3A_172, %select_n3A_14 : i32
          %add3A_174 = arith.constant 1 : i32
          %add3A_175 = arith.addi %select_n3A_172, %add3A_174 : i32
          %select_n3A_176 = arith.constant true
          %select_n3A_177 = arith.select %select_n3A_176, %add3A_175, %select_n3A_172 : i32
          %eq3A_178 = arith.cmpi eq, %select_n3A_177, %select_n3A : i32
          %select_n3A_179 = arith.constant 0 : i32
          %select_n3A_180 = arith.select %eq3A_178, %select_n3A_179, %select_n3A_177 : i32
          %add3A_181 = arith.addi %select_n3A_180, %select_n3A_14 : i32
          %ne3A = arith.cmpi ne, %add3A_155, %add3A_173 : i32
          %or3A = arith.constant false
          %or3A_182 = arith.ori %or3A, %ne3A : i1
          %or3A_183 = arith.constant false
          %or3A_184 = arith.ori %or3A_182, %or3A_183 : i1
          %sub3A_185 = arith.constant 2 : i32
          %sub3A_186 = arith.subi %mul3A_149, %sub3A_185 : i32
          %add3A_187 = arith.constant 1 : i32
          %add3A_188 = arith.addi %sub3A_186, %add3A_187 : i32
          %ge3A = arith.cmpi sge, %while3A_142, %add3A_188 : i32
          %not3A = arith.constant true
          %not3A_189 = arith.xori %ge3A, %not3A : i1
          %and3A = arith.andi %or3A_184, %not3A_189 : i1
          %convert_element_type3A_190 = arith.extui %and3A : i1 to i32
          %cond3A_191 = arith.constant 0 : i32
          %cond3A_192 = arith.cmpi ne, %convert_element_type3A_190, %cond3A_191 : i32
          scf.if %cond3A_192 {
            "tpu.trace_start"() <{level = 10 : i32, message = "ep_copy_in"}> : () -> ()
            %rem3A_338 = arith.constant 2 : i32
            %rem3A_339 = arith.remui %while3A_143, %rem3A_338 : i32
            %mul3A_340 = arith.constant 1 : i32
            %mul3A_341 = arith.muli %mul3A_340, %add3A_173 : i32
            %dma_start3A_342 = arith.constant 0 : i32
            %dma_start3A_343 = arith.constant 0 : i32
            %dma_start3A_344 = tpu.memref_slice %run_scoped3A[%rem3A_339, %dma_start3A_342, %dma_start3A_343] : memref<2x1x128xi32, #tpu.memory_space<vmem>> -> memref<1x1x128xi32, #tpu.memory_space<vmem>>
            %dma_start3A_345 = tpu.memref_squeeze %dma_start3A_344 : memref<1x1x128xi32, #tpu.memory_space<vmem>> -> memref<1x128xi32, #tpu.memory_space<vmem>>
            %dma_start3A_346 = arith.constant 0 : i32
            %dma_start3A_347 = tpu.memref_slice %arg3[%mul3A_341, %dma_start3A_346] : memref<1400x128xi32, #tpu.memory_space<hbm>> -> memref<1x128xi32, #tpu.memory_space<hbm>>
            %dma_start3A_348 = tpu.memref_slice %run_scoped3A_17[%rem3A_339] : memref<2x!tpu.dma_semaphore, #tpu.memory_space<semaphore_mem>> -> memref<1x!tpu.dma_semaphore, #tpu.memory_space<semaphore_mem>>
            %dma_start3A_349 = tpu.memref_squeeze %dma_start3A_348 : memref<1x!tpu.dma_semaphore, #tpu.memory_space<semaphore_mem>> -> memref<!tpu.dma_semaphore, #tpu.memory_space<semaphore_mem>>
            %dma_start3A_350 = arith.constant 0 : i32
            %dma_start3A_351 = arith.constant 0 : i32
            %dma_start3A_352 = tpu.memref_slice %run_scoped3A[%rem3A_339, %dma_start3A_350, %dma_start3A_351] : memref<2x1x128xi32, #tpu.memory_space<vmem>> -> memref<1x1x128xi32, #tpu.memory_space<vmem>>
            %dma_start3A_353 = tpu.memref_squeeze %dma_start3A_352 : memref<1x1x128xi32, #tpu.memory_space<vmem>> -> memref<1x128xi32, #tpu.memory_space<vmem>>
            %dma_start3A_354 = arith.constant 0 : i32
            %dma_start3A_355 = tpu.memref_slice %arg3[%mul3A_341, %dma_start3A_354] : memref<1400x128xi32, #tpu.memory_space<hbm>> -> memref<1x128xi32, #tpu.memory_space<hbm>>
            tpu.enqueue_dma source(%dma_start3A_355 : memref<1x128xi32, #tpu.memory_space<hbm>>) target(%dma_start3A_353 : memref<1x128xi32, #tpu.memory_space<vmem>>) target_semaphore(%dma_start3A_349 : memref<!tpu.dma_semaphore, #tpu.memory_space<semaphore_mem>>)
            "tpu.trace_stop"() : () -> ()
          } else {
          }
          %and3A_193 = arith.constant true
          %and3A_194 = arith.andi %and3A, %and3A_193 : i1
          %add3A_195 = arith.constant 1 : i32
          %add3A_196 = arith.addi %while3A_143, %add3A_195 : i32
          %select_n3A_197 = arith.select %and3A_194, %add3A_196, %while3A_143 : i32
          %ne3A_198 = arith.cmpi ne, %add3A_155, %add3A_173 : i32
          %or3A_199 = arith.constant false
          %or3A_200 = arith.ori %or3A_199, %ne3A_198 : i1
          %or3A_201 = arith.constant false
          %or3A_202 = arith.ori %or3A_200, %or3A_201 : i1
          %sub3A_203 = arith.constant 2 : i32
          %sub3A_204 = arith.subi %mul3A_149, %sub3A_203 : i32
          %add3A_205 = arith.constant 1 : i32
          %add3A_206 = arith.addi %sub3A_204, %add3A_205 : i32
          %ge3A_207 = arith.cmpi sge, %while3A_142, %add3A_206 : i32
          %not3A_208 = arith.constant true
          %not3A_209 = arith.xori %ge3A_207, %not3A_208 : i1
          %and3A_210 = arith.andi %or3A_202, %not3A_209 : i1
          %ne3A_211 = arith.cmpi ne, %add3A_155, %add3A_165 : i32
          %or3A_212 = arith.constant false
          %or3A_213 = arith.ori %or3A_212, %ne3A_211 : i1
          %or3A_214 = arith.constant false
          %or3A_215 = arith.ori %or3A_213, %or3A_214 : i1
          %or3A_216 = arith.ori %or3A_215, %eq3A_151 : i1
          %convert_element_type3A_217 = arith.extui %or3A_216 : i1 to i32
          %cond3A_218 = arith.constant 0 : i32
          %cond3A_219 = arith.cmpi ne, %convert_element_type3A_217, %cond3A_218 : i32
          scf.if %cond3A_219 {
            "tpu.trace_start"() <{level = 10 : i32, message = "ep_wait_in"}> : () -> ()
            %mul3A_338 = arith.constant 1 : i32
            %mul3A_339 = arith.muli %mul3A_338, %add3A_155 : i32
            %rem3A_340 = arith.constant 2 : i32
            %rem3A_341 = arith.remui %while3A_144, %rem3A_340 : i32
            %dma_wait3A_342 = arith.constant 0 : i32
            %dma_wait3A_343 = arith.constant 0 : i32
            %dma_wait3A_344 = tpu.memref_slice %run_scoped3A[%rem3A_341, %dma_wait3A_342, %dma_wait3A_343] : memref<2x1x128xi32, #tpu.memory_space<vmem>> -> memref<1x1x128xi32, #tpu.memory_space<vmem>>
            %dma_wait3A_345 = tpu.memref_squeeze %dma_wait3A_344 : memref<1x1x128xi32, #tpu.memory_space<vmem>> -> memref<1x128xi32, #tpu.memory_space<vmem>>
            %dma_wait3A_346 = arith.constant 0 : i32
            %dma_wait3A_347 = tpu.memref_slice %arg3[%mul3A_339, %dma_wait3A_346] : memref<1400x128xi32, #tpu.memory_space<hbm>> -> memref<1x128xi32, #tpu.memory_space<hbm>>
            %dma_wait3A_348 = tpu.memref_slice %run_scoped3A_17[%rem3A_341] : memref<2x!tpu.dma_semaphore, #tpu.memory_space<semaphore_mem>> -> memref<1x!tpu.dma_semaphore, #tpu.memory_space<semaphore_mem>>
            %dma_wait3A_349 = tpu.memref_squeeze %dma_wait3A_348 : memref<1x!tpu.dma_semaphore, #tpu.memory_space<semaphore_mem>> -> memref<!tpu.dma_semaphore, #tpu.memory_space<semaphore_mem>>
            %dma_wait3A_350 = arith.constant 0 : i32
            %dma_wait3A_351 = arith.constant 0 : i32
            %dma_wait3A_352 = tpu.memref_slice %run_scoped3A[%rem3A_341, %dma_wait3A_350, %dma_wait3A_351] : memref<2x1x128xi32, #tpu.memory_space<vmem>> -> memref<1x1x128xi32, #tpu.memory_space<vmem>>
            %dma_wait3A_353 = tpu.memref_squeeze %dma_wait3A_352 : memref<1x1x128xi32, #tpu.memory_space<vmem>> -> memref<1x128xi32, #tpu.memory_space<vmem>>
            %dma_wait3A_354 = arith.constant 0 : i32
            %dma_wait3A_355 = tpu.memref_slice %arg3[%mul3A_339, %dma_wait3A_354] : memref<1400x128xi32, #tpu.memory_space<hbm>> -> memref<1x128xi32, #tpu.memory_space<hbm>>
            tpu.wait_dma2 semaphore(%dma_wait3A_349 : memref<!tpu.dma_semaphore, #tpu.memory_space<semaphore_mem>>) src(%dma_wait3A_355 : memref<1x128xi32, #tpu.memory_space<hbm>>) dst(%dma_wait3A_353 : memref<1x128xi32, #tpu.memory_space<vmem>>)
            "tpu.trace_stop"() : () -> ()
          } else {
          }
          %ne3A_220 = arith.cmpi ne, %add3A_155, %add3A_165 : i32
          %or3A_221 = arith.constant false
          %or3A_222 = arith.ori %or3A_221, %ne3A_220 : i1
          %or3A_223 = arith.constant false
          %or3A_224 = arith.ori %or3A_222, %or3A_223 : i1
          %or3A_225 = arith.ori %or3A_224, %eq3A_151 : i1
          %convert_element_type3A_226 = arith.extui %or3A_225 : i1 to i32
          %cond3A_227 = arith.constant 0 : i32
          %cond3A_228 = arith.cmpi ne, %convert_element_type3A_226, %cond3A_227 : i32
          scf.if %cond3A_228 {
          } else {
          }
          %rem3A_229 = arith.constant 2 : i32
          %rem3A_230 = arith.remui %while3A_144, %rem3A_229 : i32
          %rem3A_231 = arith.constant 2 : i32
          %rem3A_232 = arith.remui %while3A_145, %rem3A_231 : i32
          %dma_start3A_233 = arith.constant 0 : i32
          "tpu.trace_start"() <{level = 10 : i32, message = "ep_run_kernel"}> : () -> ()
          %dma_start3A_234 = arith.constant 0 : i32
          %dma_start3A_235 = arith.constant 0 : i32
          %dma_start3A_236 = tpu.memref_slice %run_scoped3A_18[%rem3A_232, %dma_start3A_234, %dma_start3A_235] : memref<2x128x128xf32, #tpu.memory_space<vmem>> -> memref<1x128x128xf32, #tpu.memory_space<vmem>>
          %dma_start3A_237 = tpu.memref_squeeze %dma_start3A_236 : memref<1x128x128xf32, #tpu.memory_space<vmem>> -> memref<128x128xf32, #tpu.memory_space<vmem>>
          %dma_start3A_238 = arith.constant 0 : i32
          %dma_start3A_239 = arith.constant 0 : i32
          %dma_start3A_240 = tpu.memref_slice %dma_start3A_237[%dma_start3A_238, %dma_start3A_239] : memref<128x128xf32, #tpu.memory_space<vmem>> -> memref<128x128xf32, #tpu.memory_space<vmem>>
          %dma_start3A_241 = arith.constant 0 : i32
          %dma_start3A_242 = arith.constant 0 : i32
          %dma_start3A_243 = tpu.memref_slice %run_scoped3A[%rem3A_230, %dma_start3A_241, %dma_start3A_242] : memref<2x1x128xi32, #tpu.memory_space<vmem>> -> memref<1x1x128xi32, #tpu.memory_space<vmem>>
          %dma_start3A_244 = tpu.memref_squeeze %dma_start3A_243 : memref<1x1x128xi32, #tpu.memory_space<vmem>> -> memref<1x128xi32, #tpu.memory_space<vmem>>
          %dma_start3A_245 = arith.constant 0 : i32
          %dma_start3A_246 = tpu.memref_slice %dma_start3A_244[%dma_start3A_233, %dma_start3A_245] : memref<1x128xi32, #tpu.memory_space<vmem>> -> memref<1x128xi32, #tpu.memory_space<vmem>>
          %dma_start3A_247 = tpu.memref_squeeze %dma_start3A_246 : memref<1x128xi32, #tpu.memory_space<vmem>> -> memref<128xi32, #tpu.memory_space<vmem>>
          %dma_start3A_248 = arith.constant 0 : i32
          %dma_start3A_249 = arith.constant 0 : i32
          %dma_start3A_250 = tpu.memref_slice %arg2[%dma_start3A_248, %dma_start3A_249] : memref<10000x128xf32, #tpu.memory_space<hbm>> -> memref<10000x128xf32, #tpu.memory_space<hbm>>
          tpu.enqueue_indirect_dma source(%dma_start3A_250 : memref<10000x128xf32, #tpu.memory_space<hbm>>) target(%dma_start3A_240 : memref<128x128xf32, #tpu.memory_space<vmem>>) offsets(%dma_start3A_247 : memref<128xi32, #tpu.memory_space<vmem>>) semaphore(%arg5 : memref<!tpu.dma_semaphore, #tpu.memory_space<semaphore_mem>>)
          %dma_wait3A = arith.constant 0 : i32
          %dma_wait3A_251 = arith.constant 0 : i32
          %dma_wait3A_252 = arith.constant 0 : i32
          %dma_wait3A_253 = tpu.memref_slice %run_scoped3A_18[%rem3A_232, %dma_wait3A_251, %dma_wait3A_252] : memref<2x128x128xf32, #tpu.memory_space<vmem>> -> memref<1x128x128xf32, #tpu.memory_space<vmem>>
          %dma_wait3A_254 = tpu.memref_squeeze %dma_wait3A_253 : memref<1x128x128xf32, #tpu.memory_space<vmem>> -> memref<128x128xf32, #tpu.memory_space<vmem>>
          %dma_wait3A_255 = arith.constant 0 : i32
          %dma_wait3A_256 = arith.constant 0 : i32
          %dma_wait3A_257 = tpu.memref_slice %dma_wait3A_254[%dma_wait3A_255, %dma_wait3A_256] : memref<128x128xf32, #tpu.memory_space<vmem>> -> memref<128x128xf32, #tpu.memory_space<vmem>>
          %dma_wait3A_258 = arith.constant 0 : i32
          %dma_wait3A_259 = arith.constant 0 : i32
          %dma_wait3A_260 = tpu.memref_slice %run_scoped3A[%rem3A_230, %dma_wait3A_258, %dma_wait3A_259] : memref<2x1x128xi32, #tpu.memory_space<vmem>> -> memref<1x1x128xi32, #tpu.memory_space<vmem>>
          %dma_wait3A_261 = tpu.memref_squeeze %dma_wait3A_260 : memref<1x1x128xi32, #tpu.memory_space<vmem>> -> memref<1x128xi32, #tpu.memory_space<vmem>>
          %dma_wait3A_262 = arith.constant 0 : i32
          %dma_wait3A_263 = tpu.memref_slice %dma_wait3A_261[%dma_wait3A, %dma_wait3A_262] : memref<1x128xi32, #tpu.memory_space<vmem>> -> memref<1x128xi32, #tpu.memory_space<vmem>>
          %dma_wait3A_264 = tpu.memref_squeeze %dma_wait3A_263 : memref<1x128xi32, #tpu.memory_space<vmem>> -> memref<128xi32, #tpu.memory_space<vmem>>
          %dma_wait3A_265 = arith.constant 0 : i32
          %dma_wait3A_266 = arith.constant 0 : i32
          %dma_wait3A_267 = tpu.memref_slice %arg2[%dma_wait3A_265, %dma_wait3A_266] : memref<10000x128xf32, #tpu.memory_space<hbm>> -> memref<10000x128xf32, #tpu.memory_space<hbm>>
          tpu.wait_indirect_dma semaphore(%arg5 : memref<!tpu.dma_semaphore, #tpu.memory_space<semaphore_mem>>) src(%dma_wait3A_267 : memref<10000x128xf32, #tpu.memory_space<hbm>>) dst(%dma_wait3A_257 : memref<128x128xf32, #tpu.memory_space<vmem>>)
          "tpu.trace_stop"() : () -> ()
          %ne3A_268 = arith.cmpi ne, %add3A_155, %add3A_173 : i32
          %or3A_269 = arith.constant false
          %or3A_270 = arith.ori %or3A_269, %ne3A_268 : i1
          %or3A_271 = arith.constant false
          %or3A_272 = arith.ori %or3A_270, %or3A_271 : i1
          %or3A_273 = arith.ori %or3A_272, %eq3A_154 : i1
          %convert_element_type3A_274 = arith.extui %or3A_273 : i1 to i32
          %cond3A_275 = arith.constant 0 : i32
          %cond3A_276 = arith.cmpi ne, %convert_element_type3A_274, %cond3A_275 : i32
          scf.if %cond3A_276 {
          } else {
          }
          %and3A_277 = arith.constant false
          %and3A_278 = arith.andi %or3A_273, %and3A_277 : i1
          %ne3A_279 = arith.cmpi ne, %add3A_155, %add3A_173 : i32
          %or3A_280 = arith.constant false
          %or3A_281 = arith.ori %or3A_280, %ne3A_279 : i1
          %or3A_282 = arith.constant false
          %or3A_283 = arith.ori %or3A_281, %or3A_282 : i1
          %or3A_284 = arith.ori %or3A_283, %eq3A_154 : i1
          %convert_element_type3A_285 = arith.extui %or3A_284 : i1 to i32
          %cond3A_286 = arith.constant 0 : i32
          %cond3A_287 = arith.cmpi ne, %convert_element_type3A_285, %cond3A_286 : i32
          scf.if %cond3A_287 {
            "tpu.trace_start"() <{level = 10 : i32, message = "ep_copy_out"}> : () -> ()
            %rem3A_338 = arith.constant 2 : i32
            %rem3A_339 = arith.remui %while3A_145, %rem3A_338 : i32
            %mul3A_340 = arith.constant 128 : i32
            %mul3A_341 = arith.muli %mul3A_340, %add3A_155 : i32
            %dma_start3A_342 = arith.constant 0 : i32
            %dma_start3A_343 = arith.constant 0 : i32
            %dma_start3A_344 = tpu.memref_slice %run_scoped3A_18[%rem3A_339, %dma_start3A_342, %dma_start3A_343] : memref<2x128x128xf32, #tpu.memory_space<vmem>> -> memref<1x128x128xf32, #tpu.memory_space<vmem>>
            %dma_start3A_345 = tpu.memref_squeeze %dma_start3A_344 : memref<1x128x128xf32, #tpu.memory_space<vmem>> -> memref<128x128xf32, #tpu.memory_space<vmem>>
            %dma_start3A_346 = arith.constant 0 : i32
            %dma_start3A_347 = tpu.memref_slice %arg4[%mul3A_341, %dma_start3A_346] : memref<179200x128xf32, #tpu.memory_space<hbm>> -> memref<128x128xf32, #tpu.memory_space<hbm>>
            %dma_start3A_348 = tpu.memref_slice %run_scoped3A_19[%rem3A_339] : memref<2x!tpu.dma_semaphore, #tpu.memory_space<semaphore_mem>> -> memref<1x!tpu.dma_semaphore, #tpu.memory_space<semaphore_mem>>
            %dma_start3A_349 = tpu.memref_squeeze %dma_start3A_348 : memref<1x!tpu.dma_semaphore, #tpu.memory_space<semaphore_mem>> -> memref<!tpu.dma_semaphore, #tpu.memory_space<semaphore_mem>>
            %dma_start3A_350 = arith.constant 0 : i32
            %dma_start3A_351 = tpu.memref_slice %arg4[%mul3A_341, %dma_start3A_350] : memref<179200x128xf32, #tpu.memory_space<hbm>> -> memref<128x128xf32, #tpu.memory_space<hbm>>
            %dma_start3A_352 = arith.constant 0 : i32
            %dma_start3A_353 = arith.constant 0 : i32
            %dma_start3A_354 = tpu.memref_slice %run_scoped3A_18[%rem3A_339, %dma_start3A_352, %dma_start3A_353] : memref<2x128x128xf32, #tpu.memory_space<vmem>> -> memref<1x128x128xf32, #tpu.memory_space<vmem>>
            %dma_start3A_355 = tpu.memref_squeeze %dma_start3A_354 : memref<1x128x128xf32, #tpu.memory_space<vmem>> -> memref<128x128xf32, #tpu.memory_space<vmem>>
            tpu.enqueue_dma source(%dma_start3A_355 : memref<128x128xf32, #tpu.memory_space<vmem>>) target(%dma_start3A_351 : memref<128x128xf32, #tpu.memory_space<hbm>>) target_semaphore(%dma_start3A_349 : memref<!tpu.dma_semaphore, #tpu.memory_space<semaphore_mem>>)
            "tpu.trace_stop"() : () -> ()
          } else {
          }
          %and3A_288 = arith.constant true
          %and3A_289 = arith.andi %or3A_284, %and3A_288 : i1
          %add3A_290 = arith.constant 1 : i32
          %add3A_291 = arith.addi %while3A_145, %add3A_290 : i32
          %select_n3A_292 = arith.select %and3A_289, %add3A_291, %while3A_145 : i32
          %ne3A_293 = arith.cmpi ne, %add3A_155, %add3A_165 : i32
          %or3A_294 = arith.constant false
          %or3A_295 = arith.ori %or3A_294, %ne3A_293 : i1
          %or3A_296 = arith.constant false
          %or3A_297 = arith.ori %or3A_295, %or3A_296 : i1
          %not3A_298 = arith.constant true
          %not3A_299 = arith.xori %eq3A_151, %not3A_298 : i1
          %and3A_300 = arith.andi %or3A_297, %not3A_299 : i1
          %convert_element_type3A_301 = arith.extui %and3A_300 : i1 to i32
          %cond3A_302 = arith.constant 0 : i32
          %cond3A_303 = arith.cmpi ne, %convert_element_type3A_301, %cond3A_302 : i32
          scf.if %cond3A_303 {
          } else {
          }
          %and3A_304 = arith.constant false
          %and3A_305 = arith.andi %and3A_300, %and3A_304 : i1
          %ne3A_306 = arith.cmpi ne, %add3A_155, %add3A_165 : i32
          %or3A_307 = arith.constant false
          %or3A_308 = arith.ori %or3A_307, %ne3A_306 : i1
          %or3A_309 = arith.constant false
          %or3A_310 = arith.ori %or3A_308, %or3A_309 : i1
          %not3A_311 = arith.constant true
          %not3A_312 = arith.xori %eq3A_151, %not3A_311 : i1
          %and3A_313 = arith.andi %or3A_310, %not3A_312 : i1
          %convert_element_type3A_314 = arith.extui %and3A_313 : i1 to i32
          %cond3A_315 = arith.constant 0 : i32
          %cond3A_316 = arith.cmpi ne, %convert_element_type3A_314, %cond3A_315 : i32
          scf.if %cond3A_316 {
            "tpu.trace_start"() <{level = 10 : i32, message = "ep_wait_out"}> : () -> ()
            %rem3A_338 = arith.constant 2 : i32
            %rem3A_339 = arith.remui %while3A_146, %rem3A_338 : i32
            %mul3A_340 = arith.constant 128 : i32
            %mul3A_341 = arith.muli %mul3A_340, %add3A_165 : i32
            %dma_wait3A_342 = arith.constant 0 : i32
            %dma_wait3A_343 = arith.constant 0 : i32
            %dma_wait3A_344 = tpu.memref_slice %run_scoped3A_18[%rem3A_339, %dma_wait3A_342, %dma_wait3A_343] : memref<2x128x128xf32, #tpu.memory_space<vmem>> -> memref<1x128x128xf32, #tpu.memory_space<vmem>>
            %dma_wait3A_345 = tpu.memref_squeeze %dma_wait3A_344 : memref<1x128x128xf32, #tpu.memory_space<vmem>> -> memref<128x128xf32, #tpu.memory_space<vmem>>
            %dma_wait3A_346 = arith.constant 0 : i32
            %dma_wait3A_347 = tpu.memref_slice %arg4[%mul3A_341, %dma_wait3A_346] : memref<179200x128xf32, #tpu.memory_space<hbm>> -> memref<128x128xf32, #tpu.memory_space<hbm>>
            %dma_wait3A_348 = tpu.memref_slice %run_scoped3A_19[%rem3A_339] : memref<2x!tpu.dma_semaphore, #tpu.memory_space<semaphore_mem>> -> memref<1x!tpu.dma_semaphore, #tpu.memory_space<semaphore_mem>>
            %dma_wait3A_349 = tpu.memref_squeeze %dma_wait3A_348 : memref<1x!tpu.dma_semaphore, #tpu.memory_space<semaphore_mem>> -> memref<!tpu.dma_semaphore, #tpu.memory_space<semaphore_mem>>
            %dma_wait3A_350 = arith.constant 0 : i32
            %dma_wait3A_351 = tpu.memref_slice %arg4[%mul3A_341, %dma_wait3A_350] : memref<179200x128xf32, #tpu.memory_space<hbm>> -> memref<128x128xf32, #tpu.memory_space<hbm>>
            %dma_wait3A_352 = arith.constant 0 : i32
            %dma_wait3A_353 = arith.constant 0 : i32
            %dma_wait3A_354 = tpu.memref_slice %run_scoped3A_18[%rem3A_339, %dma_wait3A_352, %dma_wait3A_353] : memref<2x128x128xf32, #tpu.memory_space<vmem>> -> memref<1x128x128xf32, #tpu.memory_space<vmem>>
            %dma_wait3A_355 = tpu.memref_squeeze %dma_wait3A_354 : memref<1x128x128xf32, #tpu.memory_space<vmem>> -> memref<128x128xf32, #tpu.memory_space<vmem>>
            tpu.wait_dma2 semaphore(%dma_wait3A_349 : memref<!tpu.dma_semaphore, #tpu.memory_space<semaphore_mem>>) src(%dma_wait3A_355 : memref<128x128xf32, #tpu.memory_space<vmem>>) dst(%dma_wait3A_351 : memref<128x128xf32, #tpu.memory_space<hbm>>)
            "tpu.trace_stop"() : () -> ()
          } else {
          }
          %and3A_317 = arith.constant true
          %and3A_318 = arith.andi %and3A_313, %and3A_317 : i1
          %add3A_319 = arith.constant 1 : i32
          %add3A_320 = arith.addi %while3A_146, %add3A_319 : i32
          %select_n3A_321 = arith.select %and3A_318, %add3A_320, %while3A_146 : i32
          %ne3A_322 = arith.cmpi ne, %add3A_155, %add3A_173 : i32
          %or3A_323 = arith.constant false
          %or3A_324 = arith.ori %or3A_323, %ne3A_322 : i1
          %or3A_325 = arith.constant false
          %or3A_326 = arith.ori %or3A_324, %or3A_325 : i1
          %or3A_327 = arith.ori %or3A_326, %eq3A_154 : i1
          %add3A_328 = arith.constant 1 : i32
          %add3A_329 = arith.addi %while3A_144, %add3A_328 : i32
          %select_n3A_330 = arith.select %or3A_327, %add3A_329, %while3A_144 : i32
          %add3A_331 = arith.constant 1 : i32
          %add3A_332 = arith.addi %while3A_147, %add3A_331 : i32
          %select_n3A_333 = arith.constant true
          %select_n3A_334 = arith.select %select_n3A_333, %add3A_332, %while3A_147 : i32
          %eq3A_335 = arith.cmpi eq, %select_n3A_334, %select_n3A : i32
          %select_n3A_336 = arith.constant 0 : i32
          %select_n3A_337 = arith.select %eq3A_335, %select_n3A_336, %select_n3A_334 : i32
          scf.yield %select_n3A_197, %select_n3A_330, %select_n3A_292, %select_n3A_321, %select_n3A_337 : i32, i32, i32, i32, i32
        }
        %sub3A_91 = arith.constant 1 : i32
        %sub3A_92 = arith.subi %while3A_90#4, %sub3A_91 : i32
        %select_n3A_93 = arith.constant true
        %select_n3A_94 = arith.select %select_n3A_93, %sub3A_92, %while3A_90#4 : i32
        %eq3A_95 = arith.constant -1 : i32
        %eq3A_96 = arith.cmpi eq, %select_n3A_94, %eq3A_95 : i32
        %sub3A_97 = arith.constant 1 : i32
        %sub3A_98 = arith.subi %select_n3A, %sub3A_97 : i32
        %select_n3A_99 = arith.select %eq3A_96, %sub3A_98, %select_n3A_94 : i32
        %sub3A_100 = arith.constant 1 : i32
        %sub3A_101 = arith.subi %mul3A_16, %sub3A_100 : i32
        %mul3A_102 = arith.constant 1 : i32
        %mul3A_103 = arith.muli %mul3A_102, %select_n3A : i32
        %eq3A_104 = arith.constant 0 : i32
        %eq3A_105 = arith.cmpi eq, %sub3A_101, %eq3A_104 : i32
        %sub3A_106 = arith.constant 1 : i32
        %sub3A_107 = arith.subi %mul3A_103, %sub3A_106 : i32
        %eq3A_108 = arith.cmpi eq, %sub3A_101, %sub3A_107 : i32
        %add3A_109 = arith.addi %select_n3A_99, %select_n3A_14 : i32
        %sub3A_110 = arith.constant 1 : i32
        %sub3A_111 = arith.subi %select_n3A_99, %sub3A_110 : i32
        %select_n3A_112 = arith.constant true
        %select_n3A_113 = arith.select %select_n3A_112, %sub3A_111, %select_n3A_99 : i32
        %eq3A_114 = arith.constant -1 : i32
        %eq3A_115 = arith.cmpi eq, %select_n3A_113, %eq3A_114 : i32
        %sub3A_116 = arith.constant 1 : i32
        %sub3A_117 = arith.subi %select_n3A, %sub3A_116 : i32
        %select_n3A_118 = arith.select %eq3A_115, %sub3A_117, %select_n3A_113 : i32
        %add3A_119 = arith.addi %select_n3A_118, %select_n3A_14 : i32
        %add3A_120 = arith.constant 1 : i32
        %add3A_121 = arith.addi %select_n3A_99, %add3A_120 : i32
        %select_n3A_122 = arith.constant true
        %select_n3A_123 = arith.select %select_n3A_122, %add3A_121, %select_n3A_99 : i32
        %eq3A_124 = arith.cmpi eq, %select_n3A_123, %select_n3A : i32
        %select_n3A_125 = arith.constant 0 : i32
        %select_n3A_126 = arith.select %eq3A_124, %select_n3A_125, %select_n3A_123 : i32
        %add3A_127 = arith.addi %select_n3A_126, %select_n3A_14 : i32
        %add3A_128 = arith.constant 1 : i32
        %add3A_129 = arith.addi %select_n3A_126, %add3A_128 : i32
        %select_n3A_130 = arith.constant true
        %select_n3A_131 = arith.select %select_n3A_130, %add3A_129, %select_n3A_126 : i32
        %eq3A_132 = arith.cmpi eq, %select_n3A_131, %select_n3A : i32
        %select_n3A_133 = arith.constant 0 : i32
        %select_n3A_134 = arith.select %eq3A_132, %select_n3A_133, %select_n3A_131 : i32
        %add3A_135 = arith.addi %select_n3A_134, %select_n3A_14 : i32
        %convert_element_type3A_136 = arith.extui %eq3A_108 : i1 to i32
        %cond3A_137 = arith.constant 0 : i32
        %cond3A_138 = arith.cmpi ne, %convert_element_type3A_136, %cond3A_137 : i32
        scf.if %cond3A_138 {
        } else {
        }
        %convert_element_type3A_139 = arith.extui %eq3A_108 : i1 to i32
        %cond3A_140 = arith.constant 0 : i32
        %cond3A_141 = arith.cmpi ne, %convert_element_type3A_139, %cond3A_140 : i32
        scf.if %cond3A_141 {
          "tpu.trace_start"() <{level = 10 : i32, message = "ep_finalize"}> : () -> ()
          %rem3A_142 = arith.constant 2 : i32
          %rem3A_143 = arith.remui %while3A_90#3, %rem3A_142 : i32
          %mul3A_144 = arith.constant 128 : i32
          %mul3A_145 = arith.muli %mul3A_144, %add3A_109 : i32
          %dma_wait3A = arith.constant 0 : i32
          %dma_wait3A_146 = arith.constant 0 : i32
          %dma_wait3A_147 = tpu.memref_slice %run_scoped3A_18[%rem3A_143, %dma_wait3A, %dma_wait3A_146] : memref<2x128x128xf32, #tpu.memory_space<vmem>> -> memref<1x128x128xf32, #tpu.memory_space<vmem>>
          %dma_wait3A_148 = tpu.memref_squeeze %dma_wait3A_147 : memref<1x128x128xf32, #tpu.memory_space<vmem>> -> memref<128x128xf32, #tpu.memory_space<vmem>>
          %dma_wait3A_149 = arith.constant 0 : i32
          %dma_wait3A_150 = tpu.memref_slice %arg4[%mul3A_145, %dma_wait3A_149] : memref<179200x128xf32, #tpu.memory_space<hbm>> -> memref<128x128xf32, #tpu.memory_space<hbm>>
          %dma_wait3A_151 = tpu.memref_slice %run_scoped3A_19[%rem3A_143] : memref<2x!tpu.dma_semaphore, #tpu.memory_space<semaphore_mem>> -> memref<1x!tpu.dma_semaphore, #tpu.memory_space<semaphore_mem>>
          %dma_wait3A_152 = tpu.memref_squeeze %dma_wait3A_151 : memref<1x!tpu.dma_semaphore, #tpu.memory_space<semaphore_mem>> -> memref<!tpu.dma_semaphore, #tpu.memory_space<semaphore_mem>>
          %dma_wait3A_153 = arith.constant 0 : i32
          %dma_wait3A_154 = tpu.memref_slice %arg4[%mul3A_145, %dma_wait3A_153] : memref<179200x128xf32, #tpu.memory_space<hbm>> -> memref<128x128xf32, #tpu.memory_space<hbm>>
          %dma_wait3A_155 = arith.constant 0 : i32
          %dma_wait3A_156 = arith.constant 0 : i32
          %dma_wait3A_157 = tpu.memref_slice %run_scoped3A_18[%rem3A_143, %dma_wait3A_155, %dma_wait3A_156] : memref<2x128x128xf32, #tpu.memory_space<vmem>> -> memref<1x128x128xf32, #tpu.memory_space<vmem>>
          %dma_wait3A_158 = tpu.memref_squeeze %dma_wait3A_157 : memref<1x128x128xf32, #tpu.memory_space<vmem>> -> memref<128x128xf32, #tpu.memory_space<vmem>>
          tpu.wait_dma2 semaphore(%dma_wait3A_152 : memref<!tpu.dma_semaphore, #tpu.memory_space<semaphore_mem>>) src(%dma_wait3A_158 : memref<128x128xf32, #tpu.memory_space<vmem>>) dst(%dma_wait3A_154 : memref<128x128xf32, #tpu.memory_space<hbm>>)
          "tpu.trace_stop"() : () -> ()
        } else {
        }
      } else {
      }
      tpu.yield
    }) : () -> ()
    return
  }
}

#map = affine_map<(d0, d1) -> (0, 0)>
module attributes {stable_mosaic.version = 14 : i64} {
  func.func @gather_kernel(%arg0: i32, %arg1: i32, %arg2: memref<10000x128xf32, #tpu.memory_space<hbm>>, %arg3: memref<1000x128xi32, #tpu.memory_space<hbm>>, %arg4: memref<128000x128xf32, #tpu.memory_space<hbm>>, %arg5: memref<!tpu.dma_semaphore, #tpu.memory_space<semaphore_mem>>) attributes {dimension_semantics = [#tpu.dimension_semantics<core_parallel>, #tpu.dimension_semantics<subcore_parallel>], iteration_bounds = array<i64: 2, 16>, scalar_prefetch = 0 : i64, scratch_operands = 1 : i64, tpu.core_type = #tpu.core_type<sc_vector_subcore>, window_params = [{transform_indices = #map}, {transform_indices = #map}, {transform_indices = #map}]} {
    %mul3A = arith.constant 1 : i32
    %mul3A_0 = arith.muli %arg1, %mul3A : i32
    %add3A = arith.constant 0 : i32
    %add3A_1 = arith.addi %add3A, %mul3A_0 : i32
    %mul3A_2 = arith.constant 16 : i32
    %mul3A_3 = arith.muli %arg0, %mul3A_2 : i32
    %add3A_4 = arith.addi %add3A_1, %mul3A_3 : i32
    %lt3A = arith.constant 8 : i32
    %lt3A_5 = arith.cmpi slt, %add3A_4, %lt3A : i32
    %jit3A = arith.constant 32 : i32
    %jit3A_6 = arith.constant 31 : i32
    %select_n3A = arith.select %lt3A_5, %jit3A, %jit3A_6 : i32
    %lt3A_7 = arith.constant 8 : i32
    %lt3A_8 = arith.cmpi slt, %add3A_4, %lt3A_7 : i32
    %mul3A_9 = arith.muli %add3A_4, %select_n3A : i32
    %mul3A_10 = arith.constant 31 : i32
    %mul3A_11 = arith.muli %add3A_4, %mul3A_10 : i32
    %add3A_12 = arith.constant 8 : i32
    %add3A_13 = arith.addi %mul3A_11, %add3A_12 : i32
    %select_n3A_14 = arith.select %lt3A_8, %mul3A_9, %add3A_13 : i32
    %mul3A_15 = arith.constant 1 : i32
    %mul3A_16 = arith.muli %mul3A_15, %select_n3A : i32
    "tpu.region"() ({
      %run_scoped3A = memref.alloca() : memref<2x1x128xi32, #tpu.memory_space<vmem>>
      %run_scoped3A_17 = tpu.sem_alloc : memref<2x!tpu.dma_semaphore, #tpu.memory_space<semaphore_mem>>
      %run_scoped3A_18 = memref.alloca() : memref<2x128x128xf32, #tpu.memory_space<vmem>>
      %run_scoped3A_19 = tpu.sem_alloc : memref<2x!tpu.dma_semaphore, #tpu.memory_space<semaphore_mem>>
      %gt3A = arith.constant 0 : i32
      %gt3A_20 = arith.cmpi sgt, %mul3A_16, %gt3A : i32
      %convert_element_type3A = arith.extui %gt3A_20 : i1 to i32
      %cond3A = arith.constant 0 : i32
      %cond3A_21 = arith.cmpi ne, %convert_element_type3A, %cond3A : i32
      scf.if %cond3A_21 {
        %mul3A_22 = arith.constant 1 : i32
        %mul3A_23 = arith.muli %mul3A_22, %select_n3A : i32
        %sub3A = arith.constant 1 : i32
        %sub3A_24 = arith.subi %mul3A_23, %sub3A : i32
        %eq3A = arith.constant 0 : i32
        %eq3A_25 = arith.cmpi eq, %sub3A_24, %eq3A : i32
        %add3A_26 = arith.constant 0 : i32
        %add3A_27 = arith.addi %add3A_26, %select_n3A_14 : i32
        %select_n3A_28 = arith.constant true
        %select_n3A_29 = arith.constant 0 : i32
        %select_n3A_30 = arith.constant -1 : i32
        %select_n3A_31 = arith.select %select_n3A_28, %select_n3A_30, %select_n3A_29 : i32
        %eq3A_32 = arith.constant -1 : i32
        %eq3A_33 = arith.cmpi eq, %select_n3A_31, %eq3A_32 : i32
        %sub3A_34 = arith.constant 1 : i32
        %sub3A_35 = arith.subi %select_n3A, %sub3A_34 : i32
        %select_n3A_36 = arith.select %eq3A_33, %sub3A_35, %select_n3A_31 : i32
        %add3A_37 = arith.addi %select_n3A_36, %select_n3A_14 : i32
        %select_n3A_38 = arith.constant true
        %select_n3A_39 = arith.constant 0 : i32
        %select_n3A_40 = arith.constant 1 : i32
        %select_n3A_41 = arith.select %select_n3A_38, %select_n3A_40, %select_n3A_39 : i32
        %eq3A_42 = arith.cmpi eq, %select_n3A_41, %select_n3A : i32
        %select_n3A_43 = arith.constant 0 : i32
        %select_n3A_44 = arith.select %eq3A_42, %select_n3A_43, %select_n3A_41 : i32
        %add3A_45 = arith.addi %select_n3A_44, %select_n3A_14 : i32
        %add3A_46 = arith.constant 1 : i32
        %add3A_47 = arith.addi %select_n3A_44, %add3A_46 : i32
        %select_n3A_48 = arith.constant true
        %select_n3A_49 = arith.select %select_n3A_48, %add3A_47, %select_n3A_44 : i32
        %eq3A_50 = arith.cmpi eq, %select_n3A_49, %select_n3A : i32
        %select_n3A_51 = arith.constant 0 : i32
        %select_n3A_52 = arith.select %eq3A_50, %select_n3A_51, %select_n3A_49 : i32
        %add3A_53 = arith.addi %select_n3A_52, %select_n3A_14 : i32
        "tpu.trace_start"() <{level = 10 : i32, message = "ep_initialize_0"}> : () -> ()
        %rem3A = arith.constant 0 : i32
        %rem3A_54 = arith.constant 2 : i32
        %rem3A_55 = arith.remui %rem3A, %rem3A_54 : i32
        %mul3A_56 = arith.constant 1 : i32
        %mul3A_57 = arith.muli %mul3A_56, %add3A_27 : i32
        %dma_start3A = arith.constant 0 : i32
        %dma_start3A_58 = arith.constant 0 : i32
        %dma_start3A_59 = tpu.memref_slice %run_scoped3A[%rem3A_55, %dma_start3A, %dma_start3A_58] : memref<2x1x128xi32, #tpu.memory_space<vmem>> -> memref<1x1x128xi32, #tpu.memory_space<vmem>>
        %dma_start3A_60 = tpu.memref_squeeze %dma_start3A_59 : memref<1x1x128xi32, #tpu.memory_space<vmem>> -> memref<1x128xi32, #tpu.memory_space<vmem>>
        %dma_start3A_61 = arith.constant 0 : i32
        %dma_start3A_62 = tpu.memref_slice %arg3[%mul3A_57, %dma_start3A_61] : memref<1000x128xi32, #tpu.memory_space<hbm>> -> memref<1x128xi32, #tpu.memory_space<hbm>>
        %dma_start3A_63 = tpu.memref_slice %run_scoped3A_17[%rem3A_55] : memref<2x!tpu.dma_semaphore, #tpu.memory_space<semaphore_mem>> -> memref<1x!tpu.dma_semaphore, #tpu.memory_space<semaphore_mem>>
        %dma_start3A_64 = tpu.memref_squeeze %dma_start3A_63 : memref<1x!tpu.dma_semaphore, #tpu.memory_space<semaphore_mem>> -> memref<!tpu.dma_semaphore, #tpu.memory_space<semaphore_mem>>
        %dma_start3A_65 = arith.constant 0 : i32
        %dma_start3A_66 = arith.constant 0 : i32
        %dma_start3A_67 = tpu.memref_slice %run_scoped3A[%rem3A_55, %dma_start3A_65, %dma_start3A_66] : memref<2x1x128xi32, #tpu.memory_space<vmem>> -> memref<1x1x128xi32, #tpu.memory_space<vmem>>
        %dma_start3A_68 = tpu.memref_squeeze %dma_start3A_67 : memref<1x1x128xi32, #tpu.memory_space<vmem>> -> memref<1x128xi32, #tpu.memory_space<vmem>>
        %dma_start3A_69 = arith.constant 0 : i32
        %dma_start3A_70 = tpu.memref_slice %arg3[%mul3A_57, %dma_start3A_69] : memref<1000x128xi32, #tpu.memory_space<hbm>> -> memref<1x128xi32, #tpu.memory_space<hbm>>
        tpu.enqueue_dma source(%dma_start3A_70 : memref<1x128xi32, #tpu.memory_space<hbm>>) target(%dma_start3A_68 : memref<1x128xi32, #tpu.memory_space<vmem>>) target_semaphore(%dma_start3A_64 : memref<!tpu.dma_semaphore, #tpu.memory_space<semaphore_mem>>)
        %add3A_71 = arith.constant 0 : i32
        %add3A_72 = arith.constant 1 : i32
        %add3A_73 = arith.addi %add3A_71, %add3A_72 : i32
        %select_n3A_74 = arith.constant true
        %select_n3A_75 = arith.constant 0 : i32
        %select_n3A_76 = arith.select %select_n3A_74, %add3A_73, %select_n3A_75 : i32
        %while3A = arith.constant 0 : i32
        %while3A_77 = arith.constant 0 : i32
        %while3A_78 = arith.constant 0 : i32
        %while3A_79 = arith.constant 0 : i32
        %while3A_80 = arith.constant 0 : i32
        "tpu.trace_stop"() : () -> ()
        %while3A_81 = arith.subi %mul3A_16, %while3A : i32
        %while3A_82 = arith.addi %while3A, %while3A_81 : i32
        %while3A_83 = arith.constant 1 : i32
        %while3A_84 = arith.divsi %while3A_81, %while3A_83 : i32
        %while3A_85 = arith.muli %while3A_84, %while3A_83 : i32
        %while3A_86 = arith.addi %while3A, %while3A_85 : i32
        %while3A_87 = arith.constant 1 : i32
        %while3A_88:5 = scf.for %while3A_142 = %while3A to %while3A_86 step %while3A_87 iter_args(%while3A_143 = %select_n3A_76, %while3A_144 = %while3A_77, %while3A_145 = %while3A_78, %while3A_146 = %while3A_79, %while3A_147 = %while3A_80) -> (i32, i32, i32, i32, i32)  : i32 {
          %mul3A_148 = arith.constant 1 : i32
          %mul3A_149 = arith.muli %mul3A_148, %select_n3A : i32
          %eq3A_150 = arith.constant 0 : i32
          %eq3A_151 = arith.cmpi eq, %while3A_142, %eq3A_150 : i32
          %sub3A_152 = arith.constant 1 : i32
          %sub3A_153 = arith.subi %mul3A_149, %sub3A_152 : i32
          %eq3A_154 = arith.cmpi eq, %while3A_142, %sub3A_153 : i32
          %add3A_155 = arith.addi %while3A_147, %select_n3A_14 : i32
          %sub3A_156 = arith.constant 1 : i32
          %sub3A_157 = arith.subi %while3A_147, %sub3A_156 : i32
          %select_n3A_158 = arith.constant true
          %select_n3A_159 = arith.select %select_n3A_158, %sub3A_157, %while3A_147 : i32
          %eq3A_160 = arith.constant -1 : i32
          %eq3A_161 = arith.cmpi eq, %select_n3A_159, %eq3A_160 : i32
          %sub3A_162 = arith.constant 1 : i32
          %sub3A_163 = arith.subi %select_n3A, %sub3A_162 : i32
          %select_n3A_164 = arith.select %eq3A_161, %sub3A_163, %select_n3A_159 : i32
          %add3A_165 = arith.addi %select_n3A_164, %select_n3A_14 : i32
          %add3A_166 = arith.constant 1 : i32
          %add3A_167 = arith.addi %while3A_147, %add3A_166 : i32
          %select_n3A_168 = arith.constant true
          %select_n3A_169 = arith.select %select_n3A_168, %add3A_167, %while3A_147 : i32
          %eq3A_170 = arith.cmpi eq, %select_n3A_169, %select_n3A : i32
          %select_n3A_171 = arith.constant 0 : i32
          %select_n3A_172 = arith.select %eq3A_170, %select_n3A_171, %select_n3A_169 : i32
          %add3A_173 = arith.addi %select_n3A_172, %select_n3A_14 : i32
          %add3A_174 = arith.constant 1 : i32
          %add3A_175 = arith.addi %select_n3A_172, %add3A_174 : i32
          %select_n3A_176 = arith.constant true
          %select_n3A_177 = arith.select %select_n3A_176, %add3A_175, %select_n3A_172 : i32
          %eq3A_178 = arith.cmpi eq, %select_n3A_177, %select_n3A : i32
          %select_n3A_179 = arith.constant 0 : i32
          %select_n3A_180 = arith.select %eq3A_178, %select_n3A_179, %select_n3A_177 : i32
          %add3A_181 = arith.addi %select_n3A_180, %select_n3A_14 : i32
          %ne3A = arith.cmpi ne, %add3A_155, %add3A_173 : i32
          %or3A = arith.constant false
          %or3A_182 = arith.ori %or3A, %ne3A : i1
          %or3A_183 = arith.constant false
          %or3A_184 = arith.ori %or3A_182, %or3A_183 : i1
          %sub3A_185 = arith.constant 2 : i32
          %sub3A_186 = arith.subi %mul3A_149, %sub3A_185 : i32
          %add3A_187 = arith.constant 1 : i32
          %add3A_188 = arith.addi %sub3A_186, %add3A_187 : i32
          %ge3A = arith.cmpi sge, %while3A_142, %add3A_188 : i32
          %not3A = arith.constant true
          %not3A_189 = arith.xori %ge3A, %not3A : i1
          %and3A = arith.andi %or3A_184, %not3A_189 : i1
          %convert_element_type3A_190 = arith.extui %and3A : i1 to i32
          %cond3A_191 = arith.constant 0 : i32
          %cond3A_192 = arith.cmpi ne, %convert_element_type3A_190, %cond3A_191 : i32
          scf.if %cond3A_192 {
            "tpu.trace_start"() <{level = 10 : i32, message = "ep_copy_in"}> : () -> ()
            %rem3A_338 = arith.constant 2 : i32
            %rem3A_339 = arith.remui %while3A_143, %rem3A_338 : i32
            %mul3A_340 = arith.constant 1 : i32
            %mul3A_341 = arith.muli %mul3A_340, %add3A_173 : i32
            %dma_start3A_342 = arith.constant 0 : i32
            %dma_start3A_343 = arith.constant 0 : i32
            %dma_start3A_344 = tpu.memref_slice %run_scoped3A[%rem3A_339, %dma_start3A_342, %dma_start3A_343] : memref<2x1x128xi32, #tpu.memory_space<vmem>> -> memref<1x1x128xi32, #tpu.memory_space<vmem>>
            %dma_start3A_345 = tpu.memref_squeeze %dma_start3A_344 : memref<1x1x128xi32, #tpu.memory_space<vmem>> -> memref<1x128xi32, #tpu.memory_space<vmem>>
            %dma_start3A_346 = arith.constant 0 : i32
            %dma_start3A_347 = tpu.memref_slice %arg3[%mul3A_341, %dma_start3A_346] : memref<1000x128xi32, #tpu.memory_space<hbm>> -> memref<1x128xi32, #tpu.memory_space<hbm>>
            %dma_start3A_348 = tpu.memref_slice %run_scoped3A_17[%rem3A_339] : memref<2x!tpu.dma_semaphore, #tpu.memory_space<semaphore_mem>> -> memref<1x!tpu.dma_semaphore, #tpu.memory_space<semaphore_mem>>
            %dma_start3A_349 = tpu.memref_squeeze %dma_start3A_348 : memref<1x!tpu.dma_semaphore, #tpu.memory_space<semaphore_mem>> -> memref<!tpu.dma_semaphore, #tpu.memory_space<semaphore_mem>>
            %dma_start3A_350 = arith.constant 0 : i32
            %dma_start3A_351 = arith.constant 0 : i32
            %dma_start3A_352 = tpu.memref_slice %run_scoped3A[%rem3A_339, %dma_start3A_350, %dma_start3A_351] : memref<2x1x128xi32, #tpu.memory_space<vmem>> -> memref<1x1x128xi32, #tpu.memory_space<vmem>>
            %dma_start3A_353 = tpu.memref_squeeze %dma_start3A_352 : memref<1x1x128xi32, #tpu.memory_space<vmem>> -> memref<1x128xi32, #tpu.memory_space<vmem>>
            %dma_start3A_354 = arith.constant 0 : i32
            %dma_start3A_355 = tpu.memref_slice %arg3[%mul3A_341, %dma_start3A_354] : memref<1000x128xi32, #tpu.memory_space<hbm>> -> memref<1x128xi32, #tpu.memory_space<hbm>>
            tpu.enqueue_dma source(%dma_start3A_355 : memref<1x128xi32, #tpu.memory_space<hbm>>) target(%dma_start3A_353 : memref<1x128xi32, #tpu.memory_space<vmem>>) target_semaphore(%dma_start3A_349 : memref<!tpu.dma_semaphore, #tpu.memory_space<semaphore_mem>>)
            "tpu.trace_stop"() : () -> ()
          } else {
          }
          %and3A_193 = arith.constant true
          %and3A_194 = arith.andi %and3A, %and3A_193 : i1
          %add3A_195 = arith.constant 1 : i32
          %add3A_196 = arith.addi %while3A_143, %add3A_195 : i32
          %select_n3A_197 = arith.select %and3A_194, %add3A_196, %while3A_143 : i32
          %ne3A_198 = arith.cmpi ne, %add3A_155, %add3A_173 : i32
          %or3A_199 = arith.constant false
          %or3A_200 = arith.ori %or3A_199, %ne3A_198 : i1
          %or3A_201 = arith.constant false
          %or3A_202 = arith.ori %or3A_200, %or3A_201 : i1
          %sub3A_203 = arith.constant 2 : i32
          %sub3A_204 = arith.subi %mul3A_149, %sub3A_203 : i32
          %add3A_205 = arith.constant 1 : i32
          %add3A_206 = arith.addi %sub3A_204, %add3A_205 : i32
          %ge3A_207 = arith.cmpi sge, %while3A_142, %add3A_206 : i32
          %not3A_208 = arith.constant true
          %not3A_209 = arith.xori %ge3A_207, %not3A_208 : i1
          %and3A_210 = arith.andi %or3A_202, %not3A_209 : i1
          %ne3A_211 = arith.cmpi ne, %add3A_155, %add3A_165 : i32
          %or3A_212 = arith.constant false
          %or3A_213 = arith.ori %or3A_212, %ne3A_211 : i1
          %or3A_214 = arith.constant false
          %or3A_215 = arith.ori %or3A_213, %or3A_214 : i1
          %or3A_216 = arith.ori %or3A_215, %eq3A_151 : i1
          %convert_element_type3A_217 = arith.extui %or3A_216 : i1 to i32
          %cond3A_218 = arith.constant 0 : i32
          %cond3A_219 = arith.cmpi ne, %convert_element_type3A_217, %cond3A_218 : i32
          scf.if %cond3A_219 {
            "tpu.trace_start"() <{level = 10 : i32, message = "ep_wait_in"}> : () -> ()
            %mul3A_338 = arith.constant 1 : i32
            %mul3A_339 = arith.muli %mul3A_338, %add3A_155 : i32
            %rem3A_340 = arith.constant 2 : i32
            %rem3A_341 = arith.remui %while3A_144, %rem3A_340 : i32
            %dma_wait3A_342 = arith.constant 0 : i32
            %dma_wait3A_343 = arith.constant 0 : i32
            %dma_wait3A_344 = tpu.memref_slice %run_scoped3A[%rem3A_341, %dma_wait3A_342, %dma_wait3A_343] : memref<2x1x128xi32, #tpu.memory_space<vmem>> -> memref<1x1x128xi32, #tpu.memory_space<vmem>>
            %dma_wait3A_345 = tpu.memref_squeeze %dma_wait3A_344 : memref<1x1x128xi32, #tpu.memory_space<vmem>> -> memref<1x128xi32, #tpu.memory_space<vmem>>
            %dma_wait3A_346 = arith.constant 0 : i32
            %dma_wait3A_347 = tpu.memref_slice %arg3[%mul3A_339, %dma_wait3A_346] : memref<1000x128xi32, #tpu.memory_space<hbm>> -> memref<1x128xi32, #tpu.memory_space<hbm>>
            %dma_wait3A_348 = tpu.memref_slice %run_scoped3A_17[%rem3A_341] : memref<2x!tpu.dma_semaphore, #tpu.memory_space<semaphore_mem>> -> memref<1x!tpu.dma_semaphore, #tpu.memory_space<semaphore_mem>>
            %dma_wait3A_349 = tpu.memref_squeeze %dma_wait3A_348 : memref<1x!tpu.dma_semaphore, #tpu.memory_space<semaphore_mem>> -> memref<!tpu.dma_semaphore, #tpu.memory_space<semaphore_mem>>
            %dma_wait3A_350 = arith.constant 0 : i32
            %dma_wait3A_351 = arith.constant 0 : i32
            %dma_wait3A_352 = tpu.memref_slice %run_scoped3A[%rem3A_341, %dma_wait3A_350, %dma_wait3A_351] : memref<2x1x128xi32, #tpu.memory_space<vmem>> -> memref<1x1x128xi32, #tpu.memory_space<vmem>>
            %dma_wait3A_353 = tpu.memref_squeeze %dma_wait3A_352 : memref<1x1x128xi32, #tpu.memory_space<vmem>> -> memref<1x128xi32, #tpu.memory_space<vmem>>
            %dma_wait3A_354 = arith.constant 0 : i32
            %dma_wait3A_355 = tpu.memref_slice %arg3[%mul3A_339, %dma_wait3A_354] : memref<1000x128xi32, #tpu.memory_space<hbm>> -> memref<1x128xi32, #tpu.memory_space<hbm>>
            tpu.wait_dma2 semaphore(%dma_wait3A_349 : memref<!tpu.dma_semaphore, #tpu.memory_space<semaphore_mem>>) src(%dma_wait3A_355 : memref<1x128xi32, #tpu.memory_space<hbm>>) dst(%dma_wait3A_353 : memref<1x128xi32, #tpu.memory_space<vmem>>)
            "tpu.trace_stop"() : () -> ()
          } else {
          }
          %ne3A_220 = arith.cmpi ne, %add3A_155, %add3A_165 : i32
          %or3A_221 = arith.constant false
          %or3A_222 = arith.ori %or3A_221, %ne3A_220 : i1
          %or3A_223 = arith.constant false
          %or3A_224 = arith.ori %or3A_222, %or3A_223 : i1
          %or3A_225 = arith.ori %or3A_224, %eq3A_151 : i1
          %convert_element_type3A_226 = arith.extui %or3A_225 : i1 to i32
          %cond3A_227 = arith.constant 0 : i32
          %cond3A_228 = arith.cmpi ne, %convert_element_type3A_226, %cond3A_227 : i32
          scf.if %cond3A_228 {
          } else {
          }
          %rem3A_229 = arith.constant 2 : i32
          %rem3A_230 = arith.remui %while3A_144, %rem3A_229 : i32
          %rem3A_231 = arith.constant 2 : i32
          %rem3A_232 = arith.remui %while3A_145, %rem3A_231 : i32
          %dma_start3A_233 = arith.constant 0 : i32
          "tpu.trace_start"() <{level = 10 : i32, message = "ep_run_kernel"}> : () -> ()
          %dma_start3A_234 = arith.constant 0 : i32
          %dma_start3A_235 = arith.constant 0 : i32
          %dma_start3A_236 = tpu.memref_slice %run_scoped3A_18[%rem3A_232, %dma_start3A_234, %dma_start3A_235] : memref<2x128x128xf32, #tpu.memory_space<vmem>> -> memref<1x128x128xf32, #tpu.memory_space<vmem>>
          %dma_start3A_237 = tpu.memref_squeeze %dma_start3A_236 : memref<1x128x128xf32, #tpu.memory_space<vmem>> -> memref<128x128xf32, #tpu.memory_space<vmem>>
          %dma_start3A_238 = arith.constant 0 : i32
          %dma_start3A_239 = arith.constant 0 : i32
          %dma_start3A_240 = tpu.memref_slice %dma_start3A_237[%dma_start3A_238, %dma_start3A_239] : memref<128x128xf32, #tpu.memory_space<vmem>> -> memref<128x128xf32, #tpu.memory_space<vmem>>
          %dma_start3A_241 = arith.constant 0 : i32
          %dma_start3A_242 = arith.constant 0 : i32
          %dma_start3A_243 = tpu.memref_slice %run_scoped3A[%rem3A_230, %dma_start3A_241, %dma_start3A_242] : memref<2x1x128xi32, #tpu.memory_space<vmem>> -> memref<1x1x128xi32, #tpu.memory_space<vmem>>
          %dma_start3A_244 = tpu.memref_squeeze %dma_start3A_243 : memref<1x1x128xi32, #tpu.memory_space<vmem>> -> memref<1x128xi32, #tpu.memory_space<vmem>>
          %dma_start3A_245 = arith.constant 0 : i32
          %dma_start3A_246 = tpu.memref_slice %dma_start3A_244[%dma_start3A_233, %dma_start3A_245] : memref<1x128xi32, #tpu.memory_space<vmem>> -> memref<1x128xi32, #tpu.memory_space<vmem>>
          %dma_start3A_247 = tpu.memref_squeeze %dma_start3A_246 : memref<1x128xi32, #tpu.memory_space<vmem>> -> memref<128xi32, #tpu.memory_space<vmem>>
          %dma_start3A_248 = arith.constant 0 : i32
          %dma_start3A_249 = arith.constant 0 : i32
          %dma_start3A_250 = tpu.memref_slice %arg2[%dma_start3A_248, %dma_start3A_249] : memref<10000x128xf32, #tpu.memory_space<hbm>> -> memref<10000x128xf32, #tpu.memory_space<hbm>>
          tpu.enqueue_indirect_dma source(%dma_start3A_250 : memref<10000x128xf32, #tpu.memory_space<hbm>>) target(%dma_start3A_240 : memref<128x128xf32, #tpu.memory_space<vmem>>) offsets(%dma_start3A_247 : memref<128xi32, #tpu.memory_space<vmem>>) semaphore(%arg5 : memref<!tpu.dma_semaphore, #tpu.memory_space<semaphore_mem>>)
          %dma_wait3A = arith.constant 0 : i32
          %dma_wait3A_251 = arith.constant 0 : i32
          %dma_wait3A_252 = arith.constant 0 : i32
          %dma_wait3A_253 = tpu.memref_slice %run_scoped3A_18[%rem3A_232, %dma_wait3A_251, %dma_wait3A_252] : memref<2x128x128xf32, #tpu.memory_space<vmem>> -> memref<1x128x128xf32, #tpu.memory_space<vmem>>
          %dma_wait3A_254 = tpu.memref_squeeze %dma_wait3A_253 : memref<1x128x128xf32, #tpu.memory_space<vmem>> -> memref<128x128xf32, #tpu.memory_space<vmem>>
          %dma_wait3A_255 = arith.constant 0 : i32
          %dma_wait3A_256 = arith.constant 0 : i32
          %dma_wait3A_257 = tpu.memref_slice %dma_wait3A_254[%dma_wait3A_255, %dma_wait3A_256] : memref<128x128xf32, #tpu.memory_space<vmem>> -> memref<128x128xf32, #tpu.memory_space<vmem>>
          %dma_wait3A_258 = arith.constant 0 : i32
          %dma_wait3A_259 = arith.constant 0 : i32
          %dma_wait3A_260 = tpu.memref_slice %run_scoped3A[%rem3A_230, %dma_wait3A_258, %dma_wait3A_259] : memref<2x1x128xi32, #tpu.memory_space<vmem>> -> memref<1x1x128xi32, #tpu.memory_space<vmem>>
          %dma_wait3A_261 = tpu.memref_squeeze %dma_wait3A_260 : memref<1x1x128xi32, #tpu.memory_space<vmem>> -> memref<1x128xi32, #tpu.memory_space<vmem>>
          %dma_wait3A_262 = arith.constant 0 : i32
          %dma_wait3A_263 = tpu.memref_slice %dma_wait3A_261[%dma_wait3A, %dma_wait3A_262] : memref<1x128xi32, #tpu.memory_space<vmem>> -> memref<1x128xi32, #tpu.memory_space<vmem>>
          %dma_wait3A_264 = tpu.memref_squeeze %dma_wait3A_263 : memref<1x128xi32, #tpu.memory_space<vmem>> -> memref<128xi32, #tpu.memory_space<vmem>>
          %dma_wait3A_265 = arith.constant 0 : i32
          %dma_wait3A_266 = arith.constant 0 : i32
          %dma_wait3A_267 = tpu.memref_slice %arg2[%dma_wait3A_265, %dma_wait3A_266] : memref<10000x128xf32, #tpu.memory_space<hbm>> -> memref<10000x128xf32, #tpu.memory_space<hbm>>
          tpu.wait_indirect_dma semaphore(%arg5 : memref<!tpu.dma_semaphore, #tpu.memory_space<semaphore_mem>>) src(%dma_wait3A_267 : memref<10000x128xf32, #tpu.memory_space<hbm>>) dst(%dma_wait3A_257 : memref<128x128xf32, #tpu.memory_space<vmem>>)
          "tpu.trace_stop"() : () -> ()
          %ne3A_268 = arith.cmpi ne, %add3A_155, %add3A_173 : i32
          %or3A_269 = arith.constant false
          %or3A_270 = arith.ori %or3A_269, %ne3A_268 : i1
          %or3A_271 = arith.constant false
          %or3A_272 = arith.ori %or3A_270, %or3A_271 : i1
          %or3A_273 = arith.ori %or3A_272, %eq3A_154 : i1
          %convert_element_type3A_274 = arith.extui %or3A_273 : i1 to i32
          %cond3A_275 = arith.constant 0 : i32
          %cond3A_276 = arith.cmpi ne, %convert_element_type3A_274, %cond3A_275 : i32
          scf.if %cond3A_276 {
          } else {
          }
          %and3A_277 = arith.constant false
          %and3A_278 = arith.andi %or3A_273, %and3A_277 : i1
          %ne3A_279 = arith.cmpi ne, %add3A_155, %add3A_173 : i32
          %or3A_280 = arith.constant false
          %or3A_281 = arith.ori %or3A_280, %ne3A_279 : i1
          %or3A_282 = arith.constant false
          %or3A_283 = arith.ori %or3A_281, %or3A_282 : i1
          %or3A_284 = arith.ori %or3A_283, %eq3A_154 : i1
          %convert_element_type3A_285 = arith.extui %or3A_284 : i1 to i32
          %cond3A_286 = arith.constant 0 : i32
          %cond3A_287 = arith.cmpi ne, %convert_element_type3A_285, %cond3A_286 : i32
          scf.if %cond3A_287 {
            "tpu.trace_start"() <{level = 10 : i32, message = "ep_copy_out"}> : () -> ()
            %rem3A_338 = arith.constant 2 : i32
            %rem3A_339 = arith.remui %while3A_145, %rem3A_338 : i32
            %mul3A_340 = arith.constant 128 : i32
            %mul3A_341 = arith.muli %mul3A_340, %add3A_155 : i32
            %dma_start3A_342 = arith.constant 0 : i32
            %dma_start3A_343 = arith.constant 0 : i32
            %dma_start3A_344 = tpu.memref_slice %run_scoped3A_18[%rem3A_339, %dma_start3A_342, %dma_start3A_343] : memref<2x128x128xf32, #tpu.memory_space<vmem>> -> memref<1x128x128xf32, #tpu.memory_space<vmem>>
            %dma_start3A_345 = tpu.memref_squeeze %dma_start3A_344 : memref<1x128x128xf32, #tpu.memory_space<vmem>> -> memref<128x128xf32, #tpu.memory_space<vmem>>
            %dma_start3A_346 = arith.constant 0 : i32
            %dma_start3A_347 = tpu.memref_slice %arg4[%mul3A_341, %dma_start3A_346] : memref<128000x128xf32, #tpu.memory_space<hbm>> -> memref<128x128xf32, #tpu.memory_space<hbm>>
            %dma_start3A_348 = tpu.memref_slice %run_scoped3A_19[%rem3A_339] : memref<2x!tpu.dma_semaphore, #tpu.memory_space<semaphore_mem>> -> memref<1x!tpu.dma_semaphore, #tpu.memory_space<semaphore_mem>>
            %dma_start3A_349 = tpu.memref_squeeze %dma_start3A_348 : memref<1x!tpu.dma_semaphore, #tpu.memory_space<semaphore_mem>> -> memref<!tpu.dma_semaphore, #tpu.memory_space<semaphore_mem>>
            %dma_start3A_350 = arith.constant 0 : i32
            %dma_start3A_351 = tpu.memref_slice %arg4[%mul3A_341, %dma_start3A_350] : memref<128000x128xf32, #tpu.memory_space<hbm>> -> memref<128x128xf32, #tpu.memory_space<hbm>>
            %dma_start3A_352 = arith.constant 0 : i32
            %dma_start3A_353 = arith.constant 0 : i32
            %dma_start3A_354 = tpu.memref_slice %run_scoped3A_18[%rem3A_339, %dma_start3A_352, %dma_start3A_353] : memref<2x128x128xf32, #tpu.memory_space<vmem>> -> memref<1x128x128xf32, #tpu.memory_space<vmem>>
            %dma_start3A_355 = tpu.memref_squeeze %dma_start3A_354 : memref<1x128x128xf32, #tpu.memory_space<vmem>> -> memref<128x128xf32, #tpu.memory_space<vmem>>
            tpu.enqueue_dma source(%dma_start3A_355 : memref<128x128xf32, #tpu.memory_space<vmem>>) target(%dma_start3A_351 : memref<128x128xf32, #tpu.memory_space<hbm>>) target_semaphore(%dma_start3A_349 : memref<!tpu.dma_semaphore, #tpu.memory_space<semaphore_mem>>)
            "tpu.trace_stop"() : () -> ()
          } else {
          }
          %and3A_288 = arith.constant true
          %and3A_289 = arith.andi %or3A_284, %and3A_288 : i1
          %add3A_290 = arith.constant 1 : i32
          %add3A_291 = arith.addi %while3A_145, %add3A_290 : i32
          %select_n3A_292 = arith.select %and3A_289, %add3A_291, %while3A_145 : i32
          %ne3A_293 = arith.cmpi ne, %add3A_155, %add3A_165 : i32
          %or3A_294 = arith.constant false
          %or3A_295 = arith.ori %or3A_294, %ne3A_293 : i1
          %or3A_296 = arith.constant false
          %or3A_297 = arith.ori %or3A_295, %or3A_296 : i1
          %not3A_298 = arith.constant true
          %not3A_299 = arith.xori %eq3A_151, %not3A_298 : i1
          %and3A_300 = arith.andi %or3A_297, %not3A_299 : i1
          %convert_element_type3A_301 = arith.extui %and3A_300 : i1 to i32
          %cond3A_302 = arith.constant 0 : i32
          %cond3A_303 = arith.cmpi ne, %convert_element_type3A_301, %cond3A_302 : i32
          scf.if %cond3A_303 {
          } else {
          }
          %and3A_304 = arith.constant false
          %and3A_305 = arith.andi %and3A_300, %and3A_304 : i1
          %ne3A_306 = arith.cmpi ne, %add3A_155, %add3A_165 : i32
          %or3A_307 = arith.constant false
          %or3A_308 = arith.ori %or3A_307, %ne3A_306 : i1
          %or3A_309 = arith.constant false
          %or3A_310 = arith.ori %or3A_308, %or3A_309 : i1
          %not3A_311 = arith.constant true
          %not3A_312 = arith.xori %eq3A_151, %not3A_311 : i1
          %and3A_313 = arith.andi %or3A_310, %not3A_312 : i1
          %convert_element_type3A_314 = arith.extui %and3A_313 : i1 to i32
          %cond3A_315 = arith.constant 0 : i32
          %cond3A_316 = arith.cmpi ne, %convert_element_type3A_314, %cond3A_315 : i32
          scf.if %cond3A_316 {
            "tpu.trace_start"() <{level = 10 : i32, message = "ep_wait_out"}> : () -> ()
            %rem3A_338 = arith.constant 2 : i32
            %rem3A_339 = arith.remui %while3A_146, %rem3A_338 : i32
            %mul3A_340 = arith.constant 128 : i32
            %mul3A_341 = arith.muli %mul3A_340, %add3A_165 : i32
            %dma_wait3A_342 = arith.constant 0 : i32
            %dma_wait3A_343 = arith.constant 0 : i32
            %dma_wait3A_344 = tpu.memref_slice %run_scoped3A_18[%rem3A_339, %dma_wait3A_342, %dma_wait3A_343] : memref<2x128x128xf32, #tpu.memory_space<vmem>> -> memref<1x128x128xf32, #tpu.memory_space<vmem>>
            %dma_wait3A_345 = tpu.memref_squeeze %dma_wait3A_344 : memref<1x128x128xf32, #tpu.memory_space<vmem>> -> memref<128x128xf32, #tpu.memory_space<vmem>>
            %dma_wait3A_346 = arith.constant 0 : i32
            %dma_wait3A_347 = tpu.memref_slice %arg4[%mul3A_341, %dma_wait3A_346] : memref<128000x128xf32, #tpu.memory_space<hbm>> -> memref<128x128xf32, #tpu.memory_space<hbm>>
            %dma_wait3A_348 = tpu.memref_slice %run_scoped3A_19[%rem3A_339] : memref<2x!tpu.dma_semaphore, #tpu.memory_space<semaphore_mem>> -> memref<1x!tpu.dma_semaphore, #tpu.memory_space<semaphore_mem>>
            %dma_wait3A_349 = tpu.memref_squeeze %dma_wait3A_348 : memref<1x!tpu.dma_semaphore, #tpu.memory_space<semaphore_mem>> -> memref<!tpu.dma_semaphore, #tpu.memory_space<semaphore_mem>>
            %dma_wait3A_350 = arith.constant 0 : i32
            %dma_wait3A_351 = tpu.memref_slice %arg4[%mul3A_341, %dma_wait3A_350] : memref<128000x128xf32, #tpu.memory_space<hbm>> -> memref<128x128xf32, #tpu.memory_space<hbm>>
            %dma_wait3A_352 = arith.constant 0 : i32
            %dma_wait3A_353 = arith.constant 0 : i32
            %dma_wait3A_354 = tpu.memref_slice %run_scoped3A_18[%rem3A_339, %dma_wait3A_352, %dma_wait3A_353] : memref<2x128x128xf32, #tpu.memory_space<vmem>> -> memref<1x128x128xf32, #tpu.memory_space<vmem>>
            %dma_wait3A_355 = tpu.memref_squeeze %dma_wait3A_354 : memref<1x128x128xf32, #tpu.memory_space<vmem>> -> memref<128x128xf32, #tpu.memory_space<vmem>>
            tpu.wait_dma2 semaphore(%dma_wait3A_349 : memref<!tpu.dma_semaphore, #tpu.memory_space<semaphore_mem>>) src(%dma_wait3A_355 : memref<128x128xf32, #tpu.memory_space<vmem>>) dst(%dma_wait3A_351 : memref<128x128xf32, #tpu.memory_space<hbm>>)
            "tpu.trace_stop"() : () -> ()
          } else {
          }
          %and3A_317 = arith.constant true
          %and3A_318 = arith.andi %and3A_313, %and3A_317 : i1
          %add3A_319 = arith.constant 1 : i32
          %add3A_320 = arith.addi %while3A_146, %add3A_319 : i32
          %select_n3A_321 = arith.select %and3A_318, %add3A_320, %while3A_146 : i32
          %ne3A_322 = arith.cmpi ne, %add3A_155, %add3A_173 : i32
          %or3A_323 = arith.constant false
          %or3A_324 = arith.ori %or3A_323, %ne3A_322 : i1
          %or3A_325 = arith.constant false
          %or3A_326 = arith.ori %or3A_324, %or3A_325 : i1
          %or3A_327 = arith.ori %or3A_326, %eq3A_154 : i1
          %add3A_328 = arith.constant 1 : i32
          %add3A_329 = arith.addi %while3A_144, %add3A_328 : i32
          %select_n3A_330 = arith.select %or3A_327, %add3A_329, %while3A_144 : i32
          %add3A_331 = arith.constant 1 : i32
          %add3A_332 = arith.addi %while3A_147, %add3A_331 : i32
          %select_n3A_333 = arith.constant true
          %select_n3A_334 = arith.select %select_n3A_333, %add3A_332, %while3A_147 : i32
          %eq3A_335 = arith.cmpi eq, %select_n3A_334, %select_n3A : i32
          %select_n3A_336 = arith.constant 0 : i32
          %select_n3A_337 = arith.select %eq3A_335, %select_n3A_336, %select_n3A_334 : i32
          scf.yield %select_n3A_197, %select_n3A_330, %select_n3A_292, %select_n3A_321, %select_n3A_337 : i32, i32, i32, i32, i32
        }
        %while3A_89 = arith.constant 1 : i32
        %while3A_90:5 = scf.for %while3A_142 = %while3A_86 to %while3A_82 step %while3A_89 iter_args(%while3A_143 = %while3A_88#0, %while3A_144 = %while3A_88#1, %while3A_145 = %while3A_88#2, %while3A_146 = %while3A_88#3, %while3A_147 = %while3A_88#4) -> (i32, i32, i32, i32, i32)  : i32 {
          %mul3A_148 = arith.constant 1 : i32
          %mul3A_149 = arith.muli %mul3A_148, %select_n3A : i32
          %eq3A_150 = arith.constant 0 : i32
          %eq3A_151 = arith.cmpi eq, %while3A_142, %eq3A_150 : i32
          %sub3A_152 = arith.constant 1 : i32
          %sub3A_153 = arith.subi %mul3A_149, %sub3A_152 : i32
          %eq3A_154 = arith.cmpi eq, %while3A_142, %sub3A_153 : i32
          %add3A_155 = arith.addi %while3A_147, %select_n3A_14 : i32
          %sub3A_156 = arith.constant 1 : i32
          %sub3A_157 = arith.subi %while3A_147, %sub3A_156 : i32
          %select_n3A_158 = arith.constant true
          %select_n3A_159 = arith.select %select_n3A_158, %sub3A_157, %while3A_147 : i32
          %eq3A_160 = arith.constant -1 : i32
          %eq3A_161 = arith.cmpi eq, %select_n3A_159, %eq3A_160 : i32
          %sub3A_162 = arith.constant 1 : i32
          %sub3A_163 = arith.subi %select_n3A, %sub3A_162 : i32
          %select_n3A_164 = arith.select %eq3A_161, %sub3A_163, %select_n3A_159 : i32
          %add3A_165 = arith.addi %select_n3A_164, %select_n3A_14 : i32
          %add3A_166 = arith.constant 1 : i32
          %add3A_167 = arith.addi %while3A_147, %add3A_166 : i32
          %select_n3A_168 = arith.constant true
          %select_n3A_169 = arith.select %select_n3A_168, %add3A_167, %while3A_147 : i32
          %eq3A_170 = arith.cmpi eq, %select_n3A_169, %select_n3A : i32
          %select_n3A_171 = arith.constant 0 : i32
          %select_n3A_172 = arith.select %eq3A_170, %select_n3A_171, %select_n3A_169 : i32
          %add3A_173 = arith.addi %select_n3A_172, %select_n3A_14 : i32
          %add3A_174 = arith.constant 1 : i32
          %add3A_175 = arith.addi %select_n3A_172, %add3A_174 : i32
          %select_n3A_176 = arith.constant true
          %select_n3A_177 = arith.select %select_n3A_176, %add3A_175, %select_n3A_172 : i32
          %eq3A_178 = arith.cmpi eq, %select_n3A_177, %select_n3A : i32
          %select_n3A_179 = arith.constant 0 : i32
          %select_n3A_180 = arith.select %eq3A_178, %select_n3A_179, %select_n3A_177 : i32
          %add3A_181 = arith.addi %select_n3A_180, %select_n3A_14 : i32
          %ne3A = arith.cmpi ne, %add3A_155, %add3A_173 : i32
          %or3A = arith.constant false
          %or3A_182 = arith.ori %or3A, %ne3A : i1
          %or3A_183 = arith.constant false
          %or3A_184 = arith.ori %or3A_182, %or3A_183 : i1
          %sub3A_185 = arith.constant 2 : i32
          %sub3A_186 = arith.subi %mul3A_149, %sub3A_185 : i32
          %add3A_187 = arith.constant 1 : i32
          %add3A_188 = arith.addi %sub3A_186, %add3A_187 : i32
          %ge3A = arith.cmpi sge, %while3A_142, %add3A_188 : i32
          %not3A = arith.constant true
          %not3A_189 = arith.xori %ge3A, %not3A : i1
          %and3A = arith.andi %or3A_184, %not3A_189 : i1
          %convert_element_type3A_190 = arith.extui %and3A : i1 to i32
          %cond3A_191 = arith.constant 0 : i32
          %cond3A_192 = arith.cmpi ne, %convert_element_type3A_190, %cond3A_191 : i32
          scf.if %cond3A_192 {
            "tpu.trace_start"() <{level = 10 : i32, message = "ep_copy_in"}> : () -> ()
            %rem3A_338 = arith.constant 2 : i32
            %rem3A_339 = arith.remui %while3A_143, %rem3A_338 : i32
            %mul3A_340 = arith.constant 1 : i32
            %mul3A_341 = arith.muli %mul3A_340, %add3A_173 : i32
            %dma_start3A_342 = arith.constant 0 : i32
            %dma_start3A_343 = arith.constant 0 : i32
            %dma_start3A_344 = tpu.memref_slice %run_scoped3A[%rem3A_339, %dma_start3A_342, %dma_start3A_343] : memref<2x1x128xi32, #tpu.memory_space<vmem>> -> memref<1x1x128xi32, #tpu.memory_space<vmem>>
            %dma_start3A_345 = tpu.memref_squeeze %dma_start3A_344 : memref<1x1x128xi32, #tpu.memory_space<vmem>> -> memref<1x128xi32, #tpu.memory_space<vmem>>
            %dma_start3A_346 = arith.constant 0 : i32
            %dma_start3A_347 = tpu.memref_slice %arg3[%mul3A_341, %dma_start3A_346] : memref<1000x128xi32, #tpu.memory_space<hbm>> -> memref<1x128xi32, #tpu.memory_space<hbm>>
            %dma_start3A_348 = tpu.memref_slice %run_scoped3A_17[%rem3A_339] : memref<2x!tpu.dma_semaphore, #tpu.memory_space<semaphore_mem>> -> memref<1x!tpu.dma_semaphore, #tpu.memory_space<semaphore_mem>>
            %dma_start3A_349 = tpu.memref_squeeze %dma_start3A_348 : memref<1x!tpu.dma_semaphore, #tpu.memory_space<semaphore_mem>> -> memref<!tpu.dma_semaphore, #tpu.memory_space<semaphore_mem>>
            %dma_start3A_350 = arith.constant 0 : i32
            %dma_start3A_351 = arith.constant 0 : i32
            %dma_start3A_352 = tpu.memref_slice %run_scoped3A[%rem3A_339, %dma_start3A_350, %dma_start3A_351] : memref<2x1x128xi32, #tpu.memory_space<vmem>> -> memref<1x1x128xi32, #tpu.memory_space<vmem>>
            %dma_start3A_353 = tpu.memref_squeeze %dma_start3A_352 : memref<1x1x128xi32, #tpu.memory_space<vmem>> -> memref<1x128xi32, #tpu.memory_space<vmem>>
            %dma_start3A_354 = arith.constant 0 : i32
            %dma_start3A_355 = tpu.memref_slice %arg3[%mul3A_341, %dma_start3A_354] : memref<1000x128xi32, #tpu.memory_space<hbm>> -> memref<1x128xi32, #tpu.memory_space<hbm>>
            tpu.enqueue_dma source(%dma_start3A_355 : memref<1x128xi32, #tpu.memory_space<hbm>>) target(%dma_start3A_353 : memref<1x128xi32, #tpu.memory_space<vmem>>) target_semaphore(%dma_start3A_349 : memref<!tpu.dma_semaphore, #tpu.memory_space<semaphore_mem>>)
            "tpu.trace_stop"() : () -> ()
          } else {
          }
          %and3A_193 = arith.constant true
          %and3A_194 = arith.andi %and3A, %and3A_193 : i1
          %add3A_195 = arith.constant 1 : i32
          %add3A_196 = arith.addi %while3A_143, %add3A_195 : i32
          %select_n3A_197 = arith.select %and3A_194, %add3A_196, %while3A_143 : i32
          %ne3A_198 = arith.cmpi ne, %add3A_155, %add3A_173 : i32
          %or3A_199 = arith.constant false
          %or3A_200 = arith.ori %or3A_199, %ne3A_198 : i1
          %or3A_201 = arith.constant false
          %or3A_202 = arith.ori %or3A_200, %or3A_201 : i1
          %sub3A_203 = arith.constant 2 : i32
          %sub3A_204 = arith.subi %mul3A_149, %sub3A_203 : i32
          %add3A_205 = arith.constant 1 : i32
          %add3A_206 = arith.addi %sub3A_204, %add3A_205 : i32
          %ge3A_207 = arith.cmpi sge, %while3A_142, %add3A_206 : i32
          %not3A_208 = arith.constant true
          %not3A_209 = arith.xori %ge3A_207, %not3A_208 : i1
          %and3A_210 = arith.andi %or3A_202, %not3A_209 : i1
          %ne3A_211 = arith.cmpi ne, %add3A_155, %add3A_165 : i32
          %or3A_212 = arith.constant false
          %or3A_213 = arith.ori %or3A_212, %ne3A_211 : i1
          %or3A_214 = arith.constant false
          %or3A_215 = arith.ori %or3A_213, %or3A_214 : i1
          %or3A_216 = arith.ori %or3A_215, %eq3A_151 : i1
          %convert_element_type3A_217 = arith.extui %or3A_216 : i1 to i32
          %cond3A_218 = arith.constant 0 : i32
          %cond3A_219 = arith.cmpi ne, %convert_element_type3A_217, %cond3A_218 : i32
          scf.if %cond3A_219 {
            "tpu.trace_start"() <{level = 10 : i32, message = "ep_wait_in"}> : () -> ()
            %mul3A_338 = arith.constant 1 : i32
            %mul3A_339 = arith.muli %mul3A_338, %add3A_155 : i32
            %rem3A_340 = arith.constant 2 : i32
            %rem3A_341 = arith.remui %while3A_144, %rem3A_340 : i32
            %dma_wait3A_342 = arith.constant 0 : i32
            %dma_wait3A_343 = arith.constant 0 : i32
            %dma_wait3A_344 = tpu.memref_slice %run_scoped3A[%rem3A_341, %dma_wait3A_342, %dma_wait3A_343] : memref<2x1x128xi32, #tpu.memory_space<vmem>> -> memref<1x1x128xi32, #tpu.memory_space<vmem>>
            %dma_wait3A_345 = tpu.memref_squeeze %dma_wait3A_344 : memref<1x1x128xi32, #tpu.memory_space<vmem>> -> memref<1x128xi32, #tpu.memory_space<vmem>>
            %dma_wait3A_346 = arith.constant 0 : i32
            %dma_wait3A_347 = tpu.memref_slice %arg3[%mul3A_339, %dma_wait3A_346] : memref<1000x128xi32, #tpu.memory_space<hbm>> -> memref<1x128xi32, #tpu.memory_space<hbm>>
            %dma_wait3A_348 = tpu.memref_slice %run_scoped3A_17[%rem3A_341] : memref<2x!tpu.dma_semaphore, #tpu.memory_space<semaphore_mem>> -> memref<1x!tpu.dma_semaphore, #tpu.memory_space<semaphore_mem>>
            %dma_wait3A_349 = tpu.memref_squeeze %dma_wait3A_348 : memref<1x!tpu.dma_semaphore, #tpu.memory_space<semaphore_mem>> -> memref<!tpu.dma_semaphore, #tpu.memory_space<semaphore_mem>>
            %dma_wait3A_350 = arith.constant 0 : i32
            %dma_wait3A_351 = arith.constant 0 : i32
            %dma_wait3A_352 = tpu.memref_slice %run_scoped3A[%rem3A_341, %dma_wait3A_350, %dma_wait3A_351] : memref<2x1x128xi32, #tpu.memory_space<vmem>> -> memref<1x1x128xi32, #tpu.memory_space<vmem>>
            %dma_wait3A_353 = tpu.memref_squeeze %dma_wait3A_352 : memref<1x1x128xi32, #tpu.memory_space<vmem>> -> memref<1x128xi32, #tpu.memory_space<vmem>>
            %dma_wait3A_354 = arith.constant 0 : i32
            %dma_wait3A_355 = tpu.memref_slice %arg3[%mul3A_339, %dma_wait3A_354] : memref<1000x128xi32, #tpu.memory_space<hbm>> -> memref<1x128xi32, #tpu.memory_space<hbm>>
            tpu.wait_dma2 semaphore(%dma_wait3A_349 : memref<!tpu.dma_semaphore, #tpu.memory_space<semaphore_mem>>) src(%dma_wait3A_355 : memref<1x128xi32, #tpu.memory_space<hbm>>) dst(%dma_wait3A_353 : memref<1x128xi32, #tpu.memory_space<vmem>>)
            "tpu.trace_stop"() : () -> ()
          } else {
          }
          %ne3A_220 = arith.cmpi ne, %add3A_155, %add3A_165 : i32
          %or3A_221 = arith.constant false
          %or3A_222 = arith.ori %or3A_221, %ne3A_220 : i1
          %or3A_223 = arith.constant false
          %or3A_224 = arith.ori %or3A_222, %or3A_223 : i1
          %or3A_225 = arith.ori %or3A_224, %eq3A_151 : i1
          %convert_element_type3A_226 = arith.extui %or3A_225 : i1 to i32
          %cond3A_227 = arith.constant 0 : i32
          %cond3A_228 = arith.cmpi ne, %convert_element_type3A_226, %cond3A_227 : i32
          scf.if %cond3A_228 {
          } else {
          }
          %rem3A_229 = arith.constant 2 : i32
          %rem3A_230 = arith.remui %while3A_144, %rem3A_229 : i32
          %rem3A_231 = arith.constant 2 : i32
          %rem3A_232 = arith.remui %while3A_145, %rem3A_231 : i32
          %dma_start3A_233 = arith.constant 0 : i32
          "tpu.trace_start"() <{level = 10 : i32, message = "ep_run_kernel"}> : () -> ()
          %dma_start3A_234 = arith.constant 0 : i32
          %dma_start3A_235 = arith.constant 0 : i32
          %dma_start3A_236 = tpu.memref_slice %run_scoped3A_18[%rem3A_232, %dma_start3A_234, %dma_start3A_235] : memref<2x128x128xf32, #tpu.memory_space<vmem>> -> memref<1x128x128xf32, #tpu.memory_space<vmem>>
          %dma_start3A_237 = tpu.memref_squeeze %dma_start3A_236 : memref<1x128x128xf32, #tpu.memory_space<vmem>> -> memref<128x128xf32, #tpu.memory_space<vmem>>
          %dma_start3A_238 = arith.constant 0 : i32
          %dma_start3A_239 = arith.constant 0 : i32
          %dma_start3A_240 = tpu.memref_slice %dma_start3A_237[%dma_start3A_238, %dma_start3A_239] : memref<128x128xf32, #tpu.memory_space<vmem>> -> memref<128x128xf32, #tpu.memory_space<vmem>>
          %dma_start3A_241 = arith.constant 0 : i32
          %dma_start3A_242 = arith.constant 0 : i32
          %dma_start3A_243 = tpu.memref_slice %run_scoped3A[%rem3A_230, %dma_start3A_241, %dma_start3A_242] : memref<2x1x128xi32, #tpu.memory_space<vmem>> -> memref<1x1x128xi32, #tpu.memory_space<vmem>>
          %dma_start3A_244 = tpu.memref_squeeze %dma_start3A_243 : memref<1x1x128xi32, #tpu.memory_space<vmem>> -> memref<1x128xi32, #tpu.memory_space<vmem>>
          %dma_start3A_245 = arith.constant 0 : i32
          %dma_start3A_246 = tpu.memref_slice %dma_start3A_244[%dma_start3A_233, %dma_start3A_245] : memref<1x128xi32, #tpu.memory_space<vmem>> -> memref<1x128xi32, #tpu.memory_space<vmem>>
          %dma_start3A_247 = tpu.memref_squeeze %dma_start3A_246 : memref<1x128xi32, #tpu.memory_space<vmem>> -> memref<128xi32, #tpu.memory_space<vmem>>
          %dma_start3A_248 = arith.constant 0 : i32
          %dma_start3A_249 = arith.constant 0 : i32
          %dma_start3A_250 = tpu.memref_slice %arg2[%dma_start3A_248, %dma_start3A_249] : memref<10000x128xf32, #tpu.memory_space<hbm>> -> memref<10000x128xf32, #tpu.memory_space<hbm>>
          tpu.enqueue_indirect_dma source(%dma_start3A_250 : memref<10000x128xf32, #tpu.memory_space<hbm>>) target(%dma_start3A_240 : memref<128x128xf32, #tpu.memory_space<vmem>>) offsets(%dma_start3A_247 : memref<128xi32, #tpu.memory_space<vmem>>) semaphore(%arg5 : memref<!tpu.dma_semaphore, #tpu.memory_space<semaphore_mem>>)
          %dma_wait3A = arith.constant 0 : i32
          %dma_wait3A_251 = arith.constant 0 : i32
          %dma_wait3A_252 = arith.constant 0 : i32
          %dma_wait3A_253 = tpu.memref_slice %run_scoped3A_18[%rem3A_232, %dma_wait3A_251, %dma_wait3A_252] : memref<2x128x128xf32, #tpu.memory_space<vmem>> -> memref<1x128x128xf32, #tpu.memory_space<vmem>>
          %dma_wait3A_254 = tpu.memref_squeeze %dma_wait3A_253 : memref<1x128x128xf32, #tpu.memory_space<vmem>> -> memref<128x128xf32, #tpu.memory_space<vmem>>
          %dma_wait3A_255 = arith.constant 0 : i32
          %dma_wait3A_256 = arith.constant 0 : i32
          %dma_wait3A_257 = tpu.memref_slice %dma_wait3A_254[%dma_wait3A_255, %dma_wait3A_256] : memref<128x128xf32, #tpu.memory_space<vmem>> -> memref<128x128xf32, #tpu.memory_space<vmem>>
          %dma_wait3A_258 = arith.constant 0 : i32
          %dma_wait3A_259 = arith.constant 0 : i32
          %dma_wait3A_260 = tpu.memref_slice %run_scoped3A[%rem3A_230, %dma_wait3A_258, %dma_wait3A_259] : memref<2x1x128xi32, #tpu.memory_space<vmem>> -> memref<1x1x128xi32, #tpu.memory_space<vmem>>
          %dma_wait3A_261 = tpu.memref_squeeze %dma_wait3A_260 : memref<1x1x128xi32, #tpu.memory_space<vmem>> -> memref<1x128xi32, #tpu.memory_space<vmem>>
          %dma_wait3A_262 = arith.constant 0 : i32
          %dma_wait3A_263 = tpu.memref_slice %dma_wait3A_261[%dma_wait3A, %dma_wait3A_262] : memref<1x128xi32, #tpu.memory_space<vmem>> -> memref<1x128xi32, #tpu.memory_space<vmem>>
          %dma_wait3A_264 = tpu.memref_squeeze %dma_wait3A_263 : memref<1x128xi32, #tpu.memory_space<vmem>> -> memref<128xi32, #tpu.memory_space<vmem>>
          %dma_wait3A_265 = arith.constant 0 : i32
          %dma_wait3A_266 = arith.constant 0 : i32
          %dma_wait3A_267 = tpu.memref_slice %arg2[%dma_wait3A_265, %dma_wait3A_266] : memref<10000x128xf32, #tpu.memory_space<hbm>> -> memref<10000x128xf32, #tpu.memory_space<hbm>>
          tpu.wait_indirect_dma semaphore(%arg5 : memref<!tpu.dma_semaphore, #tpu.memory_space<semaphore_mem>>) src(%dma_wait3A_267 : memref<10000x128xf32, #tpu.memory_space<hbm>>) dst(%dma_wait3A_257 : memref<128x128xf32, #tpu.memory_space<vmem>>)
          "tpu.trace_stop"() : () -> ()
          %ne3A_268 = arith.cmpi ne, %add3A_155, %add3A_173 : i32
          %or3A_269 = arith.constant false
          %or3A_270 = arith.ori %or3A_269, %ne3A_268 : i1
          %or3A_271 = arith.constant false
          %or3A_272 = arith.ori %or3A_270, %or3A_271 : i1
          %or3A_273 = arith.ori %or3A_272, %eq3A_154 : i1
          %convert_element_type3A_274 = arith.extui %or3A_273 : i1 to i32
          %cond3A_275 = arith.constant 0 : i32
          %cond3A_276 = arith.cmpi ne, %convert_element_type3A_274, %cond3A_275 : i32
          scf.if %cond3A_276 {
          } else {
          }
          %and3A_277 = arith.constant false
          %and3A_278 = arith.andi %or3A_273, %and3A_277 : i1
          %ne3A_279 = arith.cmpi ne, %add3A_155, %add3A_173 : i32
          %or3A_280 = arith.constant false
          %or3A_281 = arith.ori %or3A_280, %ne3A_279 : i1
          %or3A_282 = arith.constant false
          %or3A_283 = arith.ori %or3A_281, %or3A_282 : i1
          %or3A_284 = arith.ori %or3A_283, %eq3A_154 : i1
          %convert_element_type3A_285 = arith.extui %or3A_284 : i1 to i32
          %cond3A_286 = arith.constant 0 : i32
          %cond3A_287 = arith.cmpi ne, %convert_element_type3A_285, %cond3A_286 : i32
          scf.if %cond3A_287 {
            "tpu.trace_start"() <{level = 10 : i32, message = "ep_copy_out"}> : () -> ()
            %rem3A_338 = arith.constant 2 : i32
            %rem3A_339 = arith.remui %while3A_145, %rem3A_338 : i32
            %mul3A_340 = arith.constant 128 : i32
            %mul3A_341 = arith.muli %mul3A_340, %add3A_155 : i32
            %dma_start3A_342 = arith.constant 0 : i32
            %dma_start3A_343 = arith.constant 0 : i32
            %dma_start3A_344 = tpu.memref_slice %run_scoped3A_18[%rem3A_339, %dma_start3A_342, %dma_start3A_343] : memref<2x128x128xf32, #tpu.memory_space<vmem>> -> memref<1x128x128xf32, #tpu.memory_space<vmem>>
            %dma_start3A_345 = tpu.memref_squeeze %dma_start3A_344 : memref<1x128x128xf32, #tpu.memory_space<vmem>> -> memref<128x128xf32, #tpu.memory_space<vmem>>
            %dma_start3A_346 = arith.constant 0 : i32
            %dma_start3A_347 = tpu.memref_slice %arg4[%mul3A_341, %dma_start3A_346] : memref<128000x128xf32, #tpu.memory_space<hbm>> -> memref<128x128xf32, #tpu.memory_space<hbm>>
            %dma_start3A_348 = tpu.memref_slice %run_scoped3A_19[%rem3A_339] : memref<2x!tpu.dma_semaphore, #tpu.memory_space<semaphore_mem>> -> memref<1x!tpu.dma_semaphore, #tpu.memory_space<semaphore_mem>>
            %dma_start3A_349 = tpu.memref_squeeze %dma_start3A_348 : memref<1x!tpu.dma_semaphore, #tpu.memory_space<semaphore_mem>> -> memref<!tpu.dma_semaphore, #tpu.memory_space<semaphore_mem>>
            %dma_start3A_350 = arith.constant 0 : i32
            %dma_start3A_351 = tpu.memref_slice %arg4[%mul3A_341, %dma_start3A_350] : memref<128000x128xf32, #tpu.memory_space<hbm>> -> memref<128x128xf32, #tpu.memory_space<hbm>>
            %dma_start3A_352 = arith.constant 0 : i32
            %dma_start3A_353 = arith.constant 0 : i32
            %dma_start3A_354 = tpu.memref_slice %run_scoped3A_18[%rem3A_339, %dma_start3A_352, %dma_start3A_353] : memref<2x128x128xf32, #tpu.memory_space<vmem>> -> memref<1x128x128xf32, #tpu.memory_space<vmem>>
            %dma_start3A_355 = tpu.memref_squeeze %dma_start3A_354 : memref<1x128x128xf32, #tpu.memory_space<vmem>> -> memref<128x128xf32, #tpu.memory_space<vmem>>
            tpu.enqueue_dma source(%dma_start3A_355 : memref<128x128xf32, #tpu.memory_space<vmem>>) target(%dma_start3A_351 : memref<128x128xf32, #tpu.memory_space<hbm>>) target_semaphore(%dma_start3A_349 : memref<!tpu.dma_semaphore, #tpu.memory_space<semaphore_mem>>)
            "tpu.trace_stop"() : () -> ()
          } else {
          }
          %and3A_288 = arith.constant true
          %and3A_289 = arith.andi %or3A_284, %and3A_288 : i1
          %add3A_290 = arith.constant 1 : i32
          %add3A_291 = arith.addi %while3A_145, %add3A_290 : i32
          %select_n3A_292 = arith.select %and3A_289, %add3A_291, %while3A_145 : i32
          %ne3A_293 = arith.cmpi ne, %add3A_155, %add3A_165 : i32
          %or3A_294 = arith.constant false
          %or3A_295 = arith.ori %or3A_294, %ne3A_293 : i1
          %or3A_296 = arith.constant false
          %or3A_297 = arith.ori %or3A_295, %or3A_296 : i1
          %not3A_298 = arith.constant true
          %not3A_299 = arith.xori %eq3A_151, %not3A_298 : i1
          %and3A_300 = arith.andi %or3A_297, %not3A_299 : i1
          %convert_element_type3A_301 = arith.extui %and3A_300 : i1 to i32
          %cond3A_302 = arith.constant 0 : i32
          %cond3A_303 = arith.cmpi ne, %convert_element_type3A_301, %cond3A_302 : i32
          scf.if %cond3A_303 {
          } else {
          }
          %and3A_304 = arith.constant false
          %and3A_305 = arith.andi %and3A_300, %and3A_304 : i1
          %ne3A_306 = arith.cmpi ne, %add3A_155, %add3A_165 : i32
          %or3A_307 = arith.constant false
          %or3A_308 = arith.ori %or3A_307, %ne3A_306 : i1
          %or3A_309 = arith.constant false
          %or3A_310 = arith.ori %or3A_308, %or3A_309 : i1
          %not3A_311 = arith.constant true
          %not3A_312 = arith.xori %eq3A_151, %not3A_311 : i1
          %and3A_313 = arith.andi %or3A_310, %not3A_312 : i1
          %convert_element_type3A_314 = arith.extui %and3A_313 : i1 to i32
          %cond3A_315 = arith.constant 0 : i32
          %cond3A_316 = arith.cmpi ne, %convert_element_type3A_314, %cond3A_315 : i32
          scf.if %cond3A_316 {
            "tpu.trace_start"() <{level = 10 : i32, message = "ep_wait_out"}> : () -> ()
            %rem3A_338 = arith.constant 2 : i32
            %rem3A_339 = arith.remui %while3A_146, %rem3A_338 : i32
            %mul3A_340 = arith.constant 128 : i32
            %mul3A_341 = arith.muli %mul3A_340, %add3A_165 : i32
            %dma_wait3A_342 = arith.constant 0 : i32
            %dma_wait3A_343 = arith.constant 0 : i32
            %dma_wait3A_344 = tpu.memref_slice %run_scoped3A_18[%rem3A_339, %dma_wait3A_342, %dma_wait3A_343] : memref<2x128x128xf32, #tpu.memory_space<vmem>> -> memref<1x128x128xf32, #tpu.memory_space<vmem>>
            %dma_wait3A_345 = tpu.memref_squeeze %dma_wait3A_344 : memref<1x128x128xf32, #tpu.memory_space<vmem>> -> memref<128x128xf32, #tpu.memory_space<vmem>>
            %dma_wait3A_346 = arith.constant 0 : i32
            %dma_wait3A_347 = tpu.memref_slice %arg4[%mul3A_341, %dma_wait3A_346] : memref<128000x128xf32, #tpu.memory_space<hbm>> -> memref<128x128xf32, #tpu.memory_space<hbm>>
            %dma_wait3A_348 = tpu.memref_slice %run_scoped3A_19[%rem3A_339] : memref<2x!tpu.dma_semaphore, #tpu.memory_space<semaphore_mem>> -> memref<1x!tpu.dma_semaphore, #tpu.memory_space<semaphore_mem>>
            %dma_wait3A_349 = tpu.memref_squeeze %dma_wait3A_348 : memref<1x!tpu.dma_semaphore, #tpu.memory_space<semaphore_mem>> -> memref<!tpu.dma_semaphore, #tpu.memory_space<semaphore_mem>>
            %dma_wait3A_350 = arith.constant 0 : i32
            %dma_wait3A_351 = tpu.memref_slice %arg4[%mul3A_341, %dma_wait3A_350] : memref<128000x128xf32, #tpu.memory_space<hbm>> -> memref<128x128xf32, #tpu.memory_space<hbm>>
            %dma_wait3A_352 = arith.constant 0 : i32
            %dma_wait3A_353 = arith.constant 0 : i32
            %dma_wait3A_354 = tpu.memref_slice %run_scoped3A_18[%rem3A_339, %dma_wait3A_352, %dma_wait3A_353] : memref<2x128x128xf32, #tpu.memory_space<vmem>> -> memref<1x128x128xf32, #tpu.memory_space<vmem>>
            %dma_wait3A_355 = tpu.memref_squeeze %dma_wait3A_354 : memref<1x128x128xf32, #tpu.memory_space<vmem>> -> memref<128x128xf32, #tpu.memory_space<vmem>>
            tpu.wait_dma2 semaphore(%dma_wait3A_349 : memref<!tpu.dma_semaphore, #tpu.memory_space<semaphore_mem>>) src(%dma_wait3A_355 : memref<128x128xf32, #tpu.memory_space<vmem>>) dst(%dma_wait3A_351 : memref<128x128xf32, #tpu.memory_space<hbm>>)
            "tpu.trace_stop"() : () -> ()
          } else {
          }
          %and3A_317 = arith.constant true
          %and3A_318 = arith.andi %and3A_313, %and3A_317 : i1
          %add3A_319 = arith.constant 1 : i32
          %add3A_320 = arith.addi %while3A_146, %add3A_319 : i32
          %select_n3A_321 = arith.select %and3A_318, %add3A_320, %while3A_146 : i32
          %ne3A_322 = arith.cmpi ne, %add3A_155, %add3A_173 : i32
          %or3A_323 = arith.constant false
          %or3A_324 = arith.ori %or3A_323, %ne3A_322 : i1
          %or3A_325 = arith.constant false
          %or3A_326 = arith.ori %or3A_324, %or3A_325 : i1
          %or3A_327 = arith.ori %or3A_326, %eq3A_154 : i1
          %add3A_328 = arith.constant 1 : i32
          %add3A_329 = arith.addi %while3A_144, %add3A_328 : i32
          %select_n3A_330 = arith.select %or3A_327, %add3A_329, %while3A_144 : i32
          %add3A_331 = arith.constant 1 : i32
          %add3A_332 = arith.addi %while3A_147, %add3A_331 : i32
          %select_n3A_333 = arith.constant true
          %select_n3A_334 = arith.select %select_n3A_333, %add3A_332, %while3A_147 : i32
          %eq3A_335 = arith.cmpi eq, %select_n3A_334, %select_n3A : i32
          %select_n3A_336 = arith.constant 0 : i32
          %select_n3A_337 = arith.select %eq3A_335, %select_n3A_336, %select_n3A_334 : i32
          scf.yield %select_n3A_197, %select_n3A_330, %select_n3A_292, %select_n3A_321, %select_n3A_337 : i32, i32, i32, i32, i32
        }
        %sub3A_91 = arith.constant 1 : i32
        %sub3A_92 = arith.subi %while3A_90#4, %sub3A_91 : i32
        %select_n3A_93 = arith.constant true
        %select_n3A_94 = arith.select %select_n3A_93, %sub3A_92, %while3A_90#4 : i32
        %eq3A_95 = arith.constant -1 : i32
        %eq3A_96 = arith.cmpi eq, %select_n3A_94, %eq3A_95 : i32
        %sub3A_97 = arith.constant 1 : i32
        %sub3A_98 = arith.subi %select_n3A, %sub3A_97 : i32
        %select_n3A_99 = arith.select %eq3A_96, %sub3A_98, %select_n3A_94 : i32
        %sub3A_100 = arith.constant 1 : i32
        %sub3A_101 = arith.subi %mul3A_16, %sub3A_100 : i32
        %mul3A_102 = arith.constant 1 : i32
        %mul3A_103 = arith.muli %mul3A_102, %select_n3A : i32
        %eq3A_104 = arith.constant 0 : i32
        %eq3A_105 = arith.cmpi eq, %sub3A_101, %eq3A_104 : i32
        %sub3A_106 = arith.constant 1 : i32
        %sub3A_107 = arith.subi %mul3A_103, %sub3A_106 : i32
        %eq3A_108 = arith.cmpi eq, %sub3A_101, %sub3A_107 : i32
        %add3A_109 = arith.addi %select_n3A_99, %select_n3A_14 : i32
        %sub3A_110 = arith.constant 1 : i32
        %sub3A_111 = arith.subi %select_n3A_99, %sub3A_110 : i32
        %select_n3A_112 = arith.constant true
        %select_n3A_113 = arith.select %select_n3A_112, %sub3A_111, %select_n3A_99 : i32
        %eq3A_114 = arith.constant -1 : i32
        %eq3A_115 = arith.cmpi eq, %select_n3A_113, %eq3A_114 : i32
        %sub3A_116 = arith.constant 1 : i32
        %sub3A_117 = arith.subi %select_n3A, %sub3A_116 : i32
        %select_n3A_118 = arith.select %eq3A_115, %sub3A_117, %select_n3A_113 : i32
        %add3A_119 = arith.addi %select_n3A_118, %select_n3A_14 : i32
        %add3A_120 = arith.constant 1 : i32
        %add3A_121 = arith.addi %select_n3A_99, %add3A_120 : i32
        %select_n3A_122 = arith.constant true
        %select_n3A_123 = arith.select %select_n3A_122, %add3A_121, %select_n3A_99 : i32
        %eq3A_124 = arith.cmpi eq, %select_n3A_123, %select_n3A : i32
        %select_n3A_125 = arith.constant 0 : i32
        %select_n3A_126 = arith.select %eq3A_124, %select_n3A_125, %select_n3A_123 : i32
        %add3A_127 = arith.addi %select_n3A_126, %select_n3A_14 : i32
        %add3A_128 = arith.constant 1 : i32
        %add3A_129 = arith.addi %select_n3A_126, %add3A_128 : i32
        %select_n3A_130 = arith.constant true
        %select_n3A_131 = arith.select %select_n3A_130, %add3A_129, %select_n3A_126 : i32
        %eq3A_132 = arith.cmpi eq, %select_n3A_131, %select_n3A : i32
        %select_n3A_133 = arith.constant 0 : i32
        %select_n3A_134 = arith.select %eq3A_132, %select_n3A_133, %select_n3A_131 : i32
        %add3A_135 = arith.addi %select_n3A_134, %select_n3A_14 : i32
        %convert_element_type3A_136 = arith.extui %eq3A_108 : i1 to i32
        %cond3A_137 = arith.constant 0 : i32
        %cond3A_138 = arith.cmpi ne, %convert_element_type3A_136, %cond3A_137 : i32
        scf.if %cond3A_138 {
        } else {
        }
        %convert_element_type3A_139 = arith.extui %eq3A_108 : i1 to i32
        %cond3A_140 = arith.constant 0 : i32
        %cond3A_141 = arith.cmpi ne, %convert_element_type3A_139, %cond3A_140 : i32
        scf.if %cond3A_141 {
          "tpu.trace_start"() <{level = 10 : i32, message = "ep_finalize"}> : () -> ()
          %rem3A_142 = arith.constant 2 : i32
          %rem3A_143 = arith.remui %while3A_90#3, %rem3A_142 : i32
          %mul3A_144 = arith.constant 128 : i32
          %mul3A_145 = arith.muli %mul3A_144, %add3A_109 : i32
          %dma_wait3A = arith.constant 0 : i32
          %dma_wait3A_146 = arith.constant 0 : i32
          %dma_wait3A_147 = tpu.memref_slice %run_scoped3A_18[%rem3A_143, %dma_wait3A, %dma_wait3A_146] : memref<2x128x128xf32, #tpu.memory_space<vmem>> -> memref<1x128x128xf32, #tpu.memory_space<vmem>>
          %dma_wait3A_148 = tpu.memref_squeeze %dma_wait3A_147 : memref<1x128x128xf32, #tpu.memory_space<vmem>> -> memref<128x128xf32, #tpu.memory_space<vmem>>
          %dma_wait3A_149 = arith.constant 0 : i32
          %dma_wait3A_150 = tpu.memref_slice %arg4[%mul3A_145, %dma_wait3A_149] : memref<128000x128xf32, #tpu.memory_space<hbm>> -> memref<128x128xf32, #tpu.memory_space<hbm>>
          %dma_wait3A_151 = tpu.memref_slice %run_scoped3A_19[%rem3A_143] : memref<2x!tpu.dma_semaphore, #tpu.memory_space<semaphore_mem>> -> memref<1x!tpu.dma_semaphore, #tpu.memory_space<semaphore_mem>>
          %dma_wait3A_152 = tpu.memref_squeeze %dma_wait3A_151 : memref<1x!tpu.dma_semaphore, #tpu.memory_space<semaphore_mem>> -> memref<!tpu.dma_semaphore, #tpu.memory_space<semaphore_mem>>
          %dma_wait3A_153 = arith.constant 0 : i32
          %dma_wait3A_154 = tpu.memref_slice %arg4[%mul3A_145, %dma_wait3A_153] : memref<128000x128xf32, #tpu.memory_space<hbm>> -> memref<128x128xf32, #tpu.memory_space<hbm>>
          %dma_wait3A_155 = arith.constant 0 : i32
          %dma_wait3A_156 = arith.constant 0 : i32
          %dma_wait3A_157 = tpu.memref_slice %run_scoped3A_18[%rem3A_143, %dma_wait3A_155, %dma_wait3A_156] : memref<2x128x128xf32, #tpu.memory_space<vmem>> -> memref<1x128x128xf32, #tpu.memory_space<vmem>>
          %dma_wait3A_158 = tpu.memref_squeeze %dma_wait3A_157 : memref<1x128x128xf32, #tpu.memory_space<vmem>> -> memref<128x128xf32, #tpu.memory_space<vmem>>
          tpu.wait_dma2 semaphore(%dma_wait3A_152 : memref<!tpu.dma_semaphore, #tpu.memory_space<semaphore_mem>>) src(%dma_wait3A_158 : memref<128x128xf32, #tpu.memory_space<vmem>>) dst(%dma_wait3A_154 : memref<128x128xf32, #tpu.memory_space<hbm>>)
          "tpu.trace_stop"() : () -> ()
        } else {
        }
      } else {
      }
      tpu.yield
    }) : () -> ()
    return
  }
}

#map = affine_map<(d0, d1) -> (0, 0)>
module attributes {stable_mosaic.version = 14 : i64} {
  func.func @gather_kernel(%arg0: i32, %arg1: i32, %arg2: memref<10000x128xf32, #tpu.memory_space<hbm>>, %arg3: memref<600x128xi32, #tpu.memory_space<hbm>>, %arg4: memref<76800x128xf32, #tpu.memory_space<hbm>>, %arg5: memref<!tpu.dma_semaphore, #tpu.memory_space<semaphore_mem>>) attributes {dimension_semantics = [#tpu.dimension_semantics<core_parallel>, #tpu.dimension_semantics<subcore_parallel>], iteration_bounds = array<i64: 2, 16>, scalar_prefetch = 0 : i64, scratch_operands = 1 : i64, tpu.core_type = #tpu.core_type<sc_vector_subcore>, window_params = [{transform_indices = #map}, {transform_indices = #map}, {transform_indices = #map}]} {
    %mul3A = arith.constant 1 : i32
    %mul3A_0 = arith.muli %arg1, %mul3A : i32
    %add3A = arith.constant 0 : i32
    %add3A_1 = arith.addi %add3A, %mul3A_0 : i32
    %mul3A_2 = arith.constant 16 : i32
    %mul3A_3 = arith.muli %arg0, %mul3A_2 : i32
    %add3A_4 = arith.addi %add3A_1, %mul3A_3 : i32
    %lt3A = arith.constant 24 : i32
    %lt3A_5 = arith.cmpi slt, %add3A_4, %lt3A : i32
    %jit3A = arith.constant 19 : i32
    %jit3A_6 = arith.constant 18 : i32
    %select_n3A = arith.select %lt3A_5, %jit3A, %jit3A_6 : i32
    %lt3A_7 = arith.constant 24 : i32
    %lt3A_8 = arith.cmpi slt, %add3A_4, %lt3A_7 : i32
    %mul3A_9 = arith.muli %add3A_4, %select_n3A : i32
    %mul3A_10 = arith.constant 18 : i32
    %mul3A_11 = arith.muli %add3A_4, %mul3A_10 : i32
    %add3A_12 = arith.constant 24 : i32
    %add3A_13 = arith.addi %mul3A_11, %add3A_12 : i32
    %select_n3A_14 = arith.select %lt3A_8, %mul3A_9, %add3A_13 : i32
    %mul3A_15 = arith.constant 1 : i32
    %mul3A_16 = arith.muli %mul3A_15, %select_n3A : i32
    "tpu.region"() ({
      %run_scoped3A = memref.alloca() : memref<2x1x128xi32, #tpu.memory_space<vmem>>
      %run_scoped3A_17 = tpu.sem_alloc : memref<2x!tpu.dma_semaphore, #tpu.memory_space<semaphore_mem>>
      %run_scoped3A_18 = memref.alloca() : memref<2x128x128xf32, #tpu.memory_space<vmem>>
      %run_scoped3A_19 = tpu.sem_alloc : memref<2x!tpu.dma_semaphore, #tpu.memory_space<semaphore_mem>>
      %gt3A = arith.constant 0 : i32
      %gt3A_20 = arith.cmpi sgt, %mul3A_16, %gt3A : i32
      %convert_element_type3A = arith.extui %gt3A_20 : i1 to i32
      %cond3A = arith.constant 0 : i32
      %cond3A_21 = arith.cmpi ne, %convert_element_type3A, %cond3A : i32
      scf.if %cond3A_21 {
        %mul3A_22 = arith.constant 1 : i32
        %mul3A_23 = arith.muli %mul3A_22, %select_n3A : i32
        %sub3A = arith.constant 1 : i32
        %sub3A_24 = arith.subi %mul3A_23, %sub3A : i32
        %eq3A = arith.constant 0 : i32
        %eq3A_25 = arith.cmpi eq, %sub3A_24, %eq3A : i32
        %add3A_26 = arith.constant 0 : i32
        %add3A_27 = arith.addi %add3A_26, %select_n3A_14 : i32
        %select_n3A_28 = arith.constant true
        %select_n3A_29 = arith.constant 0 : i32
        %select_n3A_30 = arith.constant -1 : i32
        %select_n3A_31 = arith.select %select_n3A_28, %select_n3A_30, %select_n3A_29 : i32
        %eq3A_32 = arith.constant -1 : i32
        %eq3A_33 = arith.cmpi eq, %select_n3A_31, %eq3A_32 : i32
        %sub3A_34 = arith.constant 1 : i32
        %sub3A_35 = arith.subi %select_n3A, %sub3A_34 : i32
        %select_n3A_36 = arith.select %eq3A_33, %sub3A_35, %select_n3A_31 : i32
        %add3A_37 = arith.addi %select_n3A_36, %select_n3A_14 : i32
        %select_n3A_38 = arith.constant true
        %select_n3A_39 = arith.constant 0 : i32
        %select_n3A_40 = arith.constant 1 : i32
        %select_n3A_41 = arith.select %select_n3A_38, %select_n3A_40, %select_n3A_39 : i32
        %eq3A_42 = arith.cmpi eq, %select_n3A_41, %select_n3A : i32
        %select_n3A_43 = arith.constant 0 : i32
        %select_n3A_44 = arith.select %eq3A_42, %select_n3A_43, %select_n3A_41 : i32
        %add3A_45 = arith.addi %select_n3A_44, %select_n3A_14 : i32
        %add3A_46 = arith.constant 1 : i32
        %add3A_47 = arith.addi %select_n3A_44, %add3A_46 : i32
        %select_n3A_48 = arith.constant true
        %select_n3A_49 = arith.select %select_n3A_48, %add3A_47, %select_n3A_44 : i32
        %eq3A_50 = arith.cmpi eq, %select_n3A_49, %select_n3A : i32
        %select_n3A_51 = arith.constant 0 : i32
        %select_n3A_52 = arith.select %eq3A_50, %select_n3A_51, %select_n3A_49 : i32
        %add3A_53 = arith.addi %select_n3A_52, %select_n3A_14 : i32
        "tpu.trace_start"() <{level = 10 : i32, message = "ep_initialize_0"}> : () -> ()
        %rem3A = arith.constant 0 : i32
        %rem3A_54 = arith.constant 2 : i32
        %rem3A_55 = arith.remui %rem3A, %rem3A_54 : i32
        %mul3A_56 = arith.constant 1 : i32
        %mul3A_57 = arith.muli %mul3A_56, %add3A_27 : i32
        %dma_start3A = arith.constant 0 : i32
        %dma_start3A_58 = arith.constant 0 : i32
        %dma_start3A_59 = tpu.memref_slice %run_scoped3A[%rem3A_55, %dma_start3A, %dma_start3A_58] : memref<2x1x128xi32, #tpu.memory_space<vmem>> -> memref<1x1x128xi32, #tpu.memory_space<vmem>>
        %dma_start3A_60 = tpu.memref_squeeze %dma_start3A_59 : memref<1x1x128xi32, #tpu.memory_space<vmem>> -> memref<1x128xi32, #tpu.memory_space<vmem>>
        %dma_start3A_61 = arith.constant 0 : i32
        %dma_start3A_62 = tpu.memref_slice %arg3[%mul3A_57, %dma_start3A_61] : memref<600x128xi32, #tpu.memory_space<hbm>> -> memref<1x128xi32, #tpu.memory_space<hbm>>
        %dma_start3A_63 = tpu.memref_slice %run_scoped3A_17[%rem3A_55] : memref<2x!tpu.dma_semaphore, #tpu.memory_space<semaphore_mem>> -> memref<1x!tpu.dma_semaphore, #tpu.memory_space<semaphore_mem>>
        %dma_start3A_64 = tpu.memref_squeeze %dma_start3A_63 : memref<1x!tpu.dma_semaphore, #tpu.memory_space<semaphore_mem>> -> memref<!tpu.dma_semaphore, #tpu.memory_space<semaphore_mem>>
        %dma_start3A_65 = arith.constant 0 : i32
        %dma_start3A_66 = arith.constant 0 : i32
        %dma_start3A_67 = tpu.memref_slice %run_scoped3A[%rem3A_55, %dma_start3A_65, %dma_start3A_66] : memref<2x1x128xi32, #tpu.memory_space<vmem>> -> memref<1x1x128xi32, #tpu.memory_space<vmem>>
        %dma_start3A_68 = tpu.memref_squeeze %dma_start3A_67 : memref<1x1x128xi32, #tpu.memory_space<vmem>> -> memref<1x128xi32, #tpu.memory_space<vmem>>
        %dma_start3A_69 = arith.constant 0 : i32
        %dma_start3A_70 = tpu.memref_slice %arg3[%mul3A_57, %dma_start3A_69] : memref<600x128xi32, #tpu.memory_space<hbm>> -> memref<1x128xi32, #tpu.memory_space<hbm>>
        tpu.enqueue_dma source(%dma_start3A_70 : memref<1x128xi32, #tpu.memory_space<hbm>>) target(%dma_start3A_68 : memref<1x128xi32, #tpu.memory_space<vmem>>) target_semaphore(%dma_start3A_64 : memref<!tpu.dma_semaphore, #tpu.memory_space<semaphore_mem>>)
        %add3A_71 = arith.constant 0 : i32
        %add3A_72 = arith.constant 1 : i32
        %add3A_73 = arith.addi %add3A_71, %add3A_72 : i32
        %select_n3A_74 = arith.constant true
        %select_n3A_75 = arith.constant 0 : i32
        %select_n3A_76 = arith.select %select_n3A_74, %add3A_73, %select_n3A_75 : i32
        %while3A = arith.constant 0 : i32
        %while3A_77 = arith.constant 0 : i32
        %while3A_78 = arith.constant 0 : i32
        %while3A_79 = arith.constant 0 : i32
        %while3A_80 = arith.constant 0 : i32
        "tpu.trace_stop"() : () -> ()
        %while3A_81 = arith.subi %mul3A_16, %while3A : i32
        %while3A_82 = arith.addi %while3A, %while3A_81 : i32
        %while3A_83 = arith.constant 1 : i32
        %while3A_84 = arith.divsi %while3A_81, %while3A_83 : i32
        %while3A_85 = arith.muli %while3A_84, %while3A_83 : i32
        %while3A_86 = arith.addi %while3A, %while3A_85 : i32
        %while3A_87 = arith.constant 1 : i32
        %while3A_88:5 = scf.for %while3A_142 = %while3A to %while3A_86 step %while3A_87 iter_args(%while3A_143 = %select_n3A_76, %while3A_144 = %while3A_77, %while3A_145 = %while3A_78, %while3A_146 = %while3A_79, %while3A_147 = %while3A_80) -> (i32, i32, i32, i32, i32)  : i32 {
          %mul3A_148 = arith.constant 1 : i32
          %mul3A_149 = arith.muli %mul3A_148, %select_n3A : i32
          %eq3A_150 = arith.constant 0 : i32
          %eq3A_151 = arith.cmpi eq, %while3A_142, %eq3A_150 : i32
          %sub3A_152 = arith.constant 1 : i32
          %sub3A_153 = arith.subi %mul3A_149, %sub3A_152 : i32
          %eq3A_154 = arith.cmpi eq, %while3A_142, %sub3A_153 : i32
          %add3A_155 = arith.addi %while3A_147, %select_n3A_14 : i32
          %sub3A_156 = arith.constant 1 : i32
          %sub3A_157 = arith.subi %while3A_147, %sub3A_156 : i32
          %select_n3A_158 = arith.constant true
          %select_n3A_159 = arith.select %select_n3A_158, %sub3A_157, %while3A_147 : i32
          %eq3A_160 = arith.constant -1 : i32
          %eq3A_161 = arith.cmpi eq, %select_n3A_159, %eq3A_160 : i32
          %sub3A_162 = arith.constant 1 : i32
          %sub3A_163 = arith.subi %select_n3A, %sub3A_162 : i32
          %select_n3A_164 = arith.select %eq3A_161, %sub3A_163, %select_n3A_159 : i32
          %add3A_165 = arith.addi %select_n3A_164, %select_n3A_14 : i32
          %add3A_166 = arith.constant 1 : i32
          %add3A_167 = arith.addi %while3A_147, %add3A_166 : i32
          %select_n3A_168 = arith.constant true
          %select_n3A_169 = arith.select %select_n3A_168, %add3A_167, %while3A_147 : i32
          %eq3A_170 = arith.cmpi eq, %select_n3A_169, %select_n3A : i32
          %select_n3A_171 = arith.constant 0 : i32
          %select_n3A_172 = arith.select %eq3A_170, %select_n3A_171, %select_n3A_169 : i32
          %add3A_173 = arith.addi %select_n3A_172, %select_n3A_14 : i32
          %add3A_174 = arith.constant 1 : i32
          %add3A_175 = arith.addi %select_n3A_172, %add3A_174 : i32
          %select_n3A_176 = arith.constant true
          %select_n3A_177 = arith.select %select_n3A_176, %add3A_175, %select_n3A_172 : i32
          %eq3A_178 = arith.cmpi eq, %select_n3A_177, %select_n3A : i32
          %select_n3A_179 = arith.constant 0 : i32
          %select_n3A_180 = arith.select %eq3A_178, %select_n3A_179, %select_n3A_177 : i32
          %add3A_181 = arith.addi %select_n3A_180, %select_n3A_14 : i32
          %ne3A = arith.cmpi ne, %add3A_155, %add3A_173 : i32
          %or3A = arith.constant false
          %or3A_182 = arith.ori %or3A, %ne3A : i1
          %or3A_183 = arith.constant false
          %or3A_184 = arith.ori %or3A_182, %or3A_183 : i1
          %sub3A_185 = arith.constant 2 : i32
          %sub3A_186 = arith.subi %mul3A_149, %sub3A_185 : i32
          %add3A_187 = arith.constant 1 : i32
          %add3A_188 = arith.addi %sub3A_186, %add3A_187 : i32
          %ge3A = arith.cmpi sge, %while3A_142, %add3A_188 : i32
          %not3A = arith.constant true
          %not3A_189 = arith.xori %ge3A, %not3A : i1
          %and3A = arith.andi %or3A_184, %not3A_189 : i1
          %convert_element_type3A_190 = arith.extui %and3A : i1 to i32
          %cond3A_191 = arith.constant 0 : i32
          %cond3A_192 = arith.cmpi ne, %convert_element_type3A_190, %cond3A_191 : i32
          scf.if %cond3A_192 {
            "tpu.trace_start"() <{level = 10 : i32, message = "ep_copy_in"}> : () -> ()
            %rem3A_338 = arith.constant 2 : i32
            %rem3A_339 = arith.remui %while3A_143, %rem3A_338 : i32
            %mul3A_340 = arith.constant 1 : i32
            %mul3A_341 = arith.muli %mul3A_340, %add3A_173 : i32
            %dma_start3A_342 = arith.constant 0 : i32
            %dma_start3A_343 = arith.constant 0 : i32
            %dma_start3A_344 = tpu.memref_slice %run_scoped3A[%rem3A_339, %dma_start3A_342, %dma_start3A_343] : memref<2x1x128xi32, #tpu.memory_space<vmem>> -> memref<1x1x128xi32, #tpu.memory_space<vmem>>
            %dma_start3A_345 = tpu.memref_squeeze %dma_start3A_344 : memref<1x1x128xi32, #tpu.memory_space<vmem>> -> memref<1x128xi32, #tpu.memory_space<vmem>>
            %dma_start3A_346 = arith.constant 0 : i32
            %dma_start3A_347 = tpu.memref_slice %arg3[%mul3A_341, %dma_start3A_346] : memref<600x128xi32, #tpu.memory_space<hbm>> -> memref<1x128xi32, #tpu.memory_space<hbm>>
            %dma_start3A_348 = tpu.memref_slice %run_scoped3A_17[%rem3A_339] : memref<2x!tpu.dma_semaphore, #tpu.memory_space<semaphore_mem>> -> memref<1x!tpu.dma_semaphore, #tpu.memory_space<semaphore_mem>>
            %dma_start3A_349 = tpu.memref_squeeze %dma_start3A_348 : memref<1x!tpu.dma_semaphore, #tpu.memory_space<semaphore_mem>> -> memref<!tpu.dma_semaphore, #tpu.memory_space<semaphore_mem>>
            %dma_start3A_350 = arith.constant 0 : i32
            %dma_start3A_351 = arith.constant 0 : i32
            %dma_start3A_352 = tpu.memref_slice %run_scoped3A[%rem3A_339, %dma_start3A_350, %dma_start3A_351] : memref<2x1x128xi32, #tpu.memory_space<vmem>> -> memref<1x1x128xi32, #tpu.memory_space<vmem>>
            %dma_start3A_353 = tpu.memref_squeeze %dma_start3A_352 : memref<1x1x128xi32, #tpu.memory_space<vmem>> -> memref<1x128xi32, #tpu.memory_space<vmem>>
            %dma_start3A_354 = arith.constant 0 : i32
            %dma_start3A_355 = tpu.memref_slice %arg3[%mul3A_341, %dma_start3A_354] : memref<600x128xi32, #tpu.memory_space<hbm>> -> memref<1x128xi32, #tpu.memory_space<hbm>>
            tpu.enqueue_dma source(%dma_start3A_355 : memref<1x128xi32, #tpu.memory_space<hbm>>) target(%dma_start3A_353 : memref<1x128xi32, #tpu.memory_space<vmem>>) target_semaphore(%dma_start3A_349 : memref<!tpu.dma_semaphore, #tpu.memory_space<semaphore_mem>>)
            "tpu.trace_stop"() : () -> ()
          } else {
          }
          %and3A_193 = arith.constant true
          %and3A_194 = arith.andi %and3A, %and3A_193 : i1
          %add3A_195 = arith.constant 1 : i32
          %add3A_196 = arith.addi %while3A_143, %add3A_195 : i32
          %select_n3A_197 = arith.select %and3A_194, %add3A_196, %while3A_143 : i32
          %ne3A_198 = arith.cmpi ne, %add3A_155, %add3A_173 : i32
          %or3A_199 = arith.constant false
          %or3A_200 = arith.ori %or3A_199, %ne3A_198 : i1
          %or3A_201 = arith.constant false
          %or3A_202 = arith.ori %or3A_200, %or3A_201 : i1
          %sub3A_203 = arith.constant 2 : i32
          %sub3A_204 = arith.subi %mul3A_149, %sub3A_203 : i32
          %add3A_205 = arith.constant 1 : i32
          %add3A_206 = arith.addi %sub3A_204, %add3A_205 : i32
          %ge3A_207 = arith.cmpi sge, %while3A_142, %add3A_206 : i32
          %not3A_208 = arith.constant true
          %not3A_209 = arith.xori %ge3A_207, %not3A_208 : i1
          %and3A_210 = arith.andi %or3A_202, %not3A_209 : i1
          %ne3A_211 = arith.cmpi ne, %add3A_155, %add3A_165 : i32
          %or3A_212 = arith.constant false
          %or3A_213 = arith.ori %or3A_212, %ne3A_211 : i1
          %or3A_214 = arith.constant false
          %or3A_215 = arith.ori %or3A_213, %or3A_214 : i1
          %or3A_216 = arith.ori %or3A_215, %eq3A_151 : i1
          %convert_element_type3A_217 = arith.extui %or3A_216 : i1 to i32
          %cond3A_218 = arith.constant 0 : i32
          %cond3A_219 = arith.cmpi ne, %convert_element_type3A_217, %cond3A_218 : i32
          scf.if %cond3A_219 {
            "tpu.trace_start"() <{level = 10 : i32, message = "ep_wait_in"}> : () -> ()
            %mul3A_338 = arith.constant 1 : i32
            %mul3A_339 = arith.muli %mul3A_338, %add3A_155 : i32
            %rem3A_340 = arith.constant 2 : i32
            %rem3A_341 = arith.remui %while3A_144, %rem3A_340 : i32
            %dma_wait3A_342 = arith.constant 0 : i32
            %dma_wait3A_343 = arith.constant 0 : i32
            %dma_wait3A_344 = tpu.memref_slice %run_scoped3A[%rem3A_341, %dma_wait3A_342, %dma_wait3A_343] : memref<2x1x128xi32, #tpu.memory_space<vmem>> -> memref<1x1x128xi32, #tpu.memory_space<vmem>>
            %dma_wait3A_345 = tpu.memref_squeeze %dma_wait3A_344 : memref<1x1x128xi32, #tpu.memory_space<vmem>> -> memref<1x128xi32, #tpu.memory_space<vmem>>
            %dma_wait3A_346 = arith.constant 0 : i32
            %dma_wait3A_347 = tpu.memref_slice %arg3[%mul3A_339, %dma_wait3A_346] : memref<600x128xi32, #tpu.memory_space<hbm>> -> memref<1x128xi32, #tpu.memory_space<hbm>>
            %dma_wait3A_348 = tpu.memref_slice %run_scoped3A_17[%rem3A_341] : memref<2x!tpu.dma_semaphore, #tpu.memory_space<semaphore_mem>> -> memref<1x!tpu.dma_semaphore, #tpu.memory_space<semaphore_mem>>
            %dma_wait3A_349 = tpu.memref_squeeze %dma_wait3A_348 : memref<1x!tpu.dma_semaphore, #tpu.memory_space<semaphore_mem>> -> memref<!tpu.dma_semaphore, #tpu.memory_space<semaphore_mem>>
            %dma_wait3A_350 = arith.constant 0 : i32
            %dma_wait3A_351 = arith.constant 0 : i32
            %dma_wait3A_352 = tpu.memref_slice %run_scoped3A[%rem3A_341, %dma_wait3A_350, %dma_wait3A_351] : memref<2x1x128xi32, #tpu.memory_space<vmem>> -> memref<1x1x128xi32, #tpu.memory_space<vmem>>
            %dma_wait3A_353 = tpu.memref_squeeze %dma_wait3A_352 : memref<1x1x128xi32, #tpu.memory_space<vmem>> -> memref<1x128xi32, #tpu.memory_space<vmem>>
            %dma_wait3A_354 = arith.constant 0 : i32
            %dma_wait3A_355 = tpu.memref_slice %arg3[%mul3A_339, %dma_wait3A_354] : memref<600x128xi32, #tpu.memory_space<hbm>> -> memref<1x128xi32, #tpu.memory_space<hbm>>
            tpu.wait_dma2 semaphore(%dma_wait3A_349 : memref<!tpu.dma_semaphore, #tpu.memory_space<semaphore_mem>>) src(%dma_wait3A_355 : memref<1x128xi32, #tpu.memory_space<hbm>>) dst(%dma_wait3A_353 : memref<1x128xi32, #tpu.memory_space<vmem>>)
            "tpu.trace_stop"() : () -> ()
          } else {
          }
          %ne3A_220 = arith.cmpi ne, %add3A_155, %add3A_165 : i32
          %or3A_221 = arith.constant false
          %or3A_222 = arith.ori %or3A_221, %ne3A_220 : i1
          %or3A_223 = arith.constant false
          %or3A_224 = arith.ori %or3A_222, %or3A_223 : i1
          %or3A_225 = arith.ori %or3A_224, %eq3A_151 : i1
          %convert_element_type3A_226 = arith.extui %or3A_225 : i1 to i32
          %cond3A_227 = arith.constant 0 : i32
          %cond3A_228 = arith.cmpi ne, %convert_element_type3A_226, %cond3A_227 : i32
          scf.if %cond3A_228 {
          } else {
          }
          %rem3A_229 = arith.constant 2 : i32
          %rem3A_230 = arith.remui %while3A_144, %rem3A_229 : i32
          %rem3A_231 = arith.constant 2 : i32
          %rem3A_232 = arith.remui %while3A_145, %rem3A_231 : i32
          %dma_start3A_233 = arith.constant 0 : i32
          "tpu.trace_start"() <{level = 10 : i32, message = "ep_run_kernel"}> : () -> ()
          %dma_start3A_234 = arith.constant 0 : i32
          %dma_start3A_235 = arith.constant 0 : i32
          %dma_start3A_236 = tpu.memref_slice %run_scoped3A_18[%rem3A_232, %dma_start3A_234, %dma_start3A_235] : memref<2x128x128xf32, #tpu.memory_space<vmem>> -> memref<1x128x128xf32, #tpu.memory_space<vmem>>
          %dma_start3A_237 = tpu.memref_squeeze %dma_start3A_236 : memref<1x128x128xf32, #tpu.memory_space<vmem>> -> memref<128x128xf32, #tpu.memory_space<vmem>>
          %dma_start3A_238 = arith.constant 0 : i32
          %dma_start3A_239 = arith.constant 0 : i32
          %dma_start3A_240 = tpu.memref_slice %dma_start3A_237[%dma_start3A_238, %dma_start3A_239] : memref<128x128xf32, #tpu.memory_space<vmem>> -> memref<128x128xf32, #tpu.memory_space<vmem>>
          %dma_start3A_241 = arith.constant 0 : i32
          %dma_start3A_242 = arith.constant 0 : i32
          %dma_start3A_243 = tpu.memref_slice %run_scoped3A[%rem3A_230, %dma_start3A_241, %dma_start3A_242] : memref<2x1x128xi32, #tpu.memory_space<vmem>> -> memref<1x1x128xi32, #tpu.memory_space<vmem>>
          %dma_start3A_244 = tpu.memref_squeeze %dma_start3A_243 : memref<1x1x128xi32, #tpu.memory_space<vmem>> -> memref<1x128xi32, #tpu.memory_space<vmem>>
          %dma_start3A_245 = arith.constant 0 : i32
          %dma_start3A_246 = tpu.memref_slice %dma_start3A_244[%dma_start3A_233, %dma_start3A_245] : memref<1x128xi32, #tpu.memory_space<vmem>> -> memref<1x128xi32, #tpu.memory_space<vmem>>
          %dma_start3A_247 = tpu.memref_squeeze %dma_start3A_246 : memref<1x128xi32, #tpu.memory_space<vmem>> -> memref<128xi32, #tpu.memory_space<vmem>>
          %dma_start3A_248 = arith.constant 0 : i32
          %dma_start3A_249 = arith.constant 0 : i32
          %dma_start3A_250 = tpu.memref_slice %arg2[%dma_start3A_248, %dma_start3A_249] : memref<10000x128xf32, #tpu.memory_space<hbm>> -> memref<10000x128xf32, #tpu.memory_space<hbm>>
          tpu.enqueue_indirect_dma source(%dma_start3A_250 : memref<10000x128xf32, #tpu.memory_space<hbm>>) target(%dma_start3A_240 : memref<128x128xf32, #tpu.memory_space<vmem>>) offsets(%dma_start3A_247 : memref<128xi32, #tpu.memory_space<vmem>>) semaphore(%arg5 : memref<!tpu.dma_semaphore, #tpu.memory_space<semaphore_mem>>)
          %dma_wait3A = arith.constant 0 : i32
          %dma_wait3A_251 = arith.constant 0 : i32
          %dma_wait3A_252 = arith.constant 0 : i32
          %dma_wait3A_253 = tpu.memref_slice %run_scoped3A_18[%rem3A_232, %dma_wait3A_251, %dma_wait3A_252] : memref<2x128x128xf32, #tpu.memory_space<vmem>> -> memref<1x128x128xf32, #tpu.memory_space<vmem>>
          %dma_wait3A_254 = tpu.memref_squeeze %dma_wait3A_253 : memref<1x128x128xf32, #tpu.memory_space<vmem>> -> memref<128x128xf32, #tpu.memory_space<vmem>>
          %dma_wait3A_255 = arith.constant 0 : i32
          %dma_wait3A_256 = arith.constant 0 : i32
          %dma_wait3A_257 = tpu.memref_slice %dma_wait3A_254[%dma_wait3A_255, %dma_wait3A_256] : memref<128x128xf32, #tpu.memory_space<vmem>> -> memref<128x128xf32, #tpu.memory_space<vmem>>
          %dma_wait3A_258 = arith.constant 0 : i32
          %dma_wait3A_259 = arith.constant 0 : i32
          %dma_wait3A_260 = tpu.memref_slice %run_scoped3A[%rem3A_230, %dma_wait3A_258, %dma_wait3A_259] : memref<2x1x128xi32, #tpu.memory_space<vmem>> -> memref<1x1x128xi32, #tpu.memory_space<vmem>>
          %dma_wait3A_261 = tpu.memref_squeeze %dma_wait3A_260 : memref<1x1x128xi32, #tpu.memory_space<vmem>> -> memref<1x128xi32, #tpu.memory_space<vmem>>
          %dma_wait3A_262 = arith.constant 0 : i32
          %dma_wait3A_263 = tpu.memref_slice %dma_wait3A_261[%dma_wait3A, %dma_wait3A_262] : memref<1x128xi32, #tpu.memory_space<vmem>> -> memref<1x128xi32, #tpu.memory_space<vmem>>
          %dma_wait3A_264 = tpu.memref_squeeze %dma_wait3A_263 : memref<1x128xi32, #tpu.memory_space<vmem>> -> memref<128xi32, #tpu.memory_space<vmem>>
          %dma_wait3A_265 = arith.constant 0 : i32
          %dma_wait3A_266 = arith.constant 0 : i32
          %dma_wait3A_267 = tpu.memref_slice %arg2[%dma_wait3A_265, %dma_wait3A_266] : memref<10000x128xf32, #tpu.memory_space<hbm>> -> memref<10000x128xf32, #tpu.memory_space<hbm>>
          tpu.wait_indirect_dma semaphore(%arg5 : memref<!tpu.dma_semaphore, #tpu.memory_space<semaphore_mem>>) src(%dma_wait3A_267 : memref<10000x128xf32, #tpu.memory_space<hbm>>) dst(%dma_wait3A_257 : memref<128x128xf32, #tpu.memory_space<vmem>>)
          "tpu.trace_stop"() : () -> ()
          %ne3A_268 = arith.cmpi ne, %add3A_155, %add3A_173 : i32
          %or3A_269 = arith.constant false
          %or3A_270 = arith.ori %or3A_269, %ne3A_268 : i1
          %or3A_271 = arith.constant false
          %or3A_272 = arith.ori %or3A_270, %or3A_271 : i1
          %or3A_273 = arith.ori %or3A_272, %eq3A_154 : i1
          %convert_element_type3A_274 = arith.extui %or3A_273 : i1 to i32
          %cond3A_275 = arith.constant 0 : i32
          %cond3A_276 = arith.cmpi ne, %convert_element_type3A_274, %cond3A_275 : i32
          scf.if %cond3A_276 {
          } else {
          }
          %and3A_277 = arith.constant false
          %and3A_278 = arith.andi %or3A_273, %and3A_277 : i1
          %ne3A_279 = arith.cmpi ne, %add3A_155, %add3A_173 : i32
          %or3A_280 = arith.constant false
          %or3A_281 = arith.ori %or3A_280, %ne3A_279 : i1
          %or3A_282 = arith.constant false
          %or3A_283 = arith.ori %or3A_281, %or3A_282 : i1
          %or3A_284 = arith.ori %or3A_283, %eq3A_154 : i1
          %convert_element_type3A_285 = arith.extui %or3A_284 : i1 to i32
          %cond3A_286 = arith.constant 0 : i32
          %cond3A_287 = arith.cmpi ne, %convert_element_type3A_285, %cond3A_286 : i32
          scf.if %cond3A_287 {
            "tpu.trace_start"() <{level = 10 : i32, message = "ep_copy_out"}> : () -> ()
            %rem3A_338 = arith.constant 2 : i32
            %rem3A_339 = arith.remui %while3A_145, %rem3A_338 : i32
            %mul3A_340 = arith.constant 128 : i32
            %mul3A_341 = arith.muli %mul3A_340, %add3A_155 : i32
            %dma_start3A_342 = arith.constant 0 : i32
            %dma_start3A_343 = arith.constant 0 : i32
            %dma_start3A_344 = tpu.memref_slice %run_scoped3A_18[%rem3A_339, %dma_start3A_342, %dma_start3A_343] : memref<2x128x128xf32, #tpu.memory_space<vmem>> -> memref<1x128x128xf32, #tpu.memory_space<vmem>>
            %dma_start3A_345 = tpu.memref_squeeze %dma_start3A_344 : memref<1x128x128xf32, #tpu.memory_space<vmem>> -> memref<128x128xf32, #tpu.memory_space<vmem>>
            %dma_start3A_346 = arith.constant 0 : i32
            %dma_start3A_347 = tpu.memref_slice %arg4[%mul3A_341, %dma_start3A_346] : memref<76800x128xf32, #tpu.memory_space<hbm>> -> memref<128x128xf32, #tpu.memory_space<hbm>>
            %dma_start3A_348 = tpu.memref_slice %run_scoped3A_19[%rem3A_339] : memref<2x!tpu.dma_semaphore, #tpu.memory_space<semaphore_mem>> -> memref<1x!tpu.dma_semaphore, #tpu.memory_space<semaphore_mem>>
            %dma_start3A_349 = tpu.memref_squeeze %dma_start3A_348 : memref<1x!tpu.dma_semaphore, #tpu.memory_space<semaphore_mem>> -> memref<!tpu.dma_semaphore, #tpu.memory_space<semaphore_mem>>
            %dma_start3A_350 = arith.constant 0 : i32
            %dma_start3A_351 = tpu.memref_slice %arg4[%mul3A_341, %dma_start3A_350] : memref<76800x128xf32, #tpu.memory_space<hbm>> -> memref<128x128xf32, #tpu.memory_space<hbm>>
            %dma_start3A_352 = arith.constant 0 : i32
            %dma_start3A_353 = arith.constant 0 : i32
            %dma_start3A_354 = tpu.memref_slice %run_scoped3A_18[%rem3A_339, %dma_start3A_352, %dma_start3A_353] : memref<2x128x128xf32, #tpu.memory_space<vmem>> -> memref<1x128x128xf32, #tpu.memory_space<vmem>>
            %dma_start3A_355 = tpu.memref_squeeze %dma_start3A_354 : memref<1x128x128xf32, #tpu.memory_space<vmem>> -> memref<128x128xf32, #tpu.memory_space<vmem>>
            tpu.enqueue_dma source(%dma_start3A_355 : memref<128x128xf32, #tpu.memory_space<vmem>>) target(%dma_start3A_351 : memref<128x128xf32, #tpu.memory_space<hbm>>) target_semaphore(%dma_start3A_349 : memref<!tpu.dma_semaphore, #tpu.memory_space<semaphore_mem>>)
            "tpu.trace_stop"() : () -> ()
          } else {
          }
          %and3A_288 = arith.constant true
          %and3A_289 = arith.andi %or3A_284, %and3A_288 : i1
          %add3A_290 = arith.constant 1 : i32
          %add3A_291 = arith.addi %while3A_145, %add3A_290 : i32
          %select_n3A_292 = arith.select %and3A_289, %add3A_291, %while3A_145 : i32
          %ne3A_293 = arith.cmpi ne, %add3A_155, %add3A_165 : i32
          %or3A_294 = arith.constant false
          %or3A_295 = arith.ori %or3A_294, %ne3A_293 : i1
          %or3A_296 = arith.constant false
          %or3A_297 = arith.ori %or3A_295, %or3A_296 : i1
          %not3A_298 = arith.constant true
          %not3A_299 = arith.xori %eq3A_151, %not3A_298 : i1
          %and3A_300 = arith.andi %or3A_297, %not3A_299 : i1
          %convert_element_type3A_301 = arith.extui %and3A_300 : i1 to i32
          %cond3A_302 = arith.constant 0 : i32
          %cond3A_303 = arith.cmpi ne, %convert_element_type3A_301, %cond3A_302 : i32
          scf.if %cond3A_303 {
          } else {
          }
          %and3A_304 = arith.constant false
          %and3A_305 = arith.andi %and3A_300, %and3A_304 : i1
          %ne3A_306 = arith.cmpi ne, %add3A_155, %add3A_165 : i32
          %or3A_307 = arith.constant false
          %or3A_308 = arith.ori %or3A_307, %ne3A_306 : i1
          %or3A_309 = arith.constant false
          %or3A_310 = arith.ori %or3A_308, %or3A_309 : i1
          %not3A_311 = arith.constant true
          %not3A_312 = arith.xori %eq3A_151, %not3A_311 : i1
          %and3A_313 = arith.andi %or3A_310, %not3A_312 : i1
          %convert_element_type3A_314 = arith.extui %and3A_313 : i1 to i32
          %cond3A_315 = arith.constant 0 : i32
          %cond3A_316 = arith.cmpi ne, %convert_element_type3A_314, %cond3A_315 : i32
          scf.if %cond3A_316 {
            "tpu.trace_start"() <{level = 10 : i32, message = "ep_wait_out"}> : () -> ()
            %rem3A_338 = arith.constant 2 : i32
            %rem3A_339 = arith.remui %while3A_146, %rem3A_338 : i32
            %mul3A_340 = arith.constant 128 : i32
            %mul3A_341 = arith.muli %mul3A_340, %add3A_165 : i32
            %dma_wait3A_342 = arith.constant 0 : i32
            %dma_wait3A_343 = arith.constant 0 : i32
            %dma_wait3A_344 = tpu.memref_slice %run_scoped3A_18[%rem3A_339, %dma_wait3A_342, %dma_wait3A_343] : memref<2x128x128xf32, #tpu.memory_space<vmem>> -> memref<1x128x128xf32, #tpu.memory_space<vmem>>
            %dma_wait3A_345 = tpu.memref_squeeze %dma_wait3A_344 : memref<1x128x128xf32, #tpu.memory_space<vmem>> -> memref<128x128xf32, #tpu.memory_space<vmem>>
            %dma_wait3A_346 = arith.constant 0 : i32
            %dma_wait3A_347 = tpu.memref_slice %arg4[%mul3A_341, %dma_wait3A_346] : memref<76800x128xf32, #tpu.memory_space<hbm>> -> memref<128x128xf32, #tpu.memory_space<hbm>>
            %dma_wait3A_348 = tpu.memref_slice %run_scoped3A_19[%rem3A_339] : memref<2x!tpu.dma_semaphore, #tpu.memory_space<semaphore_mem>> -> memref<1x!tpu.dma_semaphore, #tpu.memory_space<semaphore_mem>>
            %dma_wait3A_349 = tpu.memref_squeeze %dma_wait3A_348 : memref<1x!tpu.dma_semaphore, #tpu.memory_space<semaphore_mem>> -> memref<!tpu.dma_semaphore, #tpu.memory_space<semaphore_mem>>
            %dma_wait3A_350 = arith.constant 0 : i32
            %dma_wait3A_351 = tpu.memref_slice %arg4[%mul3A_341, %dma_wait3A_350] : memref<76800x128xf32, #tpu.memory_space<hbm>> -> memref<128x128xf32, #tpu.memory_space<hbm>>
            %dma_wait3A_352 = arith.constant 0 : i32
            %dma_wait3A_353 = arith.constant 0 : i32
            %dma_wait3A_354 = tpu.memref_slice %run_scoped3A_18[%rem3A_339, %dma_wait3A_352, %dma_wait3A_353] : memref<2x128x128xf32, #tpu.memory_space<vmem>> -> memref<1x128x128xf32, #tpu.memory_space<vmem>>
            %dma_wait3A_355 = tpu.memref_squeeze %dma_wait3A_354 : memref<1x128x128xf32, #tpu.memory_space<vmem>> -> memref<128x128xf32, #tpu.memory_space<vmem>>
            tpu.wait_dma2 semaphore(%dma_wait3A_349 : memref<!tpu.dma_semaphore, #tpu.memory_space<semaphore_mem>>) src(%dma_wait3A_355 : memref<128x128xf32, #tpu.memory_space<vmem>>) dst(%dma_wait3A_351 : memref<128x128xf32, #tpu.memory_space<hbm>>)
            "tpu.trace_stop"() : () -> ()
          } else {
          }
          %and3A_317 = arith.constant true
          %and3A_318 = arith.andi %and3A_313, %and3A_317 : i1
          %add3A_319 = arith.constant 1 : i32
          %add3A_320 = arith.addi %while3A_146, %add3A_319 : i32
          %select_n3A_321 = arith.select %and3A_318, %add3A_320, %while3A_146 : i32
          %ne3A_322 = arith.cmpi ne, %add3A_155, %add3A_173 : i32
          %or3A_323 = arith.constant false
          %or3A_324 = arith.ori %or3A_323, %ne3A_322 : i1
          %or3A_325 = arith.constant false
          %or3A_326 = arith.ori %or3A_324, %or3A_325 : i1
          %or3A_327 = arith.ori %or3A_326, %eq3A_154 : i1
          %add3A_328 = arith.constant 1 : i32
          %add3A_329 = arith.addi %while3A_144, %add3A_328 : i32
          %select_n3A_330 = arith.select %or3A_327, %add3A_329, %while3A_144 : i32
          %add3A_331 = arith.constant 1 : i32
          %add3A_332 = arith.addi %while3A_147, %add3A_331 : i32
          %select_n3A_333 = arith.constant true
          %select_n3A_334 = arith.select %select_n3A_333, %add3A_332, %while3A_147 : i32
          %eq3A_335 = arith.cmpi eq, %select_n3A_334, %select_n3A : i32
          %select_n3A_336 = arith.constant 0 : i32
          %select_n3A_337 = arith.select %eq3A_335, %select_n3A_336, %select_n3A_334 : i32
          scf.yield %select_n3A_197, %select_n3A_330, %select_n3A_292, %select_n3A_321, %select_n3A_337 : i32, i32, i32, i32, i32
        }
        %while3A_89 = arith.constant 1 : i32
        %while3A_90:5 = scf.for %while3A_142 = %while3A_86 to %while3A_82 step %while3A_89 iter_args(%while3A_143 = %while3A_88#0, %while3A_144 = %while3A_88#1, %while3A_145 = %while3A_88#2, %while3A_146 = %while3A_88#3, %while3A_147 = %while3A_88#4) -> (i32, i32, i32, i32, i32)  : i32 {
          %mul3A_148 = arith.constant 1 : i32
          %mul3A_149 = arith.muli %mul3A_148, %select_n3A : i32
          %eq3A_150 = arith.constant 0 : i32
          %eq3A_151 = arith.cmpi eq, %while3A_142, %eq3A_150 : i32
          %sub3A_152 = arith.constant 1 : i32
          %sub3A_153 = arith.subi %mul3A_149, %sub3A_152 : i32
          %eq3A_154 = arith.cmpi eq, %while3A_142, %sub3A_153 : i32
          %add3A_155 = arith.addi %while3A_147, %select_n3A_14 : i32
          %sub3A_156 = arith.constant 1 : i32
          %sub3A_157 = arith.subi %while3A_147, %sub3A_156 : i32
          %select_n3A_158 = arith.constant true
          %select_n3A_159 = arith.select %select_n3A_158, %sub3A_157, %while3A_147 : i32
          %eq3A_160 = arith.constant -1 : i32
          %eq3A_161 = arith.cmpi eq, %select_n3A_159, %eq3A_160 : i32
          %sub3A_162 = arith.constant 1 : i32
          %sub3A_163 = arith.subi %select_n3A, %sub3A_162 : i32
          %select_n3A_164 = arith.select %eq3A_161, %sub3A_163, %select_n3A_159 : i32
          %add3A_165 = arith.addi %select_n3A_164, %select_n3A_14 : i32
          %add3A_166 = arith.constant 1 : i32
          %add3A_167 = arith.addi %while3A_147, %add3A_166 : i32
          %select_n3A_168 = arith.constant true
          %select_n3A_169 = arith.select %select_n3A_168, %add3A_167, %while3A_147 : i32
          %eq3A_170 = arith.cmpi eq, %select_n3A_169, %select_n3A : i32
          %select_n3A_171 = arith.constant 0 : i32
          %select_n3A_172 = arith.select %eq3A_170, %select_n3A_171, %select_n3A_169 : i32
          %add3A_173 = arith.addi %select_n3A_172, %select_n3A_14 : i32
          %add3A_174 = arith.constant 1 : i32
          %add3A_175 = arith.addi %select_n3A_172, %add3A_174 : i32
          %select_n3A_176 = arith.constant true
          %select_n3A_177 = arith.select %select_n3A_176, %add3A_175, %select_n3A_172 : i32
          %eq3A_178 = arith.cmpi eq, %select_n3A_177, %select_n3A : i32
          %select_n3A_179 = arith.constant 0 : i32
          %select_n3A_180 = arith.select %eq3A_178, %select_n3A_179, %select_n3A_177 : i32
          %add3A_181 = arith.addi %select_n3A_180, %select_n3A_14 : i32
          %ne3A = arith.cmpi ne, %add3A_155, %add3A_173 : i32
          %or3A = arith.constant false
          %or3A_182 = arith.ori %or3A, %ne3A : i1
          %or3A_183 = arith.constant false
          %or3A_184 = arith.ori %or3A_182, %or3A_183 : i1
          %sub3A_185 = arith.constant 2 : i32
          %sub3A_186 = arith.subi %mul3A_149, %sub3A_185 : i32
          %add3A_187 = arith.constant 1 : i32
          %add3A_188 = arith.addi %sub3A_186, %add3A_187 : i32
          %ge3A = arith.cmpi sge, %while3A_142, %add3A_188 : i32
          %not3A = arith.constant true
          %not3A_189 = arith.xori %ge3A, %not3A : i1
          %and3A = arith.andi %or3A_184, %not3A_189 : i1
          %convert_element_type3A_190 = arith.extui %and3A : i1 to i32
          %cond3A_191 = arith.constant 0 : i32
          %cond3A_192 = arith.cmpi ne, %convert_element_type3A_190, %cond3A_191 : i32
          scf.if %cond3A_192 {
            "tpu.trace_start"() <{level = 10 : i32, message = "ep_copy_in"}> : () -> ()
            %rem3A_338 = arith.constant 2 : i32
            %rem3A_339 = arith.remui %while3A_143, %rem3A_338 : i32
            %mul3A_340 = arith.constant 1 : i32
            %mul3A_341 = arith.muli %mul3A_340, %add3A_173 : i32
            %dma_start3A_342 = arith.constant 0 : i32
            %dma_start3A_343 = arith.constant 0 : i32
            %dma_start3A_344 = tpu.memref_slice %run_scoped3A[%rem3A_339, %dma_start3A_342, %dma_start3A_343] : memref<2x1x128xi32, #tpu.memory_space<vmem>> -> memref<1x1x128xi32, #tpu.memory_space<vmem>>
            %dma_start3A_345 = tpu.memref_squeeze %dma_start3A_344 : memref<1x1x128xi32, #tpu.memory_space<vmem>> -> memref<1x128xi32, #tpu.memory_space<vmem>>
            %dma_start3A_346 = arith.constant 0 : i32
            %dma_start3A_347 = tpu.memref_slice %arg3[%mul3A_341, %dma_start3A_346] : memref<600x128xi32, #tpu.memory_space<hbm>> -> memref<1x128xi32, #tpu.memory_space<hbm>>
            %dma_start3A_348 = tpu.memref_slice %run_scoped3A_17[%rem3A_339] : memref<2x!tpu.dma_semaphore, #tpu.memory_space<semaphore_mem>> -> memref<1x!tpu.dma_semaphore, #tpu.memory_space<semaphore_mem>>
            %dma_start3A_349 = tpu.memref_squeeze %dma_start3A_348 : memref<1x!tpu.dma_semaphore, #tpu.memory_space<semaphore_mem>> -> memref<!tpu.dma_semaphore, #tpu.memory_space<semaphore_mem>>
            %dma_start3A_350 = arith.constant 0 : i32
            %dma_start3A_351 = arith.constant 0 : i32
            %dma_start3A_352 = tpu.memref_slice %run_scoped3A[%rem3A_339, %dma_start3A_350, %dma_start3A_351] : memref<2x1x128xi32, #tpu.memory_space<vmem>> -> memref<1x1x128xi32, #tpu.memory_space<vmem>>
            %dma_start3A_353 = tpu.memref_squeeze %dma_start3A_352 : memref<1x1x128xi32, #tpu.memory_space<vmem>> -> memref<1x128xi32, #tpu.memory_space<vmem>>
            %dma_start3A_354 = arith.constant 0 : i32
            %dma_start3A_355 = tpu.memref_slice %arg3[%mul3A_341, %dma_start3A_354] : memref<600x128xi32, #tpu.memory_space<hbm>> -> memref<1x128xi32, #tpu.memory_space<hbm>>
            tpu.enqueue_dma source(%dma_start3A_355 : memref<1x128xi32, #tpu.memory_space<hbm>>) target(%dma_start3A_353 : memref<1x128xi32, #tpu.memory_space<vmem>>) target_semaphore(%dma_start3A_349 : memref<!tpu.dma_semaphore, #tpu.memory_space<semaphore_mem>>)
            "tpu.trace_stop"() : () -> ()
          } else {
          }
          %and3A_193 = arith.constant true
          %and3A_194 = arith.andi %and3A, %and3A_193 : i1
          %add3A_195 = arith.constant 1 : i32
          %add3A_196 = arith.addi %while3A_143, %add3A_195 : i32
          %select_n3A_197 = arith.select %and3A_194, %add3A_196, %while3A_143 : i32
          %ne3A_198 = arith.cmpi ne, %add3A_155, %add3A_173 : i32
          %or3A_199 = arith.constant false
          %or3A_200 = arith.ori %or3A_199, %ne3A_198 : i1
          %or3A_201 = arith.constant false
          %or3A_202 = arith.ori %or3A_200, %or3A_201 : i1
          %sub3A_203 = arith.constant 2 : i32
          %sub3A_204 = arith.subi %mul3A_149, %sub3A_203 : i32
          %add3A_205 = arith.constant 1 : i32
          %add3A_206 = arith.addi %sub3A_204, %add3A_205 : i32
          %ge3A_207 = arith.cmpi sge, %while3A_142, %add3A_206 : i32
          %not3A_208 = arith.constant true
          %not3A_209 = arith.xori %ge3A_207, %not3A_208 : i1
          %and3A_210 = arith.andi %or3A_202, %not3A_209 : i1
          %ne3A_211 = arith.cmpi ne, %add3A_155, %add3A_165 : i32
          %or3A_212 = arith.constant false
          %or3A_213 = arith.ori %or3A_212, %ne3A_211 : i1
          %or3A_214 = arith.constant false
          %or3A_215 = arith.ori %or3A_213, %or3A_214 : i1
          %or3A_216 = arith.ori %or3A_215, %eq3A_151 : i1
          %convert_element_type3A_217 = arith.extui %or3A_216 : i1 to i32
          %cond3A_218 = arith.constant 0 : i32
          %cond3A_219 = arith.cmpi ne, %convert_element_type3A_217, %cond3A_218 : i32
          scf.if %cond3A_219 {
            "tpu.trace_start"() <{level = 10 : i32, message = "ep_wait_in"}> : () -> ()
            %mul3A_338 = arith.constant 1 : i32
            %mul3A_339 = arith.muli %mul3A_338, %add3A_155 : i32
            %rem3A_340 = arith.constant 2 : i32
            %rem3A_341 = arith.remui %while3A_144, %rem3A_340 : i32
            %dma_wait3A_342 = arith.constant 0 : i32
            %dma_wait3A_343 = arith.constant 0 : i32
            %dma_wait3A_344 = tpu.memref_slice %run_scoped3A[%rem3A_341, %dma_wait3A_342, %dma_wait3A_343] : memref<2x1x128xi32, #tpu.memory_space<vmem>> -> memref<1x1x128xi32, #tpu.memory_space<vmem>>
            %dma_wait3A_345 = tpu.memref_squeeze %dma_wait3A_344 : memref<1x1x128xi32, #tpu.memory_space<vmem>> -> memref<1x128xi32, #tpu.memory_space<vmem>>
            %dma_wait3A_346 = arith.constant 0 : i32
            %dma_wait3A_347 = tpu.memref_slice %arg3[%mul3A_339, %dma_wait3A_346] : memref<600x128xi32, #tpu.memory_space<hbm>> -> memref<1x128xi32, #tpu.memory_space<hbm>>
            %dma_wait3A_348 = tpu.memref_slice %run_scoped3A_17[%rem3A_341] : memref<2x!tpu.dma_semaphore, #tpu.memory_space<semaphore_mem>> -> memref<1x!tpu.dma_semaphore, #tpu.memory_space<semaphore_mem>>
            %dma_wait3A_349 = tpu.memref_squeeze %dma_wait3A_348 : memref<1x!tpu.dma_semaphore, #tpu.memory_space<semaphore_mem>> -> memref<!tpu.dma_semaphore, #tpu.memory_space<semaphore_mem>>
            %dma_wait3A_350 = arith.constant 0 : i32
            %dma_wait3A_351 = arith.constant 0 : i32
            %dma_wait3A_352 = tpu.memref_slice %run_scoped3A[%rem3A_341, %dma_wait3A_350, %dma_wait3A_351] : memref<2x1x128xi32, #tpu.memory_space<vmem>> -> memref<1x1x128xi32, #tpu.memory_space<vmem>>
            %dma_wait3A_353 = tpu.memref_squeeze %dma_wait3A_352 : memref<1x1x128xi32, #tpu.memory_space<vmem>> -> memref<1x128xi32, #tpu.memory_space<vmem>>
            %dma_wait3A_354 = arith.constant 0 : i32
            %dma_wait3A_355 = tpu.memref_slice %arg3[%mul3A_339, %dma_wait3A_354] : memref<600x128xi32, #tpu.memory_space<hbm>> -> memref<1x128xi32, #tpu.memory_space<hbm>>
            tpu.wait_dma2 semaphore(%dma_wait3A_349 : memref<!tpu.dma_semaphore, #tpu.memory_space<semaphore_mem>>) src(%dma_wait3A_355 : memref<1x128xi32, #tpu.memory_space<hbm>>) dst(%dma_wait3A_353 : memref<1x128xi32, #tpu.memory_space<vmem>>)
            "tpu.trace_stop"() : () -> ()
          } else {
          }
          %ne3A_220 = arith.cmpi ne, %add3A_155, %add3A_165 : i32
          %or3A_221 = arith.constant false
          %or3A_222 = arith.ori %or3A_221, %ne3A_220 : i1
          %or3A_223 = arith.constant false
          %or3A_224 = arith.ori %or3A_222, %or3A_223 : i1
          %or3A_225 = arith.ori %or3A_224, %eq3A_151 : i1
          %convert_element_type3A_226 = arith.extui %or3A_225 : i1 to i32
          %cond3A_227 = arith.constant 0 : i32
          %cond3A_228 = arith.cmpi ne, %convert_element_type3A_226, %cond3A_227 : i32
          scf.if %cond3A_228 {
          } else {
          }
          %rem3A_229 = arith.constant 2 : i32
          %rem3A_230 = arith.remui %while3A_144, %rem3A_229 : i32
          %rem3A_231 = arith.constant 2 : i32
          %rem3A_232 = arith.remui %while3A_145, %rem3A_231 : i32
          %dma_start3A_233 = arith.constant 0 : i32
          "tpu.trace_start"() <{level = 10 : i32, message = "ep_run_kernel"}> : () -> ()
          %dma_start3A_234 = arith.constant 0 : i32
          %dma_start3A_235 = arith.constant 0 : i32
          %dma_start3A_236 = tpu.memref_slice %run_scoped3A_18[%rem3A_232, %dma_start3A_234, %dma_start3A_235] : memref<2x128x128xf32, #tpu.memory_space<vmem>> -> memref<1x128x128xf32, #tpu.memory_space<vmem>>
          %dma_start3A_237 = tpu.memref_squeeze %dma_start3A_236 : memref<1x128x128xf32, #tpu.memory_space<vmem>> -> memref<128x128xf32, #tpu.memory_space<vmem>>
          %dma_start3A_238 = arith.constant 0 : i32
          %dma_start3A_239 = arith.constant 0 : i32
          %dma_start3A_240 = tpu.memref_slice %dma_start3A_237[%dma_start3A_238, %dma_start3A_239] : memref<128x128xf32, #tpu.memory_space<vmem>> -> memref<128x128xf32, #tpu.memory_space<vmem>>
          %dma_start3A_241 = arith.constant 0 : i32
          %dma_start3A_242 = arith.constant 0 : i32
          %dma_start3A_243 = tpu.memref_slice %run_scoped3A[%rem3A_230, %dma_start3A_241, %dma_start3A_242] : memref<2x1x128xi32, #tpu.memory_space<vmem>> -> memref<1x1x128xi32, #tpu.memory_space<vmem>>
          %dma_start3A_244 = tpu.memref_squeeze %dma_start3A_243 : memref<1x1x128xi32, #tpu.memory_space<vmem>> -> memref<1x128xi32, #tpu.memory_space<vmem>>
          %dma_start3A_245 = arith.constant 0 : i32
          %dma_start3A_246 = tpu.memref_slice %dma_start3A_244[%dma_start3A_233, %dma_start3A_245] : memref<1x128xi32, #tpu.memory_space<vmem>> -> memref<1x128xi32, #tpu.memory_space<vmem>>
          %dma_start3A_247 = tpu.memref_squeeze %dma_start3A_246 : memref<1x128xi32, #tpu.memory_space<vmem>> -> memref<128xi32, #tpu.memory_space<vmem>>
          %dma_start3A_248 = arith.constant 0 : i32
          %dma_start3A_249 = arith.constant 0 : i32
          %dma_start3A_250 = tpu.memref_slice %arg2[%dma_start3A_248, %dma_start3A_249] : memref<10000x128xf32, #tpu.memory_space<hbm>> -> memref<10000x128xf32, #tpu.memory_space<hbm>>
          tpu.enqueue_indirect_dma source(%dma_start3A_250 : memref<10000x128xf32, #tpu.memory_space<hbm>>) target(%dma_start3A_240 : memref<128x128xf32, #tpu.memory_space<vmem>>) offsets(%dma_start3A_247 : memref<128xi32, #tpu.memory_space<vmem>>) semaphore(%arg5 : memref<!tpu.dma_semaphore, #tpu.memory_space<semaphore_mem>>)
          %dma_wait3A = arith.constant 0 : i32
          %dma_wait3A_251 = arith.constant 0 : i32
          %dma_wait3A_252 = arith.constant 0 : i32
          %dma_wait3A_253 = tpu.memref_slice %run_scoped3A_18[%rem3A_232, %dma_wait3A_251, %dma_wait3A_252] : memref<2x128x128xf32, #tpu.memory_space<vmem>> -> memref<1x128x128xf32, #tpu.memory_space<vmem>>
          %dma_wait3A_254 = tpu.memref_squeeze %dma_wait3A_253 : memref<1x128x128xf32, #tpu.memory_space<vmem>> -> memref<128x128xf32, #tpu.memory_space<vmem>>
          %dma_wait3A_255 = arith.constant 0 : i32
          %dma_wait3A_256 = arith.constant 0 : i32
          %dma_wait3A_257 = tpu.memref_slice %dma_wait3A_254[%dma_wait3A_255, %dma_wait3A_256] : memref<128x128xf32, #tpu.memory_space<vmem>> -> memref<128x128xf32, #tpu.memory_space<vmem>>
          %dma_wait3A_258 = arith.constant 0 : i32
          %dma_wait3A_259 = arith.constant 0 : i32
          %dma_wait3A_260 = tpu.memref_slice %run_scoped3A[%rem3A_230, %dma_wait3A_258, %dma_wait3A_259] : memref<2x1x128xi32, #tpu.memory_space<vmem>> -> memref<1x1x128xi32, #tpu.memory_space<vmem>>
          %dma_wait3A_261 = tpu.memref_squeeze %dma_wait3A_260 : memref<1x1x128xi32, #tpu.memory_space<vmem>> -> memref<1x128xi32, #tpu.memory_space<vmem>>
          %dma_wait3A_262 = arith.constant 0 : i32
          %dma_wait3A_263 = tpu.memref_slice %dma_wait3A_261[%dma_wait3A, %dma_wait3A_262] : memref<1x128xi32, #tpu.memory_space<vmem>> -> memref<1x128xi32, #tpu.memory_space<vmem>>
          %dma_wait3A_264 = tpu.memref_squeeze %dma_wait3A_263 : memref<1x128xi32, #tpu.memory_space<vmem>> -> memref<128xi32, #tpu.memory_space<vmem>>
          %dma_wait3A_265 = arith.constant 0 : i32
          %dma_wait3A_266 = arith.constant 0 : i32
          %dma_wait3A_267 = tpu.memref_slice %arg2[%dma_wait3A_265, %dma_wait3A_266] : memref<10000x128xf32, #tpu.memory_space<hbm>> -> memref<10000x128xf32, #tpu.memory_space<hbm>>
          tpu.wait_indirect_dma semaphore(%arg5 : memref<!tpu.dma_semaphore, #tpu.memory_space<semaphore_mem>>) src(%dma_wait3A_267 : memref<10000x128xf32, #tpu.memory_space<hbm>>) dst(%dma_wait3A_257 : memref<128x128xf32, #tpu.memory_space<vmem>>)
          "tpu.trace_stop"() : () -> ()
          %ne3A_268 = arith.cmpi ne, %add3A_155, %add3A_173 : i32
          %or3A_269 = arith.constant false
          %or3A_270 = arith.ori %or3A_269, %ne3A_268 : i1
          %or3A_271 = arith.constant false
          %or3A_272 = arith.ori %or3A_270, %or3A_271 : i1
          %or3A_273 = arith.ori %or3A_272, %eq3A_154 : i1
          %convert_element_type3A_274 = arith.extui %or3A_273 : i1 to i32
          %cond3A_275 = arith.constant 0 : i32
          %cond3A_276 = arith.cmpi ne, %convert_element_type3A_274, %cond3A_275 : i32
          scf.if %cond3A_276 {
          } else {
          }
          %and3A_277 = arith.constant false
          %and3A_278 = arith.andi %or3A_273, %and3A_277 : i1
          %ne3A_279 = arith.cmpi ne, %add3A_155, %add3A_173 : i32
          %or3A_280 = arith.constant false
          %or3A_281 = arith.ori %or3A_280, %ne3A_279 : i1
          %or3A_282 = arith.constant false
          %or3A_283 = arith.ori %or3A_281, %or3A_282 : i1
          %or3A_284 = arith.ori %or3A_283, %eq3A_154 : i1
          %convert_element_type3A_285 = arith.extui %or3A_284 : i1 to i32
          %cond3A_286 = arith.constant 0 : i32
          %cond3A_287 = arith.cmpi ne, %convert_element_type3A_285, %cond3A_286 : i32
          scf.if %cond3A_287 {
            "tpu.trace_start"() <{level = 10 : i32, message = "ep_copy_out"}> : () -> ()
            %rem3A_338 = arith.constant 2 : i32
            %rem3A_339 = arith.remui %while3A_145, %rem3A_338 : i32
            %mul3A_340 = arith.constant 128 : i32
            %mul3A_341 = arith.muli %mul3A_340, %add3A_155 : i32
            %dma_start3A_342 = arith.constant 0 : i32
            %dma_start3A_343 = arith.constant 0 : i32
            %dma_start3A_344 = tpu.memref_slice %run_scoped3A_18[%rem3A_339, %dma_start3A_342, %dma_start3A_343] : memref<2x128x128xf32, #tpu.memory_space<vmem>> -> memref<1x128x128xf32, #tpu.memory_space<vmem>>
            %dma_start3A_345 = tpu.memref_squeeze %dma_start3A_344 : memref<1x128x128xf32, #tpu.memory_space<vmem>> -> memref<128x128xf32, #tpu.memory_space<vmem>>
            %dma_start3A_346 = arith.constant 0 : i32
            %dma_start3A_347 = tpu.memref_slice %arg4[%mul3A_341, %dma_start3A_346] : memref<76800x128xf32, #tpu.memory_space<hbm>> -> memref<128x128xf32, #tpu.memory_space<hbm>>
            %dma_start3A_348 = tpu.memref_slice %run_scoped3A_19[%rem3A_339] : memref<2x!tpu.dma_semaphore, #tpu.memory_space<semaphore_mem>> -> memref<1x!tpu.dma_semaphore, #tpu.memory_space<semaphore_mem>>
            %dma_start3A_349 = tpu.memref_squeeze %dma_start3A_348 : memref<1x!tpu.dma_semaphore, #tpu.memory_space<semaphore_mem>> -> memref<!tpu.dma_semaphore, #tpu.memory_space<semaphore_mem>>
            %dma_start3A_350 = arith.constant 0 : i32
            %dma_start3A_351 = tpu.memref_slice %arg4[%mul3A_341, %dma_start3A_350] : memref<76800x128xf32, #tpu.memory_space<hbm>> -> memref<128x128xf32, #tpu.memory_space<hbm>>
            %dma_start3A_352 = arith.constant 0 : i32
            %dma_start3A_353 = arith.constant 0 : i32
            %dma_start3A_354 = tpu.memref_slice %run_scoped3A_18[%rem3A_339, %dma_start3A_352, %dma_start3A_353] : memref<2x128x128xf32, #tpu.memory_space<vmem>> -> memref<1x128x128xf32, #tpu.memory_space<vmem>>
            %dma_start3A_355 = tpu.memref_squeeze %dma_start3A_354 : memref<1x128x128xf32, #tpu.memory_space<vmem>> -> memref<128x128xf32, #tpu.memory_space<vmem>>
            tpu.enqueue_dma source(%dma_start3A_355 : memref<128x128xf32, #tpu.memory_space<vmem>>) target(%dma_start3A_351 : memref<128x128xf32, #tpu.memory_space<hbm>>) target_semaphore(%dma_start3A_349 : memref<!tpu.dma_semaphore, #tpu.memory_space<semaphore_mem>>)
            "tpu.trace_stop"() : () -> ()
          } else {
          }
          %and3A_288 = arith.constant true
          %and3A_289 = arith.andi %or3A_284, %and3A_288 : i1
          %add3A_290 = arith.constant 1 : i32
          %add3A_291 = arith.addi %while3A_145, %add3A_290 : i32
          %select_n3A_292 = arith.select %and3A_289, %add3A_291, %while3A_145 : i32
          %ne3A_293 = arith.cmpi ne, %add3A_155, %add3A_165 : i32
          %or3A_294 = arith.constant false
          %or3A_295 = arith.ori %or3A_294, %ne3A_293 : i1
          %or3A_296 = arith.constant false
          %or3A_297 = arith.ori %or3A_295, %or3A_296 : i1
          %not3A_298 = arith.constant true
          %not3A_299 = arith.xori %eq3A_151, %not3A_298 : i1
          %and3A_300 = arith.andi %or3A_297, %not3A_299 : i1
          %convert_element_type3A_301 = arith.extui %and3A_300 : i1 to i32
          %cond3A_302 = arith.constant 0 : i32
          %cond3A_303 = arith.cmpi ne, %convert_element_type3A_301, %cond3A_302 : i32
          scf.if %cond3A_303 {
          } else {
          }
          %and3A_304 = arith.constant false
          %and3A_305 = arith.andi %and3A_300, %and3A_304 : i1
          %ne3A_306 = arith.cmpi ne, %add3A_155, %add3A_165 : i32
          %or3A_307 = arith.constant false
          %or3A_308 = arith.ori %or3A_307, %ne3A_306 : i1
          %or3A_309 = arith.constant false
          %or3A_310 = arith.ori %or3A_308, %or3A_309 : i1
          %not3A_311 = arith.constant true
          %not3A_312 = arith.xori %eq3A_151, %not3A_311 : i1
          %and3A_313 = arith.andi %or3A_310, %not3A_312 : i1
          %convert_element_type3A_314 = arith.extui %and3A_313 : i1 to i32
          %cond3A_315 = arith.constant 0 : i32
          %cond3A_316 = arith.cmpi ne, %convert_element_type3A_314, %cond3A_315 : i32
          scf.if %cond3A_316 {
            "tpu.trace_start"() <{level = 10 : i32, message = "ep_wait_out"}> : () -> ()
            %rem3A_338 = arith.constant 2 : i32
            %rem3A_339 = arith.remui %while3A_146, %rem3A_338 : i32
            %mul3A_340 = arith.constant 128 : i32
            %mul3A_341 = arith.muli %mul3A_340, %add3A_165 : i32
            %dma_wait3A_342 = arith.constant 0 : i32
            %dma_wait3A_343 = arith.constant 0 : i32
            %dma_wait3A_344 = tpu.memref_slice %run_scoped3A_18[%rem3A_339, %dma_wait3A_342, %dma_wait3A_343] : memref<2x128x128xf32, #tpu.memory_space<vmem>> -> memref<1x128x128xf32, #tpu.memory_space<vmem>>
            %dma_wait3A_345 = tpu.memref_squeeze %dma_wait3A_344 : memref<1x128x128xf32, #tpu.memory_space<vmem>> -> memref<128x128xf32, #tpu.memory_space<vmem>>
            %dma_wait3A_346 = arith.constant 0 : i32
            %dma_wait3A_347 = tpu.memref_slice %arg4[%mul3A_341, %dma_wait3A_346] : memref<76800x128xf32, #tpu.memory_space<hbm>> -> memref<128x128xf32, #tpu.memory_space<hbm>>
            %dma_wait3A_348 = tpu.memref_slice %run_scoped3A_19[%rem3A_339] : memref<2x!tpu.dma_semaphore, #tpu.memory_space<semaphore_mem>> -> memref<1x!tpu.dma_semaphore, #tpu.memory_space<semaphore_mem>>
            %dma_wait3A_349 = tpu.memref_squeeze %dma_wait3A_348 : memref<1x!tpu.dma_semaphore, #tpu.memory_space<semaphore_mem>> -> memref<!tpu.dma_semaphore, #tpu.memory_space<semaphore_mem>>
            %dma_wait3A_350 = arith.constant 0 : i32
            %dma_wait3A_351 = tpu.memref_slice %arg4[%mul3A_341, %dma_wait3A_350] : memref<76800x128xf32, #tpu.memory_space<hbm>> -> memref<128x128xf32, #tpu.memory_space<hbm>>
            %dma_wait3A_352 = arith.constant 0 : i32
            %dma_wait3A_353 = arith.constant 0 : i32
            %dma_wait3A_354 = tpu.memref_slice %run_scoped3A_18[%rem3A_339, %dma_wait3A_352, %dma_wait3A_353] : memref<2x128x128xf32, #tpu.memory_space<vmem>> -> memref<1x128x128xf32, #tpu.memory_space<vmem>>
            %dma_wait3A_355 = tpu.memref_squeeze %dma_wait3A_354 : memref<1x128x128xf32, #tpu.memory_space<vmem>> -> memref<128x128xf32, #tpu.memory_space<vmem>>
            tpu.wait_dma2 semaphore(%dma_wait3A_349 : memref<!tpu.dma_semaphore, #tpu.memory_space<semaphore_mem>>) src(%dma_wait3A_355 : memref<128x128xf32, #tpu.memory_space<vmem>>) dst(%dma_wait3A_351 : memref<128x128xf32, #tpu.memory_space<hbm>>)
            "tpu.trace_stop"() : () -> ()
          } else {
          }
          %and3A_317 = arith.constant true
          %and3A_318 = arith.andi %and3A_313, %and3A_317 : i1
          %add3A_319 = arith.constant 1 : i32
          %add3A_320 = arith.addi %while3A_146, %add3A_319 : i32
          %select_n3A_321 = arith.select %and3A_318, %add3A_320, %while3A_146 : i32
          %ne3A_322 = arith.cmpi ne, %add3A_155, %add3A_173 : i32
          %or3A_323 = arith.constant false
          %or3A_324 = arith.ori %or3A_323, %ne3A_322 : i1
          %or3A_325 = arith.constant false
          %or3A_326 = arith.ori %or3A_324, %or3A_325 : i1
          %or3A_327 = arith.ori %or3A_326, %eq3A_154 : i1
          %add3A_328 = arith.constant 1 : i32
          %add3A_329 = arith.addi %while3A_144, %add3A_328 : i32
          %select_n3A_330 = arith.select %or3A_327, %add3A_329, %while3A_144 : i32
          %add3A_331 = arith.constant 1 : i32
          %add3A_332 = arith.addi %while3A_147, %add3A_331 : i32
          %select_n3A_333 = arith.constant true
          %select_n3A_334 = arith.select %select_n3A_333, %add3A_332, %while3A_147 : i32
          %eq3A_335 = arith.cmpi eq, %select_n3A_334, %select_n3A : i32
          %select_n3A_336 = arith.constant 0 : i32
          %select_n3A_337 = arith.select %eq3A_335, %select_n3A_336, %select_n3A_334 : i32
          scf.yield %select_n3A_197, %select_n3A_330, %select_n3A_292, %select_n3A_321, %select_n3A_337 : i32, i32, i32, i32, i32
        }
        %sub3A_91 = arith.constant 1 : i32
        %sub3A_92 = arith.subi %while3A_90#4, %sub3A_91 : i32
        %select_n3A_93 = arith.constant true
        %select_n3A_94 = arith.select %select_n3A_93, %sub3A_92, %while3A_90#4 : i32
        %eq3A_95 = arith.constant -1 : i32
        %eq3A_96 = arith.cmpi eq, %select_n3A_94, %eq3A_95 : i32
        %sub3A_97 = arith.constant 1 : i32
        %sub3A_98 = arith.subi %select_n3A, %sub3A_97 : i32
        %select_n3A_99 = arith.select %eq3A_96, %sub3A_98, %select_n3A_94 : i32
        %sub3A_100 = arith.constant 1 : i32
        %sub3A_101 = arith.subi %mul3A_16, %sub3A_100 : i32
        %mul3A_102 = arith.constant 1 : i32
        %mul3A_103 = arith.muli %mul3A_102, %select_n3A : i32
        %eq3A_104 = arith.constant 0 : i32
        %eq3A_105 = arith.cmpi eq, %sub3A_101, %eq3A_104 : i32
        %sub3A_106 = arith.constant 1 : i32
        %sub3A_107 = arith.subi %mul3A_103, %sub3A_106 : i32
        %eq3A_108 = arith.cmpi eq, %sub3A_101, %sub3A_107 : i32
        %add3A_109 = arith.addi %select_n3A_99, %select_n3A_14 : i32
        %sub3A_110 = arith.constant 1 : i32
        %sub3A_111 = arith.subi %select_n3A_99, %sub3A_110 : i32
        %select_n3A_112 = arith.constant true
        %select_n3A_113 = arith.select %select_n3A_112, %sub3A_111, %select_n3A_99 : i32
        %eq3A_114 = arith.constant -1 : i32
        %eq3A_115 = arith.cmpi eq, %select_n3A_113, %eq3A_114 : i32
        %sub3A_116 = arith.constant 1 : i32
        %sub3A_117 = arith.subi %select_n3A, %sub3A_116 : i32
        %select_n3A_118 = arith.select %eq3A_115, %sub3A_117, %select_n3A_113 : i32
        %add3A_119 = arith.addi %select_n3A_118, %select_n3A_14 : i32
        %add3A_120 = arith.constant 1 : i32
        %add3A_121 = arith.addi %select_n3A_99, %add3A_120 : i32
        %select_n3A_122 = arith.constant true
        %select_n3A_123 = arith.select %select_n3A_122, %add3A_121, %select_n3A_99 : i32
        %eq3A_124 = arith.cmpi eq, %select_n3A_123, %select_n3A : i32
        %select_n3A_125 = arith.constant 0 : i32
        %select_n3A_126 = arith.select %eq3A_124, %select_n3A_125, %select_n3A_123 : i32
        %add3A_127 = arith.addi %select_n3A_126, %select_n3A_14 : i32
        %add3A_128 = arith.constant 1 : i32
        %add3A_129 = arith.addi %select_n3A_126, %add3A_128 : i32
        %select_n3A_130 = arith.constant true
        %select_n3A_131 = arith.select %select_n3A_130, %add3A_129, %select_n3A_126 : i32
        %eq3A_132 = arith.cmpi eq, %select_n3A_131, %select_n3A : i32
        %select_n3A_133 = arith.constant 0 : i32
        %select_n3A_134 = arith.select %eq3A_132, %select_n3A_133, %select_n3A_131 : i32
        %add3A_135 = arith.addi %select_n3A_134, %select_n3A_14 : i32
        %convert_element_type3A_136 = arith.extui %eq3A_108 : i1 to i32
        %cond3A_137 = arith.constant 0 : i32
        %cond3A_138 = arith.cmpi ne, %convert_element_type3A_136, %cond3A_137 : i32
        scf.if %cond3A_138 {
        } else {
        }
        %convert_element_type3A_139 = arith.extui %eq3A_108 : i1 to i32
        %cond3A_140 = arith.constant 0 : i32
        %cond3A_141 = arith.cmpi ne, %convert_element_type3A_139, %cond3A_140 : i32
        scf.if %cond3A_141 {
          "tpu.trace_start"() <{level = 10 : i32, message = "ep_finalize"}> : () -> ()
          %rem3A_142 = arith.constant 2 : i32
          %rem3A_143 = arith.remui %while3A_90#3, %rem3A_142 : i32
          %mul3A_144 = arith.constant 128 : i32
          %mul3A_145 = arith.muli %mul3A_144, %add3A_109 : i32
          %dma_wait3A = arith.constant 0 : i32
          %dma_wait3A_146 = arith.constant 0 : i32
          %dma_wait3A_147 = tpu.memref_slice %run_scoped3A_18[%rem3A_143, %dma_wait3A, %dma_wait3A_146] : memref<2x128x128xf32, #tpu.memory_space<vmem>> -> memref<1x128x128xf32, #tpu.memory_space<vmem>>
          %dma_wait3A_148 = tpu.memref_squeeze %dma_wait3A_147 : memref<1x128x128xf32, #tpu.memory_space<vmem>> -> memref<128x128xf32, #tpu.memory_space<vmem>>
          %dma_wait3A_149 = arith.constant 0 : i32
          %dma_wait3A_150 = tpu.memref_slice %arg4[%mul3A_145, %dma_wait3A_149] : memref<76800x128xf32, #tpu.memory_space<hbm>> -> memref<128x128xf32, #tpu.memory_space<hbm>>
          %dma_wait3A_151 = tpu.memref_slice %run_scoped3A_19[%rem3A_143] : memref<2x!tpu.dma_semaphore, #tpu.memory_space<semaphore_mem>> -> memref<1x!tpu.dma_semaphore, #tpu.memory_space<semaphore_mem>>
          %dma_wait3A_152 = tpu.memref_squeeze %dma_wait3A_151 : memref<1x!tpu.dma_semaphore, #tpu.memory_space<semaphore_mem>> -> memref<!tpu.dma_semaphore, #tpu.memory_space<semaphore_mem>>
          %dma_wait3A_153 = arith.constant 0 : i32
          %dma_wait3A_154 = tpu.memref_slice %arg4[%mul3A_145, %dma_wait3A_153] : memref<76800x128xf32, #tpu.memory_space<hbm>> -> memref<128x128xf32, #tpu.memory_space<hbm>>
          %dma_wait3A_155 = arith.constant 0 : i32
          %dma_wait3A_156 = arith.constant 0 : i32
          %dma_wait3A_157 = tpu.memref_slice %run_scoped3A_18[%rem3A_143, %dma_wait3A_155, %dma_wait3A_156] : memref<2x128x128xf32, #tpu.memory_space<vmem>> -> memref<1x128x128xf32, #tpu.memory_space<vmem>>
          %dma_wait3A_158 = tpu.memref_squeeze %dma_wait3A_157 : memref<1x128x128xf32, #tpu.memory_space<vmem>> -> memref<128x128xf32, #tpu.memory_space<vmem>>
          tpu.wait_dma2 semaphore(%dma_wait3A_152 : memref<!tpu.dma_semaphore, #tpu.memory_space<semaphore_mem>>) src(%dma_wait3A_158 : memref<128x128xf32, #tpu.memory_space<vmem>>) dst(%dma_wait3A_154 : memref<128x128xf32, #tpu.memory_space<hbm>>)
          "tpu.trace_stop"() : () -> ()
        } else {
        }
      } else {
      }
      tpu.yield
    }) : () -> ()
    return
  }
}

module attributes {stable_mosaic.version = 14 : i64} {
  func.func @_mlp_body(%arg0: i32, %arg1: memref<1x2560x128xf32, #tpu.memory_space<vmem>>, %arg2: memref<1x2560x128xf32, #tpu.memory_space<vmem>>, %arg3: memref<2560x16xf32, #tpu.memory_space<vmem>>, %arg4: memref<16x128xbf16, #tpu.memory_space<vmem>>, %arg5: memref<128x128xbf16, #tpu.memory_space<vmem>>, %arg6: memref<1x128xf32, #tpu.memory_space<vmem>>, %arg7: memref<128x128xbf16, #tpu.memory_space<vmem>>, %arg8: memref<1x128xf32, #tpu.memory_space<vmem>>, %arg9: memref<128x128xbf16, #tpu.memory_space<vmem>>, %arg10: memref<1x128xf32, #tpu.memory_space<vmem>>, %arg11: memref<1x128xf32, #tpu.memory_space<vmem>>, %arg12: memref<1x128xf32, #tpu.memory_space<vmem>>, %arg13: memref<2560x128xf32, #tpu.memory_space<vmem>>) attributes {dimension_semantics = [#tpu.dimension_semantics<arbitrary>], iteration_bounds = array<i64: 35>, scalar_prefetch = 0 : i64, scratch_operands = 0 : i64, tpu.core_type = #tpu.core_type<tc>, window_params = [{transform_indices = @transform_0, window_bounds = array<i64: 1, 2560, 128>}, {transform_indices = @transform_1, window_bounds = array<i64: 1, 2560, 128>}, {transform_indices = @transform_2, window_bounds = array<i64: 2560, 16>}, {pipeline_mode = #tpu.pipeline_mode<synchronous>, transform_indices = @transform_3, window_bounds = array<i64: 16, 128>}, {pipeline_mode = #tpu.pipeline_mode<synchronous>, transform_indices = @transform_4, window_bounds = array<i64: 128, 128>}, {pipeline_mode = #tpu.pipeline_mode<synchronous>, transform_indices = @transform_5, window_bounds = array<i64: 1, 128>}, {pipeline_mode = #tpu.pipeline_mode<synchronous>, transform_indices = @transform_6, window_bounds = array<i64: 128, 128>}, {pipeline_mode = #tpu.pipeline_mode<synchronous>, transform_indices = @transform_7, window_bounds = array<i64: 1, 128>}, {pipeline_mode = #tpu.pipeline_mode<synchronous>, transform_indices = @transform_8, window_bounds = array<i64: 128, 128>}, {pipeline_mode = #tpu.pipeline_mode<synchronous>, transform_indices = @transform_9, window_bounds = array<i64: 1, 128>}, {pipeline_mode = #tpu.pipeline_mode<synchronous>, transform_indices = @transform_10, window_bounds = array<i64: 1, 128>}, {pipeline_mode = #tpu.pipeline_mode<synchronous>, transform_indices = @transform_11, window_bounds = array<i64: 1, 128>}, {transform_indices = @transform_12, window_bounds = array<i64: 2560, 128>}]} {
    %get3A = arith.constant 0 : index
    %get3A_0 = arith.constant 0 : index
    %get3A_1 = arith.constant 0 : index
    %get3A_2 = vector.load %arg1[%get3A, %get3A_0, %get3A_1] : memref<1x2560x128xf32, #tpu.memory_space<vmem>>, vector<1x2560x128xf32>
    %get3A_3 = vector.shape_cast %get3A_2 : vector<1x2560x128xf32> to vector<2560x128xf32>
    %get3A_4 = arith.constant 0 : index
    %get3A_5 = arith.constant 0 : index
    %get3A_6 = arith.constant 0 : index
    %get3A_7 = vector.load %arg2[%get3A_4, %get3A_5, %get3A_6] : memref<1x2560x128xf32, #tpu.memory_space<vmem>>, vector<1x2560x128xf32>
    %get3A_8 = vector.shape_cast %get3A_7 : vector<1x2560x128xf32> to vector<2560x128xf32>
    %add3A = arith.addf %get3A_3, %get3A_8 : vector<2560x128xf32>
    %convert_element_type3A = arith.truncf %add3A : vector<2560x128xf32> to vector<2560x128xbf16>
    %get3A_9 = arith.constant 0 : index
    %get3A_10 = arith.constant 0 : index
    %get3A_11 = vector.load %arg3[%get3A_9, %get3A_10] : memref<2560x16xf32, #tpu.memory_space<vmem>>, vector<2560x16xf32>
    %convert_element_type3A_12 = arith.truncf %get3A_11 : vector<2560x16xf32> to vector<2560x16xbf16>
    %get3A_13 = arith.constant 0 : index
    %get3A_14 = arith.constant 0 : index
    %get3A_15 = vector.load %arg4[%get3A_13, %get3A_14] : memref<16x128xbf16, #tpu.memory_space<vmem>>, vector<16x128xbf16>
    %dot_general3A = arith.constant dense<0.000000e+00> : vector<2560x128xf32>
    %dot_general3A_16 = tpu.matmul %convert_element_type3A_12, %get3A_15, %dot_general3A {dimension_numbers = #tpu.dot_dimension_numbers<[1], [0], [0], [1], [0, 0, 1, 1], [], []>, transpose_lhs_hint = false} : vector<2560x16xbf16>, vector<16x128xbf16>, vector<2560x128xf32> -> vector<2560x128xf32>
    %get3A_17 = arith.constant 0 : index
    %get3A_18 = arith.constant 0 : index
    %get3A_19 = vector.load %arg5[%get3A_17, %get3A_18] : memref<128x128xbf16, #tpu.memory_space<vmem>>, vector<128x128xbf16>
    %dot_general3A_20 = arith.constant dense<0.000000e+00> : vector<2560x128xf32>
    %dot_general3A_21 = tpu.matmul %convert_element_type3A, %get3A_19, %dot_general3A_20 {dimension_numbers = #tpu.dot_dimension_numbers<[1], [0], [0], [1], [0, 0, 1, 1], [], []>, transpose_lhs_hint = false} : vector<2560x128xbf16>, vector<128x128xbf16>, vector<2560x128xf32> -> vector<2560x128xf32>
    %add3A_22 = arith.addf %dot_general3A_16, %dot_general3A_21 : vector<2560x128xf32>
    %get3A_23 = arith.constant 0 : index
    %get3A_24 = arith.constant 0 : index
    %get3A_25 = vector.load %arg6[%get3A_23, %get3A_24] : memref<1x128xf32, #tpu.memory_space<vmem>>, vector<1x128xf32>
    %add3A_26 = vector.broadcast %get3A_25 : vector<1x128xf32> to vector<2560x128xf32>
    %add3A_27 = arith.addf %add3A_22, %add3A_26 : vector<2560x128xf32>
    %mul3A = arith.constant 0.00999999977 : f32
    %mul3A_28 = vector.broadcast %mul3A : f32 to vector<2560x128xf32>
    %mul3A_29 = arith.mulf %mul3A_28, %add3A_27 : vector<2560x128xf32>
    %max3A = arith.maximumf %add3A_27, %mul3A_29 : vector<2560x128xf32>
    %convert_element_type3A_30 = arith.truncf %max3A : vector<2560x128xf32> to vector<2560x128xbf16>
    %get3A_31 = arith.constant 0 : index
    %get3A_32 = arith.constant 0 : index
    %get3A_33 = vector.load %arg7[%get3A_31, %get3A_32] : memref<128x128xbf16, #tpu.memory_space<vmem>>, vector<128x128xbf16>
    %dot_general3A_34 = arith.constant dense<0.000000e+00> : vector<2560x128xf32>
    %dot_general3A_35 = tpu.matmul %convert_element_type3A_30, %get3A_33, %dot_general3A_34 {dimension_numbers = #tpu.dot_dimension_numbers<[1], [0], [0], [1], [0, 0, 1, 1], [], []>, transpose_lhs_hint = false} : vector<2560x128xbf16>, vector<128x128xbf16>, vector<2560x128xf32> -> vector<2560x128xf32>
    %get3A_36 = arith.constant 0 : index
    %get3A_37 = arith.constant 0 : index
    %get3A_38 = vector.load %arg8[%get3A_36, %get3A_37] : memref<1x128xf32, #tpu.memory_space<vmem>>, vector<1x128xf32>
    %add3A_39 = vector.broadcast %get3A_38 : vector<1x128xf32> to vector<2560x128xf32>
    %add3A_40 = arith.addf %dot_general3A_35, %add3A_39 : vector<2560x128xf32>
    %mul3A_41 = arith.constant 0.00999999977 : f32
    %mul3A_42 = vector.broadcast %mul3A_41 : f32 to vector<2560x128xf32>
    %mul3A_43 = arith.mulf %mul3A_42, %add3A_40 : vector<2560x128xf32>
    %max3A_44 = arith.maximumf %add3A_40, %mul3A_43 : vector<2560x128xf32>
    %convert_element_type3A_45 = arith.truncf %max3A_44 : vector<2560x128xf32> to vector<2560x128xbf16>
    %get3A_46 = arith.constant 0 : index
    %get3A_47 = arith.constant 0 : index
    %get3A_48 = vector.load %arg9[%get3A_46, %get3A_47] : memref<128x128xbf16, #tpu.memory_space<vmem>>, vector<128x128xbf16>
    %dot_general3A_49 = arith.constant dense<0.000000e+00> : vector<2560x128xf32>
    %dot_general3A_50 = tpu.matmul %convert_element_type3A_45, %get3A_48, %dot_general3A_49 {dimension_numbers = #tpu.dot_dimension_numbers<[1], [0], [0], [1], [0, 0, 1, 1], [], []>, transpose_lhs_hint = false} : vector<2560x128xbf16>, vector<128x128xbf16>, vector<2560x128xf32> -> vector<2560x128xf32>
    %get3A_51 = arith.constant 0 : index
    %get3A_52 = arith.constant 0 : index
    %get3A_53 = vector.load %arg10[%get3A_51, %get3A_52] : memref<1x128xf32, #tpu.memory_space<vmem>>, vector<1x128xf32>
    %add3A_54 = vector.broadcast %get3A_53 : vector<1x128xf32> to vector<2560x128xf32>
    %add3A_55 = arith.addf %dot_general3A_50, %add3A_54 : vector<2560x128xf32>
    %mul3A_56 = arith.constant 0.00999999977 : f32
    %mul3A_57 = vector.broadcast %mul3A_56 : f32 to vector<2560x128xf32>
    %mul3A_58 = arith.mulf %mul3A_57, %add3A_55 : vector<2560x128xf32>
    %max3A_59 = arith.maximumf %add3A_55, %mul3A_58 : vector<2560x128xf32>
    %get3A_60 = arith.constant 0 : index
    %get3A_61 = arith.constant 0 : index
    %get3A_62 = vector.load %arg11[%get3A_60, %get3A_61] : memref<1x128xf32, #tpu.memory_space<vmem>>, vector<1x128xf32>
    %rsqrt3A = arith.constant 1.000010e+00 : f32
    %rsqrt3A_63 = math.rsqrt %rsqrt3A : f32
    %mul3A_64 = vector.broadcast %rsqrt3A_63 : f32 to vector<1x128xf32>
    %mul3A_65 = arith.mulf %get3A_62, %mul3A_64 : vector<1x128xf32>
    %mul3A_66 = vector.broadcast %mul3A_65 : vector<1x128xf32> to vector<2560x128xf32>
    %mul3A_67 = arith.mulf %mul3A_66, %max3A_59 : vector<2560x128xf32>
    %get3A_68 = arith.constant 0 : index
    %get3A_69 = arith.constant 0 : index
    %get3A_70 = vector.load %arg12[%get3A_68, %get3A_69] : memref<1x128xf32, #tpu.memory_space<vmem>>, vector<1x128xf32>
    %add3A_71 = vector.broadcast %get3A_70 : vector<1x128xf32> to vector<2560x128xf32>
    %add3A_72 = arith.addf %mul3A_67, %add3A_71 : vector<2560x128xf32>
    %swap3A = arith.constant 0 : index
    %swap3A_73 = arith.constant 0 : index
    %swap3A_74 = vector.load %arg13[%swap3A, %swap3A_73] : memref<2560x128xf32, #tpu.memory_space<vmem>>, vector<2560x128xf32>
    tpu.vector_store %arg13[%swap3A, %swap3A_73], %add3A_72 {strides = array<i32>} : memref<2560x128xf32, #tpu.memory_space<vmem>>, vector<2560x128xf32>,
    return
  }
  func.func @transform_0(%arg0: i32) -> (i32, i32, i32) {
    %c0_i32 = arith.constant 0 : i32
    %c0_i32_0 = arith.constant 0 : i32
    %c0_i32_1 = arith.constant 0 : i32
    return %c0_i32, %arg0, %c0_i32_0 : i32, i32, i32
  }
  func.func @transform_1(%arg0: i32) -> (i32, i32, i32) {
    %c1_i32 = arith.constant 1 : i32
    %c0_i32 = arith.constant 0 : i32
    %c0_i32_0 = arith.constant 0 : i32
    return %c1_i32, %arg0, %c0_i32 : i32, i32, i32
  }
  func.func @transform_2(%arg0: i32) -> (i32, i32) {
    %add3A = arith.constant 0 : i32
    %add3A_0 = arith.addi %add3A, %arg0 : i32
    %c0_i32 = arith.constant 0 : i32
    %c0_i32_1 = arith.constant 0 : i32
    return %add3A_0, %c0_i32 : i32, i32
  }
  func.func @transform_3(%arg0: i32) -> (i32, i32) {
    %c0_i32 = arith.constant 0 : i32
    %c0_i32_0 = arith.constant 0 : i32
    %c0_i32_1 = arith.constant 0 : i32
    return %c0_i32, %c0_i32_0 : i32, i32
  }
  func.func @transform_4(%arg0: i32) -> (i32, i32) {
    %c0_i32 = arith.constant 0 : i32
    %c0_i32_0 = arith.constant 0 : i32
    %c0_i32_1 = arith.constant 0 : i32
    return %c0_i32, %c0_i32_0 : i32, i32
  }
  func.func @transform_5(%arg0: i32) -> (i32, i32) {
    %c0_i32 = arith.constant 0 : i32
    %c0_i32_0 = arith.constant 0 : i32
    %c0_i32_1 = arith.constant 0 : i32
    return %c0_i32, %c0_i32_0 : i32, i32
  }
  func.func @transform_6(%arg0: i32) -> (i32, i32) {
    %c0_i32 = arith.constant 0 : i32
    %c0_i32_0 = arith.constant 0 : i32
    %c0_i32_1 = arith.constant 0 : i32
    return %c0_i32, %c0_i32_0 : i32, i32
  }
  func.func @transform_7(%arg0: i32) -> (i32, i32) {
    %c0_i32 = arith.constant 0 : i32
    %c0_i32_0 = arith.constant 0 : i32
    %c0_i32_1 = arith.constant 0 : i32
    return %c0_i32, %c0_i32_0 : i32, i32
  }
  func.func @transform_8(%arg0: i32) -> (i32, i32) {
    %c0_i32 = arith.constant 0 : i32
    %c0_i32_0 = arith.constant 0 : i32
    %c0_i32_1 = arith.constant 0 : i32
    return %c0_i32, %c0_i32_0 : i32, i32
  }
  func.func @transform_9(%arg0: i32) -> (i32, i32) {
    %c0_i32 = arith.constant 0 : i32
    %c0_i32_0 = arith.constant 0 : i32
    %c0_i32_1 = arith.constant 0 : i32
    return %c0_i32, %c0_i32_0 : i32, i32
  }
  func.func @transform_10(%arg0: i32) -> (i32, i32) {
    %c0_i32 = arith.constant 0 : i32
    %c0_i32_0 = arith.constant 0 : i32
    %c0_i32_1 = arith.constant 0 : i32
    return %c0_i32, %c0_i32_0 : i32, i32
  }
  func.func @transform_11(%arg0: i32) -> (i32, i32) {
    %c0_i32 = arith.constant 0 : i32
    %c0_i32_0 = arith.constant 0 : i32
    %c0_i32_1 = arith.constant 0 : i32
    return %c0_i32, %c0_i32_0 : i32, i32
  }
  func.func @transform_12(%arg0: i32) -> (i32, i32) {
    %add3A = arith.constant 0 : i32
    %add3A_0 = arith.addi %add3A, %arg0 : i32
    %c0_i32 = arith.constant 0 : i32
    %c0_i32_1 = arith.constant 0 : i32
    return %add3A_0, %c0_i32 : i32, i32
  }
}

module attributes {stable_mosaic.version = 14 : i64} {
  func.func @_lambda_(%arg0: i32, %arg1: memref<320000x128xf32, #tpu.memory_space<any>>, %arg2: memref<1x2560x128xf32, #tpu.memory_space<vmem>>, %arg3: memref<1x2560x128xf32, #tpu.memory_space<vmem>>, %arg4: memref<2560x16xf32, #tpu.memory_space<vmem>>, %arg5: memref<16x128xbf16, #tpu.memory_space<vmem>>, %arg6: memref<128x128xbf16, #tpu.memory_space<vmem>>, %arg7: memref<1x128xf32, #tpu.memory_space<vmem>>, %arg8: memref<128x128xbf16, #tpu.memory_space<vmem>>, %arg9: memref<1x128xf32, #tpu.memory_space<vmem>>, %arg10: memref<128x128xbf16, #tpu.memory_space<vmem>>, %arg11: memref<1x128xf32, #tpu.memory_space<vmem>>, %arg12: memref<1x128xf32, #tpu.memory_space<vmem>>, %arg13: memref<1x128xf32, #tpu.memory_space<vmem>>, %arg14: memref<2560x128xf32, #tpu.memory_space<vmem>>) attributes {dimension_semantics = [#tpu.dimension_semantics<arbitrary>], iteration_bounds = array<i64: 30>, scalar_prefetch = 0 : i64, scratch_operands = 0 : i64, tpu.core_type = #tpu.core_type<tc>, window_params = [{}, {transform_indices = @transform_1, window_bounds = array<i64: 1, 2560, 128>}, {transform_indices = @transform_2, window_bounds = array<i64: 1, 2560, 128>}, {transform_indices = @transform_3, window_bounds = array<i64: 2560, 16>}, {pipeline_mode = #tpu.pipeline_mode<synchronous>, transform_indices = @transform_4, window_bounds = array<i64: 16, 128>}, {pipeline_mode = #tpu.pipeline_mode<synchronous>, transform_indices = @transform_5, window_bounds = array<i64: 128, 128>}, {pipeline_mode = #tpu.pipeline_mode<synchronous>, transform_indices = @transform_6, window_bounds = array<i64: 1, 128>}, {pipeline_mode = #tpu.pipeline_mode<synchronous>, transform_indices = @transform_7, window_bounds = array<i64: 128, 128>}, {pipeline_mode = #tpu.pipeline_mode<synchronous>, transform_indices = @transform_8, window_bounds = array<i64: 1, 128>}, {pipeline_mode = #tpu.pipeline_mode<synchronous>, transform_indices = @transform_9, window_bounds = array<i64: 128, 128>}, {pipeline_mode = #tpu.pipeline_mode<synchronous>, transform_indices = @transform_10, window_bounds = array<i64: 1, 128>}, {pipeline_mode = #tpu.pipeline_mode<synchronous>, transform_indices = @transform_11, window_bounds = array<i64: 1, 128>}, {pipeline_mode = #tpu.pipeline_mode<synchronous>, transform_indices = @transform_12, window_bounds = array<i64: 1, 128>}, {transform_indices = @transform_13, window_bounds = array<i64: 2560, 128>}]} {
    %get3A = arith.constant 0 : index
    %get3A_0 = arith.constant 0 : index
    %get3A_1 = arith.constant 0 : index
    %get3A_2 = vector.load %arg2[%get3A, %get3A_0, %get3A_1] : memref<1x2560x128xf32, #tpu.memory_space<vmem>>, vector<1x2560x128xf32>
    %get3A_3 = vector.shape_cast %get3A_2 : vector<1x2560x128xf32> to vector<2560x128xf32>
    %get3A_4 = arith.constant 0 : index
    %get3A_5 = arith.constant 0 : index
    %get3A_6 = arith.constant 0 : index
    %get3A_7 = vector.load %arg3[%get3A_4, %get3A_5, %get3A_6] : memref<1x2560x128xf32, #tpu.memory_space<vmem>>, vector<1x2560x128xf32>
    %get3A_8 = vector.shape_cast %get3A_7 : vector<1x2560x128xf32> to vector<2560x128xf32>
    %add3A = arith.addf %get3A_3, %get3A_8 : vector<2560x128xf32>
    %convert_element_type3A = arith.truncf %add3A : vector<2560x128xf32> to vector<2560x128xbf16>
    %get3A_9 = arith.constant 0 : index
    %get3A_10 = arith.constant 0 : index
    %get3A_11 = vector.load %arg4[%get3A_9, %get3A_10] : memref<2560x16xf32, #tpu.memory_space<vmem>>, vector<2560x16xf32>
    %convert_element_type3A_12 = arith.truncf %get3A_11 : vector<2560x16xf32> to vector<2560x16xbf16>
    %get3A_13 = arith.constant 0 : index
    %get3A_14 = arith.constant 0 : index
    %get3A_15 = vector.load %arg5[%get3A_13, %get3A_14] : memref<16x128xbf16, #tpu.memory_space<vmem>>, vector<16x128xbf16>
    %dot_general3A = arith.constant dense<0.000000e+00> : vector<2560x128xf32>
    %dot_general3A_16 = tpu.matmul %convert_element_type3A_12, %get3A_15, %dot_general3A {dimension_numbers = #tpu.dot_dimension_numbers<[1], [0], [0], [1], [0, 0, 1, 1], [], []>, transpose_lhs_hint = false} : vector<2560x16xbf16>, vector<16x128xbf16>, vector<2560x128xf32> -> vector<2560x128xf32>
    %get3A_17 = arith.constant 0 : index
    %get3A_18 = arith.constant 0 : index
    %get3A_19 = vector.load %arg6[%get3A_17, %get3A_18] : memref<128x128xbf16, #tpu.memory_space<vmem>>, vector<128x128xbf16>
    %dot_general3A_20 = arith.constant dense<0.000000e+00> : vector<2560x128xf32>
    %dot_general3A_21 = tpu.matmul %convert_element_type3A, %get3A_19, %dot_general3A_20 {dimension_numbers = #tpu.dot_dimension_numbers<[1], [0], [0], [1], [0, 0, 1, 1], [], []>, transpose_lhs_hint = false} : vector<2560x128xbf16>, vector<128x128xbf16>, vector<2560x128xf32> -> vector<2560x128xf32>
    %add3A_22 = arith.addf %dot_general3A_16, %dot_general3A_21 : vector<2560x128xf32>
    %get3A_23 = arith.constant 0 : index
    %get3A_24 = arith.constant 0 : index
    %get3A_25 = vector.load %arg7[%get3A_23, %get3A_24] : memref<1x128xf32, #tpu.memory_space<vmem>>, vector<1x128xf32>
    %add3A_26 = vector.broadcast %get3A_25 : vector<1x128xf32> to vector<2560x128xf32>
    %add3A_27 = arith.addf %add3A_22, %add3A_26 : vector<2560x128xf32>
    %mul3A = arith.constant 0.00999999977 : f32
    %mul3A_28 = vector.broadcast %mul3A : f32 to vector<2560x128xf32>
    %mul3A_29 = arith.mulf %mul3A_28, %add3A_27 : vector<2560x128xf32>
    %max3A = arith.maximumf %add3A_27, %mul3A_29 : vector<2560x128xf32>
    %convert_element_type3A_30 = arith.truncf %max3A : vector<2560x128xf32> to vector<2560x128xbf16>
    %get3A_31 = arith.constant 0 : index
    %get3A_32 = arith.constant 0 : index
    %get3A_33 = vector.load %arg8[%get3A_31, %get3A_32] : memref<128x128xbf16, #tpu.memory_space<vmem>>, vector<128x128xbf16>
    %dot_general3A_34 = arith.constant dense<0.000000e+00> : vector<2560x128xf32>
    %dot_general3A_35 = tpu.matmul %convert_element_type3A_30, %get3A_33, %dot_general3A_34 {dimension_numbers = #tpu.dot_dimension_numbers<[1], [0], [0], [1], [0, 0, 1, 1], [], []>, transpose_lhs_hint = false} : vector<2560x128xbf16>, vector<128x128xbf16>, vector<2560x128xf32> -> vector<2560x128xf32>
    %get3A_36 = arith.constant 0 : index
    %get3A_37 = arith.constant 0 : index
    %get3A_38 = vector.load %arg9[%get3A_36, %get3A_37] : memref<1x128xf32, #tpu.memory_space<vmem>>, vector<1x128xf32>
    %add3A_39 = vector.broadcast %get3A_38 : vector<1x128xf32> to vector<2560x128xf32>
    %add3A_40 = arith.addf %dot_general3A_35, %add3A_39 : vector<2560x128xf32>
    %mul3A_41 = arith.constant 0.00999999977 : f32
    %mul3A_42 = vector.broadcast %mul3A_41 : f32 to vector<2560x128xf32>
    %mul3A_43 = arith.mulf %mul3A_42, %add3A_40 : vector<2560x128xf32>
    %max3A_44 = arith.maximumf %add3A_40, %mul3A_43 : vector<2560x128xf32>
    %convert_element_type3A_45 = arith.truncf %max3A_44 : vector<2560x128xf32> to vector<2560x128xbf16>
    %get3A_46 = arith.constant 0 : index
    %get3A_47 = arith.constant 0 : index
    %get3A_48 = vector.load %arg10[%get3A_46, %get3A_47] : memref<128x128xbf16, #tpu.memory_space<vmem>>, vector<128x128xbf16>
    %dot_general3A_49 = arith.constant dense<0.000000e+00> : vector<2560x128xf32>
    %dot_general3A_50 = tpu.matmul %convert_element_type3A_45, %get3A_48, %dot_general3A_49 {dimension_numbers = #tpu.dot_dimension_numbers<[1], [0], [0], [1], [0, 0, 1, 1], [], []>, transpose_lhs_hint = false} : vector<2560x128xbf16>, vector<128x128xbf16>, vector<2560x128xf32> -> vector<2560x128xf32>
    %get3A_51 = arith.constant 0 : index
    %get3A_52 = arith.constant 0 : index
    %get3A_53 = vector.load %arg11[%get3A_51, %get3A_52] : memref<1x128xf32, #tpu.memory_space<vmem>>, vector<1x128xf32>
    %add3A_54 = vector.broadcast %get3A_53 : vector<1x128xf32> to vector<2560x128xf32>
    %add3A_55 = arith.addf %dot_general3A_50, %add3A_54 : vector<2560x128xf32>
    %mul3A_56 = arith.constant 0.00999999977 : f32
    %mul3A_57 = vector.broadcast %mul3A_56 : f32 to vector<2560x128xf32>
    %mul3A_58 = arith.mulf %mul3A_57, %add3A_55 : vector<2560x128xf32>
    %max3A_59 = arith.maximumf %add3A_55, %mul3A_58 : vector<2560x128xf32>
    %get3A_60 = arith.constant 0 : index
    %get3A_61 = arith.constant 0 : index
    %get3A_62 = vector.load %arg12[%get3A_60, %get3A_61] : memref<1x128xf32, #tpu.memory_space<vmem>>, vector<1x128xf32>
    %rsqrt3A = arith.constant 1.000010e+00 : f32
    %rsqrt3A_63 = math.rsqrt %rsqrt3A : f32
    %mul3A_64 = vector.broadcast %rsqrt3A_63 : f32 to vector<1x128xf32>
    %mul3A_65 = arith.mulf %get3A_62, %mul3A_64 : vector<1x128xf32>
    %mul3A_66 = vector.broadcast %mul3A_65 : vector<1x128xf32> to vector<2560x128xf32>
    %mul3A_67 = arith.mulf %mul3A_66, %max3A_59 : vector<2560x128xf32>
    %get3A_68 = arith.constant 0 : index
    %get3A_69 = arith.constant 0 : index
    %get3A_70 = vector.load %arg13[%get3A_68, %get3A_69] : memref<1x128xf32, #tpu.memory_space<vmem>>, vector<1x128xf32>
    %add3A_71 = vector.broadcast %get3A_70 : vector<1x128xf32> to vector<2560x128xf32>
    %add3A_72 = arith.addf %mul3A_67, %add3A_71 : vector<2560x128xf32>
    %swap3A = arith.constant 0 : index
    %swap3A_73 = arith.constant 0 : index
    %swap3A_74 = vector.load %arg14[%swap3A, %swap3A_73] : memref<2560x128xf32, #tpu.memory_space<vmem>>, vector<2560x128xf32>
    tpu.vector_store %arg14[%swap3A, %swap3A_73], %add3A_72 {strides = array<i32>} : memref<2560x128xf32, #tpu.memory_space<vmem>>, vector<2560x128xf32>,
    return
  }
  func.func @transform_1(%arg0: i32) -> (i32, i32, i32) {
    %c0_i32 = arith.constant 0 : i32
    %c0_i32_0 = arith.constant 0 : i32
    %c0_i32_1 = arith.constant 0 : i32
    return %c0_i32, %arg0, %c0_i32_0 : i32, i32, i32
  }
  func.func @transform_2(%arg0: i32) -> (i32, i32, i32) {
    %c1_i32 = arith.constant 1 : i32
    %c0_i32 = arith.constant 0 : i32
    %c0_i32_0 = arith.constant 0 : i32
    return %c1_i32, %arg0, %c0_i32 : i32, i32, i32
  }
  func.func @transform_3(%arg0: i32) -> (i32, i32) {
    %add3A = arith.constant 35 : i32
    %add3A_0 = arith.addi %add3A, %arg0 : i32
    %c0_i32 = arith.constant 0 : i32
    %c0_i32_1 = arith.constant 0 : i32
    return %add3A_0, %c0_i32 : i32, i32
  }
  func.func @transform_4(%arg0: i32) -> (i32, i32) {
    %c0_i32 = arith.constant 0 : i32
    %c0_i32_0 = arith.constant 0 : i32
    %c0_i32_1 = arith.constant 0 : i32
    return %c0_i32, %c0_i32_0 : i32, i32
  }
  func.func @transform_5(%arg0: i32) -> (i32, i32) {
    %c0_i32 = arith.constant 0 : i32
    %c0_i32_0 = arith.constant 0 : i32
    %c0_i32_1 = arith.constant 0 : i32
    return %c0_i32, %c0_i32_0 : i32, i32
  }
  func.func @transform_6(%arg0: i32) -> (i32, i32) {
    %c0_i32 = arith.constant 0 : i32
    %c0_i32_0 = arith.constant 0 : i32
    %c0_i32_1 = arith.constant 0 : i32
    return %c0_i32, %c0_i32_0 : i32, i32
  }
  func.func @transform_7(%arg0: i32) -> (i32, i32) {
    %c0_i32 = arith.constant 0 : i32
    %c0_i32_0 = arith.constant 0 : i32
    %c0_i32_1 = arith.constant 0 : i32
    return %c0_i32, %c0_i32_0 : i32, i32
  }
  func.func @transform_8(%arg0: i32) -> (i32, i32) {
    %c0_i32 = arith.constant 0 : i32
    %c0_i32_0 = arith.constant 0 : i32
    %c0_i32_1 = arith.constant 0 : i32
    return %c0_i32, %c0_i32_0 : i32, i32
  }
  func.func @transform_9(%arg0: i32) -> (i32, i32) {
    %c0_i32 = arith.constant 0 : i32
    %c0_i32_0 = arith.constant 0 : i32
    %c0_i32_1 = arith.constant 0 : i32
    return %c0_i32, %c0_i32_0 : i32, i32
  }
  func.func @transform_10(%arg0: i32) -> (i32, i32) {
    %c0_i32 = arith.constant 0 : i32
    %c0_i32_0 = arith.constant 0 : i32
    %c0_i32_1 = arith.constant 0 : i32
    return %c0_i32, %c0_i32_0 : i32, i32
  }
  func.func @transform_11(%arg0: i32) -> (i32, i32) {
    %c0_i32 = arith.constant 0 : i32
    %c0_i32_0 = arith.constant 0 : i32
    %c0_i32_1 = arith.constant 0 : i32
    return %c0_i32, %c0_i32_0 : i32, i32
  }
  func.func @transform_12(%arg0: i32) -> (i32, i32) {
    %c0_i32 = arith.constant 0 : i32
    %c0_i32_0 = arith.constant 0 : i32
    %c0_i32_1 = arith.constant 0 : i32
    return %c0_i32, %c0_i32_0 : i32, i32
  }
  func.func @transform_13(%arg0: i32) -> (i32, i32) {
    %add3A = arith.constant 35 : i32
    %add3A_0 = arith.addi %add3A, %arg0 : i32
    %c0_i32 = arith.constant 0 : i32
    %c0_i32_1 = arith.constant 0 : i32
    return %add3A_0, %c0_i32 : i32, i32
  }
}

module attributes {stable_mosaic.version = 14 : i64} {
  func.func @_lambda_(%arg0: i32, %arg1: memref<320000x128xf32, #tpu.memory_space<any>>, %arg2: memref<1x2560x128xf32, #tpu.memory_space<vmem>>, %arg3: memref<1x2560x128xf32, #tpu.memory_space<vmem>>, %arg4: memref<2560x16xf32, #tpu.memory_space<vmem>>, %arg5: memref<16x128xbf16, #tpu.memory_space<vmem>>, %arg6: memref<128x128xbf16, #tpu.memory_space<vmem>>, %arg7: memref<1x128xf32, #tpu.memory_space<vmem>>, %arg8: memref<128x128xbf16, #tpu.memory_space<vmem>>, %arg9: memref<1x128xf32, #tpu.memory_space<vmem>>, %arg10: memref<128x128xbf16, #tpu.memory_space<vmem>>, %arg11: memref<1x128xf32, #tpu.memory_space<vmem>>, %arg12: memref<1x128xf32, #tpu.memory_space<vmem>>, %arg13: memref<1x128xf32, #tpu.memory_space<vmem>>, %arg14: memref<2560x128xf32, #tpu.memory_space<vmem>>) attributes {dimension_semantics = [#tpu.dimension_semantics<arbitrary>], iteration_bounds = array<i64: 20>, scalar_prefetch = 0 : i64, scratch_operands = 0 : i64, tpu.core_type = #tpu.core_type<tc>, window_params = [{}, {transform_indices = @transform_1, window_bounds = array<i64: 1, 2560, 128>}, {transform_indices = @transform_2, window_bounds = array<i64: 1, 2560, 128>}, {transform_indices = @transform_3, window_bounds = array<i64: 2560, 16>}, {pipeline_mode = #tpu.pipeline_mode<synchronous>, transform_indices = @transform_4, window_bounds = array<i64: 16, 128>}, {pipeline_mode = #tpu.pipeline_mode<synchronous>, transform_indices = @transform_5, window_bounds = array<i64: 128, 128>}, {pipeline_mode = #tpu.pipeline_mode<synchronous>, transform_indices = @transform_6, window_bounds = array<i64: 1, 128>}, {pipeline_mode = #tpu.pipeline_mode<synchronous>, transform_indices = @transform_7, window_bounds = array<i64: 128, 128>}, {pipeline_mode = #tpu.pipeline_mode<synchronous>, transform_indices = @transform_8, window_bounds = array<i64: 1, 128>}, {pipeline_mode = #tpu.pipeline_mode<synchronous>, transform_indices = @transform_9, window_bounds = array<i64: 128, 128>}, {pipeline_mode = #tpu.pipeline_mode<synchronous>, transform_indices = @transform_10, window_bounds = array<i64: 1, 128>}, {pipeline_mode = #tpu.pipeline_mode<synchronous>, transform_indices = @transform_11, window_bounds = array<i64: 1, 128>}, {pipeline_mode = #tpu.pipeline_mode<synchronous>, transform_indices = @transform_12, window_bounds = array<i64: 1, 128>}, {transform_indices = @transform_13, window_bounds = array<i64: 2560, 128>}]} {
    %get3A = arith.constant 0 : index
    %get3A_0 = arith.constant 0 : index
    %get3A_1 = arith.constant 0 : index
    %get3A_2 = vector.load %arg2[%get3A, %get3A_0, %get3A_1] : memref<1x2560x128xf32, #tpu.memory_space<vmem>>, vector<1x2560x128xf32>
    %get3A_3 = vector.shape_cast %get3A_2 : vector<1x2560x128xf32> to vector<2560x128xf32>
    %get3A_4 = arith.constant 0 : index
    %get3A_5 = arith.constant 0 : index
    %get3A_6 = arith.constant 0 : index
    %get3A_7 = vector.load %arg3[%get3A_4, %get3A_5, %get3A_6] : memref<1x2560x128xf32, #tpu.memory_space<vmem>>, vector<1x2560x128xf32>
    %get3A_8 = vector.shape_cast %get3A_7 : vector<1x2560x128xf32> to vector<2560x128xf32>
    %add3A = arith.addf %get3A_3, %get3A_8 : vector<2560x128xf32>
    %convert_element_type3A = arith.truncf %add3A : vector<2560x128xf32> to vector<2560x128xbf16>
    %get3A_9 = arith.constant 0 : index
    %get3A_10 = arith.constant 0 : index
    %get3A_11 = vector.load %arg4[%get3A_9, %get3A_10] : memref<2560x16xf32, #tpu.memory_space<vmem>>, vector<2560x16xf32>
    %convert_element_type3A_12 = arith.truncf %get3A_11 : vector<2560x16xf32> to vector<2560x16xbf16>
    %get3A_13 = arith.constant 0 : index
    %get3A_14 = arith.constant 0 : index
    %get3A_15 = vector.load %arg5[%get3A_13, %get3A_14] : memref<16x128xbf16, #tpu.memory_space<vmem>>, vector<16x128xbf16>
    %dot_general3A = arith.constant dense<0.000000e+00> : vector<2560x128xf32>
    %dot_general3A_16 = tpu.matmul %convert_element_type3A_12, %get3A_15, %dot_general3A {dimension_numbers = #tpu.dot_dimension_numbers<[1], [0], [0], [1], [0, 0, 1, 1], [], []>, transpose_lhs_hint = false} : vector<2560x16xbf16>, vector<16x128xbf16>, vector<2560x128xf32> -> vector<2560x128xf32>
    %get3A_17 = arith.constant 0 : index
    %get3A_18 = arith.constant 0 : index
    %get3A_19 = vector.load %arg6[%get3A_17, %get3A_18] : memref<128x128xbf16, #tpu.memory_space<vmem>>, vector<128x128xbf16>
    %dot_general3A_20 = arith.constant dense<0.000000e+00> : vector<2560x128xf32>
    %dot_general3A_21 = tpu.matmul %convert_element_type3A, %get3A_19, %dot_general3A_20 {dimension_numbers = #tpu.dot_dimension_numbers<[1], [0], [0], [1], [0, 0, 1, 1], [], []>, transpose_lhs_hint = false} : vector<2560x128xbf16>, vector<128x128xbf16>, vector<2560x128xf32> -> vector<2560x128xf32>
    %add3A_22 = arith.addf %dot_general3A_16, %dot_general3A_21 : vector<2560x128xf32>
    %get3A_23 = arith.constant 0 : index
    %get3A_24 = arith.constant 0 : index
    %get3A_25 = vector.load %arg7[%get3A_23, %get3A_24] : memref<1x128xf32, #tpu.memory_space<vmem>>, vector<1x128xf32>
    %add3A_26 = vector.broadcast %get3A_25 : vector<1x128xf32> to vector<2560x128xf32>
    %add3A_27 = arith.addf %add3A_22, %add3A_26 : vector<2560x128xf32>
    %mul3A = arith.constant 0.00999999977 : f32
    %mul3A_28 = vector.broadcast %mul3A : f32 to vector<2560x128xf32>
    %mul3A_29 = arith.mulf %mul3A_28, %add3A_27 : vector<2560x128xf32>
    %max3A = arith.maximumf %add3A_27, %mul3A_29 : vector<2560x128xf32>
    %convert_element_type3A_30 = arith.truncf %max3A : vector<2560x128xf32> to vector<2560x128xbf16>
    %get3A_31 = arith.constant 0 : index
    %get3A_32 = arith.constant 0 : index
    %get3A_33 = vector.load %arg8[%get3A_31, %get3A_32] : memref<128x128xbf16, #tpu.memory_space<vmem>>, vector<128x128xbf16>
    %dot_general3A_34 = arith.constant dense<0.000000e+00> : vector<2560x128xf32>
    %dot_general3A_35 = tpu.matmul %convert_element_type3A_30, %get3A_33, %dot_general3A_34 {dimension_numbers = #tpu.dot_dimension_numbers<[1], [0], [0], [1], [0, 0, 1, 1], [], []>, transpose_lhs_hint = false} : vector<2560x128xbf16>, vector<128x128xbf16>, vector<2560x128xf32> -> vector<2560x128xf32>
    %get3A_36 = arith.constant 0 : index
    %get3A_37 = arith.constant 0 : index
    %get3A_38 = vector.load %arg9[%get3A_36, %get3A_37] : memref<1x128xf32, #tpu.memory_space<vmem>>, vector<1x128xf32>
    %add3A_39 = vector.broadcast %get3A_38 : vector<1x128xf32> to vector<2560x128xf32>
    %add3A_40 = arith.addf %dot_general3A_35, %add3A_39 : vector<2560x128xf32>
    %mul3A_41 = arith.constant 0.00999999977 : f32
    %mul3A_42 = vector.broadcast %mul3A_41 : f32 to vector<2560x128xf32>
    %mul3A_43 = arith.mulf %mul3A_42, %add3A_40 : vector<2560x128xf32>
    %max3A_44 = arith.maximumf %add3A_40, %mul3A_43 : vector<2560x128xf32>
    %convert_element_type3A_45 = arith.truncf %max3A_44 : vector<2560x128xf32> to vector<2560x128xbf16>
    %get3A_46 = arith.constant 0 : index
    %get3A_47 = arith.constant 0 : index
    %get3A_48 = vector.load %arg10[%get3A_46, %get3A_47] : memref<128x128xbf16, #tpu.memory_space<vmem>>, vector<128x128xbf16>
    %dot_general3A_49 = arith.constant dense<0.000000e+00> : vector<2560x128xf32>
    %dot_general3A_50 = tpu.matmul %convert_element_type3A_45, %get3A_48, %dot_general3A_49 {dimension_numbers = #tpu.dot_dimension_numbers<[1], [0], [0], [1], [0, 0, 1, 1], [], []>, transpose_lhs_hint = false} : vector<2560x128xbf16>, vector<128x128xbf16>, vector<2560x128xf32> -> vector<2560x128xf32>
    %get3A_51 = arith.constant 0 : index
    %get3A_52 = arith.constant 0 : index
    %get3A_53 = vector.load %arg11[%get3A_51, %get3A_52] : memref<1x128xf32, #tpu.memory_space<vmem>>, vector<1x128xf32>
    %add3A_54 = vector.broadcast %get3A_53 : vector<1x128xf32> to vector<2560x128xf32>
    %add3A_55 = arith.addf %dot_general3A_50, %add3A_54 : vector<2560x128xf32>
    %mul3A_56 = arith.constant 0.00999999977 : f32
    %mul3A_57 = vector.broadcast %mul3A_56 : f32 to vector<2560x128xf32>
    %mul3A_58 = arith.mulf %mul3A_57, %add3A_55 : vector<2560x128xf32>
    %max3A_59 = arith.maximumf %add3A_55, %mul3A_58 : vector<2560x128xf32>
    %get3A_60 = arith.constant 0 : index
    %get3A_61 = arith.constant 0 : index
    %get3A_62 = vector.load %arg12[%get3A_60, %get3A_61] : memref<1x128xf32, #tpu.memory_space<vmem>>, vector<1x128xf32>
    %rsqrt3A = arith.constant 1.000010e+00 : f32
    %rsqrt3A_63 = math.rsqrt %rsqrt3A : f32
    %mul3A_64 = vector.broadcast %rsqrt3A_63 : f32 to vector<1x128xf32>
    %mul3A_65 = arith.mulf %get3A_62, %mul3A_64 : vector<1x128xf32>
    %mul3A_66 = vector.broadcast %mul3A_65 : vector<1x128xf32> to vector<2560x128xf32>
    %mul3A_67 = arith.mulf %mul3A_66, %max3A_59 : vector<2560x128xf32>
    %get3A_68 = arith.constant 0 : index
    %get3A_69 = arith.constant 0 : index
    %get3A_70 = vector.load %arg13[%get3A_68, %get3A_69] : memref<1x128xf32, #tpu.memory_space<vmem>>, vector<1x128xf32>
    %add3A_71 = vector.broadcast %get3A_70 : vector<1x128xf32> to vector<2560x128xf32>
    %add3A_72 = arith.addf %mul3A_67, %add3A_71 : vector<2560x128xf32>
    %swap3A = arith.constant 0 : index
    %swap3A_73 = arith.constant 0 : index
    %swap3A_74 = vector.load %arg14[%swap3A, %swap3A_73] : memref<2560x128xf32, #tpu.memory_space<vmem>>, vector<2560x128xf32>
    tpu.vector_store %arg14[%swap3A, %swap3A_73], %add3A_72 {strides = array<i32>} : memref<2560x128xf32, #tpu.memory_space<vmem>>, vector<2560x128xf32>,
    return
  }
  func.func @transform_1(%arg0: i32) -> (i32, i32, i32) {
    %c0_i32 = arith.constant 0 : i32
    %c0_i32_0 = arith.constant 0 : i32
    %c0_i32_1 = arith.constant 0 : i32
    return %c0_i32, %arg0, %c0_i32_0 : i32, i32, i32
  }
  func.func @transform_2(%arg0: i32) -> (i32, i32, i32) {
    %c1_i32 = arith.constant 1 : i32
    %c0_i32 = arith.constant 0 : i32
    %c0_i32_0 = arith.constant 0 : i32
    return %c1_i32, %arg0, %c0_i32 : i32, i32, i32
  }
  func.func @transform_3(%arg0: i32) -> (i32, i32) {
    %add3A = arith.constant 90 : i32
    %add3A_0 = arith.addi %add3A, %arg0 : i32
    %c0_i32 = arith.constant 0 : i32
    %c0_i32_1 = arith.constant 0 : i32
    return %add3A_0, %c0_i32 : i32, i32
  }
  func.func @transform_4(%arg0: i32) -> (i32, i32) {
    %c0_i32 = arith.constant 0 : i32
    %c0_i32_0 = arith.constant 0 : i32
    %c0_i32_1 = arith.constant 0 : i32
    return %c0_i32, %c0_i32_0 : i32, i32
  }
  func.func @transform_5(%arg0: i32) -> (i32, i32) {
    %c0_i32 = arith.constant 0 : i32
    %c0_i32_0 = arith.constant 0 : i32
    %c0_i32_1 = arith.constant 0 : i32
    return %c0_i32, %c0_i32_0 : i32, i32
  }
  func.func @transform_6(%arg0: i32) -> (i32, i32) {
    %c0_i32 = arith.constant 0 : i32
    %c0_i32_0 = arith.constant 0 : i32
    %c0_i32_1 = arith.constant 0 : i32
    return %c0_i32, %c0_i32_0 : i32, i32
  }
  func.func @transform_7(%arg0: i32) -> (i32, i32) {
    %c0_i32 = arith.constant 0 : i32
    %c0_i32_0 = arith.constant 0 : i32
    %c0_i32_1 = arith.constant 0 : i32
    return %c0_i32, %c0_i32_0 : i32, i32
  }
  func.func @transform_8(%arg0: i32) -> (i32, i32) {
    %c0_i32 = arith.constant 0 : i32
    %c0_i32_0 = arith.constant 0 : i32
    %c0_i32_1 = arith.constant 0 : i32
    return %c0_i32, %c0_i32_0 : i32, i32
  }
  func.func @transform_9(%arg0: i32) -> (i32, i32) {
    %c0_i32 = arith.constant 0 : i32
    %c0_i32_0 = arith.constant 0 : i32
    %c0_i32_1 = arith.constant 0 : i32
    return %c0_i32, %c0_i32_0 : i32, i32
  }
  func.func @transform_10(%arg0: i32) -> (i32, i32) {
    %c0_i32 = arith.constant 0 : i32
    %c0_i32_0 = arith.constant 0 : i32
    %c0_i32_1 = arith.constant 0 : i32
    return %c0_i32, %c0_i32_0 : i32, i32
  }
  func.func @transform_11(%arg0: i32) -> (i32, i32) {
    %c0_i32 = arith.constant 0 : i32
    %c0_i32_0 = arith.constant 0 : i32
    %c0_i32_1 = arith.constant 0 : i32
    return %c0_i32, %c0_i32_0 : i32, i32
  }
  func.func @transform_12(%arg0: i32) -> (i32, i32) {
    %c0_i32 = arith.constant 0 : i32
    %c0_i32_0 = arith.constant 0 : i32
    %c0_i32_1 = arith.constant 0 : i32
    return %c0_i32, %c0_i32_0 : i32, i32
  }
  func.func @transform_13(%arg0: i32) -> (i32, i32) {
    %add3A = arith.constant 90 : i32
    %add3A_0 = arith.addi %add3A, %arg0 : i32
    %c0_i32 = arith.constant 0 : i32
    %c0_i32_1 = arith.constant 0 : i32
    return %add3A_0, %c0_i32 : i32, i32
  }
}

module attributes {stable_mosaic.version = 14 : i64} {
  func.func @_lambda_(%arg0: i32, %arg1: memref<320000x128xf32, #tpu.memory_space<any>>, %arg2: memref<1x2560x128xf32, #tpu.memory_space<vmem>>, %arg3: memref<1x2560x128xf32, #tpu.memory_space<vmem>>, %arg4: memref<2560x16xf32, #tpu.memory_space<vmem>>, %arg5: memref<16x128xbf16, #tpu.memory_space<vmem>>, %arg6: memref<128x128xbf16, #tpu.memory_space<vmem>>, %arg7: memref<1x128xf32, #tpu.memory_space<vmem>>, %arg8: memref<128x128xbf16, #tpu.memory_space<vmem>>, %arg9: memref<1x128xf32, #tpu.memory_space<vmem>>, %arg10: memref<128x128xbf16, #tpu.memory_space<vmem>>, %arg11: memref<1x128xf32, #tpu.memory_space<vmem>>, %arg12: memref<1x128xf32, #tpu.memory_space<vmem>>, %arg13: memref<1x128xf32, #tpu.memory_space<vmem>>, %arg14: memref<2560x128xf32, #tpu.memory_space<vmem>>) attributes {dimension_semantics = [#tpu.dimension_semantics<arbitrary>], iteration_bounds = array<i64: 25>, scalar_prefetch = 0 : i64, scratch_operands = 0 : i64, tpu.core_type = #tpu.core_type<tc>, window_params = [{}, {transform_indices = @transform_1, window_bounds = array<i64: 1, 2560, 128>}, {transform_indices = @transform_2, window_bounds = array<i64: 1, 2560, 128>}, {transform_indices = @transform_3, window_bounds = array<i64: 2560, 16>}, {pipeline_mode = #tpu.pipeline_mode<synchronous>, transform_indices = @transform_4, window_bounds = array<i64: 16, 128>}, {pipeline_mode = #tpu.pipeline_mode<synchronous>, transform_indices = @transform_5, window_bounds = array<i64: 128, 128>}, {pipeline_mode = #tpu.pipeline_mode<synchronous>, transform_indices = @transform_6, window_bounds = array<i64: 1, 128>}, {pipeline_mode = #tpu.pipeline_mode<synchronous>, transform_indices = @transform_7, window_bounds = array<i64: 128, 128>}, {pipeline_mode = #tpu.pipeline_mode<synchronous>, transform_indices = @transform_8, window_bounds = array<i64: 1, 128>}, {pipeline_mode = #tpu.pipeline_mode<synchronous>, transform_indices = @transform_9, window_bounds = array<i64: 128, 128>}, {pipeline_mode = #tpu.pipeline_mode<synchronous>, transform_indices = @transform_10, window_bounds = array<i64: 1, 128>}, {pipeline_mode = #tpu.pipeline_mode<synchronous>, transform_indices = @transform_11, window_bounds = array<i64: 1, 128>}, {pipeline_mode = #tpu.pipeline_mode<synchronous>, transform_indices = @transform_12, window_bounds = array<i64: 1, 128>}, {transform_indices = @transform_13, window_bounds = array<i64: 2560, 128>}]} {
    %get3A = arith.constant 0 : index
    %get3A_0 = arith.constant 0 : index
    %get3A_1 = arith.constant 0 : index
    %get3A_2 = vector.load %arg2[%get3A, %get3A_0, %get3A_1] : memref<1x2560x128xf32, #tpu.memory_space<vmem>>, vector<1x2560x128xf32>
    %get3A_3 = vector.shape_cast %get3A_2 : vector<1x2560x128xf32> to vector<2560x128xf32>
    %get3A_4 = arith.constant 0 : index
    %get3A_5 = arith.constant 0 : index
    %get3A_6 = arith.constant 0 : index
    %get3A_7 = vector.load %arg3[%get3A_4, %get3A_5, %get3A_6] : memref<1x2560x128xf32, #tpu.memory_space<vmem>>, vector<1x2560x128xf32>
    %get3A_8 = vector.shape_cast %get3A_7 : vector<1x2560x128xf32> to vector<2560x128xf32>
    %add3A = arith.addf %get3A_3, %get3A_8 : vector<2560x128xf32>
    %convert_element_type3A = arith.truncf %add3A : vector<2560x128xf32> to vector<2560x128xbf16>
    %get3A_9 = arith.constant 0 : index
    %get3A_10 = arith.constant 0 : index
    %get3A_11 = vector.load %arg4[%get3A_9, %get3A_10] : memref<2560x16xf32, #tpu.memory_space<vmem>>, vector<2560x16xf32>
    %convert_element_type3A_12 = arith.truncf %get3A_11 : vector<2560x16xf32> to vector<2560x16xbf16>
    %get3A_13 = arith.constant 0 : index
    %get3A_14 = arith.constant 0 : index
    %get3A_15 = vector.load %arg5[%get3A_13, %get3A_14] : memref<16x128xbf16, #tpu.memory_space<vmem>>, vector<16x128xbf16>
    %dot_general3A = arith.constant dense<0.000000e+00> : vector<2560x128xf32>
    %dot_general3A_16 = tpu.matmul %convert_element_type3A_12, %get3A_15, %dot_general3A {dimension_numbers = #tpu.dot_dimension_numbers<[1], [0], [0], [1], [0, 0, 1, 1], [], []>, transpose_lhs_hint = false} : vector<2560x16xbf16>, vector<16x128xbf16>, vector<2560x128xf32> -> vector<2560x128xf32>
    %get3A_17 = arith.constant 0 : index
    %get3A_18 = arith.constant 0 : index
    %get3A_19 = vector.load %arg6[%get3A_17, %get3A_18] : memref<128x128xbf16, #tpu.memory_space<vmem>>, vector<128x128xbf16>
    %dot_general3A_20 = arith.constant dense<0.000000e+00> : vector<2560x128xf32>
    %dot_general3A_21 = tpu.matmul %convert_element_type3A, %get3A_19, %dot_general3A_20 {dimension_numbers = #tpu.dot_dimension_numbers<[1], [0], [0], [1], [0, 0, 1, 1], [], []>, transpose_lhs_hint = false} : vector<2560x128xbf16>, vector<128x128xbf16>, vector<2560x128xf32> -> vector<2560x128xf32>
    %add3A_22 = arith.addf %dot_general3A_16, %dot_general3A_21 : vector<2560x128xf32>
    %get3A_23 = arith.constant 0 : index
    %get3A_24 = arith.constant 0 : index
    %get3A_25 = vector.load %arg7[%get3A_23, %get3A_24] : memref<1x128xf32, #tpu.memory_space<vmem>>, vector<1x128xf32>
    %add3A_26 = vector.broadcast %get3A_25 : vector<1x128xf32> to vector<2560x128xf32>
    %add3A_27 = arith.addf %add3A_22, %add3A_26 : vector<2560x128xf32>
    %mul3A = arith.constant 0.00999999977 : f32
    %mul3A_28 = vector.broadcast %mul3A : f32 to vector<2560x128xf32>
    %mul3A_29 = arith.mulf %mul3A_28, %add3A_27 : vector<2560x128xf32>
    %max3A = arith.maximumf %add3A_27, %mul3A_29 : vector<2560x128xf32>
    %convert_element_type3A_30 = arith.truncf %max3A : vector<2560x128xf32> to vector<2560x128xbf16>
    %get3A_31 = arith.constant 0 : index
    %get3A_32 = arith.constant 0 : index
    %get3A_33 = vector.load %arg8[%get3A_31, %get3A_32] : memref<128x128xbf16, #tpu.memory_space<vmem>>, vector<128x128xbf16>
    %dot_general3A_34 = arith.constant dense<0.000000e+00> : vector<2560x128xf32>
    %dot_general3A_35 = tpu.matmul %convert_element_type3A_30, %get3A_33, %dot_general3A_34 {dimension_numbers = #tpu.dot_dimension_numbers<[1], [0], [0], [1], [0, 0, 1, 1], [], []>, transpose_lhs_hint = false} : vector<2560x128xbf16>, vector<128x128xbf16>, vector<2560x128xf32> -> vector<2560x128xf32>
    %get3A_36 = arith.constant 0 : index
    %get3A_37 = arith.constant 0 : index
    %get3A_38 = vector.load %arg9[%get3A_36, %get3A_37] : memref<1x128xf32, #tpu.memory_space<vmem>>, vector<1x128xf32>
    %add3A_39 = vector.broadcast %get3A_38 : vector<1x128xf32> to vector<2560x128xf32>
    %add3A_40 = arith.addf %dot_general3A_35, %add3A_39 : vector<2560x128xf32>
    %mul3A_41 = arith.constant 0.00999999977 : f32
    %mul3A_42 = vector.broadcast %mul3A_41 : f32 to vector<2560x128xf32>
    %mul3A_43 = arith.mulf %mul3A_42, %add3A_40 : vector<2560x128xf32>
    %max3A_44 = arith.maximumf %add3A_40, %mul3A_43 : vector<2560x128xf32>
    %convert_element_type3A_45 = arith.truncf %max3A_44 : vector<2560x128xf32> to vector<2560x128xbf16>
    %get3A_46 = arith.constant 0 : index
    %get3A_47 = arith.constant 0 : index
    %get3A_48 = vector.load %arg10[%get3A_46, %get3A_47] : memref<128x128xbf16, #tpu.memory_space<vmem>>, vector<128x128xbf16>
    %dot_general3A_49 = arith.constant dense<0.000000e+00> : vector<2560x128xf32>
    %dot_general3A_50 = tpu.matmul %convert_element_type3A_45, %get3A_48, %dot_general3A_49 {dimension_numbers = #tpu.dot_dimension_numbers<[1], [0], [0], [1], [0, 0, 1, 1], [], []>, transpose_lhs_hint = false} : vector<2560x128xbf16>, vector<128x128xbf16>, vector<2560x128xf32> -> vector<2560x128xf32>
    %get3A_51 = arith.constant 0 : index
    %get3A_52 = arith.constant 0 : index
    %get3A_53 = vector.load %arg11[%get3A_51, %get3A_52] : memref<1x128xf32, #tpu.memory_space<vmem>>, vector<1x128xf32>
    %add3A_54 = vector.broadcast %get3A_53 : vector<1x128xf32> to vector<2560x128xf32>
    %add3A_55 = arith.addf %dot_general3A_50, %add3A_54 : vector<2560x128xf32>
    %mul3A_56 = arith.constant 0.00999999977 : f32
    %mul3A_57 = vector.broadcast %mul3A_56 : f32 to vector<2560x128xf32>
    %mul3A_58 = arith.mulf %mul3A_57, %add3A_55 : vector<2560x128xf32>
    %max3A_59 = arith.maximumf %add3A_55, %mul3A_58 : vector<2560x128xf32>
    %get3A_60 = arith.constant 0 : index
    %get3A_61 = arith.constant 0 : index
    %get3A_62 = vector.load %arg12[%get3A_60, %get3A_61] : memref<1x128xf32, #tpu.memory_space<vmem>>, vector<1x128xf32>
    %rsqrt3A = arith.constant 1.000010e+00 : f32
    %rsqrt3A_63 = math.rsqrt %rsqrt3A : f32
    %mul3A_64 = vector.broadcast %rsqrt3A_63 : f32 to vector<1x128xf32>
    %mul3A_65 = arith.mulf %get3A_62, %mul3A_64 : vector<1x128xf32>
    %mul3A_66 = vector.broadcast %mul3A_65 : vector<1x128xf32> to vector<2560x128xf32>
    %mul3A_67 = arith.mulf %mul3A_66, %max3A_59 : vector<2560x128xf32>
    %get3A_68 = arith.constant 0 : index
    %get3A_69 = arith.constant 0 : index
    %get3A_70 = vector.load %arg13[%get3A_68, %get3A_69] : memref<1x128xf32, #tpu.memory_space<vmem>>, vector<1x128xf32>
    %add3A_71 = vector.broadcast %get3A_70 : vector<1x128xf32> to vector<2560x128xf32>
    %add3A_72 = arith.addf %mul3A_67, %add3A_71 : vector<2560x128xf32>
    %swap3A = arith.constant 0 : index
    %swap3A_73 = arith.constant 0 : index
    %swap3A_74 = vector.load %arg14[%swap3A, %swap3A_73] : memref<2560x128xf32, #tpu.memory_space<vmem>>, vector<2560x128xf32>
    tpu.vector_store %arg14[%swap3A, %swap3A_73], %add3A_72 {strides = array<i32>} : memref<2560x128xf32, #tpu.memory_space<vmem>>, vector<2560x128xf32>,
    return
  }
  func.func @transform_1(%arg0: i32) -> (i32, i32, i32) {
    %c0_i32 = arith.constant 0 : i32
    %c0_i32_0 = arith.constant 0 : i32
    %c0_i32_1 = arith.constant 0 : i32
    return %c0_i32, %arg0, %c0_i32_0 : i32, i32, i32
  }
  func.func @transform_2(%arg0: i32) -> (i32, i32, i32) {
    %c1_i32 = arith.constant 1 : i32
    %c0_i32 = arith.constant 0 : i32
    %c0_i32_0 = arith.constant 0 : i32
    return %c1_i32, %arg0, %c0_i32 : i32, i32, i32
  }
  func.func @transform_3(%arg0: i32) -> (i32, i32) {
    %add3A = arith.constant 65 : i32
    %add3A_0 = arith.addi %add3A, %arg0 : i32
    %c0_i32 = arith.constant 0 : i32
    %c0_i32_1 = arith.constant 0 : i32
    return %add3A_0, %c0_i32 : i32, i32
  }
  func.func @transform_4(%arg0: i32) -> (i32, i32) {
    %c0_i32 = arith.constant 0 : i32
    %c0_i32_0 = arith.constant 0 : i32
    %c0_i32_1 = arith.constant 0 : i32
    return %c0_i32, %c0_i32_0 : i32, i32
  }
  func.func @transform_5(%arg0: i32) -> (i32, i32) {
    %c0_i32 = arith.constant 0 : i32
    %c0_i32_0 = arith.constant 0 : i32
    %c0_i32_1 = arith.constant 0 : i32
    return %c0_i32, %c0_i32_0 : i32, i32
  }
  func.func @transform_6(%arg0: i32) -> (i32, i32) {
    %c0_i32 = arith.constant 0 : i32
    %c0_i32_0 = arith.constant 0 : i32
    %c0_i32_1 = arith.constant 0 : i32
    return %c0_i32, %c0_i32_0 : i32, i32
  }
  func.func @transform_7(%arg0: i32) -> (i32, i32) {
    %c0_i32 = arith.constant 0 : i32
    %c0_i32_0 = arith.constant 0 : i32
    %c0_i32_1 = arith.constant 0 : i32
    return %c0_i32, %c0_i32_0 : i32, i32
  }
  func.func @transform_8(%arg0: i32) -> (i32, i32) {
    %c0_i32 = arith.constant 0 : i32
    %c0_i32_0 = arith.constant 0 : i32
    %c0_i32_1 = arith.constant 0 : i32
    return %c0_i32, %c0_i32_0 : i32, i32
  }
  func.func @transform_9(%arg0: i32) -> (i32, i32) {
    %c0_i32 = arith.constant 0 : i32
    %c0_i32_0 = arith.constant 0 : i32
    %c0_i32_1 = arith.constant 0 : i32
    return %c0_i32, %c0_i32_0 : i32, i32
  }
  func.func @transform_10(%arg0: i32) -> (i32, i32) {
    %c0_i32 = arith.constant 0 : i32
    %c0_i32_0 = arith.constant 0 : i32
    %c0_i32_1 = arith.constant 0 : i32
    return %c0_i32, %c0_i32_0 : i32, i32
  }
  func.func @transform_11(%arg0: i32) -> (i32, i32) {
    %c0_i32 = arith.constant 0 : i32
    %c0_i32_0 = arith.constant 0 : i32
    %c0_i32_1 = arith.constant 0 : i32
    return %c0_i32, %c0_i32_0 : i32, i32
  }
  func.func @transform_12(%arg0: i32) -> (i32, i32) {
    %c0_i32 = arith.constant 0 : i32
    %c0_i32_0 = arith.constant 0 : i32
    %c0_i32_1 = arith.constant 0 : i32
    return %c0_i32, %c0_i32_0 : i32, i32
  }
  func.func @transform_13(%arg0: i32) -> (i32, i32) {
    %add3A = arith.constant 65 : i32
    %add3A_0 = arith.addi %add3A, %arg0 : i32
    %c0_i32 = arith.constant 0 : i32
    %c0_i32_1 = arith.constant 0 : i32
    return %add3A_0, %c0_i32 : i32, i32
  }
}

module attributes {stable_mosaic.version = 14 : i64} {
  func.func @_lambda_(%arg0: i32, %arg1: memref<320000x128xf32, #tpu.memory_space<any>>, %arg2: memref<1x2560x128xf32, #tpu.memory_space<vmem>>, %arg3: memref<1x2560x128xf32, #tpu.memory_space<vmem>>, %arg4: memref<2560x16xf32, #tpu.memory_space<vmem>>, %arg5: memref<16x128xbf16, #tpu.memory_space<vmem>>, %arg6: memref<128x128xbf16, #tpu.memory_space<vmem>>, %arg7: memref<1x128xf32, #tpu.memory_space<vmem>>, %arg8: memref<128x128xbf16, #tpu.memory_space<vmem>>, %arg9: memref<1x128xf32, #tpu.memory_space<vmem>>, %arg10: memref<128x128xbf16, #tpu.memory_space<vmem>>, %arg11: memref<1x128xf32, #tpu.memory_space<vmem>>, %arg12: memref<1x128xf32, #tpu.memory_space<vmem>>, %arg13: memref<1x128xf32, #tpu.memory_space<vmem>>, %arg14: memref<2560x128xf32, #tpu.memory_space<vmem>>) attributes {dimension_semantics = [#tpu.dimension_semantics<arbitrary>], iteration_bounds = array<i64: 15>, scalar_prefetch = 0 : i64, scratch_operands = 0 : i64, tpu.core_type = #tpu.core_type<tc>, window_params = [{}, {transform_indices = @transform_1, window_bounds = array<i64: 1, 2560, 128>}, {transform_indices = @transform_2, window_bounds = array<i64: 1, 2560, 128>}, {transform_indices = @transform_3, window_bounds = array<i64: 2560, 16>}, {pipeline_mode = #tpu.pipeline_mode<synchronous>, transform_indices = @transform_4, window_bounds = array<i64: 16, 128>}, {pipeline_mode = #tpu.pipeline_mode<synchronous>, transform_indices = @transform_5, window_bounds = array<i64: 128, 128>}, {pipeline_mode = #tpu.pipeline_mode<synchronous>, transform_indices = @transform_6, window_bounds = array<i64: 1, 128>}, {pipeline_mode = #tpu.pipeline_mode<synchronous>, transform_indices = @transform_7, window_bounds = array<i64: 128, 128>}, {pipeline_mode = #tpu.pipeline_mode<synchronous>, transform_indices = @transform_8, window_bounds = array<i64: 1, 128>}, {pipeline_mode = #tpu.pipeline_mode<synchronous>, transform_indices = @transform_9, window_bounds = array<i64: 128, 128>}, {pipeline_mode = #tpu.pipeline_mode<synchronous>, transform_indices = @transform_10, window_bounds = array<i64: 1, 128>}, {pipeline_mode = #tpu.pipeline_mode<synchronous>, transform_indices = @transform_11, window_bounds = array<i64: 1, 128>}, {pipeline_mode = #tpu.pipeline_mode<synchronous>, transform_indices = @transform_12, window_bounds = array<i64: 1, 128>}, {transform_indices = @transform_13, window_bounds = array<i64: 2560, 128>}]} {
    %get3A = arith.constant 0 : index
    %get3A_0 = arith.constant 0 : index
    %get3A_1 = arith.constant 0 : index
    %get3A_2 = vector.load %arg2[%get3A, %get3A_0, %get3A_1] : memref<1x2560x128xf32, #tpu.memory_space<vmem>>, vector<1x2560x128xf32>
    %get3A_3 = vector.shape_cast %get3A_2 : vector<1x2560x128xf32> to vector<2560x128xf32>
    %get3A_4 = arith.constant 0 : index
    %get3A_5 = arith.constant 0 : index
    %get3A_6 = arith.constant 0 : index
    %get3A_7 = vector.load %arg3[%get3A_4, %get3A_5, %get3A_6] : memref<1x2560x128xf32, #tpu.memory_space<vmem>>, vector<1x2560x128xf32>
    %get3A_8 = vector.shape_cast %get3A_7 : vector<1x2560x128xf32> to vector<2560x128xf32>
    %add3A = arith.addf %get3A_3, %get3A_8 : vector<2560x128xf32>
    %convert_element_type3A = arith.truncf %add3A : vector<2560x128xf32> to vector<2560x128xbf16>
    %get3A_9 = arith.constant 0 : index
    %get3A_10 = arith.constant 0 : index
    %get3A_11 = vector.load %arg4[%get3A_9, %get3A_10] : memref<2560x16xf32, #tpu.memory_space<vmem>>, vector<2560x16xf32>
    %convert_element_type3A_12 = arith.truncf %get3A_11 : vector<2560x16xf32> to vector<2560x16xbf16>
    %get3A_13 = arith.constant 0 : index
    %get3A_14 = arith.constant 0 : index
    %get3A_15 = vector.load %arg5[%get3A_13, %get3A_14] : memref<16x128xbf16, #tpu.memory_space<vmem>>, vector<16x128xbf16>
    %dot_general3A = arith.constant dense<0.000000e+00> : vector<2560x128xf32>
    %dot_general3A_16 = tpu.matmul %convert_element_type3A_12, %get3A_15, %dot_general3A {dimension_numbers = #tpu.dot_dimension_numbers<[1], [0], [0], [1], [0, 0, 1, 1], [], []>, transpose_lhs_hint = false} : vector<2560x16xbf16>, vector<16x128xbf16>, vector<2560x128xf32> -> vector<2560x128xf32>
    %get3A_17 = arith.constant 0 : index
    %get3A_18 = arith.constant 0 : index
    %get3A_19 = vector.load %arg6[%get3A_17, %get3A_18] : memref<128x128xbf16, #tpu.memory_space<vmem>>, vector<128x128xbf16>
    %dot_general3A_20 = arith.constant dense<0.000000e+00> : vector<2560x128xf32>
    %dot_general3A_21 = tpu.matmul %convert_element_type3A, %get3A_19, %dot_general3A_20 {dimension_numbers = #tpu.dot_dimension_numbers<[1], [0], [0], [1], [0, 0, 1, 1], [], []>, transpose_lhs_hint = false} : vector<2560x128xbf16>, vector<128x128xbf16>, vector<2560x128xf32> -> vector<2560x128xf32>
    %add3A_22 = arith.addf %dot_general3A_16, %dot_general3A_21 : vector<2560x128xf32>
    %get3A_23 = arith.constant 0 : index
    %get3A_24 = arith.constant 0 : index
    %get3A_25 = vector.load %arg7[%get3A_23, %get3A_24] : memref<1x128xf32, #tpu.memory_space<vmem>>, vector<1x128xf32>
    %add3A_26 = vector.broadcast %get3A_25 : vector<1x128xf32> to vector<2560x128xf32>
    %add3A_27 = arith.addf %add3A_22, %add3A_26 : vector<2560x128xf32>
    %mul3A = arith.constant 0.00999999977 : f32
    %mul3A_28 = vector.broadcast %mul3A : f32 to vector<2560x128xf32>
    %mul3A_29 = arith.mulf %mul3A_28, %add3A_27 : vector<2560x128xf32>
    %max3A = arith.maximumf %add3A_27, %mul3A_29 : vector<2560x128xf32>
    %convert_element_type3A_30 = arith.truncf %max3A : vector<2560x128xf32> to vector<2560x128xbf16>
    %get3A_31 = arith.constant 0 : index
    %get3A_32 = arith.constant 0 : index
    %get3A_33 = vector.load %arg8[%get3A_31, %get3A_32] : memref<128x128xbf16, #tpu.memory_space<vmem>>, vector<128x128xbf16>
    %dot_general3A_34 = arith.constant dense<0.000000e+00> : vector<2560x128xf32>
    %dot_general3A_35 = tpu.matmul %convert_element_type3A_30, %get3A_33, %dot_general3A_34 {dimension_numbers = #tpu.dot_dimension_numbers<[1], [0], [0], [1], [0, 0, 1, 1], [], []>, transpose_lhs_hint = false} : vector<2560x128xbf16>, vector<128x128xbf16>, vector<2560x128xf32> -> vector<2560x128xf32>
    %get3A_36 = arith.constant 0 : index
    %get3A_37 = arith.constant 0 : index
    %get3A_38 = vector.load %arg9[%get3A_36, %get3A_37] : memref<1x128xf32, #tpu.memory_space<vmem>>, vector<1x128xf32>
    %add3A_39 = vector.broadcast %get3A_38 : vector<1x128xf32> to vector<2560x128xf32>
    %add3A_40 = arith.addf %dot_general3A_35, %add3A_39 : vector<2560x128xf32>
    %mul3A_41 = arith.constant 0.00999999977 : f32
    %mul3A_42 = vector.broadcast %mul3A_41 : f32 to vector<2560x128xf32>
    %mul3A_43 = arith.mulf %mul3A_42, %add3A_40 : vector<2560x128xf32>
    %max3A_44 = arith.maximumf %add3A_40, %mul3A_43 : vector<2560x128xf32>
    %convert_element_type3A_45 = arith.truncf %max3A_44 : vector<2560x128xf32> to vector<2560x128xbf16>
    %get3A_46 = arith.constant 0 : index
    %get3A_47 = arith.constant 0 : index
    %get3A_48 = vector.load %arg10[%get3A_46, %get3A_47] : memref<128x128xbf16, #tpu.memory_space<vmem>>, vector<128x128xbf16>
    %dot_general3A_49 = arith.constant dense<0.000000e+00> : vector<2560x128xf32>
    %dot_general3A_50 = tpu.matmul %convert_element_type3A_45, %get3A_48, %dot_general3A_49 {dimension_numbers = #tpu.dot_dimension_numbers<[1], [0], [0], [1], [0, 0, 1, 1], [], []>, transpose_lhs_hint = false} : vector<2560x128xbf16>, vector<128x128xbf16>, vector<2560x128xf32> -> vector<2560x128xf32>
    %get3A_51 = arith.constant 0 : index
    %get3A_52 = arith.constant 0 : index
    %get3A_53 = vector.load %arg11[%get3A_51, %get3A_52] : memref<1x128xf32, #tpu.memory_space<vmem>>, vector<1x128xf32>
    %add3A_54 = vector.broadcast %get3A_53 : vector<1x128xf32> to vector<2560x128xf32>
    %add3A_55 = arith.addf %dot_general3A_50, %add3A_54 : vector<2560x128xf32>
    %mul3A_56 = arith.constant 0.00999999977 : f32
    %mul3A_57 = vector.broadcast %mul3A_56 : f32 to vector<2560x128xf32>
    %mul3A_58 = arith.mulf %mul3A_57, %add3A_55 : vector<2560x128xf32>
    %max3A_59 = arith.maximumf %add3A_55, %mul3A_58 : vector<2560x128xf32>
    %get3A_60 = arith.constant 0 : index
    %get3A_61 = arith.constant 0 : index
    %get3A_62 = vector.load %arg12[%get3A_60, %get3A_61] : memref<1x128xf32, #tpu.memory_space<vmem>>, vector<1x128xf32>
    %rsqrt3A = arith.constant 1.000010e+00 : f32
    %rsqrt3A_63 = math.rsqrt %rsqrt3A : f32
    %mul3A_64 = vector.broadcast %rsqrt3A_63 : f32 to vector<1x128xf32>
    %mul3A_65 = arith.mulf %get3A_62, %mul3A_64 : vector<1x128xf32>
    %mul3A_66 = vector.broadcast %mul3A_65 : vector<1x128xf32> to vector<2560x128xf32>
    %mul3A_67 = arith.mulf %mul3A_66, %max3A_59 : vector<2560x128xf32>
    %get3A_68 = arith.constant 0 : index
    %get3A_69 = arith.constant 0 : index
    %get3A_70 = vector.load %arg13[%get3A_68, %get3A_69] : memref<1x128xf32, #tpu.memory_space<vmem>>, vector<1x128xf32>
    %add3A_71 = vector.broadcast %get3A_70 : vector<1x128xf32> to vector<2560x128xf32>
    %add3A_72 = arith.addf %mul3A_67, %add3A_71 : vector<2560x128xf32>
    %swap3A = arith.constant 0 : index
    %swap3A_73 = arith.constant 0 : index
    %swap3A_74 = vector.load %arg14[%swap3A, %swap3A_73] : memref<2560x128xf32, #tpu.memory_space<vmem>>, vector<2560x128xf32>
    tpu.vector_store %arg14[%swap3A, %swap3A_73], %add3A_72 {strides = array<i32>} : memref<2560x128xf32, #tpu.memory_space<vmem>>, vector<2560x128xf32>,
    return
  }
  func.func @transform_1(%arg0: i32) -> (i32, i32, i32) {
    %c0_i32 = arith.constant 0 : i32
    %c0_i32_0 = arith.constant 0 : i32
    %c0_i32_1 = arith.constant 0 : i32
    return %c0_i32, %arg0, %c0_i32_0 : i32, i32, i32
  }
  func.func @transform_2(%arg0: i32) -> (i32, i32, i32) {
    %c1_i32 = arith.constant 1 : i32
    %c0_i32 = arith.constant 0 : i32
    %c0_i32_0 = arith.constant 0 : i32
    return %c1_i32, %arg0, %c0_i32 : i32, i32, i32
  }
  func.func @transform_3(%arg0: i32) -> (i32, i32) {
    %add3A = arith.constant 110 : i32
    %add3A_0 = arith.addi %add3A, %arg0 : i32
    %c0_i32 = arith.constant 0 : i32
    %c0_i32_1 = arith.constant 0 : i32
    return %add3A_0, %c0_i32 : i32, i32
  }
  func.func @transform_4(%arg0: i32) -> (i32, i32) {
    %c0_i32 = arith.constant 0 : i32
    %c0_i32_0 = arith.constant 0 : i32
    %c0_i32_1 = arith.constant 0 : i32
    return %c0_i32, %c0_i32_0 : i32, i32
  }
  func.func @transform_5(%arg0: i32) -> (i32, i32) {
    %c0_i32 = arith.constant 0 : i32
    %c0_i32_0 = arith.constant 0 : i32
    %c0_i32_1 = arith.constant 0 : i32
    return %c0_i32, %c0_i32_0 : i32, i32
  }
  func.func @transform_6(%arg0: i32) -> (i32, i32) {
    %c0_i32 = arith.constant 0 : i32
    %c0_i32_0 = arith.constant 0 : i32
    %c0_i32_1 = arith.constant 0 : i32
    return %c0_i32, %c0_i32_0 : i32, i32
  }
  func.func @transform_7(%arg0: i32) -> (i32, i32) {
    %c0_i32 = arith.constant 0 : i32
    %c0_i32_0 = arith.constant 0 : i32
    %c0_i32_1 = arith.constant 0 : i32
    return %c0_i32, %c0_i32_0 : i32, i32
  }
  func.func @transform_8(%arg0: i32) -> (i32, i32) {
    %c0_i32 = arith.constant 0 : i32
    %c0_i32_0 = arith.constant 0 : i32
    %c0_i32_1 = arith.constant 0 : i32
    return %c0_i32, %c0_i32_0 : i32, i32
  }
  func.func @transform_9(%arg0: i32) -> (i32, i32) {
    %c0_i32 = arith.constant 0 : i32
    %c0_i32_0 = arith.constant 0 : i32
    %c0_i32_1 = arith.constant 0 : i32
    return %c0_i32, %c0_i32_0 : i32, i32
  }
  func.func @transform_10(%arg0: i32) -> (i32, i32) {
    %c0_i32 = arith.constant 0 : i32
    %c0_i32_0 = arith.constant 0 : i32
    %c0_i32_1 = arith.constant 0 : i32
    return %c0_i32, %c0_i32_0 : i32, i32
  }
  func.func @transform_11(%arg0: i32) -> (i32, i32) {
    %c0_i32 = arith.constant 0 : i32
    %c0_i32_0 = arith.constant 0 : i32
    %c0_i32_1 = arith.constant 0 : i32
    return %c0_i32, %c0_i32_0 : i32, i32
  }
  func.func @transform_12(%arg0: i32) -> (i32, i32) {
    %c0_i32 = arith.constant 0 : i32
    %c0_i32_0 = arith.constant 0 : i32
    %c0_i32_1 = arith.constant 0 : i32
    return %c0_i32, %c0_i32_0 : i32, i32
  }
  func.func @transform_13(%arg0: i32) -> (i32, i32) {
    %add3A = arith.constant 110 : i32
    %add3A_0 = arith.addi %add3A, %arg0 : i32
    %c0_i32 = arith.constant 0 : i32
    %c0_i32_1 = arith.constant 0 : i32
    return %add3A_0, %c0_i32 : i32, i32
  }
}

</mosaic_0001>

<sc_bundles>
// kernel: kernel.12.cloned.1.call-start
scs
__scs_entry_jumppad:
0x0: {  	(pc) =	sbr.rel $0x88, $3  }
0x1: {  	(tag) =	ssettag $0x0;
	lr =	simm.s32 $0x1  }
0x2: {  	[smem:$0x3F96] =	sst lr;
	_ =	strace $0xD0000000  }
0x3: {  	_ = 	snop  }
0x4: {  	_ = 	snop  }
0x5: {  	_ = 	snop  }
0x6: {  	_ = 	snop  }
0x7: {  	_ = 	snop  }
__scs_overlays_trampoline_lowered:
0x8: {  	[smem:$0x3FA5] =	sst s0  }
0x9: {  	[smem:$0x3FA6] =	sst s1  }
0xa: {  	[smem:$0x3FA7] =	sst s2  }
0xb: {  	[smem:$0x3FA8] =	sst s3  }
0xc: {  	[smem:$0x3FA9] =	sst s4  }
0xd: {  	[smem:$0x3FAA] =	sst s5  }
0xe: {  	[smem:$0x3FAB] =	sst s6  }
0xf: {  	[smem:$0x3FAC] =	sst s7  }
0x10: {  	[smem:$0x3FAD] =	sst s8  }
0x11: {  	[smem:$0x3FAE] =	sst s9;
	s0 =	simm.s32 @!p0 $0x0  }
0x12: {  	s1 =	sld [smem:$0x3F94];
	s0 =	simm.s32 @p0 $0x1  }
0x13: {  	[smem:$0x3FAF] =	sst s0;
	s0 =	simm.s32 @!p1 $0x0  }
0x14: {  	s2 =	sld [smem:$0x3F93];
	s0 =	simm.s32 @p1 $0x1  }
0x15: {  	[smem:$0x3FB0] =	sst s0;
	s0 =	simm.s32 @!p2 $0x0  }
0x16: {  	s3 =	sld [smem:$0x3FDB];
	s0 =	simm.s32 @p2 $0x1  }
0x17: {  	s4 =	simm.s32 $0x1BF5;
	[smem:$0x3FB2] =	sst s0  }
0x18: {  	s0 =	sld [smem:$0x3F95];
	_ =	swait.ge [sflag:s4], $0x0  }
0x19: {  	s7 =	sld [smem:$0x3F96]  }
0x1a: {  	s8 =	sadd.s32 $0xFFFFE003, lr  }
0x1b: {  	s9 =	sadd.s32 $0xFFFFFEF7, lr;
	s5 =	simm.s32 $0xFFFFFFFF;
	p2 =	slt.u32 s8, $0xFFFFF086  }
0x1c: {  	p1 =	slt.u32 s9, $0xF7A;
	s5 =	simm.s32 @!p2 $0x0  }
0x1d: {  	s5 =	simm.s32 @p1 $0x1;
	p0 =	seq.s32 s7, s2  }
0x1e: {  	s7 =	smul.u32 @!p0 $0xF7A, s2;
	p2 =	seq.s32 @!p0 s5, $0x0  }
0x1f: {  	s9 =	smul.u32 $0xF7A, s1;
	s8 =	simm.s32 @!p0 $0x1BF5;
	p2 =	por !p2, p0  }
0x20: {  	[sflag:s8] =	ssyncset.s32 @!p0 $0xFFFFF086;
	s6 =	sadd.s32 @!p0 s3, s7;
	s7 =	simm.s32 @!p0 $0x108  }
0x21: {  	s3 =	sadd.s32 s3, s9;
	s6 =	sadd.s32 @!p0 $0x88, s6;
	s7 =	simm.s32 @p2 $0x1082  }
0x22: {  	[simem:s7], [sflag:s8] =	dma.local @!p0 [hbm:s6], $0xF7A  }
0x23: {  	s9 =	sor.u32 $0xD0000000, s2;
	s6 =	simm.s32 $0x108;
	_ =	swait.ge @!p0 [sflag:s8], $0x0  }
0x24: {  	s3 =	sadd.s32 $0x88, s3;
	s6 =	simm.s32 @!p1 $0x1082;
	[sflag:s4] =	ssyncset.s32 $0xFFFFF086  }
0x25: {  	[simem:s6], [sflag:s4] =	dma.local [hbm:s3], $0xF7A  }
0x26: {  	[smem:$0x3F96] =	sst s1;
	(tag) =	ssettag s2;
	_ =	strace s9  }
0x27: {  	s1 =	sld [smem:$0x3FA6]  }
0x28: {  	s2 =	sld [smem:$0x3FA7]  }
0x29: {  	s4 =	sld [smem:$0x3FA9]  }
0x2a: {  	p0 =	seq.s32 s5, $0x0;
	s5 =	sld [smem:$0x3FAA]  }
0x2b: {  	s6 =	sld [smem:$0x3FAB]  }
0x2c: {  	s7 =	sld [smem:$0x3FAC]  }
0x2d: {  	s3 =	simm.s32 $0x108;
	s8 =	sld [smem:$0x3FAD]  }
0x2e: {  	s3 =	simm.s32 @!p0 $0x1082;
	s9 =	sld [smem:$0x3FAE]  }
0x2f: {  	lr =	sadd.s32 s0, s3;
	s0 =	sld [smem:$0x3FA5]  }
0x30: {  	s3 =	sld [smem:$0x3FA8]  }
0x31: {  	[smem:$0x3FB1] =	sst s10  }
0x32: {  	s10 =	sld [smem:$0x3FAF];
	_ =	sdelay $0x3  }
0x33: {  	p0 =	seq.s32 s10, $0x1;
	s10 =	sld [smem:$0x3FB1];
	_ =	sdelay $0x3  }
0x34: {  	[smem:$0x3FB1] =	sst s10  }
0x35: {  	s10 =	sld [smem:$0x3FB0];
	_ =	sdelay $0x3  }
0x36: {  	p1 =	seq.s32 s10, $0x1;
	s10 =	sld [smem:$0x3FB1];
	_ =	sdelay $0x3  }
0x37: {  	[smem:$0x3FB1] =	sst s10  }
0x38: {  	s10 =	sld [smem:$0x3FB2]  }
0x39: {  	_ = 	snop;
	(pc) =	sbr.ind lr, $3  }
0x3a: {  	_ = 	snop  }
0x3b: {  	_ = 	snop  }
0x3c: {  	p2 =	seq.s32 s10, $0x1;
	s10 =	sld [smem:$0x3FB1]  }
0x3d: {  	_ =	shalt  }
0x3e: {  	_ =	shalt  }
0x3f: {  	_ =	shalt  }
0x40: {  	_ =	shalt  }
0x41: {  	_ =	shalt  }
0x42: {  	_ =	shalt  }
0x43: {  	_ =	shalt  }
0x44: {  	_ =	shalt  }
0x45: {  	_ =	shalt  }
0x46: {  	_ =	shalt  }
0x47: {  	_ =	shalt  }
0x48: {  	_ =	shalt  }
0x49: {  	_ =	shalt  }
0x4a: {  	_ =	shalt  }
0x4b: {  	_ =	shalt  }
0x4c: {  	_ =	shalt  }
0x4d: {  	_ =	shalt  }
0x4e: {  	_ =	shalt  }
0x4f: {  	_ =	shalt  }
0x50: {  	_ =	shalt  }
0x51: {  	_ =	shalt  }
0x52: {  	_ =	shalt  }
0x53: {  	_ =	shalt  }
0x54: {  	_ =	shalt  }
0x55: {  	_ =	shalt  }
0x56: {  	_ =	shalt  }
0x57: {  	_ =	shalt  }
0x58: {  	_ =	shalt  }
0x59: {  	_ =	shalt  }
0x5a: {  	_ =	shalt  }
0x5b: {  	_ =	shalt  }
0x5c: {  	_ =	shalt  }
0x5d: {  	_ =	shalt  }
0x5e: {  	_ =	shalt  }
0x5f: {  	_ =	shalt  }
0x60: {  	_ =	shalt  }
0x61: {  	_ =	shalt  }
0x62: {  	_ =	shalt  }
0x63: {  	_ =	shalt  }
0x64: {  	_ =	shalt  }
0x65: {  	_ =	shalt  }
0x66: {  	_ =	shalt  }
0x67: {  	_ =	shalt  }
0x68: {  	_ =	shalt  }
0x69: {  	_ =	shalt  }
0x6a: {  	_ =	shalt  }
0x6b: {  	_ =	shalt  }
0x6c: {  	_ =	shalt  }
0x6d: {  	_ =	shalt  }
0x6e: {  	_ =	shalt  }
0x6f: {  	_ =	shalt  }
0x70: {  	_ =	shalt  }
0x71: {  	_ =	shalt  }
0x72: {  	_ =	shalt  }
0x73: {  	_ =	shalt  }
0x74: {  	_ =	shalt  }
0x75: {  	_ =	shalt  }
0x76: {  	_ =	shalt  }
0x77: {  	_ =	shalt  }
0x78: {  	_ =	shalt  }
0x79: {  	_ =	shalt  }
0x7a: {  	_ =	shalt  }
0x7b: {  	_ =	shalt  }
0x7c: {  	_ =	shalt  }
0x7d: {  	_ =	shalt  }
0x7e: {  	_ =	shalt  }
0x7f: {  	_ =	shalt  }
0x80: {  	_ =	shalt  }
0x81: {  	_ =	shalt  }
0x82: {  	_ =	shalt  }
0x83: {  	_ =	shalt  }
0x84: {  	_ =	shalt  }
0x85: {  	_ =	shalt  }
0x86: {  	_ =	shalt  }
0x87: {  	_ =	shalt  }
.Lfunc_end0:
.L_simem_size_0:
called_computation_lowered:
.L_overlay_start_0:
0x88: {  	s2 =	sld [smem:$0x3FD9]  }
0x89: {  	s3 =	sld [smem:$0x3FFE];
	_ =	sdelay $0x1  }
0x8a: {  	s1 =	srdreg.scid  }
0x8b: {  	s0 =	sand.u32 $0x1, s1  }
0x8c: {  	s17 =	sshll.u32 s0, $0xA;
	s2 =	sadd.s32 s3, s2  }
0x8d: {  	s2 =	sadd.s32 s2, s17  }
0x8e: {  	[smem:$0x3FBD] =	sst s2  }
0x8f: {  	_ = 	snop  }
0x90: {  	s2 =	sld [smem:$0x3FC9]  }
0x91: {  	s18 =	sld [smem:$0x3FD0];
	(tm) =	ssettm $0x1  }
0x92: {  	s4 =	sld [smem:$0x3FFB];
	_ =	sdelay $0x3  }
0x93: {  	_ =	strace s4  }
0x94: {  	s4 =	sld [smem:$0x3FFC];
	_ =	sdelay $0x3  }
0x95: {  	_ =	strace s4  }
0x96: {  	s4 =	sld [smem:$0x3FFD];
	_ =	sdelay $0x3  }
0x97: {  	_ =	strace s4  }
0x98: {  	_ =	strace $0x8FFFFFFF  }
0x99: {  	s19 =	sld [smem:$0x3FDB];
	_ =	sdelay $0x1  }
0x9a: {  	s5 =	simm.s32 $_scs_section_size  }
0x9b: {  	s6 =	simm.s32 $_size__tile_overlayer_lowered;
	s7 =	simm.s32 $_tile_overlayer_lowered  }
0x9c: {  	s22 =	simm.s32 $0x1BFF;
	s21 =	sshll.u32 s7, $0x1;
	s4 =	sadd.s32 s5, s19  }
0x9d: {  	s8 =	simm.s32 $0x0;
	s20 =	sshll.u32 s6, $0x1;
	s6 =	sadd.s32 s21, s4  }
0x9e: {  	[timem:s8], [sflag:s22] =	dma.local [hbm:s6], s20  }
0x9f: {  	_ =	swait.ge [sflag:s22], s20  }
0xa0: {  	s5 =	ssub.s32 $0x0, s20;
	[sflag:s22] =	ssyncset.done $0x0  }
0xa1: {  	[sflag:s22] =	ssyncadd.s32 s5;
	_ =	sdelay $0x1  }
0xa2: {  	s23 =	simm.s32 $0x1B8B  }
0xa3: {  	_ =	swait.ge [sflag:s23], $0x1  }
0xa4: {  	[sflag:s23] =	ssyncset.done $0x0  }
0xa5: {  	s25 =	simm.s32 $0x1B8E;
	s24 =	sld [smem:$0x3FFE];
	[sflag:s23] =	ssyncadd.s32 $0xFFFFFFFF  }
0xa6: {  	s26 =	simm.s32 $execute0_lowered;
	[smem:$0x3FD2] =	sst s25  }
0xa7: {  	s6 =	sshll.u32 s26, $0x1;
	_ =	strace $0x80000046;
	[dreg:$0x1] =	wrdreg $0xFFFFFFFF  }
0xa8: {  	s28 =	simm.s32 $_size_execute0_lowered;
	s4 =	sadd.s32 s4, s6;
	[dreg:$0x0] =	wrdreg $0x0  }
0xa9: {  	s6 =	sshll.u32 s28, $0x1;
	[dreg:$0x2] =	wrdreg s4  }
0xaa: {  	[dreg:$0x3] =	wrdreg s6  }
0xab: {  	[dreg:$0x4] =	wrdreg $0xC0  }
0xac: {  	_ =	task [dreg:s8], $0x5FFFF  }
0xad: {  	[dreg:$0x1] =	wrdreg $0xFFFFFFFF  }
0xae: {  	[dreg:$0x0] =	wrdreg $0x60  }
0xaf: {  	[dreg:$0x2] =	wrdreg s2  }
0xb0: {  	[dreg:$0x3] =	wrdreg s18  }
0xb1: {  	[dreg:$0x4] =	wrdreg s24  }
0xb2: {  	[dreg:$0x5] =	wrdreg $0x9  }
0xb3: {  	_ =	task.clear_ibuf [dreg:s8], $0x6FFFF;
	_ =	strace $0x90000046  }
0xb4: {  	s29 =	simm.s32 $0x9;
	_ =	strace $0x8000004F  }
0xb5: {  	_ =	swait.ge [sflag:s29], $0x1  }
0xb6: {  	[sflag:s29] =	ssyncadd.s32 $0xFFFFFFFF  }
0xb7: {  	_ =	strace $0x9000004F  }
0xb8: {  	_ =	sfence  }
0xb9: {  	s30 =	sld [smem:$0x0];
	_ =	sdelay $0x2  }
0xba: {  	s31 =	sshll.u32 s1, $0xD;
	s1 =	sshrl.u32 s1, $0x2  }
0xbb: {  	s3 =	sand.u32 $0x4000, s31;
	s1 =	sadd.s32 s1, s30  }
0xbc: {  	s0 =	sor.u32 s3, s0;
	s1 =	sshll.u32 s1, $0x11  }
0xbd: {  	s0 =	sor.u32 s1, s0  }
0xbe: {  	s0 =	sadd.s32 $0x8F2B, s0  }
0xbf: {  	[sflag:s0] =	ssyncadd.remote.s32 $0x1  }
0xc0: {  	_ =	sfence.sel $0xFFFF  }
0xc1: {  	[dreg:$0x0] =	wrdreg $0xFFFFFFFF;
	(pc) =	sbr.abs _section_cstart, $3  }
0xc2: {  	[dreg:$0x1] =	wrdreg $0xFFFFFFFF  }
0xc3: {  	_ =	task.clear_ibuf [dreg:s8], $0x2FFFF;
	_ =	strace $0x9FFFFFFF  }
0xc4: {  	(tm) =	ssettm $0x7FFFFFFF  }
0xc5: {  	_ =	shalt  }
tec
execute0_lowered:
.L_overlay_start_1:
0x0: {  	(tag) =	ssettag $0x1  }
0x1: {  	s0 =	rddreg [dreg:$0x0]  }
0x2: {  	s1 =	srdreg.scid;
	s3 =	rddreg [dreg:$0x1]  }
0x3: {  	s2 =	rddreg [dreg:$0x2];
	s6 =	stileid.u32;
	s1 =	sand.u32 $0x1, s1  }
0x4: {  	s4 =	simm.s32 $0x0;
	s14 =	simm.s32 $0x80;
	s5 =	sshll.u32 s1, $0x4  }
0x5: {  	s15 =	simm.s32 $0x100;
	s16 =	simm.s32 $0x1;
	s5 =	sor.u32 s6, s5  }
0x6: {  	s17 =	simm.s32 $0x0;
	s1 =	ssub.s32 $0x2, s1;
	s6 =	smul.u32 $0x2B, s5  }
0x7: {  	[smem:$0x7FF] =	sst s4;
	s28 =	sshrl.u32 s1, $0x1;
	s7 =	smul.u32 $0x2C, s5  }
0x8: {  	p0 =	slt.u32 s5, $0x18;
	s1 =	ssub.s32 s1, s28;
	s5 =	sadd.s32 $0x18, s6  }
0x9: {  	_ =	strace $0x80000047;
	s10 =	smax.u32 s1, $0x1;
	s5 =	smov.u32 @p0 s7  }
0xa: {  	s6 =	sadd.s32 $0x4800, s2;
	s7 =	simm.s32 $0x2C;
	s29 =	sshll.u32 s5, $0x4  }
0xb: {  	s7 =	simm.s32 @!p0 $0x2B;
	s12 =	sshll.u32 s5, $0xB;
	s8 =	sadd.s32 s3, s29  }
0xc: {  	s2 =	sadd.s32 $0x10, s29;
	s30 =	sadd.s32 $0xFFFFFFFF, s7;
	s31 =	sand.u32 $0x1FFFF800, s12  }
0xd: {  	s13 =	sadd.s32 $0xFFFFFFFE, s7;
	[dreg:$0x4] =	wrdreg s8;
	s2 =	sand.u32 $0x1FFFFFF0, s2  }
0xe: {  	[dreg:$0x5] =	wrdreg s30;
	s12 =	sadd.s32 s6, s31;
	s11 =	sadd.s32 s3, s2  }
.LBB2_1:
0xf: {  	_ =	strace $0x80000048  }
0x10: {  	s1 =	rddreg [dreg:$0x4]  }
0x11: {  	[tilespmem:s4], [sflag:$0x2] =	stream.linear.gather [hbm4b:s1+s4], $0x80, $0x200038;
	[tilespmem:$0x8100] =	vst v63  }
0x12: {  	_ =	strace $0x90000048  }
0x13: {  	_ =	strace $0x80000049  }
0x14: {  	[tilespmem:s14], [sflag:$0x3] =	stream.linear.gather [hbm4b:s11+s4], $0x80, $0x200038;
	[tilespmem:$0x8100] =	vst v63  }
0x15: {  	_ =	strace $0x90000049  }
0x16: {  	s19 =	simm.s32 $0x2;
	_ =	strace $0x8000004A  }
0x17: {  	_ =	swait.ge [sflag:s19], $0x80  }
0x18: {  	[sflag:s19] =	ssyncset.done $0x0  }
0x19: {  	[sflag:s19] =	ssyncadd.s32 $0xFFFFFF80  }
0x1a: {  	s18 =	simm.s32 $0x1;
	s21 =	simm.s32 $0x2;
	_ =	strace $0x9000004A  }
0x1b: {  	p0 =	seq.s32 s7, $0x2;
	s29 =	sand.u32 $0x1, s16;
	_ =	strace $0x8000004B  }
0x1c: {  	[tilespmem:s15], [sflag:$0x1] =	stream.indirect.gather [hbm4b:s0+s14], $0x80, s4, s14, $0x2000b8;
	[tilespmem:$0x8100] =	vst v63  }
0x1d: {  	p3 =	sne.s32 s13, $0x1;
	s23 =	sadd.s32 $0x1, s5;
	_ =	swait.ge [sflag:s16], $0x4000  }
0x1e: {  	p2 =	por $0x0, $0x0;
	s21 =	simm.s32 @p0 $0x0;
	[sflag:s16] =	ssyncset.done $0x0  }
.Ltmp0:
0x1f: {  	s25 =	sor.u32 $0x2, s29;
	[sflag:s16] =	ssyncadd.s32 $0xFFFFC000;
	(pc) =	sbr.rel @!p3 .LBB2_2-.Ltmp0, $4  }
0x20: {  	p0 =	seq.s32 s21, $0x1;
	p1 =	sne.s32 s21, $0x1;
	_ =	strace $0x9000004B  }
0x21: {  	s1 =	sadd.s32 @!p0 s5, s21;
	s31 =	sand.u32 @!p0 $0x1, s19;
	_ =	strace $0x8000004C  }
0x22: {  	[hbm4b:s12+s4] =	stream.linear.scatter [tilespmem:s15], [sflag:$0x4], $0x4000, $0x200038;
	[tilespmem:$0x8100] =	vst v63  }
0x23: {  	s30 =	sshll.u32 @!p0 s31, $0x7;
	s2 =	sshll.u32 @!p0 s1, $0x4;
	_ =	strace $0x9000004C  }
0x24: {  	s1 =	sor.u32 @!p0 $0x2, s31;
	s2 =	sand.u32 @!p0 $0x1FFFFFF0, s2  }
0x25: {  	_ =	strace @!p0 $0x80000049;
	s22 =	simm.s32 @!p0 $0x0;
	s2 =	sadd.s32 @!p0 s3, s2  }
0x26: {  	[tilespmem:s30], [sflag:s1] =	stream.linear.gather @!p0 [hbm4b:s2+s22], $0x80, $0x200038;
	[tilespmem:$0x8100] =	vst v63  }
0x27: {  	s20 =	simm.s32 $0x80;
	s24 =	simm.s32 $0x2;
	_ =	strace @!p0 $0x90000049  }
0x28: {  	p3 =	sne.s32 s13, $0x2;
	s8 =	sand.u32 $0x1, s4;
	_ =	strace $0x8000004A  }
0x29: {  	p2 =	por $0x1, $0x1;
	s26 =	sand.u32 $0x80, s20;
	_ =	swait.ge [sflag:s25], $0x80  }
0x2a: {  	s9 =	sor.u32 $0x4, s8;
	s1 =	simm.s32 $0x1;
	[sflag:s25] =	ssyncset.done $0x0  }
0x2b: {  	s2 =	sshll.u32 @!p0 s23, $0xB;
	s23 =	sand.u32 $0x1, s16;
	[sflag:s25] =	ssyncadd.s32 $0xFFFFFF80  }
0x2c: {  	s19 =	sshll.u32 s23, $0xE;
	s1 =	simm.s32 @!p1 $0x0;
	_ =	strace $0x9000004A  }
0x2d: {  	s2 =	sand.u32 @!p0 $0x1FFFF800, s2;
	s25 =	sor.u32 $0x100, s19;
	_ =	strace $0x8000004B  }
0x2e: {  	[tilespmem:s25], [sflag:$0x1] =	stream.indirect.gather [hbm4b:s0+s14], $0x80, s26, s14, $0x2000b8;
	[tilespmem:$0x8100] =	vst v63  }
0x2f: {  	s23 =	sor.u32 @!p0 $0x4, s23;
	s20 =	sadd.s32 $0x1, s1;
	_ =	swait.ge [sflag:s16], $0x4000  }
0x30: {  	s2 =	sadd.s32 @!p0 s6, s2;
	s29 =	smov.u32 s20;
	[sflag:s16] =	ssyncset.done $0x0  }
0x31: {  	s28 =	smov.u32 s20;
	s26 =	sadd.s32 $0x1, s21;
	[sflag:s16] =	ssyncadd.s32 $0xFFFFC000  }
0x32: {  	s19 =	sadd.s32 $0x2, s1;
	p1 =	seq.s32 s26, s7;
	_ =	strace $0x9000004B  }
0x33: {  	s1 =	sand.u32 $0x1, s20;
	s26 =	simm.s32 @p1 $0x0;
	_ =	strace @!p0 $0x8000004C  }
0x34: {  	[hbm4b:s2+s22] =	stream.linear.scatter @!p0 [tilespmem:s25], [sflag:s23], $0x4000, $0x200038;
	[tilespmem:$0x8100] =	vst v63  }
.Ltmp1:
0x35: {  	p1 =	sne.s32 s21, s26;
	_ =	strace @!p0 $0x9000004C;
	(pc) =	sbr.rel @!p3 .LBB2_4-.Ltmp1, $4  }
0x36: {  	s23 =	sadd.s32 s5, s21;
	s25 =	sor.u32 $0x2, s1;
	_ =	strace $0x8000004D  }
0x37: {  	s22 =	smov.u32 s20;
	p0 =	seq.s32 s21, s26;
	_ =	swait.ge [sflag:s9], $0x4000  }
0x38: {  	s31 =	sand.u32 @!p0 $0x1, s19;
	s1 =	sadd.s32 @!p0 s5, s26;
	[sflag:s9] =	ssyncset.done $0x0  }
0x39: {  	s30 =	sshll.u32 @!p0 s31, $0x7;
	s2 =	sshll.u32 @!p0 s1, $0x4;
	[sflag:s9] =	ssyncadd.s32 $0xFFFFC000  }
.LBB2_5:
0x3a: {  	s1 =	sor.u32 @!p0 $0x2, s31;
	s2 =	sand.u32 @!p0 $0x1FFFFFF0, s2;
	_ =	strace $0x9000004D  }
0x3b: {  	s31 =	smov.u32 s18;
	s18 =	smov.u32 s24;
	s21 =	smov.u32 s26  }
0x3c: {  	s8 =	simm.s32 @!p0 $0x0;
	_ =	strace @!p0 $0x80000049;
	s2 =	sadd.s32 @!p0 s3, s2  }
0x3d: {  	[tilespmem:s30], [sflag:s1] =	stream.linear.gather @!p0 [hbm4b:s2+s8], $0x80, $0x200038;
	[tilespmem:$0x8100] =	vst v63  }
0x3e: {  	s1 =	simm.s32 $0x1  }
0x3f: {  	s2 =	sshll.u32 @!p0 s23, $0xB;
	_ =	strace @!p0 $0x90000049;
	s1 =	simm.s32 @!p1 $0x0  }
0x40: {  	s2 =	sand.u32 @!p0 $0x1FFFF800, s2;
	s19 =	sadd.s32 s1, s19;
	_ =	strace $0x8000004A  }
0x41: {  	s2 =	sadd.s32 @!p0 s6, s2;
	s20 =	sadd.s32 s1, s20;
	_ =	swait.ge [sflag:s25], $0x80  }
0x42: {  	s24 =	sadd.s32 $0x1, s24;
	s22 =	sadd.s32 s1, s22;
	[sflag:s25] =	ssyncset.done $0x0  }
0x43: {  	s23 =	sand.u32 $0x1, s29;
	s1 =	sand.u32 $0x1, s22;
	[sflag:s25] =	ssyncadd.s32 $0xFFFFFF80  }
0x44: {  	s28 =	sshll.u32 s28, $0x7;
	s25 =	sshll.u32 s23, $0xE;
	_ =	strace $0x9000004A  }
0x45: {  	s28 =	sand.u32 $0x80, s28;
	s25 =	sor.u32 $0x100, s25;
	_ =	strace $0x8000004B  }
0x46: {  	[tilespmem:s25], [sflag:$0x1] =	stream.indirect.gather [hbm4b:s0+s14], $0x80, s28, s14, $0x2000b8;
	[tilespmem:$0x8100] =	vst v63  }
0x47: {  	p3 =	sne.s32 s13, s24;
	s30 =	sor.u32 @!p0 $0x4, s23;
	_ =	swait.ge [sflag:s16], $0x4000  }
0x48: {  	s29 =	smov.u32 s20;
	s28 =	smov.u32 s22;
	[sflag:s16] =	ssyncset.done $0x0  }
0x49: {  	[sflag:s16] =	ssyncadd.s32 $0xFFFFC000  }
0x4a: {  	s31 =	sand.u32 $0x1, s31;
	s23 =	sadd.s32 s5, s26;
	_ =	strace $0x9000004B  }
0x4b: {  	s9 =	sor.u32 $0x4, s31;
	s26 =	sadd.s32 $0x1, s26;
	_ =	strace @!p0 $0x8000004C  }
0x4c: {  	[hbm4b:s2+s8] =	stream.linear.scatter @!p0 [tilespmem:s25], [sflag:s30], $0x4000, $0x200038;
	[tilespmem:$0x8100] =	vst v63  }
.Ltmp2:
0x4d: {  	p1 =	seq.s32 s26, s7;
	_ =	strace @!p0 $0x9000004C;
	(pc) =	sbr.rel @p3 .LBB2_5-.Ltmp2, $4  }
0x4e: {  	s26 =	simm.s32 @p1 $0x0;
	s25 =	sor.u32 $0x2, s1;
	_ =	strace $0x8000004D  }
0x4f: {  	p1 =	sne.s32 s21, s26;
	p0 =	seq.s32 s21, s26;
	_ =	swait.ge [sflag:s9], $0x4000  }
0x50: {  	s1 =	sadd.s32 @!p0 s5, s26;
	s31 =	sand.u32 @!p0 $0x1, s19;
	[sflag:s9] =	ssyncset.done $0x0  }
0x51: {  	s30 =	sshll.u32 @!p0 s31, $0x7;
	s2 =	sshll.u32 @!p0 s1, $0x4;
	[sflag:s9] =	ssyncadd.s32 $0xFFFFC000  }
0x52: {  	s1 =	smov.u32 s18;
	s18 =	smov.u32 s24;
	s21 =	smov.u32 s26  }
.LBB2_7:
0x53: {  	s8 =	sor.u32 @!p0 $0x2, s31;
	s2 =	sand.u32 @!p0 $0x1FFFFFF0, s2;
	_ =	strace @p2 $0x9000004D  }
0x54: {  	s9 =	simm.s32 @!p0 $0x0;
	_ =	strace @!p0 $0x80000049;
	s2 =	sadd.s32 @!p0 s3, s2  }
0x55: {  	[tilespmem:s30], [sflag:s8] =	stream.linear.gather @!p0 [hbm4b:s2+s9], $0x80, $0x200038;
	[tilespmem:$0x8100] =	vst v63  }
0x56: {  	_ =	strace @!p0 $0x90000049  }
0x57: {  	_ =	strace $0x8000004A  }
0x58: {  	_ =	swait.ge [sflag:s25], $0x80  }
0x59: {  	[sflag:s25] =	ssyncset.done $0x0  }
0x5a: {  	s2 =	sand.u32 $0x1, s29;
	[sflag:s25] =	ssyncadd.s32 $0xFFFFFF80  }
0x5b: {  	s24 =	sshll.u32 s28, $0x7;
	s31 =	sshll.u32 s2, $0xE;
	_ =	strace $0x9000004A  }
0x5c: {  	s24 =	sand.u32 $0x80, s24;
	s8 =	sor.u32 $0x100, s31;
	_ =	strace $0x8000004B  }
0x5d: {  	[tilespmem:s8], [sflag:$0x1] =	stream.indirect.gather [hbm4b:s0+s14], $0x80, s24, s14, $0x2000b8;
	[tilespmem:$0x8100] =	vst v63  }
0x5e: {  	_ =	swait.ge [sflag:s16], $0x4000  }
0x5f: {  	[sflag:s16] =	ssyncset.done $0x0  }
0x60: {  	s23 =	sshll.u32 @!p0 s23, $0xB;
	[sflag:s16] =	ssyncadd.s32 $0xFFFFC000  }
0x61: {  	s23 =	sand.u32 @!p0 $0x1FFFF800, s23;
	_ =	strace $0x9000004B  }
0x62: {  	s23 =	sadd.s32 @!p0 s6, s23;
	s2 =	sor.u32 @!p0 $0x4, s2;
	_ =	strace @!p0 $0x8000004C  }
0x63: {  	[hbm4b:s23+s9] =	stream.linear.scatter @!p0 [tilespmem:s8], [sflag:s2], $0x4000, $0x200038;
	[tilespmem:$0x8100] =	vst v63  }
0x64: {  	s1 =	sand.u32 $0x1, s1;
	_ =	strace @!p0 $0x9000004C  }
0x65: {  	s26 =	sadd.s32 $0x1, s18;
	s8 =	sadd.s32 $0x1, s21;
	_ =	strace $0x8000004D  }
0x66: {  	s25 =	sor.u32 $0x4, s1;
	p0 =	seq.s32 s8, s7;
	s28 =	rddreg [dreg:$0x5]  }
0x67: {  	s2 =	simm.s32 $0x1;
	s8 =	simm.s32 @p0 $0x0;
	p0 =	sge.u32 s26, s28  }
0x68: {  	s2 =	simm.s32 @!p1 $0x0;
	_ =	swait.ge [sflag:s25], $0x4000;
	p1 =	seq.s32 @!p0 s21, s8  }
0x69: {  	s1 =	sadd.s32 s2, s19;
	[sflag:s25] =	ssyncset.done $0x0;
	p0 =	por p1, p0  }
0x6a: {  	s29 =	sadd.s32 s2, s22;
	[sflag:s25] =	ssyncadd.s32 $0xFFFFC000;
	s19 =	sadd.s32 @!p0 s5, s8  }
0x6b: {  	_ =	strace $0x9000004D;
	s1 =	sand.u32 @!p0 $0x1, s1;
	s19 =	sshll.u32 @!p0 s19, $0x4  }
0x6c: {  	_ =	strace @!p0 $0x80000049;
	s24 =	simm.s32 @!p0 $0x0;
	s19 =	sand.u32 @!p0 $0x1FFFFFF0, s19  }
0x6d: {  	s22 =	sshll.u32 @!p0 s1, $0x7;
	s1 =	sor.u32 @!p0 $0x2, s1;
	s19 =	sadd.s32 @!p0 s3, s19  }
0x6e: {  	[tilespmem:s22], [sflag:s1] =	stream.linear.gather @!p0 [hbm4b:s19+s24], $0x80, $0x200038;
	[tilespmem:$0x8100] =	vst v63  }
0x6f: {  	s30 =	sand.u32 $0x1, s29;
	_ =	strace @!p0 $0x90000049  }
0x70: {  	s1 =	sor.u32 $0x2, s30;
	_ =	strace $0x8000004A  }
0x71: {  	_ =	swait.ge [sflag:s1], $0x80  }
0x72: {  	s2 =	sadd.s32 s2, s20;
	s9 =	sshll.u32 s29, $0x7;
	[sflag:s1] =	ssyncset.done $0x0  }
0x73: {  	s9 =	sand.u32 $0x80, s9;
	[sflag:s1] =	ssyncadd.s32 $0xFFFFFF80;
	s1 =	sand.u32 $0x1, s2  }
0x74: {  	p0 =	seq.s32 s13, s18;
	_ =	strace $0x9000004A;
	s2 =	sshll.u32 s1, $0xE  }
0x75: {  	p1 =	seq.s32 @!p0 s21, s8;
	_ =	strace $0x8000004B;
	s2 =	sor.u32 $0x100, s2  }
0x76: {  	[tilespmem:s2], [sflag:$0x1] =	stream.indirect.gather [hbm4b:s0+s14], $0x80, s9, s14, $0x2000b8;
	[tilespmem:$0x8100] =	vst v63  }
0x77: {  	p0 =	por p0, !p1;
	_ =	swait.ge [sflag:s16], $0x4000  }
0x78: {  	s8 =	sadd.s32 @p0 s5, s21;
	[sflag:s16] =	ssyncset.done $0x0  }
0x79: {  	s8 =	sshll.u32 @p0 s8, $0xB;
	[sflag:s16] =	ssyncadd.s32 $0xFFFFC000  }
0x7a: {  	s8 =	sand.u32 @p0 $0x1FFFF800, s8;
	_ =	strace $0x9000004B  }
0x7b: {  	s1 =	sor.u32 @p0 $0x4, s1;
	s8 =	sadd.s32 @p0 s6, s8;
	_ =	strace @p0 $0x8000004C  }
0x7c: {  	[hbm4b:s8+s4] =	stream.linear.scatter @p0 [tilespmem:s2], [sflag:s1], $0x4000, $0x200038;
	[tilespmem:$0x8100] =	vst v63  }
0x7d: {  	s31 =	sand.u32 $0x1, s18;
	_ =	strace @p0 $0x9000004C  }
0x7e: {  	s1 =	sor.u32 $0x4, s31;
	_ =	strace $0x8000004D  }
0x7f: {  	_ =	swait.ge [sflag:s1], $0x4000  }
0x80: {  	[sflag:s1] =	ssyncset.done $0x0  }
0x81: {  	s17 =	sadd.s32 $0x1, s17;
	[sflag:s1] =	ssyncadd.s32 $0xFFFFC000  }
0x82: {  	p0 =	sne.s32 s17, s10;
	_ =	strace $0x9000004D  }
.Ltmp3:
0x83: {  	_ =	strace $0x8000004E;
	(pc) =	sbr.rel @p0 .LBB2_1-.Ltmp3, $4  }
.Ltmp4:
0x84: {  	_ =	swait.ge [sflag:s25], $0x4000;
	(pc) =	sbr.rel @!p0 .LBB2_8-.Ltmp4, $4  }
0x85: {  	[sflag:s25] =	ssyncset.done $0x0  }
0x86: {  	[sflag:s25] =	ssyncadd.s32 $0xFFFFC000  }
0x87: {  	_ =	strace $0x9000004E  }
0x88: {  	_ = 	snop  }
.LBB2_2:
.Ltmp5:
0x89: {  	(pc) =	sbr.rel .LBB2_7-.Ltmp5, $3  }
0x8a: {  	_ =	sdelay $0x1  }
0x8b: {  	s1 =	simm.s32 $0x0;
	s20 =	simm.s32 $0x1  }
0x8c: {  	s22 =	simm.s32 $0x1;
	s29 =	simm.s32 $0x1;
	s28 =	simm.s32 $0x1  }
.LBB2_4:
.Ltmp6:
0x8d: {  	(pc) =	sbr.rel .LBB2_7-.Ltmp6, $3  }
0x8e: {  	_ =	sdelay $0x1  }
0x8f: {  	s1 =	simm.s32 $0x1;
	s18 =	simm.s32 $0x2;
	s21 =	smov.u32 s26  }
0x90: {  	s22 =	smov.u32 s20;
	s29 =	smov.u32 s20;
	s28 =	smov.u32 s20  }
.LBB2_8:
0x91: {  	_ =	sfence.sel $0x180000  }
0x92: {  	[bflag:$0x0] =	sbarrier.arrive $0xFFFF  }
0x93: {  	_ =	strace $0x90000047  }
0x94: {  	s0 =	stileid.u32;
	[bflag:$0x2] =	sbarrier.arrive $0xFFFF  }
0x95: {  	p0 =	sne.s32 s0, $0x0;
	s0 =	rddreg [dreg:$0x3]  }
0x96: {  	s0 =	sadd.s32 @!p0 $0x100000, s0  }
0x97: {  	[sflag:s0] =	ssyncadd.tile.s32 @!p0 $0x1;
	_ =	shalt  }
.Lfunc_end2:
_tile_overlayer_lowered:
.L_overlay_start_2:
0x98: {  	(tag) =	ssettag $0x2  }
0x99: {  	s0 =	rddreg [dreg:$0x0];
	s2 =	stileid.u32  }
0x9a: {  	s1 =	rddreg [dreg:$0x1];
	p0 =	sne.s32 s2, $0x0  }
0x9b: {  	s3 =	rddreg [dreg:$0x2];
	[bflag:$0x3] =	sbarrier.arrive $0xFFFF;
	s2 =	simm.s32 @!p0 $0x1C02  }
0x9c: {  	[timem:s3], [sflag:s2] =	dma.local @!p0 [hbm:s0], s1  }
0x9d: {  	s0 =	simm.s32 @!p0 $0x2  }
0x9e: {  	_ =	swait.ge @!p0 [sflag:s0], s1  }
0x9f: {  	s1 =	ssub.s32 @!p0 $0x0, s1;
	[sflag:s0] =	ssyncset.done @!p0 $0x0  }
0xa0: {  	[sflag:s0] =	ssyncadd.s32 @!p0 s1  }
0xa1: {  	[bflag:$0x3] =	sbarrier.arrive $0xFFFF  }
0xa2: {  	_ =	shalt  }

// kernel: kernel.15.cloned.1.call-start
scs
__scs_entry_jumppad:
0x0: {  	(pc) =	sbr.rel $0x88, $3  }
0x1: {  	(tag) =	ssettag $0x0;
	lr =	simm.s32 $0x1  }
0x2: {  	[smem:$0x3F96] =	sst lr;
	_ =	strace $0xD0000000  }
0x3: {  	_ = 	snop  }
0x4: {  	_ = 	snop  }
0x5: {  	_ = 	snop  }
0x6: {  	_ = 	snop  }
0x7: {  	_ = 	snop  }
__scs_overlays_trampoline_lowered:
0x8: {  	[smem:$0x3FA5] =	sst s0  }
0x9: {  	[smem:$0x3FA6] =	sst s1  }
0xa: {  	[smem:$0x3FA7] =	sst s2  }
0xb: {  	[smem:$0x3FA8] =	sst s3  }
0xc: {  	[smem:$0x3FA9] =	sst s4  }
0xd: {  	[smem:$0x3FAA] =	sst s5  }
0xe: {  	[smem:$0x3FAB] =	sst s6  }
0xf: {  	[smem:$0x3FAC] =	sst s7  }
0x10: {  	[smem:$0x3FAD] =	sst s8  }
0x11: {  	[smem:$0x3FAE] =	sst s9;
	s0 =	simm.s32 @!p0 $0x0  }
0x12: {  	s1 =	sld [smem:$0x3F94];
	s0 =	simm.s32 @p0 $0x1  }
0x13: {  	[smem:$0x3FAF] =	sst s0;
	s0 =	simm.s32 @!p1 $0x0  }
0x14: {  	s2 =	sld [smem:$0x3F93];
	s0 =	simm.s32 @p1 $0x1  }
0x15: {  	[smem:$0x3FB0] =	sst s0;
	s0 =	simm.s32 @!p2 $0x0  }
0x16: {  	s3 =	sld [smem:$0x3FDB];
	s0 =	simm.s32 @p2 $0x1  }
0x17: {  	s4 =	simm.s32 $0x1BF5;
	[smem:$0x3FB2] =	sst s0  }
0x18: {  	s0 =	sld [smem:$0x3F95];
	_ =	swait.ge [sflag:s4], $0x0  }
0x19: {  	s7 =	sld [smem:$0x3F96]  }
0x1a: {  	s8 =	sadd.s32 $0xFFFFE003, lr  }
0x1b: {  	s9 =	sadd.s32 $0xFFFFFEF7, lr;
	s5 =	simm.s32 $0xFFFFFFFF;
	p2 =	slt.u32 s8, $0xFFFFF086  }
0x1c: {  	p1 =	slt.u32 s9, $0xF7A;
	s5 =	simm.s32 @!p2 $0x0  }
0x1d: {  	s5 =	simm.s32 @p1 $0x1;
	p0 =	seq.s32 s7, s2  }
0x1e: {  	s7 =	smul.u32 @!p0 $0xF7A, s2;
	p2 =	seq.s32 @!p0 s5, $0x0  }
0x1f: {  	s9 =	smul.u32 $0xF7A, s1;
	s8 =	simm.s32 @!p0 $0x1BF5;
	p2 =	por !p2, p0  }
0x20: {  	[sflag:s8] =	ssyncset.s32 @!p0 $0xFFFFF086;
	s6 =	sadd.s32 @!p0 s3, s7;
	s7 =	simm.s32 @!p0 $0x108  }
0x21: {  	s3 =	sadd.s32 s3, s9;
	s6 =	sadd.s32 @!p0 $0x88, s6;
	s7 =	simm.s32 @p2 $0x1082  }
0x22: {  	[simem:s7], [sflag:s8] =	dma.local @!p0 [hbm:s6], $0xF7A  }
0x23: {  	s9 =	sor.u32 $0xD0000000, s2;
	s6 =	simm.s32 $0x108;
	_ =	swait.ge @!p0 [sflag:s8], $0x0  }
0x24: {  	s3 =	sadd.s32 $0x88, s3;
	s6 =	simm.s32 @!p1 $0x1082;
	[sflag:s4] =	ssyncset.s32 $0xFFFFF086  }
0x25: {  	[simem:s6], [sflag:s4] =	dma.local [hbm:s3], $0xF7A  }
0x26: {  	[smem:$0x3F96] =	sst s1;
	(tag) =	ssettag s2;
	_ =	strace s9  }
0x27: {  	s1 =	sld [smem:$0x3FA6]  }
0x28: {  	s2 =	sld [smem:$0x3FA7]  }
0x29: {  	s4 =	sld [smem:$0x3FA9]  }
0x2a: {  	p0 =	seq.s32 s5, $0x0;
	s5 =	sld [smem:$0x3FAA]  }
0x2b: {  	s6 =	sld [smem:$0x3FAB]  }
0x2c: {  	s7 =	sld [smem:$0x3FAC]  }
0x2d: {  	s3 =	simm.s32 $0x108;
	s8 =	sld [smem:$0x3FAD]  }
0x2e: {  	s3 =	simm.s32 @!p0 $0x1082;
	s9 =	sld [smem:$0x3FAE]  }
0x2f: {  	lr =	sadd.s32 s0, s3;
	s0 =	sld [smem:$0x3FA5]  }
0x30: {  	s3 =	sld [smem:$0x3FA8]  }
0x31: {  	[smem:$0x3FB1] =	sst s10  }
0x32: {  	s10 =	sld [smem:$0x3FAF];
	_ =	sdelay $0x3  }
0x33: {  	p0 =	seq.s32 s10, $0x1;
	s10 =	sld [smem:$0x3FB1];
	_ =	sdelay $0x3  }
0x34: {  	[smem:$0x3FB1] =	sst s10  }
0x35: {  	s10 =	sld [smem:$0x3FB0];
	_ =	sdelay $0x3  }
0x36: {  	p1 =	seq.s32 s10, $0x1;
	s10 =	sld [smem:$0x3FB1];
	_ =	sdelay $0x3  }
0x37: {  	[smem:$0x3FB1] =	sst s10  }
0x38: {  	s10 =	sld [smem:$0x3FB2]  }
0x39: {  	_ = 	snop;
	(pc) =	sbr.ind lr, $3  }
0x3a: {  	_ = 	snop  }
0x3b: {  	_ = 	snop  }
0x3c: {  	p2 =	seq.s32 s10, $0x1;
	s10 =	sld [smem:$0x3FB1]  }
0x3d: {  	_ =	shalt  }
0x3e: {  	_ =	shalt  }
0x3f: {  	_ =	shalt  }
0x40: {  	_ =	shalt  }
0x41: {  	_ =	shalt  }
0x42: {  	_ =	shalt  }
0x43: {  	_ =	shalt  }
0x44: {  	_ =	shalt  }
0x45: {  	_ =	shalt  }
0x46: {  	_ =	shalt  }
0x47: {  	_ =	shalt  }
0x48: {  	_ =	shalt  }
0x49: {  	_ =	shalt  }
0x4a: {  	_ =	shalt  }
0x4b: {  	_ =	shalt  }
0x4c: {  	_ =	shalt  }
0x4d: {  	_ =	shalt  }
0x4e: {  	_ =	shalt  }
0x4f: {  	_ =	shalt  }
0x50: {  	_ =	shalt  }
0x51: {  	_ =	shalt  }
0x52: {  	_ =	shalt  }
0x53: {  	_ =	shalt  }
0x54: {  	_ =	shalt  }
0x55: {  	_ =	shalt  }
0x56: {  	_ =	shalt  }
0x57: {  	_ =	shalt  }
0x58: {  	_ =	shalt  }
0x59: {  	_ =	shalt  }
0x5a: {  	_ =	shalt  }
0x5b: {  	_ =	shalt  }
0x5c: {  	_ =	shalt  }
0x5d: {  	_ =	shalt  }
0x5e: {  	_ =	shalt  }
0x5f: {  	_ =	shalt  }
0x60: {  	_ =	shalt  }
0x61: {  	_ =	shalt  }
0x62: {  	_ =	shalt  }
0x63: {  	_ =	shalt  }
0x64: {  	_ =	shalt  }
0x65: {  	_ =	shalt  }
0x66: {  	_ =	shalt  }
0x67: {  	_ =	shalt  }
0x68: {  	_ =	shalt  }
0x69: {  	_ =	shalt  }
0x6a: {  	_ =	shalt  }
0x6b: {  	_ =	shalt  }
0x6c: {  	_ =	shalt  }
0x6d: {  	_ =	shalt  }
0x6e: {  	_ =	shalt  }
0x6f: {  	_ =	shalt  }
0x70: {  	_ =	shalt  }
0x71: {  	_ =	shalt  }
0x72: {  	_ =	shalt  }
0x73: {  	_ =	shalt  }
0x74: {  	_ =	shalt  }
0x75: {  	_ =	shalt  }
0x76: {  	_ =	shalt  }
0x77: {  	_ =	shalt  }
0x78: {  	_ =	shalt  }
0x79: {  	_ =	shalt  }
0x7a: {  	_ =	shalt  }
0x7b: {  	_ =	shalt  }
0x7c: {  	_ =	shalt  }
0x7d: {  	_ =	shalt  }
0x7e: {  	_ =	shalt  }
0x7f: {  	_ =	shalt  }
0x80: {  	_ =	shalt  }
0x81: {  	_ =	shalt  }
0x82: {  	_ =	shalt  }
0x83: {  	_ =	shalt  }
0x84: {  	_ =	shalt  }
0x85: {  	_ =	shalt  }
0x86: {  	_ =	shalt  }
0x87: {  	_ =	shalt  }
.Lfunc_end0:
.L_simem_size_0:
called_computation.1_lowered:
.L_overlay_start_0:
0x88: {  	s2 =	sld [smem:$0x3FD9]  }
0x89: {  	s3 =	sld [smem:$0x3FFE];
	_ =	sdelay $0x1  }
0x8a: {  	s1 =	srdreg.scid  }
0x8b: {  	s0 =	sand.u32 $0x1, s1  }
0x8c: {  	s17 =	sshll.u32 s0, $0xA;
	s2 =	sadd.s32 s3, s2  }
0x8d: {  	s2 =	sadd.s32 s2, s17  }
0x8e: {  	[smem:$0x3FBD] =	sst s2  }
0x8f: {  	_ = 	snop  }
0x90: {  	s18 =	sld [smem:$0x3FC9];
	(tm) =	ssettm $0x1  }
0x91: {  	s19 =	sld [smem:$0x3FFB];
	_ =	sdelay $0x3  }
0x92: {  	_ =	strace s19  }
0x93: {  	s2 =	sld [smem:$0x3FFC];
	_ =	sdelay $0x3  }
0x94: {  	_ =	strace s2  }
0x95: {  	s2 =	sld [smem:$0x3FFD];
	_ =	sdelay $0x3  }
0x96: {  	_ =	strace s2  }
0x97: {  	_ =	strace $0x8FFFFFFF  }
0x98: {  	s20 =	sld [smem:$0x3FDB];
	_ =	sdelay $0x1  }
0x99: {  	s4 =	simm.s32 $_scs_section_size  }
0x9a: {  	s5 =	simm.s32 $_size__tile_overlayer_lowered;
	s6 =	simm.s32 $_tile_overlayer_lowered  }
0x9b: {  	s7 =	simm.s32 $0x1BFF;
	s21 =	sshll.u32 s6, $0x1;
	s4 =	sadd.s32 s4, s20  }
0x9c: {  	s22 =	simm.s32 $0x0;
	s5 =	sshll.u32 s5, $0x1;
	s6 =	sadd.s32 s21, s4  }
0x9d: {  	[timem:s22], [sflag:s7] =	dma.local [hbm:s6], s5  }
0x9e: {  	_ =	swait.ge [sflag:s7], s5  }
0x9f: {  	s5 =	ssub.s32 $0x0, s5;
	[sflag:s7] =	ssyncset.done $0x0  }
0xa0: {  	[sflag:s7] =	ssyncadd.s32 s5;
	_ =	sdelay $0x1  }
0xa1: {  	s23 =	simm.s32 $0x1B8B  }
0xa2: {  	_ =	swait.ge [sflag:s23], $0x1  }
0xa3: {  	[sflag:s23] =	ssyncset.done $0x0  }
0xa4: {  	[sflag:s23] =	ssyncadd.s32 $0xFFFFFFFF  }
0xa5: {  	s5 =	sld [smem:$0x0]  }
0xa6: {  	s6 =	sand.u32 $0xFFFFFFFE, s1  }
0xa7: {  	p0 =	sne.s32 s1, s6  }
0xa8: {  	s6 =	sshll.u32 @p0 s6, $0xE  }
0xa9: {  	s6 =	sadd.s32 @p0 $0x11B8D, s6;
	s7 =	sshll.u32 @p0 s5, $0x11  }
0xaa: {  	s6 =	sor.u32 @p0 s7, s6  }
0xab: {  	[sflag:s6] =	ssyncadd.remote.s32 @p0 $0x1;
	_ =	sdelay $0x1  }
0xac: {  	s6 =	simm.s32 @p0 $0x1B8D  }
0xad: {  	_ =	swait.eq @p0 [sflag:s6], $0x1  }
0xae: {  	[sflag:s6] =	ssyncadd.s32 @p0 $0xFFFFFFFF  }
0xaf: {  	s7 =	sshll.u32 @!p0 s1, $0xE  }
0xb0: {  	s7 =	sor.u32 @!p0 $0x4000, s7;
	s6 =	simm.s32 @!p0 $0x1B8D  }
0xb1: {  	s5 =	sshll.u32 @!p0 s5, $0x11;
	s7 =	sadd.s32 @!p0 $0x11B8D, s7;
	_ =	swait.eq @!p0 [sflag:s6], $0x1  }
0xb2: {  	s5 =	sor.u32 @!p0 s5, s7;
	[sflag:s6] =	ssyncadd.s32 @!p0 $0xFFFFFFFF  }
0xb3: {  	s25 =	simm.s32 $0x1B8E;
	s24 =	sld [smem:$0x3FFE];
	[sflag:s5] =	ssyncadd.remote.s32 @!p0 $0x1  }
0xb4: {  	s26 =	simm.s32 $execute0_lowered;
	[smem:$0x3FD2] =	sst s25  }
0xb5: {  	s6 =	sshll.u32 s26, $0x1;
	_ =	strace $0x80000050;
	[dreg:$0x1] =	wrdreg $0xFFFFFFFF  }
0xb6: {  	s28 =	simm.s32 $_size_execute0_lowered;
	s4 =	sadd.s32 s4, s6;
	[dreg:$0x0] =	wrdreg $0x0  }
0xb7: {  	s6 =	sshll.u32 s28, $0x1;
	[dreg:$0x2] =	wrdreg s4  }
0xb8: {  	[dreg:$0x3] =	wrdreg s6  }
0xb9: {  	[dreg:$0x4] =	wrdreg $0xC0  }
0xba: {  	_ =	task [dreg:s22], $0x5FFFF  }
0xbb: {  	[dreg:$0x1] =	wrdreg $0xFFFFFFFF  }
0xbc: {  	[dreg:$0x0] =	wrdreg $0x60  }
0xbd: {  	[dreg:$0x2] =	wrdreg s18  }
0xbe: {  	[dreg:$0x3] =	wrdreg s24  }
0xbf: {  	[dreg:$0x4] =	wrdreg $0xA  }
0xc0: {  	_ =	task.clear_ibuf [dreg:s22], $0x5FFFF;
	_ =	strace $0x90000050  }
0xc1: {  	s29 =	simm.s32 $0xA;
	_ =	strace $0x80000059  }
0xc2: {  	_ =	swait.ge [sflag:s29], $0x1  }
0xc3: {  	[sflag:s29] =	ssyncadd.s32 $0xFFFFFFFF  }
0xc4: {  	_ =	strace $0x90000059  }
0xc5: {  	_ =	sfence  }
0xc6: {  	s30 =	sld [smem:$0x0];
	_ =	sdelay $0x2  }
0xc7: {  	s31 =	sshll.u32 s1, $0xD;
	s1 =	sshrl.u32 s1, $0x2  }
0xc8: {  	s4 =	sand.u32 $0x4000, s31;
	s1 =	sadd.s32 s1, s30  }
0xc9: {  	s0 =	sor.u32 s4, s0;
	s1 =	sshll.u32 s1, $0x11  }
0xca: {  	s0 =	sor.u32 s1, s0  }
0xcb: {  	s0 =	sadd.s32 $0x8F2B, s0  }
0xcc: {  	[sflag:s0] =	ssyncadd.remote.s32 $0x1  }
0xcd: {  	_ =	sfence.sel $0xFFFF  }
0xce: {  	[dreg:$0x0] =	wrdreg $0xFFFFFFFF;
	(pc) =	sbr.abs _section_cstart, $3  }
0xcf: {  	[dreg:$0x1] =	wrdreg $0xFFFFFFFF  }
0xd0: {  	_ =	task.clear_ibuf [dreg:s22], $0x2FFFF;
	_ =	strace $0x9FFFFFFF  }
0xd1: {  	(tm) =	ssettm $0x7FFFFFFF  }
tec
execute0_lowered:
.L_overlay_start_1:
0x0: {  	(tag) =	ssettag $0x1  }
0x1: {  	s1 =	rddreg [dreg:$0x0]  }
0x2: {  	s6 =	rddreg [dreg:$0x1]  }
0x3: {  	s2 =	srdreg.scid;
	s0 =	rddreg [dreg:$0x2];
	s3 =	simm.s32 $0x0  }
0x4: {  	s13 =	simm.s32 $0x1;
	s14 =	simm.s32 $0x0;
	s10 =	sand.u32 $0x1, s2  }
0x5: {  	s2 =	stileid.u32;
	[smem:$0x7FF] =	sst s3;
	s4 =	sshll.u32 s10, $0x4  }
0x6: {  	_ =	strace $0x80000051;
	s9 =	ssub.s32 $0x2, s10;
	s5 =	sor.u32 s2, s4  }
0x7: {  	p0 =	seq.s32 s10, $0x0;
	s30 =	ssub.s32 $0x26, s10;
	s7 =	smul.u32 $0x25, s5  }
0x8: {  	s12 =	ssub.s32 $0x24, s10;
	s4 =	sadd.s32 $0x2C0800, s6;
	s8 =	smul.u32 $0x26, s5  }
0x9: {  	s6 =	sadd.s32 $0x2C5400, s6;
	[dreg:$0x3] =	wrdreg s30;
	s5 =	sadd.s32 $0x10, s7  }
0xa: {  	s28 =	sshrl.u32 s9, $0x1;
	[dreg:$0x4] =	wrdreg s12;
	s5 =	smov.u32 @p0 s8  }
0xb: {  	s12 =	simm.s32 $0x100;
	s29 =	ssub.s32 s9, s28;
	s31 =	sshll.u32 s5, $0x4  }
0xc: {  	s8 =	smax.u32 s29, $0x1;
	s11 =	sshll.u32 s5, $0xB;
	s9 =	sadd.s32 $0x10, s31  }
0xd: {  	s7 =	sadd.s32 s4, s31;
	s11 =	sand.u32 $0x1FFFF800, s11;
	s9 =	sand.u32 $0x1FFFFFF0, s9  }
0xe: {  	s10 =	sadd.s32 s6, s11;
	s11 =	simm.s32 $0x80;
	s9 =	sadd.s32 s4, s9  }
.LBB2_1:
0xf: {  	_ =	strace $0x80000052  }
0x10: {  	[tilespmem:s3], [sflag:$0x2] =	stream.linear.gather [hbm4b:s7+s3], $0x80, $0x200038;
	[tilespmem:$0x8100] =	vst v63  }
0x11: {  	_ =	strace $0x90000052  }
0x12: {  	_ =	strace $0x80000053  }
0x13: {  	[tilespmem:s11], [sflag:$0x3] =	stream.linear.gather [hbm4b:s9+s3], $0x80, $0x200038;
	[tilespmem:$0x8100] =	vst v63  }
0x14: {  	_ =	strace $0x90000053  }
0x15: {  	s17 =	simm.s32 $0x2;
	_ =	strace $0x80000054  }
0x16: {  	_ =	swait.ge [sflag:s17], $0x80  }
0x17: {  	[sflag:s17] =	ssyncset.done $0x0  }
0x18: {  	[sflag:s17] =	ssyncadd.s32 $0xFFFFFF80  }
0x19: {  	_ =	strace $0x90000054  }
0x1a: {  	_ =	strace $0x80000055  }
0x1b: {  	[tilespmem:s12], [sflag:$0x1] =	stream.indirect.gather [hbm4b:s1+s11], $0x80, s3, s11, $0x2000b8;
	[tilespmem:$0x8100] =	vst v63  }
0x1c: {  	_ =	swait.ge [sflag:s13], $0x4000  }
0x1d: {  	[sflag:s13] =	ssyncset.done $0x0  }
0x1e: {  	[sflag:s13] =	ssyncadd.s32 $0xFFFFC000  }
0x1f: {  	_ =	strace $0x90000055  }
0x20: {  	s16 =	simm.s32 $0x1;
	s15 =	simm.s32 $0x0;
	_ =	strace $0x80000056  }
0x21: {  	[hbm4b:s10+s3] =	stream.linear.scatter [tilespmem:s12], [sflag:$0x4], $0x4000, $0x200038;
	[tilespmem:$0x8100] =	vst v63  }
0x22: {  	s19 =	simm.s32 $0x1;
	s18 =	simm.s32 $0x1;
	_ =	strace $0x90000056  }
.LBB2_2:
0x23: {  	s20 =	rddreg [dreg:$0x3];
	s21 =	smov.u32 s16;
	s16 =	sadd.s32 $0x1, s16  }
0x24: {  	p0 =	seq.s32 s16, s20  }
0x25: {  	s16 =	simm.s32 @p0 $0x0  }
0x26: {  	p0 =	seq.s32 s21, s16  }
0x27: {  	s20 =	sadd.s32 @!p0 s5, s16  }
0x28: {  	s22 =	sand.u32 @!p0 $0x1, s17;
	s20 =	sshll.u32 @!p0 s20, $0x4  }
0x29: {  	_ =	strace @!p0 $0x80000053;
	s24 =	simm.s32 @!p0 $0x0;
	s20 =	sand.u32 @!p0 $0x1FFFFFF0, s20  }
0x2a: {  	s23 =	sshll.u32 @!p0 s22, $0x7;
	s22 =	sor.u32 @!p0 $0x2, s22;
	s20 =	sadd.s32 @!p0 s4, s20  }
0x2b: {  	[tilespmem:s23], [sflag:s22] =	stream.linear.gather @!p0 [hbm4b:s20+s24], $0x80, $0x200038;
	[tilespmem:$0x8100] =	vst v63  }
0x2c: {  	s26 =	sand.u32 $0x1, s18;
	_ =	strace @!p0 $0x90000053  }
0x2d: {  	s20 =	sor.u32 $0x2, s26;
	_ =	strace $0x80000054  }
0x2e: {  	_ =	swait.ge [sflag:s20], $0x80  }
0x2f: {  	[sflag:s20] =	ssyncset.done $0x0  }
0x30: {  	[sflag:s20] =	ssyncadd.s32 $0xFFFFFF80;
	s20 =	sand.u32 $0x1, s19  }
0x31: {  	s29 =	sshll.u32 s18, $0x7;
	_ =	strace $0x90000054;
	s28 =	sshll.u32 s20, $0xE  }
0x32: {  	s23 =	sand.u32 $0x80, s29;
	_ =	strace $0x80000055;
	s22 =	sor.u32 $0x100, s28  }
0x33: {  	[tilespmem:s22], [sflag:$0x1] =	stream.indirect.gather [hbm4b:s1+s11], $0x80, s23, s11, $0x2000b8;
	[tilespmem:$0x8100] =	vst v63  }
0x34: {  	_ =	swait.ge [sflag:s13], $0x4000  }
0x35: {  	s23 =	sadd.s32 s5, s21;
	[sflag:s13] =	ssyncset.done $0x0  }
0x36: {  	s23 =	sshll.u32 @!p0 s23, $0xB;
	[sflag:s13] =	ssyncadd.s32 $0xFFFFC000  }
0x37: {  	s23 =	sand.u32 @!p0 $0x1FFFF800, s23;
	_ =	strace $0x90000055  }
0x38: {  	s20 =	sor.u32 @!p0 $0x4, s20;
	s23 =	sadd.s32 @!p0 s6, s23;
	_ =	strace @!p0 $0x80000056  }
0x39: {  	[hbm4b:s23+s24] =	stream.linear.scatter @!p0 [tilespmem:s22], [sflag:s20], $0x4000, $0x200038;
	[tilespmem:$0x8100] =	vst v63  }
0x3a: {  	s30 =	sand.u32 $0x1, s15;
	_ =	strace @!p0 $0x90000056  }
0x3b: {  	s20 =	sor.u32 $0x4, s30;
	_ =	strace $0x80000057  }
0x3c: {  	_ =	swait.ge [sflag:s20], $0x4000  }
0x3d: {  	[sflag:s20] =	ssyncset.done $0x0  }
0x3e: {  	[sflag:s20] =	ssyncadd.s32 $0xFFFFC000  }
0x3f: {  	s15 =	sadd.s32 $0x1, s15;
	_ =	strace $0x90000057  }
0x40: {  	p0 =	sne.s32 s21, s16;
	s21 =	simm.s32 $0x1;
	s31 =	rddreg [dreg:$0x4]  }
0x41: {  	s21 =	simm.s32 @!p0 $0x0;
	p0 =	sne.s32 s31, s15  }
.Ltmp0:
0x42: {  	_ = 	snop;
	(pc) =	sbr.rel @p0 .LBB2_2-.Ltmp0, $2  }
0x43: {  	_ =	sdelay $0x2  }
0x44: {  	s17 =	sadd.s32 s21, s17;
	s19 =	sadd.s32 s21, s19;
	s18 =	sadd.s32 s21, s18  }
0x45: {  	s17 =	sand.u32 $0x1, s18  }
0x46: {  	_ =	strace $0x80000054;
	s17 =	sor.u32 $0x2, s17  }
0x47: {  	_ =	swait.ge [sflag:s17], $0x80  }
0x48: {  	[sflag:s17] =	ssyncset.done $0x0  }
0x49: {  	s30 =	sand.u32 $0x1, s19;
	[sflag:s17] =	ssyncadd.s32 $0xFFFFFF80  }
0x4a: {  	s31 =	sshll.u32 s18, $0x7;
	s19 =	sshll.u32 s30, $0xE;
	_ =	strace $0x90000054  }
0x4b: {  	s18 =	sand.u32 $0x80, s31;
	s19 =	sor.u32 $0x100, s19;
	_ =	strace $0x80000055  }
0x4c: {  	[tilespmem:s19], [sflag:$0x1] =	stream.indirect.gather [hbm4b:s1+s11], $0x80, s18, s11, $0x2000b8;
	[tilespmem:$0x8100] =	vst v63  }
0x4d: {  	_ =	swait.ge [sflag:s13], $0x4000  }
0x4e: {  	s16 =	sadd.s32 s5, s16;
	[sflag:s13] =	ssyncset.done $0x0  }
0x4f: {  	s16 =	sshll.u32 s16, $0xB;
	[sflag:s13] =	ssyncadd.s32 $0xFFFFC000  }
0x50: {  	s16 =	sand.u32 $0x1FFFF800, s16;
	_ =	strace $0x90000055  }
0x51: {  	s16 =	sadd.s32 s6, s16;
	s17 =	sor.u32 $0x4, s30;
	_ =	strace $0x80000056  }
0x52: {  	[hbm4b:s16+s3] =	stream.linear.scatter [tilespmem:s19], [sflag:s17], $0x4000, $0x200038;
	[tilespmem:$0x8100] =	vst v63  }
0x53: {  	s15 =	sand.u32 $0x1, s15;
	_ =	strace $0x90000056  }
0x54: {  	s15 =	sor.u32 $0x4, s15;
	_ =	strace $0x80000057  }
0x55: {  	_ =	swait.ge [sflag:s15], $0x4000  }
0x56: {  	[sflag:s15] =	ssyncset.done $0x0  }
0x57: {  	s14 =	sadd.s32 $0x1, s14;
	[sflag:s15] =	ssyncadd.s32 $0xFFFFC000  }
0x58: {  	p0 =	sne.s32 s14, s8;
	_ =	strace $0x90000057  }
.Ltmp1:
0x59: {  	_ =	strace $0x80000058;
	(pc) =	sbr.rel @p0 .LBB2_1-.Ltmp1, $4  }
0x5a: {  	_ =	swait.ge [sflag:s20], $0x4000  }
0x5b: {  	[sflag:s20] =	ssyncset.done $0x0  }
0x5c: {  	[sflag:s20] =	ssyncadd.s32 $0xFFFFC000  }
0x5d: {  	_ =	strace $0x90000058  }
0x5e: {  	_ =	sfence.sel $0x180000  }
0x5f: {  	[bflag:$0x0] =	sbarrier.arrive $0xFFFF  }
0x60: {  	p0 =	sne.s32 s2, $0x0;
	_ =	strace $0x90000051  }
0x61: {  	s0 =	sadd.s32 @!p0 $0x100000, s0;
	[bflag:$0x2] =	sbarrier.arrive $0xFFFF  }
0x62: {  	[sflag:s0] =	ssyncadd.tile.s32 @!p0 $0x1;
	_ =	shalt  }
.Lfunc_end2:
_tile_overlayer_lowered:
.L_overlay_start_2:
0x63: {  	(tag) =	ssettag $0x2  }
0x64: {  	s0 =	rddreg [dreg:$0x0];
	s2 =	stileid.u32  }
0x65: {  	s1 =	rddreg [dreg:$0x1];
	p0 =	sne.s32 s2, $0x0  }
0x66: {  	s3 =	rddreg [dreg:$0x2];
	[bflag:$0x3] =	sbarrier.arrive $0xFFFF;
	s2 =	simm.s32 @!p0 $0x1C02  }
0x67: {  	[timem:s3], [sflag:s2] =	dma.local @!p0 [hbm:s0], s1  }
0x68: {  	s0 =	simm.s32 @!p0 $0x2  }
0x69: {  	_ =	swait.ge @!p0 [sflag:s0], s1  }
0x6a: {  	s1 =	ssub.s32 @!p0 $0x0, s1;
	[sflag:s0] =	ssyncset.done @!p0 $0x0  }
0x6b: {  	[sflag:s0] =	ssyncadd.s32 @!p0 s1  }
0x6c: {  	[bflag:$0x3] =	sbarrier.arrive $0xFFFF  }
0x6d: {  	_ =	shalt  }

// kernel: kernel.18.cloned.1.call-start
scs
__scs_entry_jumppad:
0x0: {  	(pc) =	sbr.rel $0x88, $3  }
0x1: {  	(tag) =	ssettag $0x0;
	lr =	simm.s32 $0x1  }
0x2: {  	[smem:$0x3F96] =	sst lr;
	_ =	strace $0xD0000000  }
0x3: {  	_ = 	snop  }
0x4: {  	_ = 	snop  }
0x5: {  	_ = 	snop  }
0x6: {  	_ = 	snop  }
0x7: {  	_ = 	snop  }
__scs_overlays_trampoline_lowered:
0x8: {  	[smem:$0x3FA5] =	sst s0  }
0x9: {  	[smem:$0x3FA6] =	sst s1  }
0xa: {  	[smem:$0x3FA7] =	sst s2  }
0xb: {  	[smem:$0x3FA8] =	sst s3  }
0xc: {  	[smem:$0x3FA9] =	sst s4  }
0xd: {  	[smem:$0x3FAA] =	sst s5  }
0xe: {  	[smem:$0x3FAB] =	sst s6  }
0xf: {  	[smem:$0x3FAC] =	sst s7  }
0x10: {  	[smem:$0x3FAD] =	sst s8  }
0x11: {  	[smem:$0x3FAE] =	sst s9;
	s0 =	simm.s32 @!p0 $0x0  }
0x12: {  	s1 =	sld [smem:$0x3F94];
	s0 =	simm.s32 @p0 $0x1  }
0x13: {  	[smem:$0x3FAF] =	sst s0;
	s0 =	simm.s32 @!p1 $0x0  }
0x14: {  	s2 =	sld [smem:$0x3F93];
	s0 =	simm.s32 @p1 $0x1  }
0x15: {  	[smem:$0x3FB0] =	sst s0;
	s0 =	simm.s32 @!p2 $0x0  }
0x16: {  	s3 =	sld [smem:$0x3FDB];
	s0 =	simm.s32 @p2 $0x1  }
0x17: {  	s4 =	simm.s32 $0x1BF5;
	[smem:$0x3FB2] =	sst s0  }
0x18: {  	s0 =	sld [smem:$0x3F95];
	_ =	swait.ge [sflag:s4], $0x0  }
0x19: {  	s7 =	sld [smem:$0x3F96]  }
0x1a: {  	s8 =	sadd.s32 $0xFFFFE003, lr  }
0x1b: {  	s9 =	sadd.s32 $0xFFFFFEF7, lr;
	s5 =	simm.s32 $0xFFFFFFFF;
	p2 =	slt.u32 s8, $0xFFFFF086  }
0x1c: {  	p1 =	slt.u32 s9, $0xF7A;
	s5 =	simm.s32 @!p2 $0x0  }
0x1d: {  	s5 =	simm.s32 @p1 $0x1;
	p0 =	seq.s32 s7, s2  }
0x1e: {  	s7 =	smul.u32 @!p0 $0xF7A, s2;
	p2 =	seq.s32 @!p0 s5, $0x0  }
0x1f: {  	s9 =	smul.u32 $0xF7A, s1;
	s8 =	simm.s32 @!p0 $0x1BF5;
	p2 =	por !p2, p0  }
0x20: {  	[sflag:s8] =	ssyncset.s32 @!p0 $0xFFFFF086;
	s6 =	sadd.s32 @!p0 s3, s7;
	s7 =	simm.s32 @!p0 $0x108  }
0x21: {  	s3 =	sadd.s32 s3, s9;
	s6 =	sadd.s32 @!p0 $0x88, s6;
	s7 =	simm.s32 @p2 $0x1082  }
0x22: {  	[simem:s7], [sflag:s8] =	dma.local @!p0 [hbm:s6], $0xF7A  }
0x23: {  	s9 =	sor.u32 $0xD0000000, s2;
	s6 =	simm.s32 $0x108;
	_ =	swait.ge @!p0 [sflag:s8], $0x0  }
0x24: {  	s3 =	sadd.s32 $0x88, s3;
	s6 =	simm.s32 @!p1 $0x1082;
	[sflag:s4] =	ssyncset.s32 $0xFFFFF086  }
0x25: {  	[simem:s6], [sflag:s4] =	dma.local [hbm:s3], $0xF7A  }
0x26: {  	[smem:$0x3F96] =	sst s1;
	(tag) =	ssettag s2;
	_ =	strace s9  }
0x27: {  	s1 =	sld [smem:$0x3FA6]  }
0x28: {  	s2 =	sld [smem:$0x3FA7]  }
0x29: {  	s4 =	sld [smem:$0x3FA9]  }
0x2a: {  	p0 =	seq.s32 s5, $0x0;
	s5 =	sld [smem:$0x3FAA]  }
0x2b: {  	s6 =	sld [smem:$0x3FAB]  }
0x2c: {  	s7 =	sld [smem:$0x3FAC]  }
0x2d: {  	s3 =	simm.s32 $0x108;
	s8 =	sld [smem:$0x3FAD]  }
0x2e: {  	s3 =	simm.s32 @!p0 $0x1082;
	s9 =	sld [smem:$0x3FAE]  }
0x2f: {  	lr =	sadd.s32 s0, s3;
	s0 =	sld [smem:$0x3FA5]  }
0x30: {  	s3 =	sld [smem:$0x3FA8]  }
0x31: {  	[smem:$0x3FB1] =	sst s10  }
0x32: {  	s10 =	sld [smem:$0x3FAF];
	_ =	sdelay $0x3  }
0x33: {  	p0 =	seq.s32 s10, $0x1;
	s10 =	sld [smem:$0x3FB1];
	_ =	sdelay $0x3  }
0x34: {  	[smem:$0x3FB1] =	sst s10  }
0x35: {  	s10 =	sld [smem:$0x3FB0];
	_ =	sdelay $0x3  }
0x36: {  	p1 =	seq.s32 s10, $0x1;
	s10 =	sld [smem:$0x3FB1];
	_ =	sdelay $0x3  }
0x37: {  	[smem:$0x3FB1] =	sst s10  }
0x38: {  	s10 =	sld [smem:$0x3FB2]  }
0x39: {  	_ = 	snop;
	(pc) =	sbr.ind lr, $3  }
0x3a: {  	_ = 	snop  }
0x3b: {  	_ = 	snop  }
0x3c: {  	p2 =	seq.s32 s10, $0x1;
	s10 =	sld [smem:$0x3FB1]  }
0x3d: {  	_ =	shalt  }
0x3e: {  	_ =	shalt  }
0x3f: {  	_ =	shalt  }
0x40: {  	_ =	shalt  }
0x41: {  	_ =	shalt  }
0x42: {  	_ =	shalt  }
0x43: {  	_ =	shalt  }
0x44: {  	_ =	shalt  }
0x45: {  	_ =	shalt  }
0x46: {  	_ =	shalt  }
0x47: {  	_ =	shalt  }
0x48: {  	_ =	shalt  }
0x49: {  	_ =	shalt  }
0x4a: {  	_ =	shalt  }
0x4b: {  	_ =	shalt  }
0x4c: {  	_ =	shalt  }
0x4d: {  	_ =	shalt  }
0x4e: {  	_ =	shalt  }
0x4f: {  	_ =	shalt  }
0x50: {  	_ =	shalt  }
0x51: {  	_ =	shalt  }
0x52: {  	_ =	shalt  }
0x53: {  	_ =	shalt  }
0x54: {  	_ =	shalt  }
0x55: {  	_ =	shalt  }
0x56: {  	_ =	shalt  }
0x57: {  	_ =	shalt  }
0x58: {  	_ =	shalt  }
0x59: {  	_ =	shalt  }
0x5a: {  	_ =	shalt  }
0x5b: {  	_ =	shalt  }
0x5c: {  	_ =	shalt  }
0x5d: {  	_ =	shalt  }
0x5e: {  	_ =	shalt  }
0x5f: {  	_ =	shalt  }
0x60: {  	_ =	shalt  }
0x61: {  	_ =	shalt  }
0x62: {  	_ =	shalt  }
0x63: {  	_ =	shalt  }
0x64: {  	_ =	shalt  }
0x65: {  	_ =	shalt  }
0x66: {  	_ =	shalt  }
0x67: {  	_ =	shalt  }
0x68: {  	_ =	shalt  }
0x69: {  	_ =	shalt  }
0x6a: {  	_ =	shalt  }
0x6b: {  	_ =	shalt  }
0x6c: {  	_ =	shalt  }
0x6d: {  	_ =	shalt  }
0x6e: {  	_ =	shalt  }
0x6f: {  	_ =	shalt  }
0x70: {  	_ =	shalt  }
0x71: {  	_ =	shalt  }
0x72: {  	_ =	shalt  }
0x73: {  	_ =	shalt  }
0x74: {  	_ =	shalt  }
0x75: {  	_ =	shalt  }
0x76: {  	_ =	shalt  }
0x77: {  	_ =	shalt  }
0x78: {  	_ =	shalt  }
0x79: {  	_ =	shalt  }
0x7a: {  	_ =	shalt  }
0x7b: {  	_ =	shalt  }
0x7c: {  	_ =	shalt  }
0x7d: {  	_ =	shalt  }
0x7e: {  	_ =	shalt  }
0x7f: {  	_ =	shalt  }
0x80: {  	_ =	shalt  }
0x81: {  	_ =	shalt  }
0x82: {  	_ =	shalt  }
0x83: {  	_ =	shalt  }
0x84: {  	_ =	shalt  }
0x85: {  	_ =	shalt  }
0x86: {  	_ =	shalt  }
0x87: {  	_ =	shalt  }
.Lfunc_end0:
.L_simem_size_0:
called_computation.2_lowered:
.L_overlay_start_0:
0x88: {  	s2 =	sld [smem:$0x3FD9]  }
0x89: {  	s3 =	sld [smem:$0x3FFE];
	_ =	sdelay $0x1  }
0x8a: {  	s1 =	srdreg.scid  }
0x8b: {  	s0 =	sand.u32 $0x1, s1  }
0x8c: {  	s17 =	sshll.u32 s0, $0xA;
	s2 =	sadd.s32 s3, s2  }
0x8d: {  	s2 =	sadd.s32 s2, s17  }
0x8e: {  	[smem:$0x3FBD] =	sst s2  }
0x8f: {  	_ = 	snop  }
0x90: {  	s18 =	sld [smem:$0x3FC9];
	(tm) =	ssettm $0x1  }
0x91: {  	s19 =	sld [smem:$0x3FFB];
	_ =	sdelay $0x3  }
0x92: {  	_ =	strace s19  }
0x93: {  	s2 =	sld [smem:$0x3FFC];
	_ =	sdelay $0x3  }
0x94: {  	_ =	strace s2  }
0x95: {  	s2 =	sld [smem:$0x3FFD];
	_ =	sdelay $0x3  }
0x96: {  	_ =	strace s2  }
0x97: {  	_ =	strace $0x8FFFFFFF  }
0x98: {  	s20 =	sld [smem:$0x3FDB];
	_ =	sdelay $0x1  }
0x99: {  	s4 =	simm.s32 $_scs_section_size  }
0x9a: {  	s5 =	simm.s32 $_size__tile_overlayer_lowered;
	s6 =	simm.s32 $_tile_overlayer_lowered  }
0x9b: {  	s7 =	simm.s32 $0x1BFF;
	s21 =	sshll.u32 s6, $0x1;
	s4 =	sadd.s32 s4, s20  }
0x9c: {  	s22 =	simm.s32 $0x0;
	s5 =	sshll.u32 s5, $0x1;
	s6 =	sadd.s32 s21, s4  }
0x9d: {  	[timem:s22], [sflag:s7] =	dma.local [hbm:s6], s5  }
0x9e: {  	_ =	swait.ge [sflag:s7], s5  }
0x9f: {  	s5 =	ssub.s32 $0x0, s5;
	[sflag:s7] =	ssyncset.done $0x0  }
0xa0: {  	[sflag:s7] =	ssyncadd.s32 s5;
	_ =	sdelay $0x1  }
0xa1: {  	s23 =	simm.s32 $0x1B8B  }
0xa2: {  	_ =	swait.ge [sflag:s23], $0x1  }
0xa3: {  	[sflag:s23] =	ssyncset.done $0x0  }
0xa4: {  	[sflag:s23] =	ssyncadd.s32 $0xFFFFFFFF  }
0xa5: {  	s5 =	sld [smem:$0x0]  }
0xa6: {  	s6 =	sand.u32 $0xFFFFFFFE, s1  }
0xa7: {  	p0 =	sne.s32 s1, s6  }
0xa8: {  	s6 =	sshll.u32 @p0 s6, $0xE  }
0xa9: {  	s6 =	sadd.s32 @p0 $0x11B8D, s6;
	s7 =	sshll.u32 @p0 s5, $0x11  }
0xaa: {  	s6 =	sor.u32 @p0 s7, s6  }
0xab: {  	[sflag:s6] =	ssyncadd.remote.s32 @p0 $0x1;
	_ =	sdelay $0x1  }
0xac: {  	s6 =	simm.s32 @p0 $0x1B8D  }
0xad: {  	_ =	swait.eq @p0 [sflag:s6], $0x1  }
0xae: {  	[sflag:s6] =	ssyncadd.s32 @p0 $0xFFFFFFFF  }
0xaf: {  	s7 =	sshll.u32 @!p0 s1, $0xE  }
0xb0: {  	s7 =	sor.u32 @!p0 $0x4000, s7;
	s6 =	simm.s32 @!p0 $0x1B8D  }
0xb1: {  	s5 =	sshll.u32 @!p0 s5, $0x11;
	s7 =	sadd.s32 @!p0 $0x11B8D, s7;
	_ =	swait.eq @!p0 [sflag:s6], $0x1  }
0xb2: {  	s5 =	sor.u32 @!p0 s5, s7;
	[sflag:s6] =	ssyncadd.s32 @!p0 $0xFFFFFFFF  }
0xb3: {  	s25 =	simm.s32 $0x1B8E;
	s24 =	sld [smem:$0x3FFE];
	[sflag:s5] =	ssyncadd.remote.s32 @!p0 $0x1  }
0xb4: {  	s26 =	simm.s32 $execute0_lowered;
	[smem:$0x3FD2] =	sst s25  }
0xb5: {  	s6 =	sshll.u32 s26, $0x1;
	_ =	strace $0x8000005A;
	[dreg:$0x1] =	wrdreg $0xFFFFFFFF  }
0xb6: {  	s28 =	simm.s32 $_size_execute0_lowered;
	s4 =	sadd.s32 s4, s6;
	[dreg:$0x0] =	wrdreg $0x0  }
0xb7: {  	s6 =	sshll.u32 s28, $0x1;
	[dreg:$0x2] =	wrdreg s4  }
0xb8: {  	[dreg:$0x3] =	wrdreg s6  }
0xb9: {  	[dreg:$0x4] =	wrdreg $0xC0  }
0xba: {  	_ =	task [dreg:s22], $0x5FFFF  }
0xbb: {  	[dreg:$0x1] =	wrdreg $0xFFFFFFFF  }
0xbc: {  	[dreg:$0x0] =	wrdreg $0x60  }
0xbd: {  	[dreg:$0x2] =	wrdreg s18  }
0xbe: {  	[dreg:$0x3] =	wrdreg s24  }
0xbf: {  	[dreg:$0x4] =	wrdreg $0xB  }
0xc0: {  	_ =	task.clear_ibuf [dreg:s22], $0x5FFFF;
	_ =	strace $0x9000005A  }
0xc1: {  	s29 =	simm.s32 $0xB;
	_ =	strace $0x80000063  }
0xc2: {  	_ =	swait.ge [sflag:s29], $0x1  }
0xc3: {  	[sflag:s29] =	ssyncadd.s32 $0xFFFFFFFF  }
0xc4: {  	_ =	strace $0x90000063  }
0xc5: {  	_ =	sfence  }
0xc6: {  	s30 =	sld [smem:$0x0];
	_ =	sdelay $0x2  }
0xc7: {  	s31 =	sshll.u32 s1, $0xD;
	s1 =	sshrl.u32 s1, $0x2  }
0xc8: {  	s4 =	sand.u32 $0x4000, s31;
	s1 =	sadd.s32 s1, s30  }
0xc9: {  	s0 =	sor.u32 s4, s0;
	s1 =	sshll.u32 s1, $0x11  }
0xca: {  	s0 =	sor.u32 s1, s0  }
0xcb: {  	s0 =	sadd.s32 $0x8F2B, s0  }
0xcc: {  	[sflag:s0] =	ssyncadd.remote.s32 $0x1  }
0xcd: {  	_ =	sfence.sel $0xFFFF  }
0xce: {  	[dreg:$0x0] =	wrdreg $0xFFFFFFFF;
	(pc) =	sbr.abs _section_cstart, $3  }
0xcf: {  	[dreg:$0x1] =	wrdreg $0xFFFFFFFF  }
0xd0: {  	_ =	task.clear_ibuf [dreg:s22], $0x2FFFF;
	_ =	strace $0x9FFFFFFF  }
0xd1: {  	(tm) =	ssettm $0x7FFFFFFF  }
tec
execute0_lowered:
.L_overlay_start_1:
0x0: {  	(tag) =	ssettag $0x1  }
0x1: {  	s2 =	rddreg [dreg:$0x0]  }
0x2: {  	s0 =	srdreg.scid;
	s6 =	rddreg [dreg:$0x1]  }
0x3: {  	s1 =	stileid.u32;
	s3 =	simm.s32 $0x0;
	s14 =	simm.s32 $0x80  }
0x4: {  	s15 =	simm.s32 $0x100;
	s16 =	simm.s32 $0x1;
	s0 =	sand.u32 $0x1, s0  }
0x5: {  	s17 =	simm.s32 $0x0;
	[smem:$0x7FF] =	sst s3;
	s4 =	sshll.u32 s0, $0x4  }
0x6: {  	_ =	strace $0x8000005B;
	s0 =	ssub.s32 $0x2, s0;
	s5 =	sor.u32 s1, s4  }
0x7: {  	s4 =	sadd.s32 $0x51D400, s6;
	s29 =	sshrl.u32 s0, $0x1;
	s7 =	smul.u32 $0x1F, s5  }
0x8: {  	s6 =	sadd.s32 $0x521400, s6;
	p0 =	slt.u32 s5, $0x8;
	s0 =	ssub.s32 s0, s29  }
0x9: {  	s8 =	sshll.u32 s5, $0x5;
	s0 =	smax.u32 s0, $0x1;
	s5 =	sadd.s32 $0x8, s7  }
0xa: {  	s7 =	simm.s32 $0x20;
	[dreg:$0x4] =	wrdreg s0;
	s5 =	smov.u32 @p0 s8  }
0xb: {  	s7 =	simm.s32 @!p0 $0x1F;
	s9 =	sshll.u32 s5, $0x4;
	s12 =	sshll.u32 s5, $0xB  }
0xc: {  	s13 =	sadd.s32 $0xFFFFFFFE, s7;
	s30 =	sadd.s32 s4, s9;
	s10 =	sadd.s32 $0x10, s9  }
0xd: {  	s9 =	sadd.s32 $0xFFFFFFFF, s7;
	s31 =	sand.u32 $0x1FFFF800, s12;
	s11 =	sand.u32 $0x1FFFFFF0, s10  }
0xe: {  	[dreg:$0x3] =	wrdreg s30;
	s12 =	sadd.s32 s6, s31;
	s11 =	sadd.s32 s4, s11  }
.LBB2_1:
0xf: {  	_ =	strace $0x8000005C  }
0x10: {  	s0 =	rddreg [dreg:$0x3]  }
0x11: {  	[tilespmem:s3], [sflag:$0x2] =	stream.linear.gather [hbm4b:s0+s3], $0x80, $0x200038;
	[tilespmem:$0x8100] =	vst v63  }
0x12: {  	_ =	strace $0x9000005C  }
0x13: {  	_ =	strace $0x8000005D  }
0x14: {  	[tilespmem:s14], [sflag:$0x3] =	stream.linear.gather [hbm4b:s11+s3], $0x80, $0x200038;
	[tilespmem:$0x8100] =	vst v63  }
0x15: {  	_ =	strace $0x9000005D  }
0x16: {  	s18 =	simm.s32 $0x2;
	_ =	strace $0x8000005E  }
0x17: {  	_ =	swait.ge [sflag:s18], $0x80  }
0x18: {  	[sflag:s18] =	ssyncset.done $0x0  }
0x19: {  	[sflag:s18] =	ssyncadd.s32 $0xFFFFFF80  }
0x1a: {  	s23 =	simm.s32 $0x2;
	_ =	strace $0x9000005E  }
0x1b: {  	p0 =	seq.s32 s7, $0x2;
	s21 =	simm.s32 $0x1;
	_ =	strace $0x8000005F  }
0x1c: {  	[tilespmem:s15], [sflag:$0x1] =	stream.indirect.gather [hbm4b:s2+s14], $0x80, s3, s14, $0x2000b8;
	[tilespmem:$0x8100] =	vst v63  }
0x1d: {  	s26 =	sand.u32 $0x1, s16;
	s29 =	simm.s32 $0x80;
	_ =	swait.ge [sflag:s16], $0x4000  }
0x1e: {  	p1 =	sgt.s32 s9, $0x1;
	p2 =	sne.s32 s13, $0x1;
	[sflag:s16] =	ssyncset.done $0x0  }
.Ltmp0:
0x1f: {  	s23 =	simm.s32 @p0 $0x0;
	[sflag:s16] =	ssyncadd.s32 $0xFFFFC000;
	(pc) =	sbr.rel @!p2 .LBB2_2-.Ltmp0, $4  }
0x20: {  	s24 =	simm.s32 $0x1;
	p0 =	sne.s32 s23, $0x1;
	_ =	strace $0x9000005F  }
0x21: {  	p1 =	por !p1, !p0;
	s24 =	simm.s32 @!p0 $0x0;
	_ =	strace $0x80000060  }
0x22: {  	[hbm4b:s12+s3] =	stream.linear.scatter [tilespmem:s15], [sflag:$0x4], $0x4000, $0x200038;
	[tilespmem:$0x8100] =	vst v63  }
0x23: {  	p0 =	por !p1, !p1;
	p1 =	por $0x0, $0x0;
	_ =	strace $0x90000060  }
0x24: {  	s0 =	sadd.s32 @p0 s5, s23  }
0x25: {  	s19 =	simm.s32 @p0 $0x0;
	s0 =	sshll.u32 @p0 s0, $0x4  }
0x26: {  	_ =	strace @p0 $0x8000005D;
	s20 =	sand.u32 @p0 $0x1, s18;
	s0 =	sand.u32 @p0 $0x1FFFFFF0, s0  }
0x27: {  	s22 =	sshll.u32 @p0 s20, $0x7;
	s20 =	sor.u32 @p0 $0x2, s20;
	s0 =	sadd.s32 @p0 s4, s0  }
0x28: {  	[tilespmem:s22], [sflag:s20] =	stream.linear.gather @p0 [hbm4b:s0+s19], $0x80, $0x200038;
	[tilespmem:$0x8100] =	vst v63  }
0x29: {  	_ =	strace @p0 $0x9000005D  }
0x2a: {  	s8 =	sor.u32 $0x2, s26;
	p1 =	seq.s32 s23, $0x1;
	_ =	strace $0x8000005E  }
0x2b: {  	p3 =	sne.s32 s13, $0x2;
	p6 =	sgt.s32 s9, $0x2;
	_ =	swait.ge [sflag:s8], $0x80  }
0x2c: {  	s30 =	simm.s32 $0x2;
	s28 =	simm.s32 @!p1 $0x0;
	[sflag:s8] =	ssyncset.done $0x0  }
0x2d: {  	s0 =	sand.u32 $0x1, s16;
	s22 =	sadd.s32 $0x1, s24;
	[sflag:s8] =	ssyncadd.s32 $0xFFFFFF80  }
0x2e: {  	s20 =	sand.u32 $0x80, s29;
	s10 =	sshll.u32 s0, $0xE;
	_ =	strace $0x9000005E  }
0x2f: {  	s19 =	simm.s32 $0x2;
	s24 =	sor.u32 $0x100, s10;
	_ =	strace $0x8000005F  }
0x30: {  	[tilespmem:s24], [sflag:$0x1] =	stream.indirect.gather [hbm4b:s2+s14], $0x80, s20, s14, $0x2000b8;
	[tilespmem:$0x8100] =	vst v63  }
0x31: {  	s26 =	sand.u32 $0x1, s22;
	s0 =	sor.u32 @!p1 $0x4, s0;
	_ =	swait.ge [sflag:s16], $0x4000  }
0x32: {  	s29 =	sshll.u32 s22, $0x7;
	s20 =	sadd.s32 $0x1, s5;
	[sflag:s16] =	ssyncset.done $0x0  }
0x33: {  	s25 =	sshll.u32 @!p1 s20, $0xB;
	s20 =	sadd.s32 $0x1, s23;
	[sflag:s16] =	ssyncadd.s32 $0xFFFFC000  }
0x34: {  	s25 =	sand.u32 @!p1 $0x1FFFF800, s25;
	p2 =	seq.s32 s20, s7;
	_ =	strace $0x9000005F  }
0x35: {  	s25 =	sadd.s32 @!p1 s6, s25;
	s20 =	simm.s32 @p2 $0x0;
	_ =	strace @!p1 $0x80000060  }
0x36: {  	[hbm4b:s25+s28] =	stream.linear.scatter @!p1 [tilespmem:s24], [sflag:s0], $0x4000, $0x200038;
	[tilespmem:$0x8100] =	vst v63  }
0x37: {  	s25 =	sand.u32 $0x1, s3;
	s24 =	simm.s32 $0x1;
	s0 =	simm.s32 $0x1  }
.Ltmp1:
0x38: {  	s28 =	smov.u32 s22;
	_ =	strace @!p1 $0x90000060;
	(pc) =	sbr.rel @!p3 .LBB2_4-.Ltmp1, $4  }
0x39: {  	s31 =	sor.u32 $0x4, s25;
	p1 =	sne.s32 s23, s20;
	_ =	strace $0x80000061  }
0x3a: {  	s0 =	simm.s32 @!p0 $0x0;
	s25 =	smov.u32 s22;
	_ =	swait.ge [sflag:s31], $0x4000  }
0x3b: {  	p2 =	por !p6, !p1;
	s24 =	simm.s32 @!p1 $0x0;
	[sflag:s31] =	ssyncset.done $0x0  }
0x3c: {  	p1 =	por $0x1, $0x1;
	p2 =	por !p2, !p2;
	[sflag:s31] =	ssyncadd.s32 $0xFFFFC000  }
.LBB2_5:
0x3d: {  	s1 =	sadd.s32 @p2 s5, s20;
	_ =	strace $0x90000061;
	s31 =	smov.u32 s21  }
0x3e: {  	s21 =	smov.u32 s19;
	s19 =	sadd.s32 $0x1, s19;
	s8 =	smov.u32 s23  }
0x3f: {  	s23 =	simm.s32 @p2 $0x0;
	s30 =	sadd.s32 s0, s30;
	s1 =	sshll.u32 @p2 s1, $0x4  }
0x40: {  	s0 =	sand.u32 @p2 $0x1, s30;
	_ =	strace @p2 $0x8000005D;
	s1 =	sand.u32 @p2 $0x1FFFFFF0, s1  }
0x41: {  	s10 =	sshll.u32 @p2 s0, $0x7;
	s0 =	sor.u32 @p2 $0x2, s0;
	s1 =	sadd.s32 @p2 s4, s1  }
0x42: {  	[tilespmem:s10], [sflag:s0] =	stream.linear.gather @p2 [hbm4b:s1+s23], $0x80, $0x200038;
	[tilespmem:$0x8100] =	vst v63  }
0x43: {  	s22 =	sadd.s32 s24, s22;
	s25 =	sadd.s32 s24, s25;
	_ =	strace @p2 $0x9000005D  }
0x44: {  	s0 =	sor.u32 $0x2, s26;
	s26 =	sand.u32 $0x1, s25;
	_ =	strace $0x8000005E  }
0x45: {  	p0 =	sne.s32 s13, s19;
	s1 =	sshll.u32 s25, $0x7;
	_ =	swait.ge [sflag:s0], $0x80  }
0x46: {  	s24 =	sand.u32 $0x80, s29;
	s23 =	smov.u32 s20;
	[sflag:s0] =	ssyncset.done $0x0  }
0x47: {  	[sflag:s0] =	ssyncadd.s32 $0xFFFFFF80;
	s0 =	sand.u32 $0x1, s28;
	s28 =	smov.u32 s22  }
0x48: {  	p3 =	seq.s32 s8, s20;
	_ =	strace $0x9000005E;
	s10 =	sshll.u32 s0, $0xE  }
0x49: {  	s20 =	sadd.s32 $0x1, s20;
	_ =	strace $0x8000005F;
	s10 =	sor.u32 $0x100, s10  }
0x4a: {  	[tilespmem:s10], [sflag:$0x1] =	stream.indirect.gather [hbm4b:s2+s14], $0x80, s24, s14, $0x2000b8;
	[tilespmem:$0x8100] =	vst v63  }
0x4b: {  	s29 =	smov.u32 s1;
	s1 =	sadd.s32 s5, s8;
	_ =	swait.ge [sflag:s16], $0x4000  }
0x4c: {  	s8 =	simm.s32 @!p3 $0x0;
	p4 =	seq.s32 s20, s7;
	[sflag:s16] =	ssyncset.done $0x0  }
0x4d: {  	s1 =	sshll.u32 @!p3 s1, $0xB;
	s0 =	sor.u32 @!p3 $0x4, s0;
	[sflag:s16] =	ssyncadd.s32 $0xFFFFC000  }
0x4e: {  	s20 =	simm.s32 @p4 $0x0;
	s1 =	sand.u32 @!p3 $0x1FFFF800, s1;
	_ =	strace $0x9000005F  }
0x4f: {  	p4 =	slt.s32 s19, s9;
	s1 =	sadd.s32 @!p3 s6, s1;
	_ =	strace @!p3 $0x80000060  }
0x50: {  	[hbm4b:s1+s8] =	stream.linear.scatter @!p3 [tilespmem:s10], [sflag:s0], $0x4000, $0x200038;
	[tilespmem:$0x8100] =	vst v63  }
.Ltmp2:
0x51: {  	s0 =	sand.u32 $0x1, s31;
	_ =	strace @!p3 $0x90000060;
	(pc) =	sbr.rel @p0 .LBB2_5-.Ltmp2, $4  }
0x52: {  	s24 =	simm.s32 $0x1;
	s1 =	sor.u32 $0x4, s0;
	_ =	strace $0x80000061  }
0x53: {  	p3 =	sne.s32 s23, s20;
	s0 =	simm.s32 $0x1;
	_ =	swait.ge [sflag:s1], $0x4000  }
0x54: {  	p4 =	por !p4, !p3;
	s24 =	simm.s32 @!p3 $0x0;
	[sflag:s1] =	ssyncset.done $0x0  }
0x55: {  	s0 =	simm.s32 @!p2 $0x0;
	p2 =	por !p4, !p4;
	[sflag:s1] =	ssyncadd.s32 $0xFFFFC000  }
0x56: {  	p0 =	por p2, p2  }
.LBB2_7:
0x57: {  	s1 =	sadd.s32 @p0 s5, s20;
	_ =	strace @p1 $0x90000061;
	s0 =	sadd.s32 @p1 s0, s30  }
0x58: {  	s8 =	simm.s32 @p0 $0x0;
	s1 =	sshll.u32 @p0 s1, $0x4;
	s18 =	smov.u32 @p1 s0  }
0x59: {  	_ =	strace @p0 $0x8000005D;
	s0 =	sand.u32 @p0 $0x1, s18;
	s1 =	sand.u32 @p0 $0x1FFFFFF0, s1  }
0x5a: {  	s10 =	sshll.u32 @p0 s0, $0x7;
	s0 =	sor.u32 @p0 $0x2, s0;
	s1 =	sadd.s32 @p0 s4, s1  }
0x5b: {  	[tilespmem:s10], [sflag:s0] =	stream.linear.gather @p0 [hbm4b:s1+s8], $0x80, $0x200038;
	[tilespmem:$0x8100] =	vst v63  }
0x5c: {  	_ =	strace @p0 $0x9000005D  }
0x5d: {  	s10 =	sor.u32 $0x2, s26;
	_ =	strace $0x8000005E  }
0x5e: {  	_ =	swait.ge [sflag:s10], $0x80  }
0x5f: {  	[sflag:s10] =	ssyncset.done $0x0  }
0x60: {  	s0 =	sand.u32 $0x1, s28;
	[sflag:s10] =	ssyncadd.s32 $0xFFFFFF80  }
0x61: {  	s26 =	sshll.u32 s0, $0xE;
	_ =	strace $0x9000005E  }
0x62: {  	s28 =	sand.u32 $0x80, s29;
	s1 =	sor.u32 $0x100, s26;
	_ =	strace $0x8000005F  }
0x63: {  	[tilespmem:s1], [sflag:$0x1] =	stream.indirect.gather [hbm4b:s2+s14], $0x80, s28, s14, $0x2000b8;
	[tilespmem:$0x8100] =	vst v63  }
0x64: {  	_ =	swait.ge [sflag:s16], $0x4000  }
0x65: {  	p1 =	seq.s32 s23, s20;
	s8 =	sadd.s32 s5, s23;
	[sflag:s16] =	ssyncset.done $0x0  }
0x66: {  	s29 =	sand.u32 $0x1, s21;
	s8 =	sshll.u32 @!p1 s8, $0xB;
	[sflag:s16] =	ssyncadd.s32 $0xFFFFC000  }
0x67: {  	s0 =	sor.u32 @!p1 $0x4, s0;
	s8 =	sand.u32 @!p1 $0x1FFFF800, s8;
	_ =	strace $0x9000005F  }
0x68: {  	s8 =	sadd.s32 @!p1 s6, s8;
	s10 =	simm.s32 @!p1 $0x0;
	_ =	strace @!p1 $0x80000060  }
0x69: {  	[hbm4b:s8+s10] =	stream.linear.scatter @!p1 [tilespmem:s1], [sflag:s0], $0x4000, $0x200038;
	[tilespmem:$0x8100] =	vst v63  }
0x6a: {  	s30 =	sadd.s32 $0x1, s19;
	s1 =	sadd.s32 $0x1, s20;
	s0 =	sor.u32 $0x4, s29  }
0x6b: {  	s10 =	simm.s32 $0x1;
	_ =	strace @!p1 $0x90000060;
	p1 =	seq.s32 s1, s7  }
0x6c: {  	_ =	strace $0x80000061;
	s1 =	simm.s32 @p1 $0x0;
	p1 =	sge.s32 s30, s9  }
0x6d: {  	s10 =	simm.s32 @!p0 $0x0;
	_ =	swait.ge [sflag:s0], $0x4000;
	p0 =	seq.s32 @!p1 s20, s1  }
0x6e: {  	s31 =	sadd.s32 s24, s25;
	[sflag:s0] =	ssyncset.done $0x0;
	p0 =	por p0, p1  }
0x6f: {  	[sflag:s0] =	ssyncadd.s32 $0xFFFFC000;
	s0 =	sadd.s32 s10, s18;
	s10 =	sadd.s32 @!p0 s5, s1  }
0x70: {  	s21 =	simm.s32 @!p0 $0x0;
	_ =	strace $0x90000061;
	s10 =	sshll.u32 @!p0 s10, $0x4  }
0x71: {  	s0 =	sand.u32 @!p0 $0x1, s0;
	_ =	strace @!p0 $0x8000005D;
	s10 =	sand.u32 @!p0 $0x1FFFFFF0, s10  }
0x72: {  	s18 =	sshll.u32 @!p0 s0, $0x7;
	s0 =	sor.u32 @!p0 $0x2, s0;
	s10 =	sadd.s32 @!p0 s4, s10  }
0x73: {  	[tilespmem:s18], [sflag:s0] =	stream.linear.gather @!p0 [hbm4b:s10+s21], $0x80, $0x200038;
	[tilespmem:$0x8100] =	vst v63  }
0x74: {  	s23 =	sand.u32 $0x1, s31;
	_ =	strace @!p0 $0x9000005D  }
0x75: {  	s25 =	sor.u32 $0x2, s23;
	_ =	strace $0x8000005E  }
0x76: {  	_ =	swait.ge [sflag:s25], $0x80  }
0x77: {  	s26 =	sadd.s32 s24, s22;
	s8 =	sshll.u32 s31, $0x7;
	[sflag:s25] =	ssyncset.done $0x0  }
0x78: {  	s8 =	sand.u32 $0x80, s8;
	s0 =	sand.u32 $0x1, s26;
	[sflag:s25] =	ssyncadd.s32 $0xFFFFFF80  }
0x79: {  	s28 =	sshll.u32 s0, $0xE;
	p0 =	seq.s32 s13, s19;
	_ =	strace $0x9000005E  }
0x7a: {  	s18 =	sor.u32 $0x100, s28;
	p1 =	seq.s32 @!p0 s20, s1;
	_ =	strace $0x8000005F  }
0x7b: {  	[tilespmem:s18], [sflag:$0x1] =	stream.indirect.gather [hbm4b:s2+s14], $0x80, s8, s14, $0x2000b8;
	[tilespmem:$0x8100] =	vst v63  }
0x7c: {  	p0 =	por p0, !p1;
	_ =	swait.ge [sflag:s16], $0x4000  }
0x7d: {  	s1 =	sadd.s32 @p0 s5, s20;
	[sflag:s16] =	ssyncset.done $0x0  }
0x7e: {  	s1 =	sshll.u32 @p0 s1, $0xB;
	[sflag:s16] =	ssyncadd.s32 $0xFFFFC000  }
0x7f: {  	s1 =	sand.u32 @p0 $0x1FFFF800, s1;
	_ =	strace $0x9000005F  }
0x80: {  	s0 =	sor.u32 @p0 $0x4, s0;
	s1 =	sadd.s32 @p0 s6, s1;
	_ =	strace @p0 $0x80000060  }
0x81: {  	[hbm4b:s1+s3] =	stream.linear.scatter @p0 [tilespmem:s18], [sflag:s0], $0x4000, $0x200038;
	[tilespmem:$0x8100] =	vst v63  }
0x82: {  	s29 =	sand.u32 $0x1, s19;
	_ =	strace @p0 $0x90000060  }
0x83: {  	s30 =	sor.u32 $0x4, s29;
	_ =	strace $0x80000061  }
0x84: {  	_ =	swait.ge [sflag:s30], $0x4000  }
0x85: {  	[sflag:s30] =	ssyncset.done $0x0  }
0x86: {  	[sflag:s30] =	ssyncadd.s32 $0xFFFFC000  }
0x87: {  	s0 =	sxor.u32 $0x1, s29;
	_ =	strace $0x90000061  }
0x88: {  	s0 =	sor.u32 $0x4, s0;
	_ =	strace $0x80000062  }
0x89: {  	_ =	swait.ge [sflag:s0], $0x4000  }
0x8a: {  	s17 =	sadd.s32 $0x1, s17;
	s31 =	rddreg [dreg:$0x4]  }
0x8b: {  	p0 =	sne.s32 s17, s31  }
.Ltmp3:
0x8c: {  	_ = 	snop;
	(pc) =	sbr.rel @p0 .LBB2_1-.Ltmp3, $4  }
.Ltmp4:
0x8d: {  	_ = 	snop;
	(pc) =	sbr.rel @!p0 .LBB2_8-.Ltmp4, $4  }
0x8e: {  	[sflag:s0] =	ssyncset.done $0x0  }
0x8f: {  	[sflag:s0] =	ssyncadd.s32 $0xFFFFC000  }
0x90: {  	_ =	strace $0x90000062  }
0x91: {  	_ = 	snop  }
.LBB2_2:
.Ltmp5:
0x92: {  	(pc) =	sbr.rel .LBB2_7-.Ltmp5, $4  }
0x93: {  	_ = 	snop  }
0x94: {  	s19 =	simm.s32 $0x1;
	s20 =	smov.u32 s23  }
0x95: {  	s21 =	simm.s32 $0x0;
	s23 =	simm.s32 $0x1;
	s30 =	simm.s32 $0x2  }
0x96: {  	s22 =	simm.s32 $0x1;
	s25 =	simm.s32 $0x1;
	s28 =	simm.s32 $0x1  }
.LBB2_4:
.Ltmp6:
0x97: {  	(pc) =	sbr.rel .LBB2_7-.Ltmp6, $3  }
0x98: {  	_ =	sdelay $0x1  }
0x99: {  	p0 =	por p2, p2  }
0x9a: {  	s30 =	simm.s32 $0x2;
	s25 =	smov.u32 s22;
	s28 =	smov.u32 s22  }
.LBB2_8:
0x9b: {  	_ =	sfence.sel $0x180000  }
0x9c: {  	[bflag:$0x0] =	sbarrier.arrive $0xFFFF  }
0x9d: {  	_ =	strace $0x9000005B  }
0x9e: {  	s0 =	stileid.u32;
	[bflag:$0x2] =	sbarrier.arrive $0xFFFF  }
0x9f: {  	p0 =	sne.s32 s0, $0x0;
	s0 =	rddreg [dreg:$0x2]  }
0xa0: {  	s0 =	sadd.s32 @!p0 $0x100000, s0  }
0xa1: {  	[sflag:s0] =	ssyncadd.tile.s32 @!p0 $0x1;
	_ =	shalt  }
.Lfunc_end2:
_tile_overlayer_lowered:
.L_overlay_start_2:
0xa2: {  	(tag) =	ssettag $0x2  }
0xa3: {  	s0 =	rddreg [dreg:$0x0];
	s2 =	stileid.u32  }
0xa4: {  	s1 =	rddreg [dreg:$0x1];
	p0 =	sne.s32 s2, $0x0  }
0xa5: {  	s3 =	rddreg [dreg:$0x2];
	[bflag:$0x3] =	sbarrier.arrive $0xFFFF;
	s2 =	simm.s32 @!p0 $0x1C02  }
0xa6: {  	[timem:s3], [sflag:s2] =	dma.local @!p0 [hbm:s0], s1  }
0xa7: {  	s0 =	simm.s32 @!p0 $0x2  }
0xa8: {  	_ =	swait.ge @!p0 [sflag:s0], s1  }
0xa9: {  	s1 =	ssub.s32 @!p0 $0x0, s1;
	[sflag:s0] =	ssyncset.done @!p0 $0x0  }
0xaa: {  	[sflag:s0] =	ssyncadd.s32 @!p0 s1  }
0xab: {  	[bflag:$0x3] =	sbarrier.arrive $0xFFFF  }
0xac: {  	_ =	shalt  }

// kernel: kernel.21.cloned.1.call-start
scs
__scs_entry_jumppad:
0x0: {  	(pc) =	sbr.rel $0x88, $3  }
0x1: {  	(tag) =	ssettag $0x0;
	lr =	simm.s32 $0x1  }
0x2: {  	[smem:$0x3F96] =	sst lr;
	_ =	strace $0xD0000000  }
0x3: {  	_ = 	snop  }
0x4: {  	_ = 	snop  }
0x5: {  	_ = 	snop  }
0x6: {  	_ = 	snop  }
0x7: {  	_ = 	snop  }
__scs_overlays_trampoline_lowered:
0x8: {  	[smem:$0x3FA5] =	sst s0  }
0x9: {  	[smem:$0x3FA6] =	sst s1  }
0xa: {  	[smem:$0x3FA7] =	sst s2  }
0xb: {  	[smem:$0x3FA8] =	sst s3  }
0xc: {  	[smem:$0x3FA9] =	sst s4  }
0xd: {  	[smem:$0x3FAA] =	sst s5  }
0xe: {  	[smem:$0x3FAB] =	sst s6  }
0xf: {  	[smem:$0x3FAC] =	sst s7  }
0x10: {  	[smem:$0x3FAD] =	sst s8  }
0x11: {  	[smem:$0x3FAE] =	sst s9;
	s0 =	simm.s32 @!p0 $0x0  }
0x12: {  	s1 =	sld [smem:$0x3F94];
	s0 =	simm.s32 @p0 $0x1  }
0x13: {  	[smem:$0x3FAF] =	sst s0;
	s0 =	simm.s32 @!p1 $0x0  }
0x14: {  	s2 =	sld [smem:$0x3F93];
	s0 =	simm.s32 @p1 $0x1  }
0x15: {  	[smem:$0x3FB0] =	sst s0;
	s0 =	simm.s32 @!p2 $0x0  }
0x16: {  	s3 =	sld [smem:$0x3FDB];
	s0 =	simm.s32 @p2 $0x1  }
0x17: {  	s4 =	simm.s32 $0x1BF5;
	[smem:$0x3FB2] =	sst s0  }
0x18: {  	s0 =	sld [smem:$0x3F95];
	_ =	swait.ge [sflag:s4], $0x0  }
0x19: {  	s7 =	sld [smem:$0x3F96]  }
0x1a: {  	s8 =	sadd.s32 $0xFFFFE003, lr  }
0x1b: {  	s9 =	sadd.s32 $0xFFFFFEF7, lr;
	s5 =	simm.s32 $0xFFFFFFFF;
	p2 =	slt.u32 s8, $0xFFFFF086  }
0x1c: {  	p1 =	slt.u32 s9, $0xF7A;
	s5 =	simm.s32 @!p2 $0x0  }
0x1d: {  	s5 =	simm.s32 @p1 $0x1;
	p0 =	seq.s32 s7, s2  }
0x1e: {  	s7 =	smul.u32 @!p0 $0xF7A, s2;
	p2 =	seq.s32 @!p0 s5, $0x0  }
0x1f: {  	s9 =	smul.u32 $0xF7A, s1;
	s8 =	simm.s32 @!p0 $0x1BF5;
	p2 =	por !p2, p0  }
0x20: {  	[sflag:s8] =	ssyncset.s32 @!p0 $0xFFFFF086;
	s6 =	sadd.s32 @!p0 s3, s7;
	s7 =	simm.s32 @!p0 $0x108  }
0x21: {  	s3 =	sadd.s32 s3, s9;
	s6 =	sadd.s32 @!p0 $0x88, s6;
	s7 =	simm.s32 @p2 $0x1082  }
0x22: {  	[simem:s7], [sflag:s8] =	dma.local @!p0 [hbm:s6], $0xF7A  }
0x23: {  	s9 =	sor.u32 $0xD0000000, s2;
	s6 =	simm.s32 $0x108;
	_ =	swait.ge @!p0 [sflag:s8], $0x0  }
0x24: {  	s3 =	sadd.s32 $0x88, s3;
	s6 =	simm.s32 @!p1 $0x1082;
	[sflag:s4] =	ssyncset.s32 $0xFFFFF086  }
0x25: {  	[simem:s6], [sflag:s4] =	dma.local [hbm:s3], $0xF7A  }
0x26: {  	[smem:$0x3F96] =	sst s1;
	(tag) =	ssettag s2;
	_ =	strace s9  }
0x27: {  	s1 =	sld [smem:$0x3FA6]  }
0x28: {  	s2 =	sld [smem:$0x3FA7]  }
0x29: {  	s4 =	sld [smem:$0x3FA9]  }
0x2a: {  	p0 =	seq.s32 s5, $0x0;
	s5 =	sld [smem:$0x3FAA]  }
0x2b: {  	s6 =	sld [smem:$0x3FAB]  }
0x2c: {  	s7 =	sld [smem:$0x3FAC]  }
0x2d: {  	s3 =	simm.s32 $0x108;
	s8 =	sld [smem:$0x3FAD]  }
0x2e: {  	s3 =	simm.s32 @!p0 $0x1082;
	s9 =	sld [smem:$0x3FAE]  }
0x2f: {  	lr =	sadd.s32 s0, s3;
	s0 =	sld [smem:$0x3FA5]  }
0x30: {  	s3 =	sld [smem:$0x3FA8]  }
0x31: {  	[smem:$0x3FB1] =	sst s10  }
0x32: {  	s10 =	sld [smem:$0x3FAF];
	_ =	sdelay $0x3  }
0x33: {  	p0 =	seq.s32 s10, $0x1;
	s10 =	sld [smem:$0x3FB1];
	_ =	sdelay $0x3  }
0x34: {  	[smem:$0x3FB1] =	sst s10  }
0x35: {  	s10 =	sld [smem:$0x3FB0];
	_ =	sdelay $0x3  }
0x36: {  	p1 =	seq.s32 s10, $0x1;
	s10 =	sld [smem:$0x3FB1];
	_ =	sdelay $0x3  }
0x37: {  	[smem:$0x3FB1] =	sst s10  }
0x38: {  	s10 =	sld [smem:$0x3FB2]  }
0x39: {  	_ = 	snop;
	(pc) =	sbr.ind lr, $3  }
0x3a: {  	_ = 	snop  }
0x3b: {  	_ = 	snop  }
0x3c: {  	p2 =	seq.s32 s10, $0x1;
	s10 =	sld [smem:$0x3FB1]  }
0x3d: {  	_ =	shalt  }
0x3e: {  	_ =	shalt  }
0x3f: {  	_ =	shalt  }
0x40: {  	_ =	shalt  }
0x41: {  	_ =	shalt  }
0x42: {  	_ =	shalt  }
0x43: {  	_ =	shalt  }
0x44: {  	_ =	shalt  }
0x45: {  	_ =	shalt  }
0x46: {  	_ =	shalt  }
0x47: {  	_ =	shalt  }
0x48: {  	_ =	shalt  }
0x49: {  	_ =	shalt  }
0x4a: {  	_ =	shalt  }
0x4b: {  	_ =	shalt  }
0x4c: {  	_ =	shalt  }
0x4d: {  	_ =	shalt  }
0x4e: {  	_ =	shalt  }
0x4f: {  	_ =	shalt  }
0x50: {  	_ =	shalt  }
0x51: {  	_ =	shalt  }
0x52: {  	_ =	shalt  }
0x53: {  	_ =	shalt  }
0x54: {  	_ =	shalt  }
0x55: {  	_ =	shalt  }
0x56: {  	_ =	shalt  }
0x57: {  	_ =	shalt  }
0x58: {  	_ =	shalt  }
0x59: {  	_ =	shalt  }
0x5a: {  	_ =	shalt  }
0x5b: {  	_ =	shalt  }
0x5c: {  	_ =	shalt  }
0x5d: {  	_ =	shalt  }
0x5e: {  	_ =	shalt  }
0x5f: {  	_ =	shalt  }
0x60: {  	_ =	shalt  }
0x61: {  	_ =	shalt  }
0x62: {  	_ =	shalt  }
0x63: {  	_ =	shalt  }
0x64: {  	_ =	shalt  }
0x65: {  	_ =	shalt  }
0x66: {  	_ =	shalt  }
0x67: {  	_ =	shalt  }
0x68: {  	_ =	shalt  }
0x69: {  	_ =	shalt  }
0x6a: {  	_ =	shalt  }
0x6b: {  	_ =	shalt  }
0x6c: {  	_ =	shalt  }
0x6d: {  	_ =	shalt  }
0x6e: {  	_ =	shalt  }
0x6f: {  	_ =	shalt  }
0x70: {  	_ =	shalt  }
0x71: {  	_ =	shalt  }
0x72: {  	_ =	shalt  }
0x73: {  	_ =	shalt  }
0x74: {  	_ =	shalt  }
0x75: {  	_ =	shalt  }
0x76: {  	_ =	shalt  }
0x77: {  	_ =	shalt  }
0x78: {  	_ =	shalt  }
0x79: {  	_ =	shalt  }
0x7a: {  	_ =	shalt  }
0x7b: {  	_ =	shalt  }
0x7c: {  	_ =	shalt  }
0x7d: {  	_ =	shalt  }
0x7e: {  	_ =	shalt  }
0x7f: {  	_ =	shalt  }
0x80: {  	_ =	shalt  }
0x81: {  	_ =	shalt  }
0x82: {  	_ =	shalt  }
0x83: {  	_ =	shalt  }
0x84: {  	_ =	shalt  }
0x85: {  	_ =	shalt  }
0x86: {  	_ =	shalt  }
0x87: {  	_ =	shalt  }
.Lfunc_end0:
.L_simem_size_0:
called_computation.3_lowered:
.L_overlay_start_0:
0x88: {  	s2 =	sld [smem:$0x3FD9]  }
0x89: {  	s3 =	sld [smem:$0x3FFE];
	_ =	sdelay $0x1  }
0x8a: {  	s1 =	srdreg.scid  }
0x8b: {  	s0 =	sand.u32 $0x1, s1  }
0x8c: {  	s17 =	sshll.u32 s0, $0xA;
	s2 =	sadd.s32 s3, s2  }
0x8d: {  	s2 =	sadd.s32 s2, s17  }
0x8e: {  	[smem:$0x3FBD] =	sst s2  }
0x8f: {  	_ = 	snop  }
0x90: {  	s18 =	sld [smem:$0x3FC9];
	(tm) =	ssettm $0x1  }
0x91: {  	s19 =	sld [smem:$0x3FFB];
	_ =	sdelay $0x3  }
0x92: {  	_ =	strace s19  }
0x93: {  	s2 =	sld [smem:$0x3FFC];
	_ =	sdelay $0x3  }
0x94: {  	_ =	strace s2  }
0x95: {  	s2 =	sld [smem:$0x3FFD];
	_ =	sdelay $0x3  }
0x96: {  	_ =	strace s2  }
0x97: {  	_ =	strace $0x8FFFFFFF  }
0x98: {  	s20 =	sld [smem:$0x3FDB];
	_ =	sdelay $0x1  }
0x99: {  	s4 =	simm.s32 $_scs_section_size  }
0x9a: {  	s5 =	simm.s32 $_size__tile_overlayer_lowered;
	s6 =	simm.s32 $_tile_overlayer_lowered  }
0x9b: {  	s7 =	simm.s32 $0x1BFF;
	s21 =	sshll.u32 s6, $0x1;
	s4 =	sadd.s32 s4, s20  }
0x9c: {  	s22 =	simm.s32 $0x0;
	s5 =	sshll.u32 s5, $0x1;
	s6 =	sadd.s32 s21, s4  }
0x9d: {  	[timem:s22], [sflag:s7] =	dma.local [hbm:s6], s5  }
0x9e: {  	_ =	swait.ge [sflag:s7], s5  }
0x9f: {  	s5 =	ssub.s32 $0x0, s5;
	[sflag:s7] =	ssyncset.done $0x0  }
0xa0: {  	[sflag:s7] =	ssyncadd.s32 s5;
	_ =	sdelay $0x1  }
0xa1: {  	s23 =	simm.s32 $0x1B8B  }
0xa2: {  	_ =	swait.ge [sflag:s23], $0x1  }
0xa3: {  	[sflag:s23] =	ssyncset.done $0x0  }
0xa4: {  	[sflag:s23] =	ssyncadd.s32 $0xFFFFFFFF  }
0xa5: {  	s5 =	sld [smem:$0x0]  }
0xa6: {  	s6 =	sand.u32 $0xFFFFFFFE, s1  }
0xa7: {  	p0 =	sne.s32 s1, s6  }
0xa8: {  	s6 =	sshll.u32 @p0 s6, $0xE  }
0xa9: {  	s6 =	sadd.s32 @p0 $0x11B8D, s6;
	s7 =	sshll.u32 @p0 s5, $0x11  }
0xaa: {  	s6 =	sor.u32 @p0 s7, s6  }
0xab: {  	[sflag:s6] =	ssyncadd.remote.s32 @p0 $0x1;
	_ =	sdelay $0x1  }
0xac: {  	s6 =	simm.s32 @p0 $0x1B8D  }
0xad: {  	_ =	swait.eq @p0 [sflag:s6], $0x1  }
0xae: {  	[sflag:s6] =	ssyncadd.s32 @p0 $0xFFFFFFFF  }
0xaf: {  	s7 =	sshll.u32 @!p0 s1, $0xE  }
0xb0: {  	s7 =	sor.u32 @!p0 $0x4000, s7;
	s6 =	simm.s32 @!p0 $0x1B8D  }
0xb1: {  	s5 =	sshll.u32 @!p0 s5, $0x11;
	s7 =	sadd.s32 @!p0 $0x11B8D, s7;
	_ =	swait.eq @!p0 [sflag:s6], $0x1  }
0xb2: {  	s5 =	sor.u32 @!p0 s5, s7;
	[sflag:s6] =	ssyncadd.s32 @!p0 $0xFFFFFFFF  }
0xb3: {  	s25 =	simm.s32 $0x1B8E;
	s24 =	sld [smem:$0x3FFE];
	[sflag:s5] =	ssyncadd.remote.s32 @!p0 $0x1  }
0xb4: {  	s26 =	simm.s32 $execute0_lowered;
	[smem:$0x3FD2] =	sst s25  }
0xb5: {  	s6 =	sshll.u32 s26, $0x1;
	_ =	strace $0x80000064;
	[dreg:$0x1] =	wrdreg $0xFFFFFFFF  }
0xb6: {  	s28 =	simm.s32 $_size_execute0_lowered;
	s4 =	sadd.s32 s4, s6;
	[dreg:$0x0] =	wrdreg $0x0  }
0xb7: {  	s6 =	sshll.u32 s28, $0x1;
	[dreg:$0x2] =	wrdreg s4  }
0xb8: {  	[dreg:$0x3] =	wrdreg s6  }
0xb9: {  	[dreg:$0x4] =	wrdreg $0xC0  }
0xba: {  	_ =	task [dreg:s22], $0x5FFFF  }
0xbb: {  	[dreg:$0x1] =	wrdreg $0xFFFFFFFF  }
0xbc: {  	[dreg:$0x0] =	wrdreg $0x60  }
0xbd: {  	[dreg:$0x2] =	wrdreg s18  }
0xbe: {  	[dreg:$0x3] =	wrdreg s24  }
0xbf: {  	[dreg:$0x4] =	wrdreg $0xC  }
0xc0: {  	_ =	task.clear_ibuf [dreg:s22], $0x5FFFF;
	_ =	strace $0x90000064  }
0xc1: {  	s29 =	simm.s32 $0xC;
	_ =	strace $0x8000006D  }
0xc2: {  	_ =	swait.ge [sflag:s29], $0x1  }
0xc3: {  	[sflag:s29] =	ssyncadd.s32 $0xFFFFFFFF  }
0xc4: {  	_ =	strace $0x9000006D  }
0xc5: {  	_ =	sfence  }
0xc6: {  	s30 =	sld [smem:$0x0];
	_ =	sdelay $0x2  }
0xc7: {  	s31 =	sshll.u32 s1, $0xD;
	s1 =	sshrl.u32 s1, $0x2  }
0xc8: {  	s4 =	sand.u32 $0x4000, s31;
	s1 =	sadd.s32 s1, s30  }
0xc9: {  	s0 =	sor.u32 s4, s0;
	s1 =	sshll.u32 s1, $0x11  }
0xca: {  	s0 =	sor.u32 s1, s0  }
0xcb: {  	s0 =	sadd.s32 $0x8F2B, s0  }
0xcc: {  	[sflag:s0] =	ssyncadd.remote.s32 $0x1  }
0xcd: {  	_ =	sfence.sel $0xFFFF  }
0xce: {  	[dreg:$0x0] =	wrdreg $0xFFFFFFFF;
	(pc) =	sbr.abs _section_cstart, $3  }
0xcf: {  	[dreg:$0x1] =	wrdreg $0xFFFFFFFF  }
0xd0: {  	_ =	task.clear_ibuf [dreg:s22], $0x2FFFF;
	_ =	strace $0x9FFFFFFF  }
0xd1: {  	(tm) =	ssettm $0x7FFFFFFF  }
tec
execute0_lowered:
.L_overlay_start_1:
0x0: {  	(tag) =	ssettag $0x1  }
0x1: {  	s1 =	rddreg [dreg:$0x0]  }
0x2: {  	s5 =	rddreg [dreg:$0x1];
	s2 =	srdreg.scid;
	s3 =	simm.s32 $0x0  }
0x3: {  	s12 =	simm.s32 $0x100;
	s13 =	simm.s32 $0x1;
	s14 =	simm.s32 $0x4  }
0x4: {  	s15 =	simm.s32 $0x0;
	s6 =	sand.u32 $0x1, s2;
	[smem:$0x7FF] =	sst s3  }
0x5: {  	s2 =	stileid.u32;
	s4 =	sshll.u32 s6, $0x4;
	_ =	strace $0x80000065  }
0x6: {  	s6 =	ssub.s32 $0x2, s6;
	s7 =	sor.u32 s2, s4;
	s4 =	sadd.s32 $0x715400, s5  }
0x7: {  	s10 =	sshll.u32 s2, $0x7;
	s5 =	sadd.s32 $0x718600, s5;
	s8 =	smul.u32 $0xC80, s7  }
0x8: {  	s9 =	sshrl.u32 s6, $0x1;
	s10 =	sand.u32 $0x380, s10;
	s11 =	smul.u32 $0x190, s7  }
0x9: {  	s9 =	ssub.s32 s6, s9;
	s31 =	smul.u32 $0xC800, s7;
	s8 =	sand.u32 $0x1FC00, s8  }
0xa: {  	s6 =	smul.u32 $0x19, s7;
	s30 =	sadd.s32 s4, s11;
	s8 =	sor.u32 s10, s8  }
0xb: {  	s11 =	simm.s32 $0x80;
	s10 =	sadd.s32 s5, s31;
	s8 =	sshrl.u32 s8, $0x3  }
0xc: {  	s7 =	sadd.s32 s4, s8;
	s8 =	smax.u32 s9, $0x1;
	s9 =	sadd.s32 $0x10, s30  }
.LBB2_1:
0xd: {  	_ =	strace $0x80000066  }
0xe: {  	[tilespmem:s3], [sflag:$0x2] =	stream.linear.gather [hbm4b:s7+s3], $0x80, $0x200038;
	[tilespmem:$0x8100] =	vst v63  }
0xf: {  	_ =	strace $0x90000066  }
0x10: {  	_ =	strace $0x80000067  }
0x11: {  	[tilespmem:s11], [sflag:$0x3] =	stream.linear.gather [hbm4b:s9+s3], $0x80, $0x200038;
	[tilespmem:$0x8100] =	vst v63  }
0x12: {  	_ =	strace $0x90000067  }
0x13: {  	s16 =	simm.s32 $0x2;
	_ =	strace $0x80000068  }
0x14: {  	_ =	swait.ge [sflag:s16], $0x80  }
0x15: {  	[sflag:s16] =	ssyncset.done $0x0  }
0x16: {  	[sflag:s16] =	ssyncadd.s32 $0xFFFFFF80  }
0x17: {  	_ =	strace $0x90000068  }
0x18: {  	s20 =	simm.s32 $0x2;
	p0 =	por $0x0, $0x0;
	_ =	strace $0x80000069  }
0x19: {  	[tilespmem:s12], [sflag:$0x1] =	stream.indirect.gather [hbm4b:s1+s11], $0x80, s3, s11, $0x2000b8;
	[tilespmem:$0x8100] =	vst v63  }
0x1a: {  	s20 =	simm.s32 @p0 $0x0;
	_ =	swait.ge [sflag:s13], $0x4000  }
0x1b: {  	p0 =	seq.s32 s20, $0x1;
	[sflag:s13] =	ssyncset.done $0x0  }
0x1c: {  	s25 =	sand.u32 $0x1, s13;
	s17 =	sadd.s32 @!p0 s6, s20;
	[sflag:s13] =	ssyncadd.s32 $0xFFFFC000  }
0x1d: {  	s19 =	sadd.s32 $0x1, s6;
	s17 =	sshll.u32 @!p0 s17, $0x4;
	_ =	strace $0x90000069  }
0x1e: {  	s23 =	simm.s32 @!p0 $0x0;
	s17 =	sand.u32 @!p0 $0x1FFFFFF0, s17;
	_ =	strace $0x8000006A  }
0x1f: {  	[hbm4b:s10+s3] =	stream.linear.scatter [tilespmem:s12], [sflag:$0x4], $0x4000, $0x200038;
	[tilespmem:$0x8100] =	vst v63  }
0x20: {  	s17 =	sadd.s32 @!p0 s4, s17;
	s16 =	sand.u32 @!p0 $0x1, s16;
	_ =	strace $0x9000006A  }
0x21: {  	s18 =	sshll.u32 @!p0 s16, $0x7;
	s16 =	sor.u32 @!p0 $0x2, s16;
	_ =	strace @!p0 $0x80000067  }
0x22: {  	[tilespmem:s18], [sflag:s16] =	stream.linear.gather @!p0 [hbm4b:s17+s23], $0x80, $0x200038;
	[tilespmem:$0x8100] =	vst v63  }
0x23: {  	s22 =	sand.u32 $0x1, s13;
	s21 =	simm.s32 $0x80;
	_ =	strace @!p0 $0x90000067  }
0x24: {  	s29 =	sand.u32 $0x1, s3;
	s16 =	sor.u32 $0x2, s25;
	_ =	strace $0x80000068  }
0x25: {  	s26 =	sshll.u32 s22, $0xE;
	s30 =	sand.u32 $0x80, s21;
	_ =	swait.ge [sflag:s16], $0x80  }
0x26: {  	s31 =	sor.u32 $0x4, s29;
	p1 =	sne.s32 s20, $0x1;
	[sflag:s16] =	ssyncset.done $0x0  }
0x27: {  	s24 =	sor.u32 $0x100, s26;
	s19 =	sshll.u32 @!p0 s19, $0xB;
	[sflag:s16] =	ssyncadd.s32 $0xFFFFFF80  }
0x28: {  	s28 =	sor.u32 @!p0 $0x4, s22;
	s18 =	simm.s32 $0x1;
	_ =	strace $0x90000068  }
0x29: {  	s22 =	sadd.s32 s6, s20;
	s18 =	simm.s32 @!p1 $0x0;
	_ =	strace $0x80000069  }
0x2a: {  	[tilespmem:s24], [sflag:$0x1] =	stream.indirect.gather [hbm4b:s1+s11], $0x80, s30, s11, $0x2000b8;
	[tilespmem:$0x8100] =	vst v63  }
0x2b: {  	s17 =	simm.s32 $0x1;
	s21 =	sadd.s32 $0x2, s18;
	_ =	swait.ge [sflag:s13], $0x4000  }
0x2c: {  	s16 =	sand.u32 @!p0 $0x1FFFF800, s19;
	s19 =	sadd.s32 $0x1, s18;
	[sflag:s13] =	ssyncset.done $0x0  }
0x2d: {  	s18 =	sadd.s32 $0x1, s20;
	s25 =	sadd.s32 @!p0 s5, s16;
	[sflag:s13] =	ssyncadd.s32 $0xFFFFC000  }
0x2e: {  	s16 =	simm.s32 $0x2;
	p1 =	seq.s32 s18, $0x19;
	_ =	strace $0x90000069  }
0x2f: {  	s26 =	sand.u32 $0x1, s19;
	s18 =	simm.s32 @p1 $0x0;
	_ =	strace @!p0 $0x8000006A  }
0x30: {  	[hbm4b:s25+s23] =	stream.linear.scatter @!p0 [tilespmem:s24], [sflag:s28], $0x4000, $0x200038;
	[tilespmem:$0x8100] =	vst v63  }
0x31: {  	p1 =	sne.s32 s20, s18;
	s25 =	sor.u32 $0x2, s26;
	_ =	strace @!p0 $0x9000006A  }
0x32: {  	s24 =	smov.u32 s19;
	p0 =	seq.s32 s20, s18;
	_ =	strace $0x8000006B  }
0x33: {  	s23 =	smov.u32 s19;
	s26 =	sand.u32 @!p0 $0x1, s21;
	_ =	swait.ge [sflag:s31], $0x4000  }
0x34: {  	s20 =	sadd.s32 @!p0 s6, s18;
	s28 =	sshll.u32 @!p0 s26, $0x7;
	[sflag:s31] =	ssyncset.done $0x0  }
0x35: {  	s29 =	sshll.u32 @!p0 s20, $0x4;
	s20 =	smov.u32 s19;
	[sflag:s31] =	ssyncadd.s32 $0xFFFFC000  }
.LBB2_2:
0x36: {  	s30 =	sor.u32 @!p0 $0x2, s26;
	s29 =	sand.u32 @!p0 $0x1FFFFFF0, s29;
	_ =	strace $0x9000006B  }
0x37: {  	s31 =	smov.u32 s17;
	s17 =	smov.u32 s16;
	s26 =	smov.u32 s18  }
0x38: {  	s0 =	simm.s32 @!p0 $0x0;
	_ =	strace @!p0 $0x80000067;
	s29 =	sadd.s32 @!p0 s4, s29  }
0x39: {  	[tilespmem:s28], [sflag:s30] =	stream.linear.gather @!p0 [hbm4b:s29+s0], $0x80, $0x200038;
	[tilespmem:$0x8100] =	vst v63  }
0x3a: {  	s28 =	simm.s32 $0x1  }
0x3b: {  	s22 =	sshll.u32 @!p0 s22, $0xB;
	_ =	strace @!p0 $0x90000067;
	s28 =	simm.s32 @!p1 $0x0  }
0x3c: {  	s22 =	sand.u32 @!p0 $0x1FFFF800, s22;
	s21 =	sadd.s32 s28, s21;
	_ =	strace $0x80000068  }
0x3d: {  	s29 =	sadd.s32 @!p0 s5, s22;
	s19 =	sadd.s32 s28, s19;
	_ =	swait.ge [sflag:s25], $0x80  }
0x3e: {  	s16 =	sadd.s32 $0x1, s16;
	s20 =	sadd.s32 s28, s20;
	[sflag:s25] =	ssyncset.done $0x0  }
0x3f: {  	s22 =	sand.u32 $0x1, s24;
	s28 =	sand.u32 $0x1, s20;
	[sflag:s25] =	ssyncadd.s32 $0xFFFFFF80  }
0x40: {  	s23 =	sshll.u32 s23, $0x7;
	s24 =	sshll.u32 s22, $0xE;
	_ =	strace $0x90000068  }
0x41: {  	s23 =	sand.u32 $0x80, s23;
	s25 =	sor.u32 $0x100, s24;
	_ =	strace $0x80000069  }
0x42: {  	[tilespmem:s25], [sflag:$0x1] =	stream.indirect.gather [hbm4b:s1+s11], $0x80, s23, s11, $0x2000b8;
	[tilespmem:$0x8100] =	vst v63  }
0x43: {  	p2 =	sne.s32 s16, $0x17;
	s30 =	sor.u32 @!p0 $0x4, s22;
	_ =	swait.ge [sflag:s13], $0x4000  }
0x44: {  	s24 =	smov.u32 s19;
	s23 =	smov.u32 s20;
	[sflag:s13] =	ssyncset.done $0x0  }
0x45: {  	[sflag:s13] =	ssyncadd.s32 $0xFFFFC000  }
0x46: {  	s31 =	sand.u32 $0x1, s31;
	s22 =	sadd.s32 s6, s18;
	_ =	strace $0x90000069  }
0x47: {  	s31 =	sor.u32 $0x4, s31;
	s18 =	sadd.s32 $0x1, s18;
	_ =	strace @!p0 $0x8000006A  }
0x48: {  	[hbm4b:s29+s0] =	stream.linear.scatter @!p0 [tilespmem:s25], [sflag:s30], $0x4000, $0x200038;
	[tilespmem:$0x8100] =	vst v63  }
.Ltmp0:
0x49: {  	p1 =	seq.s32 s18, $0x19;
	_ =	strace @!p0 $0x9000006A;
	(pc) =	sbr.rel @p2 .LBB2_2-.Ltmp0, $4  }
0x4a: {  	s18 =	simm.s32 @p1 $0x0;
	s25 =	sor.u32 $0x2, s28;
	_ =	strace $0x8000006B  }
0x4b: {  	p1 =	sne.s32 s26, s18;
	p0 =	seq.s32 s26, s18;
	_ =	swait.ge [sflag:s31], $0x4000  }
0x4c: {  	s0 =	sadd.s32 @!p0 s6, s18;
	s26 =	sand.u32 @!p0 $0x1, s21;
	[sflag:s31] =	ssyncset.done $0x0  }
0x4d: {  	s28 =	sshll.u32 @!p0 s26, $0x7;
	s29 =	sshll.u32 @!p0 s0, $0x4;
	[sflag:s31] =	ssyncadd.s32 $0xFFFFC000  }
0x4e: {  	s0 =	sor.u32 @!p0 $0x2, s26;
	s21 =	sand.u32 @!p0 $0x1FFFFFF0, s29;
	_ =	strace $0x9000006B  }
0x4f: {  	s26 =	simm.s32 @!p0 $0x0;
	_ =	strace @!p0 $0x80000067;
	s21 =	sadd.s32 @!p0 s4, s21  }
0x50: {  	[tilespmem:s28], [sflag:s0] =	stream.linear.gather @!p0 [hbm4b:s21+s26], $0x80, $0x200038;
	[tilespmem:$0x8100] =	vst v63  }
0x51: {  	_ =	strace @!p0 $0x90000067  }
0x52: {  	_ =	strace $0x80000068  }
0x53: {  	_ =	swait.ge [sflag:s25], $0x80  }
0x54: {  	[sflag:s25] =	ssyncset.done $0x0  }
0x55: {  	s0 =	sand.u32 $0x1, s24;
	[sflag:s25] =	ssyncadd.s32 $0xFFFFFF80  }
0x56: {  	s23 =	sshll.u32 s23, $0x7;
	s25 =	sshll.u32 s0, $0xE;
	_ =	strace $0x90000068  }
0x57: {  	s23 =	sand.u32 $0x80, s23;
	s21 =	sor.u32 $0x100, s25;
	_ =	strace $0x80000069  }
0x58: {  	[tilespmem:s21], [sflag:$0x1] =	stream.indirect.gather [hbm4b:s1+s11], $0x80, s23, s11, $0x2000b8;
	[tilespmem:$0x8100] =	vst v63  }
0x59: {  	_ =	swait.ge [sflag:s13], $0x4000  }
0x5a: {  	[sflag:s13] =	ssyncset.done $0x0  }
0x5b: {  	s22 =	sshll.u32 @!p0 s22, $0xB;
	[sflag:s13] =	ssyncadd.s32 $0xFFFFC000  }
0x5c: {  	s22 =	sand.u32 @!p0 $0x1FFFF800, s22;
	_ =	strace $0x90000069  }
0x5d: {  	s22 =	sadd.s32 @!p0 s5, s22;
	s0 =	sor.u32 @!p0 $0x4, s0;
	_ =	strace @!p0 $0x8000006A  }
0x5e: {  	[hbm4b:s22+s26] =	stream.linear.scatter @!p0 [tilespmem:s21], [sflag:s0], $0x4000, $0x200038;
	[tilespmem:$0x8100] =	vst v63  }
0x5f: {  	s26 =	sand.u32 $0x1, s17;
	_ =	strace @!p0 $0x9000006A  }
0x60: {  	s0 =	sor.u32 $0x4, s26;
	_ =	strace $0x8000006B  }
0x61: {  	s17 =	simm.s32 $0x1;
	_ =	swait.ge [sflag:s0], $0x4000  }
0x62: {  	s17 =	simm.s32 @!p1 $0x0;
	[sflag:s0] =	ssyncset.done $0x0  }
0x63: {  	s20 =	sadd.s32 s17, s20;
	[sflag:s0] =	ssyncadd.s32 $0xFFFFC000  }
0x64: {  	s28 =	sand.u32 $0x1, s20;
	_ =	strace $0x9000006B  }
0x65: {  	s0 =	sor.u32 $0x2, s28;
	_ =	strace $0x80000068  }
0x66: {  	_ =	swait.ge [sflag:s0], $0x80  }
0x67: {  	s17 =	sadd.s32 s17, s19;
	[sflag:s0] =	ssyncset.done $0x0  }
0x68: {  	s29 =	sand.u32 $0x1, s17;
	[sflag:s0] =	ssyncadd.s32 $0xFFFFFF80  }
0x69: {  	s30 =	sshll.u32 s20, $0x7;
	s17 =	sshll.u32 s29, $0xE;
	_ =	strace $0x90000068  }
0x6a: {  	s19 =	sand.u32 $0x80, s30;
	s17 =	sor.u32 $0x100, s17;
	_ =	strace $0x80000069  }
0x6b: {  	[tilespmem:s17], [sflag:$0x1] =	stream.indirect.gather [hbm4b:s1+s11], $0x80, s19, s11, $0x2000b8;
	[tilespmem:$0x8100] =	vst v63  }
0x6c: {  	_ =	swait.ge [sflag:s13], $0x4000  }
0x6d: {  	s18 =	sadd.s32 s6, s18;
	[sflag:s13] =	ssyncset.done $0x0  }
0x6e: {  	s18 =	sshll.u32 s18, $0xB;
	[sflag:s13] =	ssyncadd.s32 $0xFFFFC000  }
0x6f: {  	s18 =	sand.u32 $0x1FFFF800, s18;
	_ =	strace $0x90000069  }
0x70: {  	s18 =	sadd.s32 s5, s18;
	s0 =	sor.u32 $0x4, s29;
	_ =	strace $0x8000006A  }
0x71: {  	[hbm4b:s18+s3] =	stream.linear.scatter [tilespmem:s17], [sflag:s0], $0x4000, $0x200038;
	[tilespmem:$0x8100] =	vst v63  }
0x72: {  	s31 =	sand.u32 $0x1, s16;
	_ =	strace $0x9000006A  }
0x73: {  	s0 =	sor.u32 $0x4, s31;
	_ =	strace $0x8000006B  }
0x74: {  	_ =	swait.ge [sflag:s0], $0x4000  }
0x75: {  	[sflag:s0] =	ssyncset.done $0x0  }
0x76: {  	s15 =	sadd.s32 $0x1, s15;
	[sflag:s0] =	ssyncadd.s32 $0xFFFFC000  }
0x77: {  	p0 =	sne.s32 s15, s8;
	_ =	strace $0x9000006B  }
.Ltmp1:
0x78: {  	_ =	strace $0x8000006C;
	(pc) =	sbr.rel @p0 .LBB2_1-.Ltmp1, $4  }
0x79: {  	_ =	swait.ge [sflag:s14], $0x4000  }
0x7a: {  	[sflag:s14] =	ssyncset.done $0x0  }
0x7b: {  	[sflag:s14] =	ssyncadd.s32 $0xFFFFC000  }
0x7c: {  	_ =	strace $0x9000006C  }
0x7d: {  	_ =	sfence.sel $0x180000  }
0x7e: {  	[bflag:$0x0] =	sbarrier.arrive $0xFFFF  }
0x7f: {  	_ =	strace $0x90000065  }
0x80: {  	[bflag:$0x2] =	sbarrier.arrive $0xFFFF  }
0x81: {  	p0 =	sne.s32 s2, $0x0;
	s0 =	rddreg [dreg:$0x2]  }
0x82: {  	s0 =	sadd.s32 @!p0 $0x100000, s0  }
0x83: {  	[sflag:s0] =	ssyncadd.tile.s32 @!p0 $0x1;
	_ =	shalt  }
.Lfunc_end2:
_tile_overlayer_lowered:
.L_overlay_start_2:
0x84: {  	(tag) =	ssettag $0x2  }
0x85: {  	s0 =	rddreg [dreg:$0x0];
	s2 =	stileid.u32  }
0x86: {  	s1 =	rddreg [dreg:$0x1];
	p0 =	sne.s32 s2, $0x0  }
0x87: {  	s3 =	rddreg [dreg:$0x2];
	[bflag:$0x3] =	sbarrier.arrive $0xFFFF;
	s2 =	simm.s32 @!p0 $0x1C02  }
0x88: {  	[timem:s3], [sflag:s2] =	dma.local @!p0 [hbm:s0], s1  }
0x89: {  	s0 =	simm.s32 @!p0 $0x2  }
0x8a: {  	_ =	swait.ge @!p0 [sflag:s0], s1  }
0x8b: {  	s1 =	ssub.s32 @!p0 $0x0, s1;
	[sflag:s0] =	ssyncset.done @!p0 $0x0  }
0x8c: {  	[sflag:s0] =	ssyncadd.s32 @!p0 s1  }
0x8d: {  	[bflag:$0x3] =	sbarrier.arrive $0xFFFF  }
0x8e: {  	_ =	shalt  }

// kernel: kernel.24.cloned.1.call-start
scs
__scs_entry_jumppad:
0x0: {  	(pc) =	sbr.rel $0x88, $3  }
0x1: {  	(tag) =	ssettag $0x0;
	lr =	simm.s32 $0x1  }
0x2: {  	[smem:$0x3F96] =	sst lr;
	_ =	strace $0xD0000000  }
0x3: {  	_ = 	snop  }
0x4: {  	_ = 	snop  }
0x5: {  	_ = 	snop  }
0x6: {  	_ = 	snop  }
0x7: {  	_ = 	snop  }
__scs_overlays_trampoline_lowered:
0x8: {  	[smem:$0x3FA5] =	sst s0  }
0x9: {  	[smem:$0x3FA6] =	sst s1  }
0xa: {  	[smem:$0x3FA7] =	sst s2  }
0xb: {  	[smem:$0x3FA8] =	sst s3  }
0xc: {  	[smem:$0x3FA9] =	sst s4  }
0xd: {  	[smem:$0x3FAA] =	sst s5  }
0xe: {  	[smem:$0x3FAB] =	sst s6  }
0xf: {  	[smem:$0x3FAC] =	sst s7  }
0x10: {  	[smem:$0x3FAD] =	sst s8  }
0x11: {  	[smem:$0x3FAE] =	sst s9;
	s0 =	simm.s32 @!p0 $0x0  }
0x12: {  	s1 =	sld [smem:$0x3F94];
	s0 =	simm.s32 @p0 $0x1  }
0x13: {  	[smem:$0x3FAF] =	sst s0;
	s0 =	simm.s32 @!p1 $0x0  }
0x14: {  	s2 =	sld [smem:$0x3F93];
	s0 =	simm.s32 @p1 $0x1  }
0x15: {  	[smem:$0x3FB0] =	sst s0;
	s0 =	simm.s32 @!p2 $0x0  }
0x16: {  	s3 =	sld [smem:$0x3FDB];
	s0 =	simm.s32 @p2 $0x1  }
0x17: {  	s4 =	simm.s32 $0x1BF5;
	[smem:$0x3FB2] =	sst s0  }
0x18: {  	s0 =	sld [smem:$0x3F95];
	_ =	swait.ge [sflag:s4], $0x0  }
0x19: {  	s7 =	sld [smem:$0x3F96]  }
0x1a: {  	s8 =	sadd.s32 $0xFFFFE003, lr  }
0x1b: {  	s9 =	sadd.s32 $0xFFFFFEF7, lr;
	s5 =	simm.s32 $0xFFFFFFFF;
	p2 =	slt.u32 s8, $0xFFFFF086  }
0x1c: {  	p1 =	slt.u32 s9, $0xF7A;
	s5 =	simm.s32 @!p2 $0x0  }
0x1d: {  	s5 =	simm.s32 @p1 $0x1;
	p0 =	seq.s32 s7, s2  }
0x1e: {  	s7 =	smul.u32 @!p0 $0xF7A, s2;
	p2 =	seq.s32 @!p0 s5, $0x0  }
0x1f: {  	s9 =	smul.u32 $0xF7A, s1;
	s8 =	simm.s32 @!p0 $0x1BF5;
	p2 =	por !p2, p0  }
0x20: {  	[sflag:s8] =	ssyncset.s32 @!p0 $0xFFFFF086;
	s6 =	sadd.s32 @!p0 s3, s7;
	s7 =	simm.s32 @!p0 $0x108  }
0x21: {  	s3 =	sadd.s32 s3, s9;
	s6 =	sadd.s32 @!p0 $0x88, s6;
	s7 =	simm.s32 @p2 $0x1082  }
0x22: {  	[simem:s7], [sflag:s8] =	dma.local @!p0 [hbm:s6], $0xF7A  }
0x23: {  	s9 =	sor.u32 $0xD0000000, s2;
	s6 =	simm.s32 $0x108;
	_ =	swait.ge @!p0 [sflag:s8], $0x0  }
0x24: {  	s3 =	sadd.s32 $0x88, s3;
	s6 =	simm.s32 @!p1 $0x1082;
	[sflag:s4] =	ssyncset.s32 $0xFFFFF086  }
0x25: {  	[simem:s6], [sflag:s4] =	dma.local [hbm:s3], $0xF7A  }
0x26: {  	[smem:$0x3F96] =	sst s1;
	(tag) =	ssettag s2;
	_ =	strace s9  }
0x27: {  	s1 =	sld [smem:$0x3FA6]  }
0x28: {  	s2 =	sld [smem:$0x3FA7]  }
0x29: {  	s4 =	sld [smem:$0x3FA9]  }
0x2a: {  	p0 =	seq.s32 s5, $0x0;
	s5 =	sld [smem:$0x3FAA]  }
0x2b: {  	s6 =	sld [smem:$0x3FAB]  }
0x2c: {  	s7 =	sld [smem:$0x3FAC]  }
0x2d: {  	s3 =	simm.s32 $0x108;
	s8 =	sld [smem:$0x3FAD]  }
0x2e: {  	s3 =	simm.s32 @!p0 $0x1082;
	s9 =	sld [smem:$0x3FAE]  }
0x2f: {  	lr =	sadd.s32 s0, s3;
	s0 =	sld [smem:$0x3FA5]  }
0x30: {  	s3 =	sld [smem:$0x3FA8]  }
0x31: {  	[smem:$0x3FB1] =	sst s10  }
0x32: {  	s10 =	sld [smem:$0x3FAF];
	_ =	sdelay $0x3  }
0x33: {  	p0 =	seq.s32 s10, $0x1;
	s10 =	sld [smem:$0x3FB1];
	_ =	sdelay $0x3  }
0x34: {  	[smem:$0x3FB1] =	sst s10  }
0x35: {  	s10 =	sld [smem:$0x3FB0];
	_ =	sdelay $0x3  }
0x36: {  	p1 =	seq.s32 s10, $0x1;
	s10 =	sld [smem:$0x3FB1];
	_ =	sdelay $0x3  }
0x37: {  	[smem:$0x3FB1] =	sst s10  }
0x38: {  	s10 =	sld [smem:$0x3FB2]  }
0x39: {  	_ = 	snop;
	(pc) =	sbr.ind lr, $3  }
0x3a: {  	_ = 	snop  }
0x3b: {  	_ = 	snop  }
0x3c: {  	p2 =	seq.s32 s10, $0x1;
	s10 =	sld [smem:$0x3FB1]  }
0x3d: {  	_ =	shalt  }
0x3e: {  	_ =	shalt  }
0x3f: {  	_ =	shalt  }
0x40: {  	_ =	shalt  }
0x41: {  	_ =	shalt  }
0x42: {  	_ =	shalt  }
0x43: {  	_ =	shalt  }
0x44: {  	_ =	shalt  }
0x45: {  	_ =	shalt  }
0x46: {  	_ =	shalt  }
0x47: {  	_ =	shalt  }
0x48: {  	_ =	shalt  }
0x49: {  	_ =	shalt  }
0x4a: {  	_ =	shalt  }
0x4b: {  	_ =	shalt  }
0x4c: {  	_ =	shalt  }
0x4d: {  	_ =	shalt  }
0x4e: {  	_ =	shalt  }
0x4f: {  	_ =	shalt  }
0x50: {  	_ =	shalt  }
0x51: {  	_ =	shalt  }
0x52: {  	_ =	shalt  }
0x53: {  	_ =	shalt  }
0x54: {  	_ =	shalt  }
0x55: {  	_ =	shalt  }
0x56: {  	_ =	shalt  }
0x57: {  	_ =	shalt  }
0x58: {  	_ =	shalt  }
0x59: {  	_ =	shalt  }
0x5a: {  	_ =	shalt  }
0x5b: {  	_ =	shalt  }
0x5c: {  	_ =	shalt  }
0x5d: {  	_ =	shalt  }
0x5e: {  	_ =	shalt  }
0x5f: {  	_ =	shalt  }
0x60: {  	_ =	shalt  }
0x61: {  	_ =	shalt  }
0x62: {  	_ =	shalt  }
0x63: {  	_ =	shalt  }
0x64: {  	_ =	shalt  }
0x65: {  	_ =	shalt  }
0x66: {  	_ =	shalt  }
0x67: {  	_ =	shalt  }
0x68: {  	_ =	shalt  }
0x69: {  	_ =	shalt  }
0x6a: {  	_ =	shalt  }
0x6b: {  	_ =	shalt  }
0x6c: {  	_ =	shalt  }
0x6d: {  	_ =	shalt  }
0x6e: {  	_ =	shalt  }
0x6f: {  	_ =	shalt  }
0x70: {  	_ =	shalt  }
0x71: {  	_ =	shalt  }
0x72: {  	_ =	shalt  }
0x73: {  	_ =	shalt  }
0x74: {  	_ =	shalt  }
0x75: {  	_ =	shalt  }
0x76: {  	_ =	shalt  }
0x77: {  	_ =	shalt  }
0x78: {  	_ =	shalt  }
0x79: {  	_ =	shalt  }
0x7a: {  	_ =	shalt  }
0x7b: {  	_ =	shalt  }
0x7c: {  	_ =	shalt  }
0x7d: {  	_ =	shalt  }
0x7e: {  	_ =	shalt  }
0x7f: {  	_ =	shalt  }
0x80: {  	_ =	shalt  }
0x81: {  	_ =	shalt  }
0x82: {  	_ =	shalt  }
0x83: {  	_ =	shalt  }
0x84: {  	_ =	shalt  }
0x85: {  	_ =	shalt  }
0x86: {  	_ =	shalt  }
0x87: {  	_ =	shalt  }
.Lfunc_end0:
.L_simem_size_0:
called_computation.4_lowered:
.L_overlay_start_0:
0x88: {  	s2 =	sld [smem:$0x3FD9]  }
0x89: {  	s3 =	sld [smem:$0x3FFE];
	_ =	sdelay $0x1  }
0x8a: {  	s1 =	srdreg.scid  }
0x8b: {  	s0 =	sand.u32 $0x1, s1  }
0x8c: {  	s17 =	sshll.u32 s0, $0xA;
	s2 =	sadd.s32 s3, s2  }
0x8d: {  	s2 =	sadd.s32 s2, s17  }
0x8e: {  	[smem:$0x3FBD] =	sst s2  }
0x8f: {  	_ = 	snop  }
0x90: {  	s18 =	sld [smem:$0x3FC9];
	(tm) =	ssettm $0x1  }
0x91: {  	s19 =	sld [smem:$0x3FFB];
	_ =	sdelay $0x3  }
0x92: {  	_ =	strace s19  }
0x93: {  	s2 =	sld [smem:$0x3FFC];
	_ =	sdelay $0x3  }
0x94: {  	_ =	strace s2  }
0x95: {  	s2 =	sld [smem:$0x3FFD];
	_ =	sdelay $0x3  }
0x96: {  	_ =	strace s2  }
0x97: {  	_ =	strace $0x8FFFFFFF  }
0x98: {  	s20 =	sld [smem:$0x3FDB];
	_ =	sdelay $0x1  }
0x99: {  	s4 =	simm.s32 $_scs_section_size  }
0x9a: {  	s5 =	simm.s32 $_size__tile_overlayer_lowered;
	s6 =	simm.s32 $_tile_overlayer_lowered  }
0x9b: {  	s7 =	simm.s32 $0x1BFF;
	s21 =	sshll.u32 s6, $0x1;
	s4 =	sadd.s32 s4, s20  }
0x9c: {  	s22 =	simm.s32 $0x0;
	s5 =	sshll.u32 s5, $0x1;
	s6 =	sadd.s32 s21, s4  }
0x9d: {  	[timem:s22], [sflag:s7] =	dma.local [hbm:s6], s5  }
0x9e: {  	_ =	swait.ge [sflag:s7], s5  }
0x9f: {  	s5 =	ssub.s32 $0x0, s5;
	[sflag:s7] =	ssyncset.done $0x0  }
0xa0: {  	[sflag:s7] =	ssyncadd.s32 s5;
	_ =	sdelay $0x1  }
0xa1: {  	s23 =	simm.s32 $0x1B8B  }
0xa2: {  	_ =	swait.ge [sflag:s23], $0x1  }
0xa3: {  	[sflag:s23] =	ssyncset.done $0x0  }
0xa4: {  	[sflag:s23] =	ssyncadd.s32 $0xFFFFFFFF  }
0xa5: {  	s5 =	sld [smem:$0x0]  }
0xa6: {  	s6 =	sand.u32 $0xFFFFFFFE, s1  }
0xa7: {  	p0 =	sne.s32 s1, s6  }
0xa8: {  	s6 =	sshll.u32 @p0 s6, $0xE  }
0xa9: {  	s6 =	sadd.s32 @p0 $0x11B8D, s6;
	s7 =	sshll.u32 @p0 s5, $0x11  }
0xaa: {  	s6 =	sor.u32 @p0 s7, s6  }
0xab: {  	[sflag:s6] =	ssyncadd.remote.s32 @p0 $0x1;
	_ =	sdelay $0x1  }
0xac: {  	s6 =	simm.s32 @p0 $0x1B8D  }
0xad: {  	_ =	swait.eq @p0 [sflag:s6], $0x1  }
0xae: {  	[sflag:s6] =	ssyncadd.s32 @p0 $0xFFFFFFFF  }
0xaf: {  	s7 =	sshll.u32 @!p0 s1, $0xE  }
0xb0: {  	s7 =	sor.u32 @!p0 $0x4000, s7;
	s6 =	simm.s32 @!p0 $0x1B8D  }
0xb1: {  	s5 =	sshll.u32 @!p0 s5, $0x11;
	s7 =	sadd.s32 @!p0 $0x11B8D, s7;
	_ =	swait.eq @!p0 [sflag:s6], $0x1  }
0xb2: {  	s5 =	sor.u32 @!p0 s5, s7;
	[sflag:s6] =	ssyncadd.s32 @!p0 $0xFFFFFFFF  }
0xb3: {  	s25 =	simm.s32 $0x1B8E;
	s24 =	sld [smem:$0x3FFE];
	[sflag:s5] =	ssyncadd.remote.s32 @!p0 $0x1  }
0xb4: {  	s26 =	simm.s32 $execute0_lowered;
	[smem:$0x3FD2] =	sst s25  }
0xb5: {  	s6 =	sshll.u32 s26, $0x1;
	_ =	strace $0x8000006E;
	[dreg:$0x1] =	wrdreg $0xFFFFFFFF  }
0xb6: {  	s28 =	simm.s32 $_size_execute0_lowered;
	s4 =	sadd.s32 s4, s6;
	[dreg:$0x0] =	wrdreg $0x0  }
0xb7: {  	s6 =	sshll.u32 s28, $0x1;
	[dreg:$0x2] =	wrdreg s4  }
0xb8: {  	[dreg:$0x3] =	wrdreg s6  }
0xb9: {  	[dreg:$0x4] =	wrdreg $0xC0  }
0xba: {  	_ =	task [dreg:s22], $0x5FFFF  }
0xbb: {  	[dreg:$0x1] =	wrdreg $0xFFFFFFFF  }
0xbc: {  	[dreg:$0x0] =	wrdreg $0x60  }
0xbd: {  	[dreg:$0x2] =	wrdreg s18  }
0xbe: {  	[dreg:$0x3] =	wrdreg s24  }
0xbf: {  	[dreg:$0x4] =	wrdreg $0xD  }
0xc0: {  	_ =	task.clear_ibuf [dreg:s22], $0x5FFFF;
	_ =	strace $0x9000006E  }
0xc1: {  	s29 =	simm.s32 $0xD;
	_ =	strace $0x80000077  }
0xc2: {  	_ =	swait.ge [sflag:s29], $0x1  }
0xc3: {  	[sflag:s29] =	ssyncadd.s32 $0xFFFFFFFF  }
0xc4: {  	_ =	strace $0x90000077  }
0xc5: {  	_ =	sfence  }
0xc6: {  	s30 =	sld [smem:$0x0];
	_ =	sdelay $0x2  }
0xc7: {  	s31 =	sshll.u32 s1, $0xD;
	s1 =	sshrl.u32 s1, $0x2  }
0xc8: {  	s4 =	sand.u32 $0x4000, s31;
	s1 =	sadd.s32 s1, s30  }
0xc9: {  	s0 =	sor.u32 s4, s0;
	s1 =	sshll.u32 s1, $0x11  }
0xca: {  	s0 =	sor.u32 s1, s0  }
0xcb: {  	s0 =	sadd.s32 $0x8F2B, s0  }
0xcc: {  	[sflag:s0] =	ssyncadd.remote.s32 $0x1  }
0xcd: {  	_ =	sfence.sel $0xFFFF  }
0xce: {  	[dreg:$0x0] =	wrdreg $0xFFFFFFFF;
	(pc) =	sbr.abs _section_cstart, $3  }
0xcf: {  	[dreg:$0x1] =	wrdreg $0xFFFFFFFF  }
0xd0: {  	_ =	task.clear_ibuf [dreg:s22], $0x2FFFF;
	_ =	strace $0x9FFFFFFF  }
0xd1: {  	(tm) =	ssettm $0x7FFFFFFF  }
tec
execute0_lowered:
.L_overlay_start_1:
0x0: {  	(tag) =	ssettag $0x1  }
0x1: {  	s1 =	rddreg [dreg:$0x0]  }
0x2: {  	s0 =	rddreg [dreg:$0x1];
	s2 =	srdreg.scid  }
0x3: {  	s3 =	simm.s32 $0x0;
	s5 =	stileid.u32;
	s2 =	sand.u32 $0x1, s2  }
0x4: {  	s14 =	simm.s32 $0x80;
	s15 =	simm.s32 $0x100;
	s4 =	sshll.u32 s2, $0x4  }
0x5: {  	s16 =	simm.s32 $0x1;
	[smem:$0x7FF] =	sst s3;
	s5 =	sor.u32 s5, s4  }
0x6: {  	s17 =	simm.s32 $0x0;
	_ =	strace $0x8000006F;
	s6 =	smul.u32 $0x12, s5  }
0x7: {  	s2 =	ssub.s32 $0x2, s2;
	s4 =	sadd.s32 $0x8A8600, s0;
	s7 =	smul.u32 $0x13, s5  }
0x8: {  	s28 =	sshrl.u32 s2, $0x1;
	p0 =	slt.u32 s5, $0x18;
	s5 =	sadd.s32 $0x18, s6  }
0x9: {  	s6 =	sadd.s32 $0x8AAC00, s0;
	s0 =	ssub.s32 s2, s28;
	s5 =	smov.u32 @p0 s7  }
0xa: {  	s7 =	simm.s32 $0x13;
	s10 =	smax.u32 s0, $0x1;
	s29 =	sshll.u32 s5, $0x4  }
0xb: {  	s7 =	simm.s32 @!p0 $0x12;
	s12 =	sshll.u32 s5, $0xB;
	s8 =	sadd.s32 s4, s29  }
0xc: {  	s2 =	sadd.s32 $0x10, s29;
	s30 =	sadd.s32 $0xFFFFFFFF, s7;
	s31 =	sand.u32 $0x1FFFF800, s12  }
0xd: {  	s13 =	sadd.s32 $0xFFFFFFFE, s7;
	[dreg:$0x3] =	wrdreg s8;
	s2 =	sand.u32 $0x1FFFFFF0, s2  }
0xe: {  	[dreg:$0x4] =	wrdreg s30;
	s12 =	sadd.s32 s6, s31;
	s11 =	sadd.s32 s4, s2  }
.LBB2_1:
0xf: {  	_ =	strace $0x80000070  }
0x10: {  	s0 =	rddreg [dreg:$0x3]  }
0x11: {  	[tilespmem:s3], [sflag:$0x2] =	stream.linear.gather [hbm4b:s0+s3], $0x80, $0x200038;
	[tilespmem:$0x8100] =	vst v63  }
0x12: {  	_ =	strace $0x90000070  }
0x13: {  	_ =	strace $0x80000071  }
0x14: {  	[tilespmem:s14], [sflag:$0x3] =	stream.linear.gather [hbm4b:s11+s3], $0x80, $0x200038;
	[tilespmem:$0x8100] =	vst v63  }
0x15: {  	_ =	strace $0x90000071  }
0x16: {  	s19 =	simm.s32 $0x2;
	_ =	strace $0x80000072  }
0x17: {  	_ =	swait.ge [sflag:s19], $0x80  }
0x18: {  	[sflag:s19] =	ssyncset.done $0x0  }
0x19: {  	[sflag:s19] =	ssyncadd.s32 $0xFFFFFF80  }
0x1a: {  	s18 =	simm.s32 $0x1;
	s21 =	simm.s32 $0x2;
	_ =	strace $0x90000072  }
0x1b: {  	p0 =	seq.s32 s7, $0x2;
	s29 =	sand.u32 $0x1, s16;
	_ =	strace $0x80000073  }
0x1c: {  	[tilespmem:s15], [sflag:$0x1] =	stream.indirect.gather [hbm4b:s1+s14], $0x80, s3, s14, $0x2000b8;
	[tilespmem:$0x8100] =	vst v63  }
0x1d: {  	p3 =	sne.s32 s13, $0x1;
	s23 =	sadd.s32 $0x1, s5;
	_ =	swait.ge [sflag:s16], $0x4000  }
0x1e: {  	p2 =	por $0x0, $0x0;
	s21 =	simm.s32 @p0 $0x0;
	[sflag:s16] =	ssyncset.done $0x0  }
.Ltmp0:
0x1f: {  	s25 =	sor.u32 $0x2, s29;
	[sflag:s16] =	ssyncadd.s32 $0xFFFFC000;
	(pc) =	sbr.rel @!p3 .LBB2_2-.Ltmp0, $4  }
0x20: {  	p0 =	seq.s32 s21, $0x1;
	p1 =	sne.s32 s21, $0x1;
	_ =	strace $0x90000073  }
0x21: {  	s0 =	sadd.s32 @!p0 s5, s21;
	s31 =	sand.u32 @!p0 $0x1, s19;
	_ =	strace $0x80000074  }
0x22: {  	[hbm4b:s12+s3] =	stream.linear.scatter [tilespmem:s15], [sflag:$0x4], $0x4000, $0x200038;
	[tilespmem:$0x8100] =	vst v63  }
0x23: {  	s30 =	sshll.u32 @!p0 s31, $0x7;
	s2 =	sshll.u32 @!p0 s0, $0x4;
	_ =	strace $0x90000074  }
0x24: {  	s0 =	sor.u32 @!p0 $0x2, s31;
	s2 =	sand.u32 @!p0 $0x1FFFFFF0, s2  }
0x25: {  	_ =	strace @!p0 $0x80000071;
	s22 =	simm.s32 @!p0 $0x0;
	s2 =	sadd.s32 @!p0 s4, s2  }
0x26: {  	[tilespmem:s30], [sflag:s0] =	stream.linear.gather @!p0 [hbm4b:s2+s22], $0x80, $0x200038;
	[tilespmem:$0x8100] =	vst v63  }
0x27: {  	s20 =	simm.s32 $0x80;
	s24 =	simm.s32 $0x2;
	_ =	strace @!p0 $0x90000071  }
0x28: {  	p3 =	sne.s32 s13, $0x2;
	s8 =	sand.u32 $0x1, s3;
	_ =	strace $0x80000072  }
0x29: {  	p2 =	por $0x1, $0x1;
	s26 =	sand.u32 $0x80, s20;
	_ =	swait.ge [sflag:s25], $0x80  }
0x2a: {  	s9 =	sor.u32 $0x4, s8;
	s0 =	simm.s32 $0x1;
	[sflag:s25] =	ssyncset.done $0x0  }
0x2b: {  	s2 =	sshll.u32 @!p0 s23, $0xB;
	s23 =	sand.u32 $0x1, s16;
	[sflag:s25] =	ssyncadd.s32 $0xFFFFFF80  }
0x2c: {  	s19 =	sshll.u32 s23, $0xE;
	s0 =	simm.s32 @!p1 $0x0;
	_ =	strace $0x90000072  }
0x2d: {  	s2 =	sand.u32 @!p0 $0x1FFFF800, s2;
	s25 =	sor.u32 $0x100, s19;
	_ =	strace $0x80000073  }
0x2e: {  	[tilespmem:s25], [sflag:$0x1] =	stream.indirect.gather [hbm4b:s1+s14], $0x80, s26, s14, $0x2000b8;
	[tilespmem:$0x8100] =	vst v63  }
0x2f: {  	s23 =	sor.u32 @!p0 $0x4, s23;
	s20 =	sadd.s32 $0x1, s0;
	_ =	swait.ge [sflag:s16], $0x4000  }
0x30: {  	s2 =	sadd.s32 @!p0 s6, s2;
	s29 =	smov.u32 s20;
	[sflag:s16] =	ssyncset.done $0x0  }
0x31: {  	s28 =	smov.u32 s20;
	s26 =	sadd.s32 $0x1, s21;
	[sflag:s16] =	ssyncadd.s32 $0xFFFFC000  }
0x32: {  	s19 =	sadd.s32 $0x2, s0;
	p1 =	seq.s32 s26, s7;
	_ =	strace $0x90000073  }
0x33: {  	s0 =	sand.u32 $0x1, s20;
	s26 =	simm.s32 @p1 $0x0;
	_ =	strace @!p0 $0x80000074  }
0x34: {  	[hbm4b:s2+s22] =	stream.linear.scatter @!p0 [tilespmem:s25], [sflag:s23], $0x4000, $0x200038;
	[tilespmem:$0x8100] =	vst v63  }
.Ltmp1:
0x35: {  	p1 =	sne.s32 s21, s26;
	_ =	strace @!p0 $0x90000074;
	(pc) =	sbr.rel @!p3 .LBB2_4-.Ltmp1, $4  }
0x36: {  	s23 =	sadd.s32 s5, s21;
	s25 =	sor.u32 $0x2, s0;
	_ =	strace $0x80000075  }
0x37: {  	s22 =	smov.u32 s20;
	p0 =	seq.s32 s21, s26;
	_ =	swait.ge [sflag:s9], $0x4000  }
0x38: {  	s31 =	sand.u32 @!p0 $0x1, s19;
	s0 =	sadd.s32 @!p0 s5, s26;
	[sflag:s9] =	ssyncset.done $0x0  }
0x39: {  	s30 =	sshll.u32 @!p0 s31, $0x7;
	s2 =	sshll.u32 @!p0 s0, $0x4;
	[sflag:s9] =	ssyncadd.s32 $0xFFFFC000  }
.LBB2_5:
0x3a: {  	s0 =	sor.u32 @!p0 $0x2, s31;
	s2 =	sand.u32 @!p0 $0x1FFFFFF0, s2;
	_ =	strace $0x90000075  }
0x3b: {  	s31 =	smov.u32 s18;
	s18 =	smov.u32 s24;
	s21 =	smov.u32 s26  }
0x3c: {  	s8 =	simm.s32 @!p0 $0x0;
	_ =	strace @!p0 $0x80000071;
	s2 =	sadd.s32 @!p0 s4, s2  }
0x3d: {  	[tilespmem:s30], [sflag:s0] =	stream.linear.gather @!p0 [hbm4b:s2+s8], $0x80, $0x200038;
	[tilespmem:$0x8100] =	vst v63  }
0x3e: {  	s0 =	simm.s32 $0x1  }
0x3f: {  	s2 =	sshll.u32 @!p0 s23, $0xB;
	_ =	strace @!p0 $0x90000071;
	s0 =	simm.s32 @!p1 $0x0  }
0x40: {  	s2 =	sand.u32 @!p0 $0x1FFFF800, s2;
	s19 =	sadd.s32 s0, s19;
	_ =	strace $0x80000072  }
0x41: {  	s2 =	sadd.s32 @!p0 s6, s2;
	s20 =	sadd.s32 s0, s20;
	_ =	swait.ge [sflag:s25], $0x80  }
0x42: {  	s24 =	sadd.s32 $0x1, s24;
	s22 =	sadd.s32 s0, s22;
	[sflag:s25] =	ssyncset.done $0x0  }
0x43: {  	s23 =	sand.u32 $0x1, s29;
	s0 =	sand.u32 $0x1, s22;
	[sflag:s25] =	ssyncadd.s32 $0xFFFFFF80  }
0x44: {  	s28 =	sshll.u32 s28, $0x7;
	s25 =	sshll.u32 s23, $0xE;
	_ =	strace $0x90000072  }
0x45: {  	s28 =	sand.u32 $0x80, s28;
	s25 =	sor.u32 $0x100, s25;
	_ =	strace $0x80000073  }
0x46: {  	[tilespmem:s25], [sflag:$0x1] =	stream.indirect.gather [hbm4b:s1+s14], $0x80, s28, s14, $0x2000b8;
	[tilespmem:$0x8100] =	vst v63  }
0x47: {  	p3 =	sne.s32 s13, s24;
	s30 =	sor.u32 @!p0 $0x4, s23;
	_ =	swait.ge [sflag:s16], $0x4000  }
0x48: {  	s29 =	smov.u32 s20;
	s28 =	smov.u32 s22;
	[sflag:s16] =	ssyncset.done $0x0  }
0x49: {  	[sflag:s16] =	ssyncadd.s32 $0xFFFFC000  }
0x4a: {  	s31 =	sand.u32 $0x1, s31;
	s23 =	sadd.s32 s5, s26;
	_ =	strace $0x90000073  }
0x4b: {  	s9 =	sor.u32 $0x4, s31;
	s26 =	sadd.s32 $0x1, s26;
	_ =	strace @!p0 $0x80000074  }
0x4c: {  	[hbm4b:s2+s8] =	stream.linear.scatter @!p0 [tilespmem:s25], [sflag:s30], $0x4000, $0x200038;
	[tilespmem:$0x8100] =	vst v63  }
.Ltmp2:
0x4d: {  	p1 =	seq.s32 s26, s7;
	_ =	strace @!p0 $0x90000074;
	(pc) =	sbr.rel @p3 .LBB2_5-.Ltmp2, $4  }
0x4e: {  	s26 =	simm.s32 @p1 $0x0;
	s25 =	sor.u32 $0x2, s0;
	_ =	strace $0x80000075  }
0x4f: {  	p1 =	sne.s32 s21, s26;
	p0 =	seq.s32 s21, s26;
	_ =	swait.ge [sflag:s9], $0x4000  }
0x50: {  	s0 =	sadd.s32 @!p0 s5, s26;
	s31 =	sand.u32 @!p0 $0x1, s19;
	[sflag:s9] =	ssyncset.done $0x0  }
0x51: {  	s30 =	sshll.u32 @!p0 s31, $0x7;
	s2 =	sshll.u32 @!p0 s0, $0x4;
	[sflag:s9] =	ssyncadd.s32 $0xFFFFC000  }
0x52: {  	s0 =	smov.u32 s18;
	s18 =	smov.u32 s24;
	s21 =	smov.u32 s26  }
.LBB2_7:
0x53: {  	s8 =	sor.u32 @!p0 $0x2, s31;
	s2 =	sand.u32 @!p0 $0x1FFFFFF0, s2;
	_ =	strace @p2 $0x90000075  }
0x54: {  	s9 =	simm.s32 @!p0 $0x0;
	_ =	strace @!p0 $0x80000071;
	s2 =	sadd.s32 @!p0 s4, s2  }
0x55: {  	[tilespmem:s30], [sflag:s8] =	stream.linear.gather @!p0 [hbm4b:s2+s9], $0x80, $0x200038;
	[tilespmem:$0x8100] =	vst v63  }
0x56: {  	_ =	strace @!p0 $0x90000071  }
0x57: {  	_ =	strace $0x80000072  }
0x58: {  	_ =	swait.ge [sflag:s25], $0x80  }
0x59: {  	[sflag:s25] =	ssyncset.done $0x0  }
0x5a: {  	s2 =	sand.u32 $0x1, s29;
	[sflag:s25] =	ssyncadd.s32 $0xFFFFFF80  }
0x5b: {  	s24 =	sshll.u32 s28, $0x7;
	s31 =	sshll.u32 s2, $0xE;
	_ =	strace $0x90000072  }
0x5c: {  	s24 =	sand.u32 $0x80, s24;
	s8 =	sor.u32 $0x100, s31;
	_ =	strace $0x80000073  }
0x5d: {  	[tilespmem:s8], [sflag:$0x1] =	stream.indirect.gather [hbm4b:s1+s14], $0x80, s24, s14, $0x2000b8;
	[tilespmem:$0x8100] =	vst v63  }
0x5e: {  	_ =	swait.ge [sflag:s16], $0x4000  }
0x5f: {  	[sflag:s16] =	ssyncset.done $0x0  }
0x60: {  	s23 =	sshll.u32 @!p0 s23, $0xB;
	[sflag:s16] =	ssyncadd.s32 $0xFFFFC000  }
0x61: {  	s23 =	sand.u32 @!p0 $0x1FFFF800, s23;
	_ =	strace $0x90000073  }
0x62: {  	s23 =	sadd.s32 @!p0 s6, s23;
	s2 =	sor.u32 @!p0 $0x4, s2;
	_ =	strace @!p0 $0x80000074  }
0x63: {  	[hbm4b:s23+s9] =	stream.linear.scatter @!p0 [tilespmem:s8], [sflag:s2], $0x4000, $0x200038;
	[tilespmem:$0x8100] =	vst v63  }
0x64: {  	s0 =	sand.u32 $0x1, s0;
	_ =	strace @!p0 $0x90000074  }
0x65: {  	s26 =	sadd.s32 $0x1, s18;
	s8 =	sadd.s32 $0x1, s21;
	_ =	strace $0x80000075  }
0x66: {  	s25 =	sor.u32 $0x4, s0;
	p0 =	seq.s32 s8, s7;
	s28 =	rddreg [dreg:$0x4]  }
0x67: {  	s2 =	simm.s32 $0x1;
	s8 =	simm.s32 @p0 $0x0;
	p0 =	sge.u32 s26, s28  }
0x68: {  	s2 =	simm.s32 @!p1 $0x0;
	_ =	swait.ge [sflag:s25], $0x4000;
	p1 =	seq.s32 @!p0 s21, s8  }
0x69: {  	s0 =	sadd.s32 s2, s19;
	[sflag:s25] =	ssyncset.done $0x0;
	p0 =	por p1, p0  }
0x6a: {  	s29 =	sadd.s32 s2, s22;
	[sflag:s25] =	ssyncadd.s32 $0xFFFFC000;
	s19 =	sadd.s32 @!p0 s5, s8  }
0x6b: {  	_ =	strace $0x90000075;
	s0 =	sand.u32 @!p0 $0x1, s0;
	s19 =	sshll.u32 @!p0 s19, $0x4  }
0x6c: {  	_ =	strace @!p0 $0x80000071;
	s24 =	simm.s32 @!p0 $0x0;
	s19 =	sand.u32 @!p0 $0x1FFFFFF0, s19  }
0x6d: {  	s22 =	sshll.u32 @!p0 s0, $0x7;
	s0 =	sor.u32 @!p0 $0x2, s0;
	s19 =	sadd.s32 @!p0 s4, s19  }
0x6e: {  	[tilespmem:s22], [sflag:s0] =	stream.linear.gather @!p0 [hbm4b:s19+s24], $0x80, $0x200038;
	[tilespmem:$0x8100] =	vst v63  }
0x6f: {  	s30 =	sand.u32 $0x1, s29;
	_ =	strace @!p0 $0x90000071  }
0x70: {  	s0 =	sor.u32 $0x2, s30;
	_ =	strace $0x80000072  }
0x71: {  	_ =	swait.ge [sflag:s0], $0x80  }
0x72: {  	s2 =	sadd.s32 s2, s20;
	s9 =	sshll.u32 s29, $0x7;
	[sflag:s0] =	ssyncset.done $0x0  }
0x73: {  	s9 =	sand.u32 $0x80, s9;
	[sflag:s0] =	ssyncadd.s32 $0xFFFFFF80;
	s0 =	sand.u32 $0x1, s2  }
0x74: {  	p0 =	seq.s32 s13, s18;
	_ =	strace $0x90000072;
	s2 =	sshll.u32 s0, $0xE  }
0x75: {  	p1 =	seq.s32 @!p0 s21, s8;
	_ =	strace $0x80000073;
	s2 =	sor.u32 $0x100, s2  }
0x76: {  	[tilespmem:s2], [sflag:$0x1] =	stream.indirect.gather [hbm4b:s1+s14], $0x80, s9, s14, $0x2000b8;
	[tilespmem:$0x8100] =	vst v63  }
0x77: {  	p0 =	por p0, !p1;
	_ =	swait.ge [sflag:s16], $0x4000  }
0x78: {  	s8 =	sadd.s32 @p0 s5, s21;
	[sflag:s16] =	ssyncset.done $0x0  }
0x79: {  	s8 =	sshll.u32 @p0 s8, $0xB;
	[sflag:s16] =	ssyncadd.s32 $0xFFFFC000  }
0x7a: {  	s8 =	sand.u32 @p0 $0x1FFFF800, s8;
	_ =	strace $0x90000073  }
0x7b: {  	s0 =	sor.u32 @p0 $0x4, s0;
	s8 =	sadd.s32 @p0 s6, s8;
	_ =	strace @p0 $0x80000074  }
0x7c: {  	[hbm4b:s8+s3] =	stream.linear.scatter @p0 [tilespmem:s2], [sflag:s0], $0x4000, $0x200038;
	[tilespmem:$0x8100] =	vst v63  }
0x7d: {  	s31 =	sand.u32 $0x1, s18;
	_ =	strace @p0 $0x90000074  }
0x7e: {  	s0 =	sor.u32 $0x4, s31;
	_ =	strace $0x80000075  }
0x7f: {  	_ =	swait.ge [sflag:s0], $0x4000  }
0x80: {  	[sflag:s0] =	ssyncset.done $0x0  }
0x81: {  	s17 =	sadd.s32 $0x1, s17;
	[sflag:s0] =	ssyncadd.s32 $0xFFFFC000  }
0x82: {  	p0 =	sne.s32 s17, s10;
	_ =	strace $0x90000075  }
.Ltmp3:
0x83: {  	_ =	strace $0x80000076;
	(pc) =	sbr.rel @p0 .LBB2_1-.Ltmp3, $4  }
.Ltmp4:
0x84: {  	_ =	swait.ge [sflag:s25], $0x4000;
	(pc) =	sbr.rel @!p0 .LBB2_8-.Ltmp4, $4  }
0x85: {  	[sflag:s25] =	ssyncset.done $0x0  }
0x86: {  	[sflag:s25] =	ssyncadd.s32 $0xFFFFC000  }
0x87: {  	_ =	strace $0x90000076  }
0x88: {  	_ = 	snop  }
.LBB2_2:
.Ltmp5:
0x89: {  	(pc) =	sbr.rel .LBB2_7-.Ltmp5, $3  }
0x8a: {  	_ =	sdelay $0x1  }
0x8b: {  	s0 =	simm.s32 $0x0;
	s20 =	simm.s32 $0x1  }
0x8c: {  	s22 =	simm.s32 $0x1;
	s29 =	simm.s32 $0x1;
	s28 =	simm.s32 $0x1  }
.LBB2_4:
.Ltmp6:
0x8d: {  	(pc) =	sbr.rel .LBB2_7-.Ltmp6, $3  }
0x8e: {  	_ =	sdelay $0x1  }
0x8f: {  	s0 =	simm.s32 $0x1;
	s18 =	simm.s32 $0x2;
	s21 =	smov.u32 s26  }
0x90: {  	s22 =	smov.u32 s20;
	s29 =	smov.u32 s20;
	s28 =	smov.u32 s20  }
.LBB2_8:
0x91: {  	_ =	sfence.sel $0x180000  }
0x92: {  	[bflag:$0x0] =	sbarrier.arrive $0xFFFF  }
0x93: {  	_ =	strace $0x9000006F  }
0x94: {  	s0 =	stileid.u32;
	[bflag:$0x2] =	sbarrier.arrive $0xFFFF  }
0x95: {  	p0 =	sne.s32 s0, $0x0;
	s0 =	rddreg [dreg:$0x2]  }
0x96: {  	s0 =	sadd.s32 @!p0 $0x100000, s0  }
0x97: {  	[sflag:s0] =	ssyncadd.tile.s32 @!p0 $0x1;
	_ =	shalt  }
.Lfunc_end2:
_tile_overlayer_lowered:
.L_overlay_start_2:
0x98: {  	(tag) =	ssettag $0x2  }
0x99: {  	s0 =	rddreg [dreg:$0x0];
	s2 =	stileid.u32  }
0x9a: {  	s1 =	rddreg [dreg:$0x1];
	p0 =	sne.s32 s2, $0x0  }
0x9b: {  	s3 =	rddreg [dreg:$0x2];
	[bflag:$0x3] =	sbarrier.arrive $0xFFFF;
	s2 =	simm.s32 @!p0 $0x1C02  }
0x9c: {  	[timem:s3], [sflag:s2] =	dma.local @!p0 [hbm:s0], s1  }
0x9d: {  	s0 =	simm.s32 @!p0 $0x2  }
0x9e: {  	_ =	swait.ge @!p0 [sflag:s0], s1  }
0x9f: {  	s1 =	ssub.s32 @!p0 $0x0, s1;
	[sflag:s0] =	ssyncset.done @!p0 $0x0  }
0xa0: {  	[sflag:s0] =	ssyncadd.s32 @!p0 s1  }
0xa1: {  	[bflag:$0x3] =	sbarrier.arrive $0xFFFF  }
0xa2: {  	_ =	shalt  }

</sc_bundles>
